<compile_context>
chip_gen: v7x
topology: tpu7x:2x2x1
jax: 0.10.2.dev20260603
libtpu: 0.0.44.dev20260713+nightly
codegen_flags: <defaults>
</compile_context>

<pallas_src>
import functools

import jax
import jax.numpy as jnp
from jax import lax
from jax.experimental import pallas as pl
from jax.experimental.pallas import tpu as pltpu
from jax.experimental.pallas import tpu_sc as plsc

N_NODES = 10000
NH = N_NODES // 2
N_EDGES = 320000
D = 128
D2 = D // 2
NUM_GRAPHS = 128

NC = 2
NS = 16
K = 80
NCHUNK = 250
WB = 624
TAIL = N_NODES - NS * WB
TAIL_START = NS * WB
ZROWS = 208

NBUF = 6
_NGRP = NCHUNK // NBUF
_NTAIL = NCHUNK - _NGRP * NBUF

_mesh = plsc.VectorSubcoreMesh(core_axis_name="c", subcore_axis_name="s")
_sc_params = pltpu.CompilerParams(use_tc_tiling_on_sc=False)



@functools.partial(
    pl.kernel,
    out_type=jax.ShapeDtypeStruct((NC, N_NODES, D2), jnp.float32),
    mesh=_mesh,
    scratch_types=[
        pltpu.VMEM((NCHUNK, K), jnp.int32),
        pltpu.VMEM((K, NS), jnp.float32),
        pltpu.VMEM((ZROWS, NS), jnp.float32),
        pltpu.VMEM((ZROWS, D2), jnp.float32),
        pltpu.VMEM_SHARED((N_NODES, NS), jnp.float32),
        pltpu.SemaphoreType.DMA,
    ],
    compiler_params=_sc_params,
)
def _sc_degree(edge_hbm, out_hbm, cv, ones_v, hv, xb, hist, ssem):
    c = lax.axis_index("c")
    s = lax.axis_index("s")

    @pl.loop(0, K)
    def _(r):
        ones_v[r] = jnp.ones((NS,), jnp.float32)

    @pl.loop(0, ZROWS)
    def _(r):
        hv[r] = jnp.zeros((NS,), jnp.float32)

    @pl.loop(0, WB // ZROWS)
    def _(k):
        pltpu.sync_copy(hv, hist.at[pl.ds(s * WB + k * ZROWS, ZROWS)])

    @pl.when(s == 0)
    def _():
        pltpu.sync_copy(hv.at[pl.ds(0, TAIL)], hist.at[pl.ds(TAIL_START, TAIL)])

    pltpu.sync_copy(edge_hbm.at[1, s], cv)
    plsc.subcore_barrier()

    @pl.loop(0, NCHUNK // NC)
    def _(j):
        pltpu.async_copy(ones_v, hist.at[cv.at[c * (NCHUNK // NC) + j]],
                         ssem, add=True)

    @pl.loop(0, NCHUNK // NC)
    def _(j):
        pltpu.make_async_copy(ones_v, hist.at[cv.at[j]], ssem).wait()

    plsc.subcore_barrier()

    @pl.loop(0, WB // ZROWS)
    def _(k):
        base = s * WB + k * ZROWS
        pltpu.sync_copy(hist.at[pl.ds(base, ZROWS)], hv)

        @pl.loop(0, ZROWS)
        def _(r):
            v = hv[r]

            @pl.loop(0, D2, step=NS)
            def _(cc):
                xb[r, pl.ds(cc, NS)] = v

        pltpu.sync_copy(xb, out_hbm.at[c, pl.ds(base, ZROWS)])

    @pl.when(s == 0)
    def _():
        pltpu.sync_copy(hist.at[pl.ds(TAIL_START, TAIL)], hv.at[pl.ds(0, TAIL)])

        @pl.loop(0, TAIL)
        def _(r):
            v = hv[r]

            @pl.loop(0, D2, step=NS)
            def _(cc):
                xb[r, pl.ds(cc, NS)] = v

        pltpu.sync_copy(xb.at[pl.ds(0, TAIL)],
                        out_hbm.at[c, pl.ds(TAIL_START, TAIL)])


@functools.partial(
    pl.kernel,
    out_type=jax.ShapeDtypeStruct((NC, N_NODES, D2), jnp.float32),
    mesh=_mesh,
    scratch_types=[
        pltpu.VMEM((NCHUNK, K), jnp.int32),
        pltpu.VMEM((NCHUNK, K), jnp.int32),
        pltpu.VMEM((NBUF, K, D2), jnp.float32),
        pltpu.VMEM((ZROWS, D2), jnp.float32),
        pltpu.VMEM_SHARED((N_NODES, D2), jnp.float32),
        pltpu.SemaphoreType.DMA((NBUF,)),
        pltpu.SemaphoreType.DMA((NBUF,)),
    ],
    compiler_params=_sc_params,
)
def _sc_edge_pass(h_hbm, edge_hbm, out_hbm,
                  rv, cv, bufs, zb, accum, gsem, ssem):
    c = lax.axis_index("c")
    s = lax.axis_index("s")
    hh = h_hbm.at[c]

    @pl.loop(0, ZROWS)
    def _(r):
        @pl.loop(0, D2, step=NS)
        def _(cc):
            zb[r, pl.ds(cc, NS)] = jnp.zeros((NS,), jnp.float32)

    @pl.loop(0, WB // ZROWS)
    def _(k):
        pltpu.sync_copy(zb, accum.at[pl.ds(s * WB + k * ZROWS, ZROWS)])

    @pl.when(s == 0)
    def _():
        pltpu.sync_copy(zb.at[pl.ds(0, TAIL)], accum.at[pl.ds(TAIL_START, TAIL)])

    pltpu.sync_copy(edge_hbm.at[0, s], rv)
    pltpu.sync_copy(edge_hbm.at[1, s], cv)
    plsc.subcore_barrier()

    for b in range(NBUF):
        pltpu.async_copy(hh.at[rv.at[b]], bufs.at[b], gsem.at[b])

    @pl.loop(0, _NGRP)
    def _(g):
        for b in range(NBUF):
            j = g * NBUF + b
            pltpu.make_async_copy(hh.at[rv.at[j]], bufs.at[b], gsem.at[b]).wait()
            pltpu.async_copy(bufs.at[b], accum.at[cv.at[j]], ssem.at[b], add=True)
            nxt = j + NBUF

            @pl.when(nxt < NCHUNK)
            def _():
                pltpu.make_async_copy(
                    bufs.at[b], accum.at[cv.at[j]], ssem.at[b]).wait()
                pltpu.async_copy(hh.at[rv.at[nxt]], bufs.at[b], gsem.at[b])

    for t in range(_NTAIL):
        j = _NGRP * NBUF + t
        pltpu.make_async_copy(hh.at[rv.at[j]], bufs.at[t], gsem.at[t]).wait()
        pltpu.async_copy(bufs.at[t], accum.at[cv.at[j]], ssem.at[t], add=True)

    for b in range(NBUF):
        pltpu.make_async_copy(bufs.at[b], accum.at[cv.at[0]], ssem.at[b]).wait()

    plsc.subcore_barrier()
    pltpu.sync_copy(accum.at[pl.ds(s * WB, WB)],
                    out_hbm.at[c, pl.ds(s * WB, WB)])

    @pl.when(s == 0)
    def _():
        pltpu.sync_copy(accum.at[pl.ds(TAIL_START, TAIL)],
                        out_hbm.at[c, pl.ds(TAIL_START, TAIL)])



_RB = 1000
_GRID = NH // _RB


def _dis_packed(hist_ref):
    return lax.rsqrt(hist_ref[0] + hist_ref[1] + 1.0)


def _pack(top, bot, out_ref):
    out_ref[0] = jnp.concatenate([top[:, :D2], bot[:, :D2]], axis=1)
    out_ref[1] = jnp.concatenate([top[:, D2:], bot[:, D2:]], axis=1)


def _unpack(p0, p1):
    top = jnp.concatenate([p0[:, :D2], p1[:, :D2]], axis=1)
    bot = jnp.concatenate([p0[:, D2:], p1[:, D2:]], axis=1)
    return top, bot


def _tc_h1_body(xt_ref, xb_ref, w1t_ref, hist_ref, h1_ref):
    dis = _dis_packed(hist_ref)
    w = w1t_ref[...]
    ht = jnp.dot(xt_ref[...], w, preferred_element_type=jnp.float32)
    hb = jnp.dot(xb_ref[...], w, preferred_element_type=jnp.float32)
    _pack(ht, hb, h1_ref)
    h1_ref[0] = h1_ref[0] * dis
    h1_ref[1] = h1_ref[1] * dis


def _tc_mid_body(p_ref, h1_ref, hist_ref, w2t_ref, b1_ref, h2_ref):
    dis = _dis_packed(hist_ref)
    o1p0 = dis * (p_ref[0] + h1_ref[0]) + b1_ref[0]
    o1p1 = dis * (p_ref[1] + h1_ref[1]) + b1_ref[1]
    o1t, o1b = _unpack(o1p0, o1p1)
    w = w2t_ref[...]
    ht = jnp.dot(o1t, w, preferred_element_type=jnp.float32)
    hb = jnp.dot(o1b, w, preferred_element_type=jnp.float32)
    _pack(ht, hb, h2_ref)
    h2_ref[0] = h2_ref[0] * dis
    h2_ref[1] = h2_ref[1] * dis


def _tc_final_body(p_ref, h2_ref, hist_ref, b2_ref, bt_ref, bb_ref, pool_ref):
    dis = _dis_packed(hist_ref)
    o2p0 = dis * (p_ref[0] + h2_ref[0]) + b2_ref[0]
    o2p1 = dis * (p_ref[1] + h2_ref[1]) + b2_ref[1]
    o2t, o2b = _unpack(o2p0, o2p1)
    gids = lax.broadcasted_iota(jnp.int32, (_RB, NUM_GRAPHS), 1)
    pt = (bt_ref[...] == gids).astype(jnp.float32)
    pb = (bb_ref[...] == gids).astype(jnp.float32)

    @pl.when(pl.program_id(0) == 0)
    def _():
        pool_ref[...] = jnp.zeros_like(pool_ref)

    dn = (((0,), (0,)), ((), ()))
    pool_ref[...] += (
        lax.dot_general(pt, o2t, dn, preferred_element_type=jnp.float32)
        + lax.dot_general(pb, o2b, dn, preferred_element_type=jnp.float32))


_xt_spec = pl.BlockSpec((_RB, D), lambda i: (i, 0))
_xb_spec = pl.BlockSpec((_RB, D), lambda i: (i + _GRID, 0))
_pk_spec = pl.BlockSpec((NC, _RB, D), lambda i: (0, i, 0))
_w_spec = pl.BlockSpec((D, D), lambda i: (0, 0))
_bp_spec = pl.BlockSpec((NC, 1, D), lambda i: (0, 0, 0))
_pk_shape = jax.ShapeDtypeStruct((NC, NH, D), jnp.float32)


def _packed_bias(b):
    bp = b.reshape(2, D2)
    return jnp.concatenate([bp, bp], axis=1).reshape(NC, 1, D)


def kernel(x, edge_index, batch, W1, b1, W2, b2):
    e = edge_index.astype(jnp.int32)
    eg = jnp.where(e < NH, e * 2, e * 2 - (N_NODES - 1))
    edges = eg.reshape(2, NS, NCHUNK, K)
    batch2d = batch.astype(jnp.int32).reshape(N_NODES, 1)
    w1t = W1.T
    w2t = W2.T
    b1p = _packed_bias(b1)
    b2p = _packed_bias(b2)

    histf = _sc_degree(edges)
    hist = histf.reshape(NC, NH, D)

    h1 = pl.pallas_call(
        _tc_h1_body,
        grid=(_GRID,),
        in_specs=[_xt_spec, _xb_spec, _w_spec, _pk_spec],
        out_specs=_pk_spec,
        out_shape=_pk_shape,
    )(x, x, w1t, hist)

    s1 = _sc_edge_pass(h1.reshape(NC, N_NODES, D2), edges)

    h2 = pl.pallas_call(
        _tc_mid_body,
        grid=(_GRID,),
        in_specs=[_pk_spec, _pk_spec, _pk_spec, _w_spec, _bp_spec],
        out_specs=_pk_spec,
        out_shape=_pk_shape,
    )(s1.reshape(NC, NH, D), h1, hist, w2t, b1p)

    s2 = _sc_edge_pass(h2.reshape(NC, N_NODES, D2), edges)

    pool = pl.pallas_call(
        _tc_final_body,
        grid=(_GRID,),
        in_specs=[_pk_spec, _pk_spec, _pk_spec, _bp_spec,
                  pl.BlockSpec((_RB, 1), lambda i: (i, 0)),
                  pl.BlockSpec((_RB, 1), lambda i: (i + _GRID, 0))],
        out_specs=pl.BlockSpec((NUM_GRAPHS, D), lambda i: (0, 0)),
        out_shape=jax.ShapeDtypeStruct((NUM_GRAPHS, D), jnp.float32),
    )(s2.reshape(NC, NH, D), h2, hist, b2p, batch2d, batch2d)

    return pool

# --- scband reference (transcript-rebuilt; emitter-appended) ---
"""Pipeline reference for scband-gcn-70729521430717 (READ-ONLY COPY).

The authoritative reference and input builder live on the scoring server;
editing this copy changes nothing except your own understanding.
"""

import jax, jax.numpy as jnp
import numpy as np

N_NODES = 10000
N_EDGES = 320000
D = 128
NUM_GRAPHS = 128
NUM_LAYERS = 2


def setup_inputs(seed: int = 0) -> dict:
    key = jax.random.key(seed)
    k1, k2, k3, k4, k5, k6, k7 = jax.random.split(key, 7)
    x = jax.random.normal(k1, (N_NODES, D), dtype=jnp.float32)
    edge_index = jax.random.randint(k2, (2, N_EDGES), 0, N_NODES, dtype=jnp.int64)
    batch = jnp.sort(jax.random.randint(k3, (N_NODES,), 0, NUM_GRAPHS, dtype=jnp.int64))
    # Linear weights (bias=False Linear + separate bias Parameter), kaiming-ish init
    scale = 1.0 / np.sqrt(D)
    W1 = jax.random.uniform(k4, (D, D), minval=-scale, maxval=scale, dtype=jnp.float32)
    b1 = jnp.zeros((D,), dtype=jnp.float32)
    W2 = jax.random.uniform(k5, (D, D), minval=-scale, maxval=scale, dtype=jnp.float32)
    b2 = jnp.zeros((D,), dtype=jnp.float32)
    return {"x": x, "edge_index": edge_index, "batch": batch, "W1": W1, "b1": b1, "W2": W2, "b2": b2}


def _gcn_conv(x, row, col, W, b, num_nodes):
    # x = self.lin(x)  (Linear, bias=False): x @ W^T with W [out, in]
    x = x @ W.T
    # deg = degree(col); deg_inv_sqrt with inf -> 0
    deg = jax.ops.segment_sum(jnp.ones_like(col, dtype=x.dtype), col, num_segments=num_nodes)
    deg_inv_sqrt = jnp.where(deg > 0, deg ** -0.5, 0.0)
    norm = deg_inv_sqrt[row] * deg_inv_sqrt[col]
    # propagate with aggr='add': out[col] += norm * x[row]
    msgs = x[row] * norm[:, None]
    out = jax.ops.segment_sum(msgs, col, num_segments=num_nodes)
    return out + b


def reference(x, edge_index, batch, W1, b1, W2, b2):
    num_nodes = x.shape[0]
    # add_self_loops
    loops = jnp.arange(num_nodes, dtype=edge_index.dtype)
    row = jnp.concatenate([edge_index[0], loops])
    col = jnp.concatenate([edge_index[1], loops])
    x = _gcn_conv(x, row, col, W1, b1, num_nodes)
    x = _gcn_conv(x, row, col, W2, b2, num_nodes)
    # global_add_pool
    xpool = jax.ops.segment_sum(x, batch, num_segments=NUM_GRAPHS)
    return xpool

if __name__ == "__main__":
    import jax
    _d = setup_inputs()
    print(jax.jit(kernel)(*tuple(_d.values())))

</pallas_src>

<mosaic_0001>
#map = affine_map<(d0, d1) -> (0, 0, 0, 0)>
#map1 = affine_map<(d0, d1) -> (0, 0, 0)>
module attributes {stable_mosaic.version = 14 : i64} {
  func.func @_sc_degree(%arg0: i32, %arg1: i32, %arg2: memref<2x16x250x80xi32, #tpu.memory_space<hbm>>, %arg3: memref<2x10000x64xf32, #tpu.memory_space<hbm>>, %arg4: memref<250x80xi32, #tpu.memory_space<vmem>>, %arg5: memref<80x16xf32, #tpu.memory_space<vmem>>, %arg6: memref<208x16xf32, #tpu.memory_space<vmem>>, %arg7: memref<208x64xf32, #tpu.memory_space<vmem>>, %arg8: memref<10000x16xf32, #tpu.memory_space<vmem_shared>>, %arg9: memref<!tpu.dma_semaphore, #tpu.memory_space<semaphore_mem>>) attributes {dimension_semantics = [#tpu.dimension_semantics<core_parallel>, #tpu.dimension_semantics<subcore_parallel>], iteration_bounds = array<i64: 2, 16>, scalar_prefetch = 0 : i64, scratch_operands = 6 : i64, tpu.core_type = #tpu.core_type<sc_vector_subcore>, window_params = [{transform_indices = #map}, {transform_indices = #map1}]} {
    %scan3A = arith.constant 0 : i32
    %scan3A_0 = arith.constant 80 : i32
    %scan3A_1 = arith.addi %scan3A, %scan3A_0 : i32
    %scan3A_2 = arith.constant 1 : i32
    scf.for %scan3A_37 = %scan3A to %scan3A_1 step %scan3A_2  : i32 {
      %mul3A = arith.constant 1 : i32
      %mul3A_38 = arith.muli %scan3A_37, %mul3A : i32
      %add3A = arith.constant 0 : i32
      %add3A_39 = arith.addi %add3A, %mul3A_38 : i32
      %broadcast_in_dim3A = arith.constant 1.000000e+00 : f32
      %broadcast_in_dim3A_40 = vector.broadcast %broadcast_in_dim3A : f32 to vector<16xf32>
      %swap3A = arith.index_cast %add3A_39 : i32 to index
      %swap3A_41 = arith.constant 0 : index
      %swap3A_42 = tpu.vector_load %arg5[%swap3A, %swap3A_41] {strides = array<i32>} : memref<80x16xf32, #tpu.memory_space<vmem>>, vector<1x16xf32>,
      %swap3A_43 = vector.shape_cast %swap3A_42 : vector<1x16xf32> to vector<16xf32>
      %swap3A_44 = vector.shape_cast %broadcast_in_dim3A_40 : vector<16xf32> to vector<1x16xf32>
      tpu.vector_store %arg5[%swap3A, %swap3A_41], %swap3A_44 {strides = array<i32>} : memref<80x16xf32, #tpu.memory_space<vmem>>, vector<1x16xf32>,
    }
    %scan3A_3 = arith.constant 80 : i32
    %scan3A_4 = arith.constant 0 : i32
    %scan3A_5 = arith.constant 208 : i32
    %scan3A_6 = arith.addi %scan3A_4, %scan3A_5 : i32
    %scan3A_7 = arith.constant 1 : i32
    scf.for %scan3A_37 = %scan3A_4 to %scan3A_6 step %scan3A_7  : i32 {
      %mul3A = arith.constant 1 : i32
      %mul3A_38 = arith.muli %scan3A_37, %mul3A : i32
      %add3A = arith.constant 0 : i32
      %add3A_39 = arith.addi %add3A, %mul3A_38 : i32
      %broadcast_in_dim3A = arith.constant 0.000000e+00 : f32
      %broadcast_in_dim3A_40 = vector.broadcast %broadcast_in_dim3A : f32 to vector<16xf32>
      %swap3A = arith.index_cast %add3A_39 : i32 to index
      %swap3A_41 = arith.constant 0 : index
      %swap3A_42 = tpu.vector_load %arg6[%swap3A, %swap3A_41] {strides = array<i32>} : memref<208x16xf32, #tpu.memory_space<vmem>>, vector<1x16xf32>,
      %swap3A_43 = vector.shape_cast %swap3A_42 : vector<1x16xf32> to vector<16xf32>
      %swap3A_44 = vector.shape_cast %broadcast_in_dim3A_40 : vector<16xf32> to vector<1x16xf32>
      tpu.vector_store %arg6[%swap3A, %swap3A_41], %swap3A_44 {strides = array<i32>} : memref<208x16xf32, #tpu.memory_space<vmem>>, vector<1x16xf32>,
    }
    %scan3A_8 = arith.constant 208 : i32
    %scan3A_9 = arith.constant 0 : i32
    %scan3A_10 = arith.constant 3 : i32
    %scan3A_11 = arith.addi %scan3A_9, %scan3A_10 : i32
    %scan3A_12 = arith.constant 1 : i32
    scf.for %scan3A_37 = %scan3A_9 to %scan3A_11 step %scan3A_12  : i32 {
      %mul3A = arith.constant 1 : i32
      %mul3A_38 = arith.muli %scan3A_37, %mul3A : i32
      %add3A = arith.constant 0 : i32
      %add3A_39 = arith.addi %add3A, %mul3A_38 : i32
      %mul3A_40 = arith.constant 624 : i32
      %mul3A_41 = arith.muli %arg1, %mul3A_40 : i32
      %mul3A_42 = arith.constant 208 : i32
      %mul3A_43 = arith.muli %add3A_39, %mul3A_42 : i32
      %add3A_44 = arith.addi %mul3A_41, %mul3A_43 : i32
      "tpu.region"() ({
        %run_scoped3A_45 = tpu.sem_alloc : memref<!tpu.dma_semaphore, #tpu.memory_space<semaphore_mem>>
        %dma_start3A = arith.constant 0 : i32
        %dma_start3A_46 = tpu.memref_slice %arg8[%add3A_44, %dma_start3A] : memref<10000x16xf32, #tpu.memory_space<vmem_shared>> -> memref<208x16xf32, #tpu.memory_space<vmem_shared>>
        %dma_start3A_47 = arith.constant 0 : i32
        %dma_start3A_48 = tpu.memref_slice %arg8[%add3A_44, %dma_start3A_47] : memref<10000x16xf32, #tpu.memory_space<vmem_shared>> -> memref<208x16xf32, #tpu.memory_space<vmem_shared>>
        tpu.enqueue_dma source(%arg6 : memref<208x16xf32, #tpu.memory_space<vmem>>) target(%dma_start3A_48 : memref<208x16xf32, #tpu.memory_space<vmem_shared>>) target_semaphore(%run_scoped3A_45 : memref<!tpu.dma_semaphore, #tpu.memory_space<semaphore_mem>>)
        %dma_wait3A = arith.constant 0 : i32
        %dma_wait3A_49 = tpu.memref_slice %arg8[%add3A_44, %dma_wait3A] : memref<10000x16xf32, #tpu.memory_space<vmem_shared>> -> memref<208x16xf32, #tpu.memory_space<vmem_shared>>
        %dma_wait3A_50 = arith.constant 0 : i32
        %dma_wait3A_51 = tpu.memref_slice %arg8[%add3A_44, %dma_wait3A_50] : memref<10000x16xf32, #tpu.memory_space<vmem_shared>> -> memref<208x16xf32, #tpu.memory_space<vmem_shared>>
        tpu.wait_dma2 semaphore(%run_scoped3A_45 : memref<!tpu.dma_semaphore, #tpu.memory_space<semaphore_mem>>) src(%arg6 : memref<208x16xf32, #tpu.memory_space<vmem>>) dst(%dma_wait3A_51 : memref<208x16xf32, #tpu.memory_space<vmem_shared>>)
        tpu.yield
      }) : () -> ()
    }
    %scan3A_13 = arith.constant 3 : i32
    %eq3A = arith.constant 0 : i32
    %eq3A_14 = arith.cmpi eq, %arg1, %eq3A : i32
    %convert_element_type3A = arith.extui %eq3A_14 : i1 to i32
    %cond3A = arith.constant 0 : i32
    %cond3A_15 = arith.cmpi ne, %convert_element_type3A, %cond3A : i32
    scf.if %cond3A_15 {
      "tpu.region"() ({
        %run_scoped3A_37 = tpu.sem_alloc : memref<!tpu.dma_semaphore, #tpu.memory_space<semaphore_mem>>
        %dma_start3A = arith.constant 0 : i32
        %dma_start3A_38 = arith.constant 0 : i32
        %dma_start3A_39 = tpu.memref_slice %arg6[%dma_start3A, %dma_start3A_38] : memref<208x16xf32, #tpu.memory_space<vmem>> -> memref<16x16xf32, #tpu.memory_space<vmem>>
        %dma_start3A_40 = arith.constant 9984 : i32
        %dma_start3A_41 = arith.constant 0 : i32
        %dma_start3A_42 = tpu.memref_slice %arg8[%dma_start3A_40, %dma_start3A_41] : memref<10000x16xf32, #tpu.memory_space<vmem_shared>> -> memref<16x16xf32, #tpu.memory_space<vmem_shared>>
        %dma_start3A_43 = arith.constant 9984 : i32
        %dma_start3A_44 = arith.constant 0 : i32
        %dma_start3A_45 = tpu.memref_slice %arg8[%dma_start3A_43, %dma_start3A_44] : memref<10000x16xf32, #tpu.memory_space<vmem_shared>> -> memref<16x16xf32, #tpu.memory_space<vmem_shared>>
        %dma_start3A_46 = arith.constant 0 : i32
        %dma_start3A_47 = arith.constant 0 : i32
        %dma_start3A_48 = tpu.memref_slice %arg6[%dma_start3A_46, %dma_start3A_47] : memref<208x16xf32, #tpu.memory_space<vmem>> -> memref<16x16xf32, #tpu.memory_space<vmem>>
        tpu.enqueue_dma source(%dma_start3A_48 : memref<16x16xf32, #tpu.memory_space<vmem>>) target(%dma_start3A_45 : memref<16x16xf32, #tpu.memory_space<vmem_shared>>) target_semaphore(%run_scoped3A_37 : memref<!tpu.dma_semaphore, #tpu.memory_space<semaphore_mem>>)
        %dma_wait3A = arith.constant 0 : i32
        %dma_wait3A_49 = arith.constant 0 : i32
        %dma_wait3A_50 = tpu.memref_slice %arg6[%dma_wait3A, %dma_wait3A_49] : memref<208x16xf32, #tpu.memory_space<vmem>> -> memref<16x16xf32, #tpu.memory_space<vmem>>
        %dma_wait3A_51 = arith.constant 9984 : i32
        %dma_wait3A_52 = arith.constant 0 : i32
        %dma_wait3A_53 = tpu.memref_slice %arg8[%dma_wait3A_51, %dma_wait3A_52] : memref<10000x16xf32, #tpu.memory_space<vmem_shared>> -> memref<16x16xf32, #tpu.memory_space<vmem_shared>>
        %dma_wait3A_54 = arith.constant 9984 : i32
        %dma_wait3A_55 = arith.constant 0 : i32
        %dma_wait3A_56 = tpu.memref_slice %arg8[%dma_wait3A_54, %dma_wait3A_55] : memref<10000x16xf32, #tpu.memory_space<vmem_shared>> -> memref<16x16xf32, #tpu.memory_space<vmem_shared>>
        %dma_wait3A_57 = arith.constant 0 : i32
        %dma_wait3A_58 = arith.constant 0 : i32
        %dma_wait3A_59 = tpu.memref_slice %arg6[%dma_wait3A_57, %dma_wait3A_58] : memref<208x16xf32, #tpu.memory_space<vmem>> -> memref<16x16xf32, #tpu.memory_space<vmem>>
        tpu.wait_dma2 semaphore(%run_scoped3A_37 : memref<!tpu.dma_semaphore, #tpu.memory_space<semaphore_mem>>) src(%dma_wait3A_59 : memref<16x16xf32, #tpu.memory_space<vmem>>) dst(%dma_wait3A_56 : memref<16x16xf32, #tpu.memory_space<vmem_shared>>)
        tpu.yield
      }) : () -> ()
    } else {
    }
    %run_scoped3A = arith.constant 1 : i32
    "tpu.region"() ({
      %run_scoped3A_37 = tpu.sem_alloc : memref<!tpu.dma_semaphore, #tpu.memory_space<semaphore_mem>>
      %dma_start3A = arith.constant 0 : i32
      %dma_start3A_38 = arith.constant 0 : i32
      %dma_start3A_39 = tpu.memref_slice %arg2[%run_scoped3A, %arg1, %dma_start3A, %dma_start3A_38] : memref<2x16x250x80xi32, #tpu.memory_space<hbm>> -> memref<1x1x250x80xi32, #tpu.memory_space<hbm>>
      %dma_start3A_40 = tpu.memref_squeeze %dma_start3A_39 : memref<1x1x250x80xi32, #tpu.memory_space<hbm>> -> memref<250x80xi32, #tpu.memory_space<hbm>>
      %dma_start3A_41 = arith.constant 0 : i32
      %dma_start3A_42 = arith.constant 0 : i32
      %dma_start3A_43 = tpu.memref_slice %arg2[%run_scoped3A, %arg1, %dma_start3A_41, %dma_start3A_42] : memref<2x16x250x80xi32, #tpu.memory_space<hbm>> -> memref<1x1x250x80xi32, #tpu.memory_space<hbm>>
      %dma_start3A_44 = tpu.memref_squeeze %dma_start3A_43 : memref<1x1x250x80xi32, #tpu.memory_space<hbm>> -> memref<250x80xi32, #tpu.memory_space<hbm>>
      tpu.enqueue_dma source(%dma_start3A_44 : memref<250x80xi32, #tpu.memory_space<hbm>>) target(%arg4 : memref<250x80xi32, #tpu.memory_space<vmem>>) target_semaphore(%run_scoped3A_37 : memref<!tpu.dma_semaphore, #tpu.memory_space<semaphore_mem>>)
      %dma_wait3A = arith.constant 0 : i32
      %dma_wait3A_45 = arith.constant 0 : i32
      %dma_wait3A_46 = tpu.memref_slice %arg2[%run_scoped3A, %arg1, %dma_wait3A, %dma_wait3A_45] : memref<2x16x250x80xi32, #tpu.memory_space<hbm>> -> memref<1x1x250x80xi32, #tpu.memory_space<hbm>>
      %dma_wait3A_47 = tpu.memref_squeeze %dma_wait3A_46 : memref<1x1x250x80xi32, #tpu.memory_space<hbm>> -> memref<250x80xi32, #tpu.memory_space<hbm>>
      %dma_wait3A_48 = arith.constant 0 : i32
      %dma_wait3A_49 = arith.constant 0 : i32
      %dma_wait3A_50 = tpu.memref_slice %arg2[%run_scoped3A, %arg1, %dma_wait3A_48, %dma_wait3A_49] : memref<2x16x250x80xi32, #tpu.memory_space<hbm>> -> memref<1x1x250x80xi32, #tpu.memory_space<hbm>>
      %dma_wait3A_51 = tpu.memref_squeeze %dma_wait3A_50 : memref<1x1x250x80xi32, #tpu.memory_space<hbm>> -> memref<250x80xi32, #tpu.memory_space<hbm>>
      tpu.wait_dma2 semaphore(%run_scoped3A_37 : memref<!tpu.dma_semaphore, #tpu.memory_space<semaphore_mem>>) src(%dma_wait3A_51 : memref<250x80xi32, #tpu.memory_space<hbm>>) dst(%arg4 : memref<250x80xi32, #tpu.memory_space<vmem>>)
      tpu.yield
    }) : () -> ()
    %barrier3A = arith.constant 0 : index
    tpu.barrier barrier_id(%barrier3A)
    %scan3A_16 = arith.constant 0 : i32
    %scan3A_17 = arith.constant 125 : i32
    %scan3A_18 = arith.addi %scan3A_16, %scan3A_17 : i32
    %scan3A_19 = arith.constant 1 : i32
    scf.for %scan3A_37 = %scan3A_16 to %scan3A_18 step %scan3A_19  : i32 {
      %mul3A = arith.constant 1 : i32
      %mul3A_38 = arith.muli %scan3A_37, %mul3A : i32
      %add3A = arith.constant 0 : i32
      %add3A_39 = arith.addi %add3A, %mul3A_38 : i32
      %mul3A_40 = arith.constant 125 : i32
      %mul3A_41 = arith.muli %arg0, %mul3A_40 : i32
      %add3A_42 = arith.addi %mul3A_41, %add3A_39 : i32
      %dma_start3A = arith.constant 0 : i32
      %dma_start3A_43 = tpu.memref_slice %arg4[%add3A_42, %dma_start3A] : memref<250x80xi32, #tpu.memory_space<vmem>> -> memref<1x80xi32, #tpu.memory_space<vmem>>
      %dma_start3A_44 = tpu.memref_squeeze %dma_start3A_43 : memref<1x80xi32, #tpu.memory_space<vmem>> -> memref<80xi32, #tpu.memory_space<vmem>>
      %dma_start3A_45 = arith.constant 0 : i32
      %dma_start3A_46 = arith.constant 0 : i32
      %dma_start3A_47 = tpu.memref_slice %arg8[%dma_start3A_45, %dma_start3A_46] : memref<10000x16xf32, #tpu.memory_space<vmem_shared>> -> memref<10000x16xf32, #tpu.memory_space<vmem_shared>>
      tpu.enqueue_indirect_dma source(%arg5 : memref<80x16xf32, #tpu.memory_space<vmem>>) target(%dma_start3A_47 : memref<10000x16xf32, #tpu.memory_space<vmem_shared>>) offsets(%dma_start3A_44 : memref<80xi32, #tpu.memory_space<vmem>>) semaphore(%arg9 : memref<!tpu.dma_semaphore, #tpu.memory_space<semaphore_mem>>) {add = true}
    }
    %scan3A_20 = arith.constant 125 : i32
    %scan3A_21 = arith.constant 0 : i32
    %scan3A_22 = arith.constant 125 : i32
    %scan3A_23 = arith.addi %scan3A_21, %scan3A_22 : i32
    %scan3A_24 = arith.constant 1 : i32
    scf.for %scan3A_37 = %scan3A_21 to %scan3A_23 step %scan3A_24  : i32 {
      %mul3A = arith.constant 1 : i32
      %mul3A_38 = arith.muli %scan3A_37, %mul3A : i32
      %add3A = arith.constant 0 : i32
      %add3A_39 = arith.addi %add3A, %mul3A_38 : i32
      %dma_wait3A = arith.constant 0 : i32
      %dma_wait3A_40 = tpu.memref_slice %arg4[%add3A_39, %dma_wait3A] : memref<250x80xi32, #tpu.memory_space<vmem>> -> memref<1x80xi32, #tpu.memory_space<vmem>>
      %dma_wait3A_41 = tpu.memref_squeeze %dma_wait3A_40 : memref<1x80xi32, #tpu.memory_space<vmem>> -> memref<80xi32, #tpu.memory_space<vmem>>
      %dma_wait3A_42 = arith.constant 0 : i32
      %dma_wait3A_43 = arith.constant 0 : i32
      %dma_wait3A_44 = tpu.memref_slice %arg8[%dma_wait3A_42, %dma_wait3A_43] : memref<10000x16xf32, #tpu.memory_space<vmem_shared>> -> memref<10000x16xf32, #tpu.memory_space<vmem_shared>>
      tpu.wait_indirect_dma semaphore(%arg9 : memref<!tpu.dma_semaphore, #tpu.memory_space<semaphore_mem>>) src(%arg5 : memref<80x16xf32, #tpu.memory_space<vmem>>) dst(%dma_wait3A_44 : memref<10000x16xf32, #tpu.memory_space<vmem_shared>>)
    }
    %scan3A_25 = arith.constant 125 : i32
    %barrier3A_26 = arith.constant 0 : index
    tpu.barrier barrier_id(%barrier3A_26)
    %scan3A_27 = arith.constant 0 : i32
    %scan3A_28 = arith.constant 3 : i32
    %scan3A_29 = arith.addi %scan3A_27, %scan3A_28 : i32
    %scan3A_30 = arith.constant 1 : i32
    scf.for %scan3A_37 = %scan3A_27 to %scan3A_29 step %scan3A_30  : i32 {
      %mul3A = arith.constant 1 : i32
      %mul3A_38 = arith.muli %scan3A_37, %mul3A : i32
      %add3A = arith.constant 0 : i32
      %add3A_39 = arith.addi %add3A, %mul3A_38 : i32
      %mul3A_40 = arith.constant 624 : i32
      %mul3A_41 = arith.muli %arg1, %mul3A_40 : i32
      %mul3A_42 = arith.constant 208 : i32
      %mul3A_43 = arith.muli %add3A_39, %mul3A_42 : i32
      %add3A_44 = arith.addi %mul3A_41, %mul3A_43 : i32
      "tpu.region"() ({
        %run_scoped3A_50 = tpu.sem_alloc : memref<!tpu.dma_semaphore, #tpu.memory_space<semaphore_mem>>
        %dma_start3A = arith.constant 0 : i32
        %dma_start3A_51 = tpu.memref_slice %arg8[%add3A_44, %dma_start3A] : memref<10000x16xf32, #tpu.memory_space<vmem_shared>> -> memref<208x16xf32, #tpu.memory_space<vmem_shared>>
        %dma_start3A_52 = arith.constant 0 : i32
        %dma_start3A_53 = tpu.memref_slice %arg8[%add3A_44, %dma_start3A_52] : memref<10000x16xf32, #tpu.memory_space<vmem_shared>> -> memref<208x16xf32, #tpu.memory_space<vmem_shared>>
        tpu.enqueue_dma source(%dma_start3A_53 : memref<208x16xf32, #tpu.memory_space<vmem_shared>>) target(%arg6 : memref<208x16xf32, #tpu.memory_space<vmem>>) target_semaphore(%run_scoped3A_50 : memref<!tpu.dma_semaphore, #tpu.memory_space<semaphore_mem>>)
        %dma_wait3A = arith.constant 0 : i32
        %dma_wait3A_54 = tpu.memref_slice %arg8[%add3A_44, %dma_wait3A] : memref<10000x16xf32, #tpu.memory_space<vmem_shared>> -> memref<208x16xf32, #tpu.memory_space<vmem_shared>>
        %dma_wait3A_55 = arith.constant 0 : i32
        %dma_wait3A_56 = tpu.memref_slice %arg8[%add3A_44, %dma_wait3A_55] : memref<10000x16xf32, #tpu.memory_space<vmem_shared>> -> memref<208x16xf32, #tpu.memory_space<vmem_shared>>
        tpu.wait_dma2 semaphore(%run_scoped3A_50 : memref<!tpu.dma_semaphore, #tpu.memory_space<semaphore_mem>>) src(%dma_wait3A_56 : memref<208x16xf32, #tpu.memory_space<vmem_shared>>) dst(%arg6 : memref<208x16xf32, #tpu.memory_space<vmem>>)
        tpu.yield
      }) : () -> ()
      %scan3A_45 = arith.constant 0 : i32
      %scan3A_46 = arith.constant 208 : i32
      %scan3A_47 = arith.addi %scan3A_45, %scan3A_46 : i32
      %scan3A_48 = arith.constant 1 : i32
      scf.for %scan3A_50 = %scan3A_45 to %scan3A_47 step %scan3A_48  : i32 {
        %mul3A_51 = arith.constant 1 : i32
        %mul3A_52 = arith.muli %scan3A_50, %mul3A_51 : i32
        %add3A_53 = arith.constant 0 : i32
        %add3A_54 = arith.addi %add3A_53, %mul3A_52 : i32
        %get3A = arith.index_cast %add3A_54 : i32 to index
        %get3A_55 = arith.constant 0 : index
        %get3A_56 = tpu.vector_load %arg6[%get3A, %get3A_55] {strides = array<i32>} : memref<208x16xf32, #tpu.memory_space<vmem>>, vector<1x16xf32>,
        %get3A_57 = vector.shape_cast %get3A_56 : vector<1x16xf32> to vector<16xf32>
        %scan3A_58 = arith.constant 0 : i32
        %scan3A_59 = arith.constant 4 : i32
        %scan3A_60 = arith.addi %scan3A_58, %scan3A_59 : i32
        %scan3A_61 = arith.constant 1 : i32
        scf.for %scan3A_63 = %scan3A_58 to %scan3A_60 step %scan3A_61  : i32 {
          %mul3A_64 = arith.constant 16 : i32
          %mul3A_65 = arith.muli %scan3A_63, %mul3A_64 : i32
          %add3A_66 = arith.constant 0 : i32
          %add3A_67 = arith.addi %add3A_66, %mul3A_65 : i32
          %swap3A = arith.index_cast %add3A_54 : i32 to index
          %swap3A_68 = arith.index_cast %add3A_67 : i32 to index
          %swap3A_69 = tpu.vector_load %arg7[%swap3A, %swap3A_68] {strides = array<i32>} : memref<208x64xf32, #tpu.memory_space<vmem>>, vector<1x16xf32>,
          %swap3A_70 = vector.shape_cast %swap3A_69 : vector<1x16xf32> to vector<16xf32>
          %swap3A_71 = vector.shape_cast %get3A_57 : vector<16xf32> to vector<1x16xf32>
          tpu.vector_store %arg7[%swap3A, %swap3A_68], %swap3A_71 {strides = array<i32>} : memref<208x64xf32, #tpu.memory_space<vmem>>, vector<1x16xf32>,
        }
        %scan3A_62 = arith.constant 4 : i32
      }
      %scan3A_49 = arith.constant 208 : i32
      "tpu.region"() ({
        %run_scoped3A_50 = tpu.sem_alloc : memref<!tpu.dma_semaphore, #tpu.memory_space<semaphore_mem>>
        %dma_start3A = arith.constant 0 : i32
        %dma_start3A_51 = tpu.memref_slice %arg3[%arg0, %add3A_44, %dma_start3A] : memref<2x10000x64xf32, #tpu.memory_space<hbm>> -> memref<1x208x64xf32, #tpu.memory_space<hbm>>
        %dma_start3A_52 = tpu.memref_squeeze %dma_start3A_51 : memref<1x208x64xf32, #tpu.memory_space<hbm>> -> memref<208x64xf32, #tpu.memory_space<hbm>>
        %dma_start3A_53 = arith.constant 0 : i32
        %dma_start3A_54 = tpu.memref_slice %arg3[%arg0, %add3A_44, %dma_start3A_53] : memref<2x10000x64xf32, #tpu.memory_space<hbm>> -> memref<1x208x64xf32, #tpu.memory_space<hbm>>
        %dma_start3A_55 = tpu.memref_squeeze %dma_start3A_54 : memref<1x208x64xf32, #tpu.memory_space<hbm>> -> memref<208x64xf32, #tpu.memory_space<hbm>>
        tpu.enqueue_dma source(%arg7 : memref<208x64xf32, #tpu.memory_space<vmem>>) target(%dma_start3A_55 : memref<208x64xf32, #tpu.memory_space<hbm>>) target_semaphore(%run_scoped3A_50 : memref<!tpu.dma_semaphore, #tpu.memory_space<semaphore_mem>>)
        %dma_wait3A = arith.constant 0 : i32
        %dma_wait3A_56 = tpu.memref_slice %arg3[%arg0, %add3A_44, %dma_wait3A] : memref<2x10000x64xf32, #tpu.memory_space<hbm>> -> memref<1x208x64xf32, #tpu.memory_space<hbm>>
        %dma_wait3A_57 = tpu.memref_squeeze %dma_wait3A_56 : memref<1x208x64xf32, #tpu.memory_space<hbm>> -> memref<208x64xf32, #tpu.memory_space<hbm>>
        %dma_wait3A_58 = arith.constant 0 : i32
        %dma_wait3A_59 = tpu.memref_slice %arg3[%arg0, %add3A_44, %dma_wait3A_58] : memref<2x10000x64xf32, #tpu.memory_space<hbm>> -> memref<1x208x64xf32, #tpu.memory_space<hbm>>
        %dma_wait3A_60 = tpu.memref_squeeze %dma_wait3A_59 : memref<1x208x64xf32, #tpu.memory_space<hbm>> -> memref<208x64xf32, #tpu.memory_space<hbm>>
        tpu.wait_dma2 semaphore(%run_scoped3A_50 : memref<!tpu.dma_semaphore, #tpu.memory_space<semaphore_mem>>) src(%arg7 : memref<208x64xf32, #tpu.memory_space<vmem>>) dst(%dma_wait3A_60 : memref<208x64xf32, #tpu.memory_space<hbm>>)
        tpu.yield
      }) : () -> ()
    }
    %scan3A_31 = arith.constant 3 : i32
    %eq3A_32 = arith.constant 0 : i32
    %eq3A_33 = arith.cmpi eq, %arg1, %eq3A_32 : i32
    %convert_element_type3A_34 = arith.extui %eq3A_33 : i1 to i32
    %cond3A_35 = arith.constant 0 : i32
    %cond3A_36 = arith.cmpi ne, %convert_element_type3A_34, %cond3A_35 : i32
    scf.if %cond3A_36 {
      "tpu.region"() ({
        %run_scoped3A_42 = tpu.sem_alloc : memref<!tpu.dma_semaphore, #tpu.memory_space<semaphore_mem>>
        %dma_start3A = arith.constant 0 : i32
        %dma_start3A_43 = arith.constant 0 : i32
        %dma_start3A_44 = tpu.memref_slice %arg6[%dma_start3A, %dma_start3A_43] : memref<208x16xf32, #tpu.memory_space<vmem>> -> memref<16x16xf32, #tpu.memory_space<vmem>>
        %dma_start3A_45 = arith.constant 9984 : i32
        %dma_start3A_46 = arith.constant 0 : i32
        %dma_start3A_47 = tpu.memref_slice %arg8[%dma_start3A_45, %dma_start3A_46] : memref<10000x16xf32, #tpu.memory_space<vmem_shared>> -> memref<16x16xf32, #tpu.memory_space<vmem_shared>>
        %dma_start3A_48 = arith.constant 0 : i32
        %dma_start3A_49 = arith.constant 0 : i32
        %dma_start3A_50 = tpu.memref_slice %arg6[%dma_start3A_48, %dma_start3A_49] : memref<208x16xf32, #tpu.memory_space<vmem>> -> memref<16x16xf32, #tpu.memory_space<vmem>>
        %dma_start3A_51 = arith.constant 9984 : i32
        %dma_start3A_52 = arith.constant 0 : i32
        %dma_start3A_53 = tpu.memref_slice %arg8[%dma_start3A_51, %dma_start3A_52] : memref<10000x16xf32, #tpu.memory_space<vmem_shared>> -> memref<16x16xf32, #tpu.memory_space<vmem_shared>>
        tpu.enqueue_dma source(%dma_start3A_53 : memref<16x16xf32, #tpu.memory_space<vmem_shared>>) target(%dma_start3A_50 : memref<16x16xf32, #tpu.memory_space<vmem>>) target_semaphore(%run_scoped3A_42 : memref<!tpu.dma_semaphore, #tpu.memory_space<semaphore_mem>>)
        %dma_wait3A = arith.constant 0 : i32
        %dma_wait3A_54 = arith.constant 0 : i32
        %dma_wait3A_55 = tpu.memref_slice %arg6[%dma_wait3A, %dma_wait3A_54] : memref<208x16xf32, #tpu.memory_space<vmem>> -> memref<16x16xf32, #tpu.memory_space<vmem>>
        %dma_wait3A_56 = arith.constant 9984 : i32
        %dma_wait3A_57 = arith.constant 0 : i32
        %dma_wait3A_58 = tpu.memref_slice %arg8[%dma_wait3A_56, %dma_wait3A_57] : memref<10000x16xf32, #tpu.memory_space<vmem_shared>> -> memref<16x16xf32, #tpu.memory_space<vmem_shared>>
        %dma_wait3A_59 = arith.constant 0 : i32
        %dma_wait3A_60 = arith.constant 0 : i32
        %dma_wait3A_61 = tpu.memref_slice %arg6[%dma_wait3A_59, %dma_wait3A_60] : memref<208x16xf32, #tpu.memory_space<vmem>> -> memref<16x16xf32, #tpu.memory_space<vmem>>
        %dma_wait3A_62 = arith.constant 9984 : i32
        %dma_wait3A_63 = arith.constant 0 : i32
        %dma_wait3A_64 = tpu.memref_slice %arg8[%dma_wait3A_62, %dma_wait3A_63] : memref<10000x16xf32, #tpu.memory_space<vmem_shared>> -> memref<16x16xf32, #tpu.memory_space<vmem_shared>>
        tpu.wait_dma2 semaphore(%run_scoped3A_42 : memref<!tpu.dma_semaphore, #tpu.memory_space<semaphore_mem>>) src(%dma_wait3A_64 : memref<16x16xf32, #tpu.memory_space<vmem_shared>>) dst(%dma_wait3A_61 : memref<16x16xf32, #tpu.memory_space<vmem>>)
        tpu.yield
      }) : () -> ()
      %scan3A_37 = arith.constant 0 : i32
      %scan3A_38 = arith.constant 16 : i32
      %scan3A_39 = arith.addi %scan3A_37, %scan3A_38 : i32
      %scan3A_40 = arith.constant 1 : i32
      scf.for %scan3A_42 = %scan3A_37 to %scan3A_39 step %scan3A_40  : i32 {
        %mul3A = arith.constant 1 : i32
        %mul3A_43 = arith.muli %scan3A_42, %mul3A : i32
        %add3A = arith.constant 0 : i32
        %add3A_44 = arith.addi %add3A, %mul3A_43 : i32
        %get3A = arith.index_cast %add3A_44 : i32 to index
        %get3A_45 = arith.constant 0 : index
        %get3A_46 = tpu.vector_load %arg6[%get3A, %get3A_45] {strides = array<i32>} : memref<208x16xf32, #tpu.memory_space<vmem>>, vector<1x16xf32>,
        %get3A_47 = vector.shape_cast %get3A_46 : vector<1x16xf32> to vector<16xf32>
        %scan3A_48 = arith.constant 0 : i32
        %scan3A_49 = arith.constant 4 : i32
        %scan3A_50 = arith.addi %scan3A_48, %scan3A_49 : i32
        %scan3A_51 = arith.constant 1 : i32
        scf.for %scan3A_53 = %scan3A_48 to %scan3A_50 step %scan3A_51  : i32 {
          %mul3A_54 = arith.constant 16 : i32
          %mul3A_55 = arith.muli %scan3A_53, %mul3A_54 : i32
          %add3A_56 = arith.constant 0 : i32
          %add3A_57 = arith.addi %add3A_56, %mul3A_55 : i32
          %swap3A = arith.index_cast %add3A_44 : i32 to index
          %swap3A_58 = arith.index_cast %add3A_57 : i32 to index
          %swap3A_59 = tpu.vector_load %arg7[%swap3A, %swap3A_58] {strides = array<i32>} : memref<208x64xf32, #tpu.memory_space<vmem>>, vector<1x16xf32>,
          %swap3A_60 = vector.shape_cast %swap3A_59 : vector<1x16xf32> to vector<16xf32>
          %swap3A_61 = vector.shape_cast %get3A_47 : vector<16xf32> to vector<1x16xf32>
          tpu.vector_store %arg7[%swap3A, %swap3A_58], %swap3A_61 {strides = array<i32>} : memref<208x64xf32, #tpu.memory_space<vmem>>, vector<1x16xf32>,
        }
        %scan3A_52 = arith.constant 4 : i32
      }
      %scan3A_41 = arith.constant 16 : i32
      "tpu.region"() ({
        %run_scoped3A_42 = tpu.sem_alloc : memref<!tpu.dma_semaphore, #tpu.memory_space<semaphore_mem>>
        %dma_start3A = arith.constant 0 : i32
        %dma_start3A_43 = arith.constant 0 : i32
        %dma_start3A_44 = tpu.memref_slice %arg7[%dma_start3A, %dma_start3A_43] : memref<208x64xf32, #tpu.memory_space<vmem>> -> memref<16x64xf32, #tpu.memory_space<vmem>>
        %dma_start3A_45 = arith.constant 9984 : i32
        %dma_start3A_46 = arith.constant 0 : i32
        %dma_start3A_47 = tpu.memref_slice %arg3[%arg0, %dma_start3A_45, %dma_start3A_46] : memref<2x10000x64xf32, #tpu.memory_space<hbm>> -> memref<1x16x64xf32, #tpu.memory_space<hbm>>
        %dma_start3A_48 = tpu.memref_squeeze %dma_start3A_47 : memref<1x16x64xf32, #tpu.memory_space<hbm>> -> memref<16x64xf32, #tpu.memory_space<hbm>>
        %dma_start3A_49 = arith.constant 9984 : i32
        %dma_start3A_50 = arith.constant 0 : i32
        %dma_start3A_51 = tpu.memref_slice %arg3[%arg0, %dma_start3A_49, %dma_start3A_50] : memref<2x10000x64xf32, #tpu.memory_space<hbm>> -> memref<1x16x64xf32, #tpu.memory_space<hbm>>
        %dma_start3A_52 = tpu.memref_squeeze %dma_start3A_51 : memref<1x16x64xf32, #tpu.memory_space<hbm>> -> memref<16x64xf32, #tpu.memory_space<hbm>>
        %dma_start3A_53 = arith.constant 0 : i32
        %dma_start3A_54 = arith.constant 0 : i32
        %dma_start3A_55 = tpu.memref_slice %arg7[%dma_start3A_53, %dma_start3A_54] : memref<208x64xf32, #tpu.memory_space<vmem>> -> memref<16x64xf32, #tpu.memory_space<vmem>>
        tpu.enqueue_dma source(%dma_start3A_55 : memref<16x64xf32, #tpu.memory_space<vmem>>) target(%dma_start3A_52 : memref<16x64xf32, #tpu.memory_space<hbm>>) target_semaphore(%run_scoped3A_42 : memref<!tpu.dma_semaphore, #tpu.memory_space<semaphore_mem>>)
        %dma_wait3A = arith.constant 0 : i32
        %dma_wait3A_56 = arith.constant 0 : i32
        %dma_wait3A_57 = tpu.memref_slice %arg7[%dma_wait3A, %dma_wait3A_56] : memref<208x64xf32, #tpu.memory_space<vmem>> -> memref<16x64xf32, #tpu.memory_space<vmem>>
        %dma_wait3A_58 = arith.constant 9984 : i32
        %dma_wait3A_59 = arith.constant 0 : i32
        %dma_wait3A_60 = tpu.memref_slice %arg3[%arg0, %dma_wait3A_58, %dma_wait3A_59] : memref<2x10000x64xf32, #tpu.memory_space<hbm>> -> memref<1x16x64xf32, #tpu.memory_space<hbm>>
        %dma_wait3A_61 = tpu.memref_squeeze %dma_wait3A_60 : memref<1x16x64xf32, #tpu.memory_space<hbm>> -> memref<16x64xf32, #tpu.memory_space<hbm>>
        %dma_wait3A_62 = arith.constant 9984 : i32
        %dma_wait3A_63 = arith.constant 0 : i32
        %dma_wait3A_64 = tpu.memref_slice %arg3[%arg0, %dma_wait3A_62, %dma_wait3A_63] : memref<2x10000x64xf32, #tpu.memory_space<hbm>> -> memref<1x16x64xf32, #tpu.memory_space<hbm>>
        %dma_wait3A_65 = tpu.memref_squeeze %dma_wait3A_64 : memref<1x16x64xf32, #tpu.memory_space<hbm>> -> memref<16x64xf32, #tpu.memory_space<hbm>>
        %dma_wait3A_66 = arith.constant 0 : i32
        %dma_wait3A_67 = arith.constant 0 : i32
        %dma_wait3A_68 = tpu.memref_slice %arg7[%dma_wait3A_66, %dma_wait3A_67] : memref<208x64xf32, #tpu.memory_space<vmem>> -> memref<16x64xf32, #tpu.memory_space<vmem>>
        tpu.wait_dma2 semaphore(%run_scoped3A_42 : memref<!tpu.dma_semaphore, #tpu.memory_space<semaphore_mem>>) src(%dma_wait3A_68 : memref<16x64xf32, #tpu.memory_space<vmem>>) dst(%dma_wait3A_65 : memref<16x64xf32, #tpu.memory_space<hbm>>)
        tpu.yield
      }) : () -> ()
    } else {
    }
    return
  }
}

#map = affine_map<(d0, d1) -> (0, 0, 0)>
#map1 = affine_map<(d0, d1) -> (0, 0, 0, 0)>
module attributes {stable_mosaic.version = 14 : i64} {
  func.func @_sc_edge_pass(%arg0: i32, %arg1: i32, %arg2: memref<2x10000x64xf32, #tpu.memory_space<hbm>>, %arg3: memref<2x16x250x80xi32, #tpu.memory_space<hbm>>, %arg4: memref<2x10000x64xf32, #tpu.memory_space<hbm>>, %arg5: memref<250x80xi32, #tpu.memory_space<vmem>>, %arg6: memref<250x80xi32, #tpu.memory_space<vmem>>, %arg7: memref<6x80x64xf32, #tpu.memory_space<vmem>>, %arg8: memref<208x64xf32, #tpu.memory_space<vmem>>, %arg9: memref<10000x64xf32, #tpu.memory_space<vmem_shared>>, %arg10: memref<6x!tpu.dma_semaphore, #tpu.memory_space<semaphore_mem>>, %arg11: memref<6x!tpu.dma_semaphore, #tpu.memory_space<semaphore_mem>>) attributes {dimension_semantics = [#tpu.dimension_semantics<core_parallel>, #tpu.dimension_semantics<subcore_parallel>], iteration_bounds = array<i64: 2, 16>, scalar_prefetch = 0 : i64, scratch_operands = 7 : i64, tpu.core_type = #tpu.core_type<sc_vector_subcore>, window_params = [{transform_indices = #map}, {transform_indices = #map1}, {transform_indices = #map}]} {
    %scan3A = arith.constant 0 : i32
    %scan3A_0 = arith.constant 208 : i32
    %scan3A_1 = arith.addi %scan3A, %scan3A_0 : i32
    %scan3A_2 = arith.constant 1 : i32
    scf.for %scan3A_364 = %scan3A to %scan3A_1 step %scan3A_2  : i32 {
      %mul3A_365 = arith.constant 1 : i32
      %mul3A_366 = arith.muli %scan3A_364, %mul3A_365 : i32
      %add3A = arith.constant 0 : i32
      %add3A_367 = arith.addi %add3A, %mul3A_366 : i32
      %scan3A_368 = arith.constant 0 : i32
      %scan3A_369 = arith.constant 4 : i32
      %scan3A_370 = arith.addi %scan3A_368, %scan3A_369 : i32
      %scan3A_371 = arith.constant 1 : i32
      scf.for %scan3A_373 = %scan3A_368 to %scan3A_370 step %scan3A_371  : i32 {
        %mul3A_374 = arith.constant 16 : i32
        %mul3A_375 = arith.muli %scan3A_373, %mul3A_374 : i32
        %add3A_376 = arith.constant 0 : i32
        %add3A_377 = arith.addi %add3A_376, %mul3A_375 : i32
        %broadcast_in_dim3A = arith.constant 0.000000e+00 : f32
        %broadcast_in_dim3A_378 = vector.broadcast %broadcast_in_dim3A : f32 to vector<16xf32>
        %swap3A = arith.index_cast %add3A_367 : i32 to index
        %swap3A_379 = arith.index_cast %add3A_377 : i32 to index
        %swap3A_380 = tpu.vector_load %arg8[%swap3A, %swap3A_379] {strides = array<i32>} : memref<208x64xf32, #tpu.memory_space<vmem>>, vector<1x16xf32>,
        %swap3A_381 = vector.shape_cast %swap3A_380 : vector<1x16xf32> to vector<16xf32>
        %swap3A_382 = vector.shape_cast %broadcast_in_dim3A_378 : vector<16xf32> to vector<1x16xf32>
        tpu.vector_store %arg8[%swap3A, %swap3A_379], %swap3A_382 {strides = array<i32>} : memref<208x64xf32, #tpu.memory_space<vmem>>, vector<1x16xf32>,
      }
      %scan3A_372 = arith.constant 4 : i32
    }
    %scan3A_3 = arith.constant 208 : i32
    %scan3A_4 = arith.constant 0 : i32
    %scan3A_5 = arith.constant 3 : i32
    %scan3A_6 = arith.addi %scan3A_4, %scan3A_5 : i32
    %scan3A_7 = arith.constant 1 : i32
    scf.for %scan3A_364 = %scan3A_4 to %scan3A_6 step %scan3A_7  : i32 {
      %mul3A_365 = arith.constant 1 : i32
      %mul3A_366 = arith.muli %scan3A_364, %mul3A_365 : i32
      %add3A = arith.constant 0 : i32
      %add3A_367 = arith.addi %add3A, %mul3A_366 : i32
      %mul3A_368 = arith.constant 624 : i32
      %mul3A_369 = arith.muli %arg1, %mul3A_368 : i32
      %mul3A_370 = arith.constant 208 : i32
      %mul3A_371 = arith.muli %add3A_367, %mul3A_370 : i32
      %add3A_372 = arith.addi %mul3A_369, %mul3A_371 : i32
      "tpu.region"() ({
        %run_scoped3A_373 = tpu.sem_alloc : memref<!tpu.dma_semaphore, #tpu.memory_space<semaphore_mem>>
        %dma_start3A_374 = arith.constant 0 : i32
        %dma_start3A_375 = tpu.memref_slice %arg9[%add3A_372, %dma_start3A_374] : memref<10000x64xf32, #tpu.memory_space<vmem_shared>> -> memref<208x64xf32, #tpu.memory_space<vmem_shared>>
        %dma_start3A_376 = arith.constant 0 : i32
        %dma_start3A_377 = tpu.memref_slice %arg9[%add3A_372, %dma_start3A_376] : memref<10000x64xf32, #tpu.memory_space<vmem_shared>> -> memref<208x64xf32, #tpu.memory_space<vmem_shared>>
        tpu.enqueue_dma source(%arg8 : memref<208x64xf32, #tpu.memory_space<vmem>>) target(%dma_start3A_377 : memref<208x64xf32, #tpu.memory_space<vmem_shared>>) target_semaphore(%run_scoped3A_373 : memref<!tpu.dma_semaphore, #tpu.memory_space<semaphore_mem>>)
        %dma_wait3A_378 = arith.constant 0 : i32
        %dma_wait3A_379 = tpu.memref_slice %arg9[%add3A_372, %dma_wait3A_378] : memref<10000x64xf32, #tpu.memory_space<vmem_shared>> -> memref<208x64xf32, #tpu.memory_space<vmem_shared>>
        %dma_wait3A_380 = arith.constant 0 : i32
        %dma_wait3A_381 = tpu.memref_slice %arg9[%add3A_372, %dma_wait3A_380] : memref<10000x64xf32, #tpu.memory_space<vmem_shared>> -> memref<208x64xf32, #tpu.memory_space<vmem_shared>>
        tpu.wait_dma2 semaphore(%run_scoped3A_373 : memref<!tpu.dma_semaphore, #tpu.memory_space<semaphore_mem>>) src(%arg8 : memref<208x64xf32, #tpu.memory_space<vmem>>) dst(%dma_wait3A_381 : memref<208x64xf32, #tpu.memory_space<vmem_shared>>)
        tpu.yield
      }) : () -> ()
    }
    %scan3A_8 = arith.constant 3 : i32
    %eq3A = arith.constant 0 : i32
    %eq3A_9 = arith.cmpi eq, %arg1, %eq3A : i32
    %convert_element_type3A = arith.extui %eq3A_9 : i1 to i32
    %cond3A = arith.constant 0 : i32
    %cond3A_10 = arith.cmpi ne, %convert_element_type3A, %cond3A : i32
    scf.if %cond3A_10 {
      "tpu.region"() ({
        %run_scoped3A_364 = tpu.sem_alloc : memref<!tpu.dma_semaphore, #tpu.memory_space<semaphore_mem>>
        %dma_start3A_365 = arith.constant 0 : i32
        %dma_start3A_366 = arith.constant 0 : i32
        %dma_start3A_367 = tpu.memref_slice %arg8[%dma_start3A_365, %dma_start3A_366] : memref<208x64xf32, #tpu.memory_space<vmem>> -> memref<16x64xf32, #tpu.memory_space<vmem>>
        %dma_start3A_368 = arith.constant 9984 : i32
        %dma_start3A_369 = arith.constant 0 : i32
        %dma_start3A_370 = tpu.memref_slice %arg9[%dma_start3A_368, %dma_start3A_369] : memref<10000x64xf32, #tpu.memory_space<vmem_shared>> -> memref<16x64xf32, #tpu.memory_space<vmem_shared>>
        %dma_start3A_371 = arith.constant 9984 : i32
        %dma_start3A_372 = arith.constant 0 : i32
        %dma_start3A_373 = tpu.memref_slice %arg9[%dma_start3A_371, %dma_start3A_372] : memref<10000x64xf32, #tpu.memory_space<vmem_shared>> -> memref<16x64xf32, #tpu.memory_space<vmem_shared>>
        %dma_start3A_374 = arith.constant 0 : i32
        %dma_start3A_375 = arith.constant 0 : i32
        %dma_start3A_376 = tpu.memref_slice %arg8[%dma_start3A_374, %dma_start3A_375] : memref<208x64xf32, #tpu.memory_space<vmem>> -> memref<16x64xf32, #tpu.memory_space<vmem>>
        tpu.enqueue_dma source(%dma_start3A_376 : memref<16x64xf32, #tpu.memory_space<vmem>>) target(%dma_start3A_373 : memref<16x64xf32, #tpu.memory_space<vmem_shared>>) target_semaphore(%run_scoped3A_364 : memref<!tpu.dma_semaphore, #tpu.memory_space<semaphore_mem>>)
        %dma_wait3A_377 = arith.constant 0 : i32
        %dma_wait3A_378 = arith.constant 0 : i32
        %dma_wait3A_379 = tpu.memref_slice %arg8[%dma_wait3A_377, %dma_wait3A_378] : memref<208x64xf32, #tpu.memory_space<vmem>> -> memref<16x64xf32, #tpu.memory_space<vmem>>
        %dma_wait3A_380 = arith.constant 9984 : i32
        %dma_wait3A_381 = arith.constant 0 : i32
        %dma_wait3A_382 = tpu.memref_slice %arg9[%dma_wait3A_380, %dma_wait3A_381] : memref<10000x64xf32, #tpu.memory_space<vmem_shared>> -> memref<16x64xf32, #tpu.memory_space<vmem_shared>>
        %dma_wait3A_383 = arith.constant 9984 : i32
        %dma_wait3A_384 = arith.constant 0 : i32
        %dma_wait3A_385 = tpu.memref_slice %arg9[%dma_wait3A_383, %dma_wait3A_384] : memref<10000x64xf32, #tpu.memory_space<vmem_shared>> -> memref<16x64xf32, #tpu.memory_space<vmem_shared>>
        %dma_wait3A_386 = arith.constant 0 : i32
        %dma_wait3A_387 = arith.constant 0 : i32
        %dma_wait3A_388 = tpu.memref_slice %arg8[%dma_wait3A_386, %dma_wait3A_387] : memref<208x64xf32, #tpu.memory_space<vmem>> -> memref<16x64xf32, #tpu.memory_space<vmem>>
        tpu.wait_dma2 semaphore(%run_scoped3A_364 : memref<!tpu.dma_semaphore, #tpu.memory_space<semaphore_mem>>) src(%dma_wait3A_388 : memref<16x64xf32, #tpu.memory_space<vmem>>) dst(%dma_wait3A_385 : memref<16x64xf32, #tpu.memory_space<vmem_shared>>)
        tpu.yield
      }) : () -> ()
    } else {
    }
    %run_scoped3A = arith.constant 0 : i32
    "tpu.region"() ({
      %run_scoped3A_364 = tpu.sem_alloc : memref<!tpu.dma_semaphore, #tpu.memory_space<semaphore_mem>>
      %dma_start3A_365 = arith.constant 0 : i32
      %dma_start3A_366 = arith.constant 0 : i32
      %dma_start3A_367 = tpu.memref_slice %arg3[%run_scoped3A, %arg1, %dma_start3A_365, %dma_start3A_366] : memref<2x16x250x80xi32, #tpu.memory_space<hbm>> -> memref<1x1x250x80xi32, #tpu.memory_space<hbm>>
      %dma_start3A_368 = tpu.memref_squeeze %dma_start3A_367 : memref<1x1x250x80xi32, #tpu.memory_space<hbm>> -> memref<250x80xi32, #tpu.memory_space<hbm>>
      %dma_start3A_369 = arith.constant 0 : i32
      %dma_start3A_370 = arith.constant 0 : i32
      %dma_start3A_371 = tpu.memref_slice %arg3[%run_scoped3A, %arg1, %dma_start3A_369, %dma_start3A_370] : memref<2x16x250x80xi32, #tpu.memory_space<hbm>> -> memref<1x1x250x80xi32, #tpu.memory_space<hbm>>
      %dma_start3A_372 = tpu.memref_squeeze %dma_start3A_371 : memref<1x1x250x80xi32, #tpu.memory_space<hbm>> -> memref<250x80xi32, #tpu.memory_space<hbm>>
      tpu.enqueue_dma source(%dma_start3A_372 : memref<250x80xi32, #tpu.memory_space<hbm>>) target(%arg5 : memref<250x80xi32, #tpu.memory_space<vmem>>) target_semaphore(%run_scoped3A_364 : memref<!tpu.dma_semaphore, #tpu.memory_space<semaphore_mem>>)
      %dma_wait3A_373 = arith.constant 0 : i32
      %dma_wait3A_374 = arith.constant 0 : i32
      %dma_wait3A_375 = tpu.memref_slice %arg3[%run_scoped3A, %arg1, %dma_wait3A_373, %dma_wait3A_374] : memref<2x16x250x80xi32, #tpu.memory_space<hbm>> -> memref<1x1x250x80xi32, #tpu.memory_space<hbm>>
      %dma_wait3A_376 = tpu.memref_squeeze %dma_wait3A_375 : memref<1x1x250x80xi32, #tpu.memory_space<hbm>> -> memref<250x80xi32, #tpu.memory_space<hbm>>
      %dma_wait3A_377 = arith.constant 0 : i32
      %dma_wait3A_378 = arith.constant 0 : i32
      %dma_wait3A_379 = tpu.memref_slice %arg3[%run_scoped3A, %arg1, %dma_wait3A_377, %dma_wait3A_378] : memref<2x16x250x80xi32, #tpu.memory_space<hbm>> -> memref<1x1x250x80xi32, #tpu.memory_space<hbm>>
      %dma_wait3A_380 = tpu.memref_squeeze %dma_wait3A_379 : memref<1x1x250x80xi32, #tpu.memory_space<hbm>> -> memref<250x80xi32, #tpu.memory_space<hbm>>
      tpu.wait_dma2 semaphore(%run_scoped3A_364 : memref<!tpu.dma_semaphore, #tpu.memory_space<semaphore_mem>>) src(%dma_wait3A_380 : memref<250x80xi32, #tpu.memory_space<hbm>>) dst(%arg5 : memref<250x80xi32, #tpu.memory_space<vmem>>)
      tpu.yield
    }) : () -> ()
    %run_scoped3A_11 = arith.constant 1 : i32
    "tpu.region"() ({
      %run_scoped3A_364 = tpu.sem_alloc : memref<!tpu.dma_semaphore, #tpu.memory_space<semaphore_mem>>
      %dma_start3A_365 = arith.constant 0 : i32
      %dma_start3A_366 = arith.constant 0 : i32
      %dma_start3A_367 = tpu.memref_slice %arg3[%run_scoped3A_11, %arg1, %dma_start3A_365, %dma_start3A_366] : memref<2x16x250x80xi32, #tpu.memory_space<hbm>> -> memref<1x1x250x80xi32, #tpu.memory_space<hbm>>
      %dma_start3A_368 = tpu.memref_squeeze %dma_start3A_367 : memref<1x1x250x80xi32, #tpu.memory_space<hbm>> -> memref<250x80xi32, #tpu.memory_space<hbm>>
      %dma_start3A_369 = arith.constant 0 : i32
      %dma_start3A_370 = arith.constant 0 : i32
      %dma_start3A_371 = tpu.memref_slice %arg3[%run_scoped3A_11, %arg1, %dma_start3A_369, %dma_start3A_370] : memref<2x16x250x80xi32, #tpu.memory_space<hbm>> -> memref<1x1x250x80xi32, #tpu.memory_space<hbm>>
      %dma_start3A_372 = tpu.memref_squeeze %dma_start3A_371 : memref<1x1x250x80xi32, #tpu.memory_space<hbm>> -> memref<250x80xi32, #tpu.memory_space<hbm>>
      tpu.enqueue_dma source(%dma_start3A_372 : memref<250x80xi32, #tpu.memory_space<hbm>>) target(%arg6 : memref<250x80xi32, #tpu.memory_space<vmem>>) target_semaphore(%run_scoped3A_364 : memref<!tpu.dma_semaphore, #tpu.memory_space<semaphore_mem>>)
      %dma_wait3A_373 = arith.constant 0 : i32
      %dma_wait3A_374 = arith.constant 0 : i32
      %dma_wait3A_375 = tpu.memref_slice %arg3[%run_scoped3A_11, %arg1, %dma_wait3A_373, %dma_wait3A_374] : memref<2x16x250x80xi32, #tpu.memory_space<hbm>> -> memref<1x1x250x80xi32, #tpu.memory_space<hbm>>
      %dma_wait3A_376 = tpu.memref_squeeze %dma_wait3A_375 : memref<1x1x250x80xi32, #tpu.memory_space<hbm>> -> memref<250x80xi32, #tpu.memory_space<hbm>>
      %dma_wait3A_377 = arith.constant 0 : i32
      %dma_wait3A_378 = arith.constant 0 : i32
      %dma_wait3A_379 = tpu.memref_slice %arg3[%run_scoped3A_11, %arg1, %dma_wait3A_377, %dma_wait3A_378] : memref<2x16x250x80xi32, #tpu.memory_space<hbm>> -> memref<1x1x250x80xi32, #tpu.memory_space<hbm>>
      %dma_wait3A_380 = tpu.memref_squeeze %dma_wait3A_379 : memref<1x1x250x80xi32, #tpu.memory_space<hbm>> -> memref<250x80xi32, #tpu.memory_space<hbm>>
      tpu.wait_dma2 semaphore(%run_scoped3A_364 : memref<!tpu.dma_semaphore, #tpu.memory_space<semaphore_mem>>) src(%dma_wait3A_380 : memref<250x80xi32, #tpu.memory_space<hbm>>) dst(%arg6 : memref<250x80xi32, #tpu.memory_space<vmem>>)
      tpu.yield
    }) : () -> ()
    %barrier3A = arith.constant 0 : index
    tpu.barrier barrier_id(%barrier3A)
    %dma_start3A = arith.constant 0 : i32
    %dma_start3A_12 = arith.constant 0 : i32
    %dma_start3A_13 = arith.constant 0 : i32
    %dma_start3A_14 = arith.constant 0 : i32
    %dma_start3A_15 = arith.constant 0 : i32
    %dma_start3A_16 = tpu.memref_slice %arg7[%dma_start3A_12, %dma_start3A_14, %dma_start3A_15] : memref<6x80x64xf32, #tpu.memory_space<vmem>> -> memref<1x80x64xf32, #tpu.memory_space<vmem>>
    %dma_start3A_17 = tpu.memref_squeeze %dma_start3A_16 : memref<1x80x64xf32, #tpu.memory_space<vmem>> -> memref<80x64xf32, #tpu.memory_space<vmem>>
    %dma_start3A_18 = arith.constant 0 : i32
    %dma_start3A_19 = tpu.memref_slice %arg5[%dma_start3A, %dma_start3A_18] : memref<250x80xi32, #tpu.memory_space<vmem>> -> memref<1x80xi32, #tpu.memory_space<vmem>>
    %dma_start3A_20 = tpu.memref_squeeze %dma_start3A_19 : memref<1x80xi32, #tpu.memory_space<vmem>> -> memref<80xi32, #tpu.memory_space<vmem>>
    %dma_start3A_21 = arith.constant 0 : i32
    %dma_start3A_22 = arith.constant 0 : i32
    %dma_start3A_23 = tpu.memref_slice %arg2[%arg0, %dma_start3A_21, %dma_start3A_22] : memref<2x10000x64xf32, #tpu.memory_space<hbm>> -> memref<1x10000x64xf32, #tpu.memory_space<hbm>>
    %dma_start3A_24 = tpu.memref_squeeze %dma_start3A_23 : memref<1x10000x64xf32, #tpu.memory_space<hbm>> -> memref<10000x64xf32, #tpu.memory_space<hbm>>
    %dma_start3A_25 = arith.constant 0 : i32
    %dma_start3A_26 = arith.constant 0 : i32
    %dma_start3A_27 = tpu.memref_slice %dma_start3A_24[%dma_start3A_25, %dma_start3A_26] : memref<10000x64xf32, #tpu.memory_space<hbm>> -> memref<10000x64xf32, #tpu.memory_space<hbm>>
    %dma_start3A_28 = tpu.memref_slice %arg10[%dma_start3A_13] : memref<6x!tpu.dma_semaphore, #tpu.memory_space<semaphore_mem>> -> memref<1x!tpu.dma_semaphore, #tpu.memory_space<semaphore_mem>>
    %dma_start3A_29 = tpu.memref_squeeze %dma_start3A_28 : memref<1x!tpu.dma_semaphore, #tpu.memory_space<semaphore_mem>> -> memref<!tpu.dma_semaphore, #tpu.memory_space<semaphore_mem>>
    tpu.enqueue_indirect_dma source(%dma_start3A_27 : memref<10000x64xf32, #tpu.memory_space<hbm>>) target(%dma_start3A_17 : memref<80x64xf32, #tpu.memory_space<vmem>>) offsets(%dma_start3A_20 : memref<80xi32, #tpu.memory_space<vmem>>) semaphore(%dma_start3A_29 : memref<!tpu.dma_semaphore, #tpu.memory_space<semaphore_mem>>)
    %dma_start3A_30 = arith.constant 1 : i32
    %dma_start3A_31 = arith.constant 1 : i32
    %dma_start3A_32 = arith.constant 1 : i32
    %dma_start3A_33 = arith.constant 0 : i32
    %dma_start3A_34 = arith.constant 0 : i32
    %dma_start3A_35 = tpu.memref_slice %arg7[%dma_start3A_31, %dma_start3A_33, %dma_start3A_34] : memref<6x80x64xf32, #tpu.memory_space<vmem>> -> memref<1x80x64xf32, #tpu.memory_space<vmem>>
    %dma_start3A_36 = tpu.memref_squeeze %dma_start3A_35 : memref<1x80x64xf32, #tpu.memory_space<vmem>> -> memref<80x64xf32, #tpu.memory_space<vmem>>
    %dma_start3A_37 = arith.constant 0 : i32
    %dma_start3A_38 = tpu.memref_slice %arg5[%dma_start3A_30, %dma_start3A_37] : memref<250x80xi32, #tpu.memory_space<vmem>> -> memref<1x80xi32, #tpu.memory_space<vmem>>
    %dma_start3A_39 = tpu.memref_squeeze %dma_start3A_38 : memref<1x80xi32, #tpu.memory_space<vmem>> -> memref<80xi32, #tpu.memory_space<vmem>>
    %dma_start3A_40 = arith.constant 0 : i32
    %dma_start3A_41 = arith.constant 0 : i32
    %dma_start3A_42 = tpu.memref_slice %arg2[%arg0, %dma_start3A_40, %dma_start3A_41] : memref<2x10000x64xf32, #tpu.memory_space<hbm>> -> memref<1x10000x64xf32, #tpu.memory_space<hbm>>
    %dma_start3A_43 = tpu.memref_squeeze %dma_start3A_42 : memref<1x10000x64xf32, #tpu.memory_space<hbm>> -> memref<10000x64xf32, #tpu.memory_space<hbm>>
    %dma_start3A_44 = arith.constant 0 : i32
    %dma_start3A_45 = arith.constant 0 : i32
    %dma_start3A_46 = tpu.memref_slice %dma_start3A_43[%dma_start3A_44, %dma_start3A_45] : memref<10000x64xf32, #tpu.memory_space<hbm>> -> memref<10000x64xf32, #tpu.memory_space<hbm>>
    %dma_start3A_47 = tpu.memref_slice %arg10[%dma_start3A_32] : memref<6x!tpu.dma_semaphore, #tpu.memory_space<semaphore_mem>> -> memref<1x!tpu.dma_semaphore, #tpu.memory_space<semaphore_mem>>
    %dma_start3A_48 = tpu.memref_squeeze %dma_start3A_47 : memref<1x!tpu.dma_semaphore, #tpu.memory_space<semaphore_mem>> -> memref<!tpu.dma_semaphore, #tpu.memory_space<semaphore_mem>>
    tpu.enqueue_indirect_dma source(%dma_start3A_46 : memref<10000x64xf32, #tpu.memory_space<hbm>>) target(%dma_start3A_36 : memref<80x64xf32, #tpu.memory_space<vmem>>) offsets(%dma_start3A_39 : memref<80xi32, #tpu.memory_space<vmem>>) semaphore(%dma_start3A_48 : memref<!tpu.dma_semaphore, #tpu.memory_space<semaphore_mem>>)
    %dma_start3A_49 = arith.constant 2 : i32
    %dma_start3A_50 = arith.constant 2 : i32
    %dma_start3A_51 = arith.constant 2 : i32
    %dma_start3A_52 = arith.constant 0 : i32
    %dma_start3A_53 = arith.constant 0 : i32
    %dma_start3A_54 = tpu.memref_slice %arg7[%dma_start3A_50, %dma_start3A_52, %dma_start3A_53] : memref<6x80x64xf32, #tpu.memory_space<vmem>> -> memref<1x80x64xf32, #tpu.memory_space<vmem>>
    %dma_start3A_55 = tpu.memref_squeeze %dma_start3A_54 : memref<1x80x64xf32, #tpu.memory_space<vmem>> -> memref<80x64xf32, #tpu.memory_space<vmem>>
    %dma_start3A_56 = arith.constant 0 : i32
    %dma_start3A_57 = tpu.memref_slice %arg5[%dma_start3A_49, %dma_start3A_56] : memref<250x80xi32, #tpu.memory_space<vmem>> -> memref<1x80xi32, #tpu.memory_space<vmem>>
    %dma_start3A_58 = tpu.memref_squeeze %dma_start3A_57 : memref<1x80xi32, #tpu.memory_space<vmem>> -> memref<80xi32, #tpu.memory_space<vmem>>
    %dma_start3A_59 = arith.constant 0 : i32
    %dma_start3A_60 = arith.constant 0 : i32
    %dma_start3A_61 = tpu.memref_slice %arg2[%arg0, %dma_start3A_59, %dma_start3A_60] : memref<2x10000x64xf32, #tpu.memory_space<hbm>> -> memref<1x10000x64xf32, #tpu.memory_space<hbm>>
    %dma_start3A_62 = tpu.memref_squeeze %dma_start3A_61 : memref<1x10000x64xf32, #tpu.memory_space<hbm>> -> memref<10000x64xf32, #tpu.memory_space<hbm>>
    %dma_start3A_63 = arith.constant 0 : i32
    %dma_start3A_64 = arith.constant 0 : i32
    %dma_start3A_65 = tpu.memref_slice %dma_start3A_62[%dma_start3A_63, %dma_start3A_64] : memref<10000x64xf32, #tpu.memory_space<hbm>> -> memref<10000x64xf32, #tpu.memory_space<hbm>>
    %dma_start3A_66 = tpu.memref_slice %arg10[%dma_start3A_51] : memref<6x!tpu.dma_semaphore, #tpu.memory_space<semaphore_mem>> -> memref<1x!tpu.dma_semaphore, #tpu.memory_space<semaphore_mem>>
    %dma_start3A_67 = tpu.memref_squeeze %dma_start3A_66 : memref<1x!tpu.dma_semaphore, #tpu.memory_space<semaphore_mem>> -> memref<!tpu.dma_semaphore, #tpu.memory_space<semaphore_mem>>
    tpu.enqueue_indirect_dma source(%dma_start3A_65 : memref<10000x64xf32, #tpu.memory_space<hbm>>) target(%dma_start3A_55 : memref<80x64xf32, #tpu.memory_space<vmem>>) offsets(%dma_start3A_58 : memref<80xi32, #tpu.memory_space<vmem>>) semaphore(%dma_start3A_67 : memref<!tpu.dma_semaphore, #tpu.memory_space<semaphore_mem>>)
    %dma_start3A_68 = arith.constant 3 : i32
    %dma_start3A_69 = arith.constant 3 : i32
    %dma_start3A_70 = arith.constant 3 : i32
    %dma_start3A_71 = arith.constant 0 : i32
    %dma_start3A_72 = arith.constant 0 : i32
    %dma_start3A_73 = tpu.memref_slice %arg7[%dma_start3A_69, %dma_start3A_71, %dma_start3A_72] : memref<6x80x64xf32, #tpu.memory_space<vmem>> -> memref<1x80x64xf32, #tpu.memory_space<vmem>>
    %dma_start3A_74 = tpu.memref_squeeze %dma_start3A_73 : memref<1x80x64xf32, #tpu.memory_space<vmem>> -> memref<80x64xf32, #tpu.memory_space<vmem>>
    %dma_start3A_75 = arith.constant 0 : i32
    %dma_start3A_76 = tpu.memref_slice %arg5[%dma_start3A_68, %dma_start3A_75] : memref<250x80xi32, #tpu.memory_space<vmem>> -> memref<1x80xi32, #tpu.memory_space<vmem>>
    %dma_start3A_77 = tpu.memref_squeeze %dma_start3A_76 : memref<1x80xi32, #tpu.memory_space<vmem>> -> memref<80xi32, #tpu.memory_space<vmem>>
    %dma_start3A_78 = arith.constant 0 : i32
    %dma_start3A_79 = arith.constant 0 : i32
    %dma_start3A_80 = tpu.memref_slice %arg2[%arg0, %dma_start3A_78, %dma_start3A_79] : memref<2x10000x64xf32, #tpu.memory_space<hbm>> -> memref<1x10000x64xf32, #tpu.memory_space<hbm>>
    %dma_start3A_81 = tpu.memref_squeeze %dma_start3A_80 : memref<1x10000x64xf32, #tpu.memory_space<hbm>> -> memref<10000x64xf32, #tpu.memory_space<hbm>>
    %dma_start3A_82 = arith.constant 0 : i32
    %dma_start3A_83 = arith.constant 0 : i32
    %dma_start3A_84 = tpu.memref_slice %dma_start3A_81[%dma_start3A_82, %dma_start3A_83] : memref<10000x64xf32, #tpu.memory_space<hbm>> -> memref<10000x64xf32, #tpu.memory_space<hbm>>
    %dma_start3A_85 = tpu.memref_slice %arg10[%dma_start3A_70] : memref<6x!tpu.dma_semaphore, #tpu.memory_space<semaphore_mem>> -> memref<1x!tpu.dma_semaphore, #tpu.memory_space<semaphore_mem>>
    %dma_start3A_86 = tpu.memref_squeeze %dma_start3A_85 : memref<1x!tpu.dma_semaphore, #tpu.memory_space<semaphore_mem>> -> memref<!tpu.dma_semaphore, #tpu.memory_space<semaphore_mem>>
    tpu.enqueue_indirect_dma source(%dma_start3A_84 : memref<10000x64xf32, #tpu.memory_space<hbm>>) target(%dma_start3A_74 : memref<80x64xf32, #tpu.memory_space<vmem>>) offsets(%dma_start3A_77 : memref<80xi32, #tpu.memory_space<vmem>>) semaphore(%dma_start3A_86 : memref<!tpu.dma_semaphore, #tpu.memory_space<semaphore_mem>>)
    %dma_start3A_87 = arith.constant 4 : i32
    %dma_start3A_88 = arith.constant 4 : i32
    %dma_start3A_89 = arith.constant 4 : i32
    %dma_start3A_90 = arith.constant 0 : i32
    %dma_start3A_91 = arith.constant 0 : i32
    %dma_start3A_92 = tpu.memref_slice %arg7[%dma_start3A_88, %dma_start3A_90, %dma_start3A_91] : memref<6x80x64xf32, #tpu.memory_space<vmem>> -> memref<1x80x64xf32, #tpu.memory_space<vmem>>
    %dma_start3A_93 = tpu.memref_squeeze %dma_start3A_92 : memref<1x80x64xf32, #tpu.memory_space<vmem>> -> memref<80x64xf32, #tpu.memory_space<vmem>>
    %dma_start3A_94 = arith.constant 0 : i32
    %dma_start3A_95 = tpu.memref_slice %arg5[%dma_start3A_87, %dma_start3A_94] : memref<250x80xi32, #tpu.memory_space<vmem>> -> memref<1x80xi32, #tpu.memory_space<vmem>>
    %dma_start3A_96 = tpu.memref_squeeze %dma_start3A_95 : memref<1x80xi32, #tpu.memory_space<vmem>> -> memref<80xi32, #tpu.memory_space<vmem>>
    %dma_start3A_97 = arith.constant 0 : i32
    %dma_start3A_98 = arith.constant 0 : i32
    %dma_start3A_99 = tpu.memref_slice %arg2[%arg0, %dma_start3A_97, %dma_start3A_98] : memref<2x10000x64xf32, #tpu.memory_space<hbm>> -> memref<1x10000x64xf32, #tpu.memory_space<hbm>>
    %dma_start3A_100 = tpu.memref_squeeze %dma_start3A_99 : memref<1x10000x64xf32, #tpu.memory_space<hbm>> -> memref<10000x64xf32, #tpu.memory_space<hbm>>
    %dma_start3A_101 = arith.constant 0 : i32
    %dma_start3A_102 = arith.constant 0 : i32
    %dma_start3A_103 = tpu.memref_slice %dma_start3A_100[%dma_start3A_101, %dma_start3A_102] : memref<10000x64xf32, #tpu.memory_space<hbm>> -> memref<10000x64xf32, #tpu.memory_space<hbm>>
    %dma_start3A_104 = tpu.memref_slice %arg10[%dma_start3A_89] : memref<6x!tpu.dma_semaphore, #tpu.memory_space<semaphore_mem>> -> memref<1x!tpu.dma_semaphore, #tpu.memory_space<semaphore_mem>>
    %dma_start3A_105 = tpu.memref_squeeze %dma_start3A_104 : memref<1x!tpu.dma_semaphore, #tpu.memory_space<semaphore_mem>> -> memref<!tpu.dma_semaphore, #tpu.memory_space<semaphore_mem>>
    tpu.enqueue_indirect_dma source(%dma_start3A_103 : memref<10000x64xf32, #tpu.memory_space<hbm>>) target(%dma_start3A_93 : memref<80x64xf32, #tpu.memory_space<vmem>>) offsets(%dma_start3A_96 : memref<80xi32, #tpu.memory_space<vmem>>) semaphore(%dma_start3A_105 : memref<!tpu.dma_semaphore, #tpu.memory_space<semaphore_mem>>)
    %dma_start3A_106 = arith.constant 5 : i32
    %dma_start3A_107 = arith.constant 5 : i32
    %dma_start3A_108 = arith.constant 5 : i32
    %dma_start3A_109 = arith.constant 0 : i32
    %dma_start3A_110 = arith.constant 0 : i32
    %dma_start3A_111 = tpu.memref_slice %arg7[%dma_start3A_107, %dma_start3A_109, %dma_start3A_110] : memref<6x80x64xf32, #tpu.memory_space<vmem>> -> memref<1x80x64xf32, #tpu.memory_space<vmem>>
    %dma_start3A_112 = tpu.memref_squeeze %dma_start3A_111 : memref<1x80x64xf32, #tpu.memory_space<vmem>> -> memref<80x64xf32, #tpu.memory_space<vmem>>
    %dma_start3A_113 = arith.constant 0 : i32
    %dma_start3A_114 = tpu.memref_slice %arg5[%dma_start3A_106, %dma_start3A_113] : memref<250x80xi32, #tpu.memory_space<vmem>> -> memref<1x80xi32, #tpu.memory_space<vmem>>
    %dma_start3A_115 = tpu.memref_squeeze %dma_start3A_114 : memref<1x80xi32, #tpu.memory_space<vmem>> -> memref<80xi32, #tpu.memory_space<vmem>>
    %dma_start3A_116 = arith.constant 0 : i32
    %dma_start3A_117 = arith.constant 0 : i32
    %dma_start3A_118 = tpu.memref_slice %arg2[%arg0, %dma_start3A_116, %dma_start3A_117] : memref<2x10000x64xf32, #tpu.memory_space<hbm>> -> memref<1x10000x64xf32, #tpu.memory_space<hbm>>
    %dma_start3A_119 = tpu.memref_squeeze %dma_start3A_118 : memref<1x10000x64xf32, #tpu.memory_space<hbm>> -> memref<10000x64xf32, #tpu.memory_space<hbm>>
    %dma_start3A_120 = arith.constant 0 : i32
    %dma_start3A_121 = arith.constant 0 : i32
    %dma_start3A_122 = tpu.memref_slice %dma_start3A_119[%dma_start3A_120, %dma_start3A_121] : memref<10000x64xf32, #tpu.memory_space<hbm>> -> memref<10000x64xf32, #tpu.memory_space<hbm>>
    %dma_start3A_123 = tpu.memref_slice %arg10[%dma_start3A_108] : memref<6x!tpu.dma_semaphore, #tpu.memory_space<semaphore_mem>> -> memref<1x!tpu.dma_semaphore, #tpu.memory_space<semaphore_mem>>
    %dma_start3A_124 = tpu.memref_squeeze %dma_start3A_123 : memref<1x!tpu.dma_semaphore, #tpu.memory_space<semaphore_mem>> -> memref<!tpu.dma_semaphore, #tpu.memory_space<semaphore_mem>>
    tpu.enqueue_indirect_dma source(%dma_start3A_122 : memref<10000x64xf32, #tpu.memory_space<hbm>>) target(%dma_start3A_112 : memref<80x64xf32, #tpu.memory_space<vmem>>) offsets(%dma_start3A_115 : memref<80xi32, #tpu.memory_space<vmem>>) semaphore(%dma_start3A_124 : memref<!tpu.dma_semaphore, #tpu.memory_space<semaphore_mem>>)
    %scan3A_125 = arith.constant 0 : i32
    %scan3A_126 = arith.constant 41 : i32
    %scan3A_127 = arith.addi %scan3A_125, %scan3A_126 : i32
    %scan3A_128 = arith.constant 1 : i32
    scf.for %scan3A_364 = %scan3A_125 to %scan3A_127 step %scan3A_128  : i32 {
      %mul3A_365 = arith.constant 1 : i32
      %mul3A_366 = arith.muli %scan3A_364, %mul3A_365 : i32
      %add3A = arith.constant 0 : i32
      %add3A_367 = arith.addi %add3A, %mul3A_366 : i32
      %mul3A_368 = arith.constant 6 : i32
      %mul3A_369 = arith.muli %add3A_367, %mul3A_368 : i32
      %add3A_370 = arith.constant 0 : i32
      %add3A_371 = arith.addi %mul3A_369, %add3A_370 : i32
      %dma_wait3A_372 = arith.constant 0 : i32
      %dma_wait3A_373 = arith.constant 0 : i32
      %dma_wait3A_374 = arith.constant 0 : i32
      %dma_wait3A_375 = arith.constant 0 : i32
      %dma_wait3A_376 = tpu.memref_slice %arg7[%dma_wait3A_372, %dma_wait3A_374, %dma_wait3A_375] : memref<6x80x64xf32, #tpu.memory_space<vmem>> -> memref<1x80x64xf32, #tpu.memory_space<vmem>>
      %dma_wait3A_377 = tpu.memref_squeeze %dma_wait3A_376 : memref<1x80x64xf32, #tpu.memory_space<vmem>> -> memref<80x64xf32, #tpu.memory_space<vmem>>
      %dma_wait3A_378 = arith.constant 0 : i32
      %dma_wait3A_379 = tpu.memref_slice %arg5[%add3A_371, %dma_wait3A_378] : memref<250x80xi32, #tpu.memory_space<vmem>> -> memref<1x80xi32, #tpu.memory_space<vmem>>
      %dma_wait3A_380 = tpu.memref_squeeze %dma_wait3A_379 : memref<1x80xi32, #tpu.memory_space<vmem>> -> memref<80xi32, #tpu.memory_space<vmem>>
      %dma_wait3A_381 = arith.constant 0 : i32
      %dma_wait3A_382 = arith.constant 0 : i32
      %dma_wait3A_383 = tpu.memref_slice %arg2[%arg0, %dma_wait3A_381, %dma_wait3A_382] : memref<2x10000x64xf32, #tpu.memory_space<hbm>> -> memref<1x10000x64xf32, #tpu.memory_space<hbm>>
      %dma_wait3A_384 = tpu.memref_squeeze %dma_wait3A_383 : memref<1x10000x64xf32, #tpu.memory_space<hbm>> -> memref<10000x64xf32, #tpu.memory_space<hbm>>
      %dma_wait3A_385 = arith.constant 0 : i32
      %dma_wait3A_386 = arith.constant 0 : i32
      %dma_wait3A_387 = tpu.memref_slice %dma_wait3A_384[%dma_wait3A_385, %dma_wait3A_386] : memref<10000x64xf32, #tpu.memory_space<hbm>> -> memref<10000x64xf32, #tpu.memory_space<hbm>>
      %dma_wait3A_388 = tpu.memref_slice %arg10[%dma_wait3A_373] : memref<6x!tpu.dma_semaphore, #tpu.memory_space<semaphore_mem>> -> memref<1x!tpu.dma_semaphore, #tpu.memory_space<semaphore_mem>>
      %dma_wait3A_389 = tpu.memref_squeeze %dma_wait3A_388 : memref<1x!tpu.dma_semaphore, #tpu.memory_space<semaphore_mem>> -> memref<!tpu.dma_semaphore, #tpu.memory_space<semaphore_mem>>
      tpu.wait_indirect_dma semaphore(%dma_wait3A_389 : memref<!tpu.dma_semaphore, #tpu.memory_space<semaphore_mem>>) src(%dma_wait3A_387 : memref<10000x64xf32, #tpu.memory_space<hbm>>) dst(%dma_wait3A_377 : memref<80x64xf32, #tpu.memory_space<vmem>>)
      %dma_start3A_390 = arith.constant 0 : i32
      %dma_start3A_391 = arith.constant 0 : i32
      %dma_start3A_392 = arith.constant 0 : i32
      %dma_start3A_393 = arith.constant 0 : i32
      %dma_start3A_394 = tpu.memref_slice %arg7[%dma_start3A_390, %dma_start3A_392, %dma_start3A_393] : memref<6x80x64xf32, #tpu.memory_space<vmem>> -> memref<1x80x64xf32, #tpu.memory_space<vmem>>
      %dma_start3A_395 = tpu.memref_squeeze %dma_start3A_394 : memref<1x80x64xf32, #tpu.memory_space<vmem>> -> memref<80x64xf32, #tpu.memory_space<vmem>>
      %dma_start3A_396 = arith.constant 0 : i32
      %dma_start3A_397 = tpu.memref_slice %arg6[%add3A_371, %dma_start3A_396] : memref<250x80xi32, #tpu.memory_space<vmem>> -> memref<1x80xi32, #tpu.memory_space<vmem>>
      %dma_start3A_398 = tpu.memref_squeeze %dma_start3A_397 : memref<1x80xi32, #tpu.memory_space<vmem>> -> memref<80xi32, #tpu.memory_space<vmem>>
      %dma_start3A_399 = arith.constant 0 : i32
      %dma_start3A_400 = arith.constant 0 : i32
      %dma_start3A_401 = tpu.memref_slice %arg9[%dma_start3A_399, %dma_start3A_400] : memref<10000x64xf32, #tpu.memory_space<vmem_shared>> -> memref<10000x64xf32, #tpu.memory_space<vmem_shared>>
      %dma_start3A_402 = tpu.memref_slice %arg11[%dma_start3A_391] : memref<6x!tpu.dma_semaphore, #tpu.memory_space<semaphore_mem>> -> memref<1x!tpu.dma_semaphore, #tpu.memory_space<semaphore_mem>>
      %dma_start3A_403 = tpu.memref_squeeze %dma_start3A_402 : memref<1x!tpu.dma_semaphore, #tpu.memory_space<semaphore_mem>> -> memref<!tpu.dma_semaphore, #tpu.memory_space<semaphore_mem>>
      tpu.enqueue_indirect_dma source(%dma_start3A_395 : memref<80x64xf32, #tpu.memory_space<vmem>>) target(%dma_start3A_401 : memref<10000x64xf32, #tpu.memory_space<vmem_shared>>) offsets(%dma_start3A_398 : memref<80xi32, #tpu.memory_space<vmem>>) semaphore(%dma_start3A_403 : memref<!tpu.dma_semaphore, #tpu.memory_space<semaphore_mem>>) {add = true}
      %add3A_404 = arith.constant 6 : i32
      %add3A_405 = arith.addi %add3A_371, %add3A_404 : i32
      %lt3A = arith.constant 250 : i32
      %lt3A_406 = arith.cmpi slt, %add3A_405, %lt3A : i32
      %convert_element_type3A_407 = arith.extui %lt3A_406 : i1 to i32
      %cond3A_408 = arith.constant 0 : i32
      %cond3A_409 = arith.cmpi ne, %convert_element_type3A_407, %cond3A_408 : i32
      scf.if %cond3A_409 {
        %dma_wait3A_625 = arith.constant 0 : i32
        %dma_wait3A_626 = arith.constant 0 : i32
        %dma_wait3A_627 = arith.constant 0 : i32
        %dma_wait3A_628 = arith.constant 0 : i32
        %dma_wait3A_629 = tpu.memref_slice %arg7[%dma_wait3A_625, %dma_wait3A_627, %dma_wait3A_628] : memref<6x80x64xf32, #tpu.memory_space<vmem>> -> memref<1x80x64xf32, #tpu.memory_space<vmem>>
        %dma_wait3A_630 = tpu.memref_squeeze %dma_wait3A_629 : memref<1x80x64xf32, #tpu.memory_space<vmem>> -> memref<80x64xf32, #tpu.memory_space<vmem>>
        %dma_wait3A_631 = arith.constant 0 : i32
        %dma_wait3A_632 = tpu.memref_slice %arg6[%add3A_371, %dma_wait3A_631] : memref<250x80xi32, #tpu.memory_space<vmem>> -> memref<1x80xi32, #tpu.memory_space<vmem>>
        %dma_wait3A_633 = tpu.memref_squeeze %dma_wait3A_632 : memref<1x80xi32, #tpu.memory_space<vmem>> -> memref<80xi32, #tpu.memory_space<vmem>>
        %dma_wait3A_634 = arith.constant 0 : i32
        %dma_wait3A_635 = arith.constant 0 : i32
        %dma_wait3A_636 = tpu.memref_slice %arg9[%dma_wait3A_634, %dma_wait3A_635] : memref<10000x64xf32, #tpu.memory_space<vmem_shared>> -> memref<10000x64xf32, #tpu.memory_space<vmem_shared>>
        %dma_wait3A_637 = tpu.memref_slice %arg11[%dma_wait3A_626] : memref<6x!tpu.dma_semaphore, #tpu.memory_space<semaphore_mem>> -> memref<1x!tpu.dma_semaphore, #tpu.memory_space<semaphore_mem>>
        %dma_wait3A_638 = tpu.memref_squeeze %dma_wait3A_637 : memref<1x!tpu.dma_semaphore, #tpu.memory_space<semaphore_mem>> -> memref<!tpu.dma_semaphore, #tpu.memory_space<semaphore_mem>>
        tpu.wait_indirect_dma semaphore(%dma_wait3A_638 : memref<!tpu.dma_semaphore, #tpu.memory_space<semaphore_mem>>) src(%dma_wait3A_630 : memref<80x64xf32, #tpu.memory_space<vmem>>) dst(%dma_wait3A_636 : memref<10000x64xf32, #tpu.memory_space<vmem_shared>>)
        %dma_start3A_639 = arith.constant 0 : i32
        %dma_start3A_640 = arith.constant 0 : i32
        %dma_start3A_641 = arith.constant 0 : i32
        %dma_start3A_642 = arith.constant 0 : i32
        %dma_start3A_643 = tpu.memref_slice %arg7[%dma_start3A_639, %dma_start3A_641, %dma_start3A_642] : memref<6x80x64xf32, #tpu.memory_space<vmem>> -> memref<1x80x64xf32, #tpu.memory_space<vmem>>
        %dma_start3A_644 = tpu.memref_squeeze %dma_start3A_643 : memref<1x80x64xf32, #tpu.memory_space<vmem>> -> memref<80x64xf32, #tpu.memory_space<vmem>>
        %dma_start3A_645 = arith.constant 0 : i32
        %dma_start3A_646 = tpu.memref_slice %arg5[%add3A_405, %dma_start3A_645] : memref<250x80xi32, #tpu.memory_space<vmem>> -> memref<1x80xi32, #tpu.memory_space<vmem>>
        %dma_start3A_647 = tpu.memref_squeeze %dma_start3A_646 : memref<1x80xi32, #tpu.memory_space<vmem>> -> memref<80xi32, #tpu.memory_space<vmem>>
        %dma_start3A_648 = arith.constant 0 : i32
        %dma_start3A_649 = arith.constant 0 : i32
        %dma_start3A_650 = tpu.memref_slice %arg2[%arg0, %dma_start3A_648, %dma_start3A_649] : memref<2x10000x64xf32, #tpu.memory_space<hbm>> -> memref<1x10000x64xf32, #tpu.memory_space<hbm>>
        %dma_start3A_651 = tpu.memref_squeeze %dma_start3A_650 : memref<1x10000x64xf32, #tpu.memory_space<hbm>> -> memref<10000x64xf32, #tpu.memory_space<hbm>>
        %dma_start3A_652 = arith.constant 0 : i32
        %dma_start3A_653 = arith.constant 0 : i32
        %dma_start3A_654 = tpu.memref_slice %dma_start3A_651[%dma_start3A_652, %dma_start3A_653] : memref<10000x64xf32, #tpu.memory_space<hbm>> -> memref<10000x64xf32, #tpu.memory_space<hbm>>
        %dma_start3A_655 = tpu.memref_slice %arg10[%dma_start3A_640] : memref<6x!tpu.dma_semaphore, #tpu.memory_space<semaphore_mem>> -> memref<1x!tpu.dma_semaphore, #tpu.memory_space<semaphore_mem>>
        %dma_start3A_656 = tpu.memref_squeeze %dma_start3A_655 : memref<1x!tpu.dma_semaphore, #tpu.memory_space<semaphore_mem>> -> memref<!tpu.dma_semaphore, #tpu.memory_space<semaphore_mem>>
        tpu.enqueue_indirect_dma source(%dma_start3A_654 : memref<10000x64xf32, #tpu.memory_space<hbm>>) target(%dma_start3A_644 : memref<80x64xf32, #tpu.memory_space<vmem>>) offsets(%dma_start3A_647 : memref<80xi32, #tpu.memory_space<vmem>>) semaphore(%dma_start3A_656 : memref<!tpu.dma_semaphore, #tpu.memory_space<semaphore_mem>>)
      } else {
      }
      %mul3A_410 = arith.constant 6 : i32
      %mul3A_411 = arith.muli %add3A_367, %mul3A_410 : i32
      %add3A_412 = arith.constant 1 : i32
      %add3A_413 = arith.addi %mul3A_411, %add3A_412 : i32
      %dma_wait3A_414 = arith.constant 1 : i32
      %dma_wait3A_415 = arith.constant 1 : i32
      %dma_wait3A_416 = arith.constant 0 : i32
      %dma_wait3A_417 = arith.constant 0 : i32
      %dma_wait3A_418 = tpu.memref_slice %arg7[%dma_wait3A_414, %dma_wait3A_416, %dma_wait3A_417] : memref<6x80x64xf32, #tpu.memory_space<vmem>> -> memref<1x80x64xf32, #tpu.memory_space<vmem>>
      %dma_wait3A_419 = tpu.memref_squeeze %dma_wait3A_418 : memref<1x80x64xf32, #tpu.memory_space<vmem>> -> memref<80x64xf32, #tpu.memory_space<vmem>>
      %dma_wait3A_420 = arith.constant 0 : i32
      %dma_wait3A_421 = tpu.memref_slice %arg5[%add3A_413, %dma_wait3A_420] : memref<250x80xi32, #tpu.memory_space<vmem>> -> memref<1x80xi32, #tpu.memory_space<vmem>>
      %dma_wait3A_422 = tpu.memref_squeeze %dma_wait3A_421 : memref<1x80xi32, #tpu.memory_space<vmem>> -> memref<80xi32, #tpu.memory_space<vmem>>
      %dma_wait3A_423 = arith.constant 0 : i32
      %dma_wait3A_424 = arith.constant 0 : i32
      %dma_wait3A_425 = tpu.memref_slice %arg2[%arg0, %dma_wait3A_423, %dma_wait3A_424] : memref<2x10000x64xf32, #tpu.memory_space<hbm>> -> memref<1x10000x64xf32, #tpu.memory_space<hbm>>
      %dma_wait3A_426 = tpu.memref_squeeze %dma_wait3A_425 : memref<1x10000x64xf32, #tpu.memory_space<hbm>> -> memref<10000x64xf32, #tpu.memory_space<hbm>>
      %dma_wait3A_427 = arith.constant 0 : i32
      %dma_wait3A_428 = arith.constant 0 : i32
      %dma_wait3A_429 = tpu.memref_slice %dma_wait3A_426[%dma_wait3A_427, %dma_wait3A_428] : memref<10000x64xf32, #tpu.memory_space<hbm>> -> memref<10000x64xf32, #tpu.memory_space<hbm>>
      %dma_wait3A_430 = tpu.memref_slice %arg10[%dma_wait3A_415] : memref<6x!tpu.dma_semaphore, #tpu.memory_space<semaphore_mem>> -> memref<1x!tpu.dma_semaphore, #tpu.memory_space<semaphore_mem>>
      %dma_wait3A_431 = tpu.memref_squeeze %dma_wait3A_430 : memref<1x!tpu.dma_semaphore, #tpu.memory_space<semaphore_mem>> -> memref<!tpu.dma_semaphore, #tpu.memory_space<semaphore_mem>>
      tpu.wait_indirect_dma semaphore(%dma_wait3A_431 : memref<!tpu.dma_semaphore, #tpu.memory_space<semaphore_mem>>) src(%dma_wait3A_429 : memref<10000x64xf32, #tpu.memory_space<hbm>>) dst(%dma_wait3A_419 : memref<80x64xf32, #tpu.memory_space<vmem>>)
      %dma_start3A_432 = arith.constant 1 : i32
      %dma_start3A_433 = arith.constant 1 : i32
      %dma_start3A_434 = arith.constant 0 : i32
      %dma_start3A_435 = arith.constant 0 : i32
      %dma_start3A_436 = tpu.memref_slice %arg7[%dma_start3A_432, %dma_start3A_434, %dma_start3A_435] : memref<6x80x64xf32, #tpu.memory_space<vmem>> -> memref<1x80x64xf32, #tpu.memory_space<vmem>>
      %dma_start3A_437 = tpu.memref_squeeze %dma_start3A_436 : memref<1x80x64xf32, #tpu.memory_space<vmem>> -> memref<80x64xf32, #tpu.memory_space<vmem>>
      %dma_start3A_438 = arith.constant 0 : i32
      %dma_start3A_439 = tpu.memref_slice %arg6[%add3A_413, %dma_start3A_438] : memref<250x80xi32, #tpu.memory_space<vmem>> -> memref<1x80xi32, #tpu.memory_space<vmem>>
      %dma_start3A_440 = tpu.memref_squeeze %dma_start3A_439 : memref<1x80xi32, #tpu.memory_space<vmem>> -> memref<80xi32, #tpu.memory_space<vmem>>
      %dma_start3A_441 = arith.constant 0 : i32
      %dma_start3A_442 = arith.constant 0 : i32
      %dma_start3A_443 = tpu.memref_slice %arg9[%dma_start3A_441, %dma_start3A_442] : memref<10000x64xf32, #tpu.memory_space<vmem_shared>> -> memref<10000x64xf32, #tpu.memory_space<vmem_shared>>
      %dma_start3A_444 = tpu.memref_slice %arg11[%dma_start3A_433] : memref<6x!tpu.dma_semaphore, #tpu.memory_space<semaphore_mem>> -> memref<1x!tpu.dma_semaphore, #tpu.memory_space<semaphore_mem>>
      %dma_start3A_445 = tpu.memref_squeeze %dma_start3A_444 : memref<1x!tpu.dma_semaphore, #tpu.memory_space<semaphore_mem>> -> memref<!tpu.dma_semaphore, #tpu.memory_space<semaphore_mem>>
      tpu.enqueue_indirect_dma source(%dma_start3A_437 : memref<80x64xf32, #tpu.memory_space<vmem>>) target(%dma_start3A_443 : memref<10000x64xf32, #tpu.memory_space<vmem_shared>>) offsets(%dma_start3A_440 : memref<80xi32, #tpu.memory_space<vmem>>) semaphore(%dma_start3A_445 : memref<!tpu.dma_semaphore, #tpu.memory_space<semaphore_mem>>) {add = true}
      %add3A_446 = arith.constant 6 : i32
      %add3A_447 = arith.addi %add3A_413, %add3A_446 : i32
      %lt3A_448 = arith.constant 250 : i32
      %lt3A_449 = arith.cmpi slt, %add3A_447, %lt3A_448 : i32
      %convert_element_type3A_450 = arith.extui %lt3A_449 : i1 to i32
      %cond3A_451 = arith.constant 0 : i32
      %cond3A_452 = arith.cmpi ne, %convert_element_type3A_450, %cond3A_451 : i32
      scf.if %cond3A_452 {
        %dma_wait3A_625 = arith.constant 1 : i32
        %dma_wait3A_626 = arith.constant 1 : i32
        %dma_wait3A_627 = arith.constant 0 : i32
        %dma_wait3A_628 = arith.constant 0 : i32
        %dma_wait3A_629 = tpu.memref_slice %arg7[%dma_wait3A_625, %dma_wait3A_627, %dma_wait3A_628] : memref<6x80x64xf32, #tpu.memory_space<vmem>> -> memref<1x80x64xf32, #tpu.memory_space<vmem>>
        %dma_wait3A_630 = tpu.memref_squeeze %dma_wait3A_629 : memref<1x80x64xf32, #tpu.memory_space<vmem>> -> memref<80x64xf32, #tpu.memory_space<vmem>>
        %dma_wait3A_631 = arith.constant 0 : i32
        %dma_wait3A_632 = tpu.memref_slice %arg6[%add3A_413, %dma_wait3A_631] : memref<250x80xi32, #tpu.memory_space<vmem>> -> memref<1x80xi32, #tpu.memory_space<vmem>>
        %dma_wait3A_633 = tpu.memref_squeeze %dma_wait3A_632 : memref<1x80xi32, #tpu.memory_space<vmem>> -> memref<80xi32, #tpu.memory_space<vmem>>
        %dma_wait3A_634 = arith.constant 0 : i32
        %dma_wait3A_635 = arith.constant 0 : i32
        %dma_wait3A_636 = tpu.memref_slice %arg9[%dma_wait3A_634, %dma_wait3A_635] : memref<10000x64xf32, #tpu.memory_space<vmem_shared>> -> memref<10000x64xf32, #tpu.memory_space<vmem_shared>>
        %dma_wait3A_637 = tpu.memref_slice %arg11[%dma_wait3A_626] : memref<6x!tpu.dma_semaphore, #tpu.memory_space<semaphore_mem>> -> memref<1x!tpu.dma_semaphore, #tpu.memory_space<semaphore_mem>>
        %dma_wait3A_638 = tpu.memref_squeeze %dma_wait3A_637 : memref<1x!tpu.dma_semaphore, #tpu.memory_space<semaphore_mem>> -> memref<!tpu.dma_semaphore, #tpu.memory_space<semaphore_mem>>
        tpu.wait_indirect_dma semaphore(%dma_wait3A_638 : memref<!tpu.dma_semaphore, #tpu.memory_space<semaphore_mem>>) src(%dma_wait3A_630 : memref<80x64xf32, #tpu.memory_space<vmem>>) dst(%dma_wait3A_636 : memref<10000x64xf32, #tpu.memory_space<vmem_shared>>)
        %dma_start3A_639 = arith.constant 1 : i32
        %dma_start3A_640 = arith.constant 1 : i32
        %dma_start3A_641 = arith.constant 0 : i32
        %dma_start3A_642 = arith.constant 0 : i32
        %dma_start3A_643 = tpu.memref_slice %arg7[%dma_start3A_639, %dma_start3A_641, %dma_start3A_642] : memref<6x80x64xf32, #tpu.memory_space<vmem>> -> memref<1x80x64xf32, #tpu.memory_space<vmem>>
        %dma_start3A_644 = tpu.memref_squeeze %dma_start3A_643 : memref<1x80x64xf32, #tpu.memory_space<vmem>> -> memref<80x64xf32, #tpu.memory_space<vmem>>
        %dma_start3A_645 = arith.constant 0 : i32
        %dma_start3A_646 = tpu.memref_slice %arg5[%add3A_447, %dma_start3A_645] : memref<250x80xi32, #tpu.memory_space<vmem>> -> memref<1x80xi32, #tpu.memory_space<vmem>>
        %dma_start3A_647 = tpu.memref_squeeze %dma_start3A_646 : memref<1x80xi32, #tpu.memory_space<vmem>> -> memref<80xi32, #tpu.memory_space<vmem>>
        %dma_start3A_648 = arith.constant 0 : i32
        %dma_start3A_649 = arith.constant 0 : i32
        %dma_start3A_650 = tpu.memref_slice %arg2[%arg0, %dma_start3A_648, %dma_start3A_649] : memref<2x10000x64xf32, #tpu.memory_space<hbm>> -> memref<1x10000x64xf32, #tpu.memory_space<hbm>>
        %dma_start3A_651 = tpu.memref_squeeze %dma_start3A_650 : memref<1x10000x64xf32, #tpu.memory_space<hbm>> -> memref<10000x64xf32, #tpu.memory_space<hbm>>
        %dma_start3A_652 = arith.constant 0 : i32
        %dma_start3A_653 = arith.constant 0 : i32
        %dma_start3A_654 = tpu.memref_slice %dma_start3A_651[%dma_start3A_652, %dma_start3A_653] : memref<10000x64xf32, #tpu.memory_space<hbm>> -> memref<10000x64xf32, #tpu.memory_space<hbm>>
        %dma_start3A_655 = tpu.memref_slice %arg10[%dma_start3A_640] : memref<6x!tpu.dma_semaphore, #tpu.memory_space<semaphore_mem>> -> memref<1x!tpu.dma_semaphore, #tpu.memory_space<semaphore_mem>>
        %dma_start3A_656 = tpu.memref_squeeze %dma_start3A_655 : memref<1x!tpu.dma_semaphore, #tpu.memory_space<semaphore_mem>> -> memref<!tpu.dma_semaphore, #tpu.memory_space<semaphore_mem>>
        tpu.enqueue_indirect_dma source(%dma_start3A_654 : memref<10000x64xf32, #tpu.memory_space<hbm>>) target(%dma_start3A_644 : memref<80x64xf32, #tpu.memory_space<vmem>>) offsets(%dma_start3A_647 : memref<80xi32, #tpu.memory_space<vmem>>) semaphore(%dma_start3A_656 : memref<!tpu.dma_semaphore, #tpu.memory_space<semaphore_mem>>)
      } else {
      }
      %mul3A_453 = arith.constant 6 : i32
      %mul3A_454 = arith.muli %add3A_367, %mul3A_453 : i32
      %add3A_455 = arith.constant 2 : i32
      %add3A_456 = arith.addi %mul3A_454, %add3A_455 : i32
      %dma_wait3A_457 = arith.constant 2 : i32
      %dma_wait3A_458 = arith.constant 2 : i32
      %dma_wait3A_459 = arith.constant 0 : i32
      %dma_wait3A_460 = arith.constant 0 : i32
      %dma_wait3A_461 = tpu.memref_slice %arg7[%dma_wait3A_457, %dma_wait3A_459, %dma_wait3A_460] : memref<6x80x64xf32, #tpu.memory_space<vmem>> -> memref<1x80x64xf32, #tpu.memory_space<vmem>>
      %dma_wait3A_462 = tpu.memref_squeeze %dma_wait3A_461 : memref<1x80x64xf32, #tpu.memory_space<vmem>> -> memref<80x64xf32, #tpu.memory_space<vmem>>
      %dma_wait3A_463 = arith.constant 0 : i32
      %dma_wait3A_464 = tpu.memref_slice %arg5[%add3A_456, %dma_wait3A_463] : memref<250x80xi32, #tpu.memory_space<vmem>> -> memref<1x80xi32, #tpu.memory_space<vmem>>
      %dma_wait3A_465 = tpu.memref_squeeze %dma_wait3A_464 : memref<1x80xi32, #tpu.memory_space<vmem>> -> memref<80xi32, #tpu.memory_space<vmem>>
      %dma_wait3A_466 = arith.constant 0 : i32
      %dma_wait3A_467 = arith.constant 0 : i32
      %dma_wait3A_468 = tpu.memref_slice %arg2[%arg0, %dma_wait3A_466, %dma_wait3A_467] : memref<2x10000x64xf32, #tpu.memory_space<hbm>> -> memref<1x10000x64xf32, #tpu.memory_space<hbm>>
      %dma_wait3A_469 = tpu.memref_squeeze %dma_wait3A_468 : memref<1x10000x64xf32, #tpu.memory_space<hbm>> -> memref<10000x64xf32, #tpu.memory_space<hbm>>
      %dma_wait3A_470 = arith.constant 0 : i32
      %dma_wait3A_471 = arith.constant 0 : i32
      %dma_wait3A_472 = tpu.memref_slice %dma_wait3A_469[%dma_wait3A_470, %dma_wait3A_471] : memref<10000x64xf32, #tpu.memory_space<hbm>> -> memref<10000x64xf32, #tpu.memory_space<hbm>>
      %dma_wait3A_473 = tpu.memref_slice %arg10[%dma_wait3A_458] : memref<6x!tpu.dma_semaphore, #tpu.memory_space<semaphore_mem>> -> memref<1x!tpu.dma_semaphore, #tpu.memory_space<semaphore_mem>>
      %dma_wait3A_474 = tpu.memref_squeeze %dma_wait3A_473 : memref<1x!tpu.dma_semaphore, #tpu.memory_space<semaphore_mem>> -> memref<!tpu.dma_semaphore, #tpu.memory_space<semaphore_mem>>
      tpu.wait_indirect_dma semaphore(%dma_wait3A_474 : memref<!tpu.dma_semaphore, #tpu.memory_space<semaphore_mem>>) src(%dma_wait3A_472 : memref<10000x64xf32, #tpu.memory_space<hbm>>) dst(%dma_wait3A_462 : memref<80x64xf32, #tpu.memory_space<vmem>>)
      %dma_start3A_475 = arith.constant 2 : i32
      %dma_start3A_476 = arith.constant 2 : i32
      %dma_start3A_477 = arith.constant 0 : i32
      %dma_start3A_478 = arith.constant 0 : i32
      %dma_start3A_479 = tpu.memref_slice %arg7[%dma_start3A_475, %dma_start3A_477, %dma_start3A_478] : memref<6x80x64xf32, #tpu.memory_space<vmem>> -> memref<1x80x64xf32, #tpu.memory_space<vmem>>
      %dma_start3A_480 = tpu.memref_squeeze %dma_start3A_479 : memref<1x80x64xf32, #tpu.memory_space<vmem>> -> memref<80x64xf32, #tpu.memory_space<vmem>>
      %dma_start3A_481 = arith.constant 0 : i32
      %dma_start3A_482 = tpu.memref_slice %arg6[%add3A_456, %dma_start3A_481] : memref<250x80xi32, #tpu.memory_space<vmem>> -> memref<1x80xi32, #tpu.memory_space<vmem>>
      %dma_start3A_483 = tpu.memref_squeeze %dma_start3A_482 : memref<1x80xi32, #tpu.memory_space<vmem>> -> memref<80xi32, #tpu.memory_space<vmem>>
      %dma_start3A_484 = arith.constant 0 : i32
      %dma_start3A_485 = arith.constant 0 : i32
      %dma_start3A_486 = tpu.memref_slice %arg9[%dma_start3A_484, %dma_start3A_485] : memref<10000x64xf32, #tpu.memory_space<vmem_shared>> -> memref<10000x64xf32, #tpu.memory_space<vmem_shared>>
      %dma_start3A_487 = tpu.memref_slice %arg11[%dma_start3A_476] : memref<6x!tpu.dma_semaphore, #tpu.memory_space<semaphore_mem>> -> memref<1x!tpu.dma_semaphore, #tpu.memory_space<semaphore_mem>>
      %dma_start3A_488 = tpu.memref_squeeze %dma_start3A_487 : memref<1x!tpu.dma_semaphore, #tpu.memory_space<semaphore_mem>> -> memref<!tpu.dma_semaphore, #tpu.memory_space<semaphore_mem>>
      tpu.enqueue_indirect_dma source(%dma_start3A_480 : memref<80x64xf32, #tpu.memory_space<vmem>>) target(%dma_start3A_486 : memref<10000x64xf32, #tpu.memory_space<vmem_shared>>) offsets(%dma_start3A_483 : memref<80xi32, #tpu.memory_space<vmem>>) semaphore(%dma_start3A_488 : memref<!tpu.dma_semaphore, #tpu.memory_space<semaphore_mem>>) {add = true}
      %add3A_489 = arith.constant 6 : i32
      %add3A_490 = arith.addi %add3A_456, %add3A_489 : i32
      %lt3A_491 = arith.constant 250 : i32
      %lt3A_492 = arith.cmpi slt, %add3A_490, %lt3A_491 : i32
      %convert_element_type3A_493 = arith.extui %lt3A_492 : i1 to i32
      %cond3A_494 = arith.constant 0 : i32
      %cond3A_495 = arith.cmpi ne, %convert_element_type3A_493, %cond3A_494 : i32
      scf.if %cond3A_495 {
        %dma_wait3A_625 = arith.constant 2 : i32
        %dma_wait3A_626 = arith.constant 2 : i32
        %dma_wait3A_627 = arith.constant 0 : i32
        %dma_wait3A_628 = arith.constant 0 : i32
        %dma_wait3A_629 = tpu.memref_slice %arg7[%dma_wait3A_625, %dma_wait3A_627, %dma_wait3A_628] : memref<6x80x64xf32, #tpu.memory_space<vmem>> -> memref<1x80x64xf32, #tpu.memory_space<vmem>>
        %dma_wait3A_630 = tpu.memref_squeeze %dma_wait3A_629 : memref<1x80x64xf32, #tpu.memory_space<vmem>> -> memref<80x64xf32, #tpu.memory_space<vmem>>
        %dma_wait3A_631 = arith.constant 0 : i32
        %dma_wait3A_632 = tpu.memref_slice %arg6[%add3A_456, %dma_wait3A_631] : memref<250x80xi32, #tpu.memory_space<vmem>> -> memref<1x80xi32, #tpu.memory_space<vmem>>
        %dma_wait3A_633 = tpu.memref_squeeze %dma_wait3A_632 : memref<1x80xi32, #tpu.memory_space<vmem>> -> memref<80xi32, #tpu.memory_space<vmem>>
        %dma_wait3A_634 = arith.constant 0 : i32
        %dma_wait3A_635 = arith.constant 0 : i32
        %dma_wait3A_636 = tpu.memref_slice %arg9[%dma_wait3A_634, %dma_wait3A_635] : memref<10000x64xf32, #tpu.memory_space<vmem_shared>> -> memref<10000x64xf32, #tpu.memory_space<vmem_shared>>
        %dma_wait3A_637 = tpu.memref_slice %arg11[%dma_wait3A_626] : memref<6x!tpu.dma_semaphore, #tpu.memory_space<semaphore_mem>> -> memref<1x!tpu.dma_semaphore, #tpu.memory_space<semaphore_mem>>
        %dma_wait3A_638 = tpu.memref_squeeze %dma_wait3A_637 : memref<1x!tpu.dma_semaphore, #tpu.memory_space<semaphore_mem>> -> memref<!tpu.dma_semaphore, #tpu.memory_space<semaphore_mem>>
        tpu.wait_indirect_dma semaphore(%dma_wait3A_638 : memref<!tpu.dma_semaphore, #tpu.memory_space<semaphore_mem>>) src(%dma_wait3A_630 : memref<80x64xf32, #tpu.memory_space<vmem>>) dst(%dma_wait3A_636 : memref<10000x64xf32, #tpu.memory_space<vmem_shared>>)
        %dma_start3A_639 = arith.constant 2 : i32
        %dma_start3A_640 = arith.constant 2 : i32
        %dma_start3A_641 = arith.constant 0 : i32
        %dma_start3A_642 = arith.constant 0 : i32
        %dma_start3A_643 = tpu.memref_slice %arg7[%dma_start3A_639, %dma_start3A_641, %dma_start3A_642] : memref<6x80x64xf32, #tpu.memory_space<vmem>> -> memref<1x80x64xf32, #tpu.memory_space<vmem>>
        %dma_start3A_644 = tpu.memref_squeeze %dma_start3A_643 : memref<1x80x64xf32, #tpu.memory_space<vmem>> -> memref<80x64xf32, #tpu.memory_space<vmem>>
        %dma_start3A_645 = arith.constant 0 : i32
        %dma_start3A_646 = tpu.memref_slice %arg5[%add3A_490, %dma_start3A_645] : memref<250x80xi32, #tpu.memory_space<vmem>> -> memref<1x80xi32, #tpu.memory_space<vmem>>
        %dma_start3A_647 = tpu.memref_squeeze %dma_start3A_646 : memref<1x80xi32, #tpu.memory_space<vmem>> -> memref<80xi32, #tpu.memory_space<vmem>>
        %dma_start3A_648 = arith.constant 0 : i32
        %dma_start3A_649 = arith.constant 0 : i32
        %dma_start3A_650 = tpu.memref_slice %arg2[%arg0, %dma_start3A_648, %dma_start3A_649] : memref<2x10000x64xf32, #tpu.memory_space<hbm>> -> memref<1x10000x64xf32, #tpu.memory_space<hbm>>
        %dma_start3A_651 = tpu.memref_squeeze %dma_start3A_650 : memref<1x10000x64xf32, #tpu.memory_space<hbm>> -> memref<10000x64xf32, #tpu.memory_space<hbm>>
        %dma_start3A_652 = arith.constant 0 : i32
        %dma_start3A_653 = arith.constant 0 : i32
        %dma_start3A_654 = tpu.memref_slice %dma_start3A_651[%dma_start3A_652, %dma_start3A_653] : memref<10000x64xf32, #tpu.memory_space<hbm>> -> memref<10000x64xf32, #tpu.memory_space<hbm>>
        %dma_start3A_655 = tpu.memref_slice %arg10[%dma_start3A_640] : memref<6x!tpu.dma_semaphore, #tpu.memory_space<semaphore_mem>> -> memref<1x!tpu.dma_semaphore, #tpu.memory_space<semaphore_mem>>
        %dma_start3A_656 = tpu.memref_squeeze %dma_start3A_655 : memref<1x!tpu.dma_semaphore, #tpu.memory_space<semaphore_mem>> -> memref<!tpu.dma_semaphore, #tpu.memory_space<semaphore_mem>>
        tpu.enqueue_indirect_dma source(%dma_start3A_654 : memref<10000x64xf32, #tpu.memory_space<hbm>>) target(%dma_start3A_644 : memref<80x64xf32, #tpu.memory_space<vmem>>) offsets(%dma_start3A_647 : memref<80xi32, #tpu.memory_space<vmem>>) semaphore(%dma_start3A_656 : memref<!tpu.dma_semaphore, #tpu.memory_space<semaphore_mem>>)
      } else {
      }
      %mul3A_496 = arith.constant 6 : i32
      %mul3A_497 = arith.muli %add3A_367, %mul3A_496 : i32
      %add3A_498 = arith.constant 3 : i32
      %add3A_499 = arith.addi %mul3A_497, %add3A_498 : i32
      %dma_wait3A_500 = arith.constant 3 : i32
      %dma_wait3A_501 = arith.constant 3 : i32
      %dma_wait3A_502 = arith.constant 0 : i32
      %dma_wait3A_503 = arith.constant 0 : i32
      %dma_wait3A_504 = tpu.memref_slice %arg7[%dma_wait3A_500, %dma_wait3A_502, %dma_wait3A_503] : memref<6x80x64xf32, #tpu.memory_space<vmem>> -> memref<1x80x64xf32, #tpu.memory_space<vmem>>
      %dma_wait3A_505 = tpu.memref_squeeze %dma_wait3A_504 : memref<1x80x64xf32, #tpu.memory_space<vmem>> -> memref<80x64xf32, #tpu.memory_space<vmem>>
      %dma_wait3A_506 = arith.constant 0 : i32
      %dma_wait3A_507 = tpu.memref_slice %arg5[%add3A_499, %dma_wait3A_506] : memref<250x80xi32, #tpu.memory_space<vmem>> -> memref<1x80xi32, #tpu.memory_space<vmem>>
      %dma_wait3A_508 = tpu.memref_squeeze %dma_wait3A_507 : memref<1x80xi32, #tpu.memory_space<vmem>> -> memref<80xi32, #tpu.memory_space<vmem>>
      %dma_wait3A_509 = arith.constant 0 : i32
      %dma_wait3A_510 = arith.constant 0 : i32
      %dma_wait3A_511 = tpu.memref_slice %arg2[%arg0, %dma_wait3A_509, %dma_wait3A_510] : memref<2x10000x64xf32, #tpu.memory_space<hbm>> -> memref<1x10000x64xf32, #tpu.memory_space<hbm>>
      %dma_wait3A_512 = tpu.memref_squeeze %dma_wait3A_511 : memref<1x10000x64xf32, #tpu.memory_space<hbm>> -> memref<10000x64xf32, #tpu.memory_space<hbm>>
      %dma_wait3A_513 = arith.constant 0 : i32
      %dma_wait3A_514 = arith.constant 0 : i32
      %dma_wait3A_515 = tpu.memref_slice %dma_wait3A_512[%dma_wait3A_513, %dma_wait3A_514] : memref<10000x64xf32, #tpu.memory_space<hbm>> -> memref<10000x64xf32, #tpu.memory_space<hbm>>
      %dma_wait3A_516 = tpu.memref_slice %arg10[%dma_wait3A_501] : memref<6x!tpu.dma_semaphore, #tpu.memory_space<semaphore_mem>> -> memref<1x!tpu.dma_semaphore, #tpu.memory_space<semaphore_mem>>
      %dma_wait3A_517 = tpu.memref_squeeze %dma_wait3A_516 : memref<1x!tpu.dma_semaphore, #tpu.memory_space<semaphore_mem>> -> memref<!tpu.dma_semaphore, #tpu.memory_space<semaphore_mem>>
      tpu.wait_indirect_dma semaphore(%dma_wait3A_517 : memref<!tpu.dma_semaphore, #tpu.memory_space<semaphore_mem>>) src(%dma_wait3A_515 : memref<10000x64xf32, #tpu.memory_space<hbm>>) dst(%dma_wait3A_505 : memref<80x64xf32, #tpu.memory_space<vmem>>)
      %dma_start3A_518 = arith.constant 3 : i32
      %dma_start3A_519 = arith.constant 3 : i32
      %dma_start3A_520 = arith.constant 0 : i32
      %dma_start3A_521 = arith.constant 0 : i32
      %dma_start3A_522 = tpu.memref_slice %arg7[%dma_start3A_518, %dma_start3A_520, %dma_start3A_521] : memref<6x80x64xf32, #tpu.memory_space<vmem>> -> memref<1x80x64xf32, #tpu.memory_space<vmem>>
      %dma_start3A_523 = tpu.memref_squeeze %dma_start3A_522 : memref<1x80x64xf32, #tpu.memory_space<vmem>> -> memref<80x64xf32, #tpu.memory_space<vmem>>
      %dma_start3A_524 = arith.constant 0 : i32
      %dma_start3A_525 = tpu.memref_slice %arg6[%add3A_499, %dma_start3A_524] : memref<250x80xi32, #tpu.memory_space<vmem>> -> memref<1x80xi32, #tpu.memory_space<vmem>>
      %dma_start3A_526 = tpu.memref_squeeze %dma_start3A_525 : memref<1x80xi32, #tpu.memory_space<vmem>> -> memref<80xi32, #tpu.memory_space<vmem>>
      %dma_start3A_527 = arith.constant 0 : i32
      %dma_start3A_528 = arith.constant 0 : i32
      %dma_start3A_529 = tpu.memref_slice %arg9[%dma_start3A_527, %dma_start3A_528] : memref<10000x64xf32, #tpu.memory_space<vmem_shared>> -> memref<10000x64xf32, #tpu.memory_space<vmem_shared>>
      %dma_start3A_530 = tpu.memref_slice %arg11[%dma_start3A_519] : memref<6x!tpu.dma_semaphore, #tpu.memory_space<semaphore_mem>> -> memref<1x!tpu.dma_semaphore, #tpu.memory_space<semaphore_mem>>
      %dma_start3A_531 = tpu.memref_squeeze %dma_start3A_530 : memref<1x!tpu.dma_semaphore, #tpu.memory_space<semaphore_mem>> -> memref<!tpu.dma_semaphore, #tpu.memory_space<semaphore_mem>>
      tpu.enqueue_indirect_dma source(%dma_start3A_523 : memref<80x64xf32, #tpu.memory_space<vmem>>) target(%dma_start3A_529 : memref<10000x64xf32, #tpu.memory_space<vmem_shared>>) offsets(%dma_start3A_526 : memref<80xi32, #tpu.memory_space<vmem>>) semaphore(%dma_start3A_531 : memref<!tpu.dma_semaphore, #tpu.memory_space<semaphore_mem>>) {add = true}
      %add3A_532 = arith.constant 6 : i32
      %add3A_533 = arith.addi %add3A_499, %add3A_532 : i32
      %lt3A_534 = arith.constant 250 : i32
      %lt3A_535 = arith.cmpi slt, %add3A_533, %lt3A_534 : i32
      %convert_element_type3A_536 = arith.extui %lt3A_535 : i1 to i32
      %cond3A_537 = arith.constant 0 : i32
      %cond3A_538 = arith.cmpi ne, %convert_element_type3A_536, %cond3A_537 : i32
      scf.if %cond3A_538 {
        %dma_wait3A_625 = arith.constant 3 : i32
        %dma_wait3A_626 = arith.constant 3 : i32
        %dma_wait3A_627 = arith.constant 0 : i32
        %dma_wait3A_628 = arith.constant 0 : i32
        %dma_wait3A_629 = tpu.memref_slice %arg7[%dma_wait3A_625, %dma_wait3A_627, %dma_wait3A_628] : memref<6x80x64xf32, #tpu.memory_space<vmem>> -> memref<1x80x64xf32, #tpu.memory_space<vmem>>
        %dma_wait3A_630 = tpu.memref_squeeze %dma_wait3A_629 : memref<1x80x64xf32, #tpu.memory_space<vmem>> -> memref<80x64xf32, #tpu.memory_space<vmem>>
        %dma_wait3A_631 = arith.constant 0 : i32
        %dma_wait3A_632 = tpu.memref_slice %arg6[%add3A_499, %dma_wait3A_631] : memref<250x80xi32, #tpu.memory_space<vmem>> -> memref<1x80xi32, #tpu.memory_space<vmem>>
        %dma_wait3A_633 = tpu.memref_squeeze %dma_wait3A_632 : memref<1x80xi32, #tpu.memory_space<vmem>> -> memref<80xi32, #tpu.memory_space<vmem>>
        %dma_wait3A_634 = arith.constant 0 : i32
        %dma_wait3A_635 = arith.constant 0 : i32
        %dma_wait3A_636 = tpu.memref_slice %arg9[%dma_wait3A_634, %dma_wait3A_635] : memref<10000x64xf32, #tpu.memory_space<vmem_shared>> -> memref<10000x64xf32, #tpu.memory_space<vmem_shared>>
        %dma_wait3A_637 = tpu.memref_slice %arg11[%dma_wait3A_626] : memref<6x!tpu.dma_semaphore, #tpu.memory_space<semaphore_mem>> -> memref<1x!tpu.dma_semaphore, #tpu.memory_space<semaphore_mem>>
        %dma_wait3A_638 = tpu.memref_squeeze %dma_wait3A_637 : memref<1x!tpu.dma_semaphore, #tpu.memory_space<semaphore_mem>> -> memref<!tpu.dma_semaphore, #tpu.memory_space<semaphore_mem>>
        tpu.wait_indirect_dma semaphore(%dma_wait3A_638 : memref<!tpu.dma_semaphore, #tpu.memory_space<semaphore_mem>>) src(%dma_wait3A_630 : memref<80x64xf32, #tpu.memory_space<vmem>>) dst(%dma_wait3A_636 : memref<10000x64xf32, #tpu.memory_space<vmem_shared>>)
        %dma_start3A_639 = arith.constant 3 : i32
        %dma_start3A_640 = arith.constant 3 : i32
        %dma_start3A_641 = arith.constant 0 : i32
        %dma_start3A_642 = arith.constant 0 : i32
        %dma_start3A_643 = tpu.memref_slice %arg7[%dma_start3A_639, %dma_start3A_641, %dma_start3A_642] : memref<6x80x64xf32, #tpu.memory_space<vmem>> -> memref<1x80x64xf32, #tpu.memory_space<vmem>>
        %dma_start3A_644 = tpu.memref_squeeze %dma_start3A_643 : memref<1x80x64xf32, #tpu.memory_space<vmem>> -> memref<80x64xf32, #tpu.memory_space<vmem>>
        %dma_start3A_645 = arith.constant 0 : i32
        %dma_start3A_646 = tpu.memref_slice %arg5[%add3A_533, %dma_start3A_645] : memref<250x80xi32, #tpu.memory_space<vmem>> -> memref<1x80xi32, #tpu.memory_space<vmem>>
        %dma_start3A_647 = tpu.memref_squeeze %dma_start3A_646 : memref<1x80xi32, #tpu.memory_space<vmem>> -> memref<80xi32, #tpu.memory_space<vmem>>
        %dma_start3A_648 = arith.constant 0 : i32
        %dma_start3A_649 = arith.constant 0 : i32
        %dma_start3A_650 = tpu.memref_slice %arg2[%arg0, %dma_start3A_648, %dma_start3A_649] : memref<2x10000x64xf32, #tpu.memory_space<hbm>> -> memref<1x10000x64xf32, #tpu.memory_space<hbm>>
        %dma_start3A_651 = tpu.memref_squeeze %dma_start3A_650 : memref<1x10000x64xf32, #tpu.memory_space<hbm>> -> memref<10000x64xf32, #tpu.memory_space<hbm>>
        %dma_start3A_652 = arith.constant 0 : i32
        %dma_start3A_653 = arith.constant 0 : i32
        %dma_start3A_654 = tpu.memref_slice %dma_start3A_651[%dma_start3A_652, %dma_start3A_653] : memref<10000x64xf32, #tpu.memory_space<hbm>> -> memref<10000x64xf32, #tpu.memory_space<hbm>>
        %dma_start3A_655 = tpu.memref_slice %arg10[%dma_start3A_640] : memref<6x!tpu.dma_semaphore, #tpu.memory_space<semaphore_mem>> -> memref<1x!tpu.dma_semaphore, #tpu.memory_space<semaphore_mem>>
        %dma_start3A_656 = tpu.memref_squeeze %dma_start3A_655 : memref<1x!tpu.dma_semaphore, #tpu.memory_space<semaphore_mem>> -> memref<!tpu.dma_semaphore, #tpu.memory_space<semaphore_mem>>
        tpu.enqueue_indirect_dma source(%dma_start3A_654 : memref<10000x64xf32, #tpu.memory_space<hbm>>) target(%dma_start3A_644 : memref<80x64xf32, #tpu.memory_space<vmem>>) offsets(%dma_start3A_647 : memref<80xi32, #tpu.memory_space<vmem>>) semaphore(%dma_start3A_656 : memref<!tpu.dma_semaphore, #tpu.memory_space<semaphore_mem>>)
      } else {
      }
      %mul3A_539 = arith.constant 6 : i32
      %mul3A_540 = arith.muli %add3A_367, %mul3A_539 : i32
      %add3A_541 = arith.constant 4 : i32
      %add3A_542 = arith.addi %mul3A_540, %add3A_541 : i32
      %dma_wait3A_543 = arith.constant 4 : i32
      %dma_wait3A_544 = arith.constant 4 : i32
      %dma_wait3A_545 = arith.constant 0 : i32
      %dma_wait3A_546 = arith.constant 0 : i32
      %dma_wait3A_547 = tpu.memref_slice %arg7[%dma_wait3A_543, %dma_wait3A_545, %dma_wait3A_546] : memref<6x80x64xf32, #tpu.memory_space<vmem>> -> memref<1x80x64xf32, #tpu.memory_space<vmem>>
      %dma_wait3A_548 = tpu.memref_squeeze %dma_wait3A_547 : memref<1x80x64xf32, #tpu.memory_space<vmem>> -> memref<80x64xf32, #tpu.memory_space<vmem>>
      %dma_wait3A_549 = arith.constant 0 : i32
      %dma_wait3A_550 = tpu.memref_slice %arg5[%add3A_542, %dma_wait3A_549] : memref<250x80xi32, #tpu.memory_space<vmem>> -> memref<1x80xi32, #tpu.memory_space<vmem>>
      %dma_wait3A_551 = tpu.memref_squeeze %dma_wait3A_550 : memref<1x80xi32, #tpu.memory_space<vmem>> -> memref<80xi32, #tpu.memory_space<vmem>>
      %dma_wait3A_552 = arith.constant 0 : i32
      %dma_wait3A_553 = arith.constant 0 : i32
      %dma_wait3A_554 = tpu.memref_slice %arg2[%arg0, %dma_wait3A_552, %dma_wait3A_553] : memref<2x10000x64xf32, #tpu.memory_space<hbm>> -> memref<1x10000x64xf32, #tpu.memory_space<hbm>>
      %dma_wait3A_555 = tpu.memref_squeeze %dma_wait3A_554 : memref<1x10000x64xf32, #tpu.memory_space<hbm>> -> memref<10000x64xf32, #tpu.memory_space<hbm>>
      %dma_wait3A_556 = arith.constant 0 : i32
      %dma_wait3A_557 = arith.constant 0 : i32
      %dma_wait3A_558 = tpu.memref_slice %dma_wait3A_555[%dma_wait3A_556, %dma_wait3A_557] : memref<10000x64xf32, #tpu.memory_space<hbm>> -> memref<10000x64xf32, #tpu.memory_space<hbm>>
      %dma_wait3A_559 = tpu.memref_slice %arg10[%dma_wait3A_544] : memref<6x!tpu.dma_semaphore, #tpu.memory_space<semaphore_mem>> -> memref<1x!tpu.dma_semaphore, #tpu.memory_space<semaphore_mem>>
      %dma_wait3A_560 = tpu.memref_squeeze %dma_wait3A_559 : memref<1x!tpu.dma_semaphore, #tpu.memory_space<semaphore_mem>> -> memref<!tpu.dma_semaphore, #tpu.memory_space<semaphore_mem>>
      tpu.wait_indirect_dma semaphore(%dma_wait3A_560 : memref<!tpu.dma_semaphore, #tpu.memory_space<semaphore_mem>>) src(%dma_wait3A_558 : memref<10000x64xf32, #tpu.memory_space<hbm>>) dst(%dma_wait3A_548 : memref<80x64xf32, #tpu.memory_space<vmem>>)
      %dma_start3A_561 = arith.constant 4 : i32
      %dma_start3A_562 = arith.constant 4 : i32
      %dma_start3A_563 = arith.constant 0 : i32
      %dma_start3A_564 = arith.constant 0 : i32
      %dma_start3A_565 = tpu.memref_slice %arg7[%dma_start3A_561, %dma_start3A_563, %dma_start3A_564] : memref<6x80x64xf32, #tpu.memory_space<vmem>> -> memref<1x80x64xf32, #tpu.memory_space<vmem>>
      %dma_start3A_566 = tpu.memref_squeeze %dma_start3A_565 : memref<1x80x64xf32, #tpu.memory_space<vmem>> -> memref<80x64xf32, #tpu.memory_space<vmem>>
      %dma_start3A_567 = arith.constant 0 : i32
      %dma_start3A_568 = tpu.memref_slice %arg6[%add3A_542, %dma_start3A_567] : memref<250x80xi32, #tpu.memory_space<vmem>> -> memref<1x80xi32, #tpu.memory_space<vmem>>
      %dma_start3A_569 = tpu.memref_squeeze %dma_start3A_568 : memref<1x80xi32, #tpu.memory_space<vmem>> -> memref<80xi32, #tpu.memory_space<vmem>>
      %dma_start3A_570 = arith.constant 0 : i32
      %dma_start3A_571 = arith.constant 0 : i32
      %dma_start3A_572 = tpu.memref_slice %arg9[%dma_start3A_570, %dma_start3A_571] : memref<10000x64xf32, #tpu.memory_space<vmem_shared>> -> memref<10000x64xf32, #tpu.memory_space<vmem_shared>>
      %dma_start3A_573 = tpu.memref_slice %arg11[%dma_start3A_562] : memref<6x!tpu.dma_semaphore, #tpu.memory_space<semaphore_mem>> -> memref<1x!tpu.dma_semaphore, #tpu.memory_space<semaphore_mem>>
      %dma_start3A_574 = tpu.memref_squeeze %dma_start3A_573 : memref<1x!tpu.dma_semaphore, #tpu.memory_space<semaphore_mem>> -> memref<!tpu.dma_semaphore, #tpu.memory_space<semaphore_mem>>
      tpu.enqueue_indirect_dma source(%dma_start3A_566 : memref<80x64xf32, #tpu.memory_space<vmem>>) target(%dma_start3A_572 : memref<10000x64xf32, #tpu.memory_space<vmem_shared>>) offsets(%dma_start3A_569 : memref<80xi32, #tpu.memory_space<vmem>>) semaphore(%dma_start3A_574 : memref<!tpu.dma_semaphore, #tpu.memory_space<semaphore_mem>>) {add = true}
      %add3A_575 = arith.constant 6 : i32
      %add3A_576 = arith.addi %add3A_542, %add3A_575 : i32
      %lt3A_577 = arith.constant 250 : i32
      %lt3A_578 = arith.cmpi slt, %add3A_576, %lt3A_577 : i32
      %convert_element_type3A_579 = arith.extui %lt3A_578 : i1 to i32
      %cond3A_580 = arith.constant 0 : i32
      %cond3A_581 = arith.cmpi ne, %convert_element_type3A_579, %cond3A_580 : i32
      scf.if %cond3A_581 {
        %dma_wait3A_625 = arith.constant 4 : i32
        %dma_wait3A_626 = arith.constant 4 : i32
        %dma_wait3A_627 = arith.constant 0 : i32
        %dma_wait3A_628 = arith.constant 0 : i32
        %dma_wait3A_629 = tpu.memref_slice %arg7[%dma_wait3A_625, %dma_wait3A_627, %dma_wait3A_628] : memref<6x80x64xf32, #tpu.memory_space<vmem>> -> memref<1x80x64xf32, #tpu.memory_space<vmem>>
        %dma_wait3A_630 = tpu.memref_squeeze %dma_wait3A_629 : memref<1x80x64xf32, #tpu.memory_space<vmem>> -> memref<80x64xf32, #tpu.memory_space<vmem>>
        %dma_wait3A_631 = arith.constant 0 : i32
        %dma_wait3A_632 = tpu.memref_slice %arg6[%add3A_542, %dma_wait3A_631] : memref<250x80xi32, #tpu.memory_space<vmem>> -> memref<1x80xi32, #tpu.memory_space<vmem>>
        %dma_wait3A_633 = tpu.memref_squeeze %dma_wait3A_632 : memref<1x80xi32, #tpu.memory_space<vmem>> -> memref<80xi32, #tpu.memory_space<vmem>>
        %dma_wait3A_634 = arith.constant 0 : i32
        %dma_wait3A_635 = arith.constant 0 : i32
        %dma_wait3A_636 = tpu.memref_slice %arg9[%dma_wait3A_634, %dma_wait3A_635] : memref<10000x64xf32, #tpu.memory_space<vmem_shared>> -> memref<10000x64xf32, #tpu.memory_space<vmem_shared>>
        %dma_wait3A_637 = tpu.memref_slice %arg11[%dma_wait3A_626] : memref<6x!tpu.dma_semaphore, #tpu.memory_space<semaphore_mem>> -> memref<1x!tpu.dma_semaphore, #tpu.memory_space<semaphore_mem>>
        %dma_wait3A_638 = tpu.memref_squeeze %dma_wait3A_637 : memref<1x!tpu.dma_semaphore, #tpu.memory_space<semaphore_mem>> -> memref<!tpu.dma_semaphore, #tpu.memory_space<semaphore_mem>>
        tpu.wait_indirect_dma semaphore(%dma_wait3A_638 : memref<!tpu.dma_semaphore, #tpu.memory_space<semaphore_mem>>) src(%dma_wait3A_630 : memref<80x64xf32, #tpu.memory_space<vmem>>) dst(%dma_wait3A_636 : memref<10000x64xf32, #tpu.memory_space<vmem_shared>>)
        %dma_start3A_639 = arith.constant 4 : i32
        %dma_start3A_640 = arith.constant 4 : i32
        %dma_start3A_641 = arith.constant 0 : i32
        %dma_start3A_642 = arith.constant 0 : i32
        %dma_start3A_643 = tpu.memref_slice %arg7[%dma_start3A_639, %dma_start3A_641, %dma_start3A_642] : memref<6x80x64xf32, #tpu.memory_space<vmem>> -> memref<1x80x64xf32, #tpu.memory_space<vmem>>
        %dma_start3A_644 = tpu.memref_squeeze %dma_start3A_643 : memref<1x80x64xf32, #tpu.memory_space<vmem>> -> memref<80x64xf32, #tpu.memory_space<vmem>>
        %dma_start3A_645 = arith.constant 0 : i32
        %dma_start3A_646 = tpu.memref_slice %arg5[%add3A_576, %dma_start3A_645] : memref<250x80xi32, #tpu.memory_space<vmem>> -> memref<1x80xi32, #tpu.memory_space<vmem>>
        %dma_start3A_647 = tpu.memref_squeeze %dma_start3A_646 : memref<1x80xi32, #tpu.memory_space<vmem>> -> memref<80xi32, #tpu.memory_space<vmem>>
        %dma_start3A_648 = arith.constant 0 : i32
        %dma_start3A_649 = arith.constant 0 : i32
        %dma_start3A_650 = tpu.memref_slice %arg2[%arg0, %dma_start3A_648, %dma_start3A_649] : memref<2x10000x64xf32, #tpu.memory_space<hbm>> -> memref<1x10000x64xf32, #tpu.memory_space<hbm>>
        %dma_start3A_651 = tpu.memref_squeeze %dma_start3A_650 : memref<1x10000x64xf32, #tpu.memory_space<hbm>> -> memref<10000x64xf32, #tpu.memory_space<hbm>>
        %dma_start3A_652 = arith.constant 0 : i32
        %dma_start3A_653 = arith.constant 0 : i32
        %dma_start3A_654 = tpu.memref_slice %dma_start3A_651[%dma_start3A_652, %dma_start3A_653] : memref<10000x64xf32, #tpu.memory_space<hbm>> -> memref<10000x64xf32, #tpu.memory_space<hbm>>
        %dma_start3A_655 = tpu.memref_slice %arg10[%dma_start3A_640] : memref<6x!tpu.dma_semaphore, #tpu.memory_space<semaphore_mem>> -> memref<1x!tpu.dma_semaphore, #tpu.memory_space<semaphore_mem>>
        %dma_start3A_656 = tpu.memref_squeeze %dma_start3A_655 : memref<1x!tpu.dma_semaphore, #tpu.memory_space<semaphore_mem>> -> memref<!tpu.dma_semaphore, #tpu.memory_space<semaphore_mem>>
        tpu.enqueue_indirect_dma source(%dma_start3A_654 : memref<10000x64xf32, #tpu.memory_space<hbm>>) target(%dma_start3A_644 : memref<80x64xf32, #tpu.memory_space<vmem>>) offsets(%dma_start3A_647 : memref<80xi32, #tpu.memory_space<vmem>>) semaphore(%dma_start3A_656 : memref<!tpu.dma_semaphore, #tpu.memory_space<semaphore_mem>>)
      } else {
      }
      %mul3A_582 = arith.constant 6 : i32
      %mul3A_583 = arith.muli %add3A_367, %mul3A_582 : i32
      %add3A_584 = arith.constant 5 : i32
      %add3A_585 = arith.addi %mul3A_583, %add3A_584 : i32
      %dma_wait3A_586 = arith.constant 5 : i32
      %dma_wait3A_587 = arith.constant 5 : i32
      %dma_wait3A_588 = arith.constant 0 : i32
      %dma_wait3A_589 = arith.constant 0 : i32
      %dma_wait3A_590 = tpu.memref_slice %arg7[%dma_wait3A_586, %dma_wait3A_588, %dma_wait3A_589] : memref<6x80x64xf32, #tpu.memory_space<vmem>> -> memref<1x80x64xf32, #tpu.memory_space<vmem>>
      %dma_wait3A_591 = tpu.memref_squeeze %dma_wait3A_590 : memref<1x80x64xf32, #tpu.memory_space<vmem>> -> memref<80x64xf32, #tpu.memory_space<vmem>>
      %dma_wait3A_592 = arith.constant 0 : i32
      %dma_wait3A_593 = tpu.memref_slice %arg5[%add3A_585, %dma_wait3A_592] : memref<250x80xi32, #tpu.memory_space<vmem>> -> memref<1x80xi32, #tpu.memory_space<vmem>>
      %dma_wait3A_594 = tpu.memref_squeeze %dma_wait3A_593 : memref<1x80xi32, #tpu.memory_space<vmem>> -> memref<80xi32, #tpu.memory_space<vmem>>
      %dma_wait3A_595 = arith.constant 0 : i32
      %dma_wait3A_596 = arith.constant 0 : i32
      %dma_wait3A_597 = tpu.memref_slice %arg2[%arg0, %dma_wait3A_595, %dma_wait3A_596] : memref<2x10000x64xf32, #tpu.memory_space<hbm>> -> memref<1x10000x64xf32, #tpu.memory_space<hbm>>
      %dma_wait3A_598 = tpu.memref_squeeze %dma_wait3A_597 : memref<1x10000x64xf32, #tpu.memory_space<hbm>> -> memref<10000x64xf32, #tpu.memory_space<hbm>>
      %dma_wait3A_599 = arith.constant 0 : i32
      %dma_wait3A_600 = arith.constant 0 : i32
      %dma_wait3A_601 = tpu.memref_slice %dma_wait3A_598[%dma_wait3A_599, %dma_wait3A_600] : memref<10000x64xf32, #tpu.memory_space<hbm>> -> memref<10000x64xf32, #tpu.memory_space<hbm>>
      %dma_wait3A_602 = tpu.memref_slice %arg10[%dma_wait3A_587] : memref<6x!tpu.dma_semaphore, #tpu.memory_space<semaphore_mem>> -> memref<1x!tpu.dma_semaphore, #tpu.memory_space<semaphore_mem>>
      %dma_wait3A_603 = tpu.memref_squeeze %dma_wait3A_602 : memref<1x!tpu.dma_semaphore, #tpu.memory_space<semaphore_mem>> -> memref<!tpu.dma_semaphore, #tpu.memory_space<semaphore_mem>>
      tpu.wait_indirect_dma semaphore(%dma_wait3A_603 : memref<!tpu.dma_semaphore, #tpu.memory_space<semaphore_mem>>) src(%dma_wait3A_601 : memref<10000x64xf32, #tpu.memory_space<hbm>>) dst(%dma_wait3A_591 : memref<80x64xf32, #tpu.memory_space<vmem>>)
      %dma_start3A_604 = arith.constant 5 : i32
      %dma_start3A_605 = arith.constant 5 : i32
      %dma_start3A_606 = arith.constant 0 : i32
      %dma_start3A_607 = arith.constant 0 : i32
      %dma_start3A_608 = tpu.memref_slice %arg7[%dma_start3A_604, %dma_start3A_606, %dma_start3A_607] : memref<6x80x64xf32, #tpu.memory_space<vmem>> -> memref<1x80x64xf32, #tpu.memory_space<vmem>>
      %dma_start3A_609 = tpu.memref_squeeze %dma_start3A_608 : memref<1x80x64xf32, #tpu.memory_space<vmem>> -> memref<80x64xf32, #tpu.memory_space<vmem>>
      %dma_start3A_610 = arith.constant 0 : i32
      %dma_start3A_611 = tpu.memref_slice %arg6[%add3A_585, %dma_start3A_610] : memref<250x80xi32, #tpu.memory_space<vmem>> -> memref<1x80xi32, #tpu.memory_space<vmem>>
      %dma_start3A_612 = tpu.memref_squeeze %dma_start3A_611 : memref<1x80xi32, #tpu.memory_space<vmem>> -> memref<80xi32, #tpu.memory_space<vmem>>
      %dma_start3A_613 = arith.constant 0 : i32
      %dma_start3A_614 = arith.constant 0 : i32
      %dma_start3A_615 = tpu.memref_slice %arg9[%dma_start3A_613, %dma_start3A_614] : memref<10000x64xf32, #tpu.memory_space<vmem_shared>> -> memref<10000x64xf32, #tpu.memory_space<vmem_shared>>
      %dma_start3A_616 = tpu.memref_slice %arg11[%dma_start3A_605] : memref<6x!tpu.dma_semaphore, #tpu.memory_space<semaphore_mem>> -> memref<1x!tpu.dma_semaphore, #tpu.memory_space<semaphore_mem>>
      %dma_start3A_617 = tpu.memref_squeeze %dma_start3A_616 : memref<1x!tpu.dma_semaphore, #tpu.memory_space<semaphore_mem>> -> memref<!tpu.dma_semaphore, #tpu.memory_space<semaphore_mem>>
      tpu.enqueue_indirect_dma source(%dma_start3A_609 : memref<80x64xf32, #tpu.memory_space<vmem>>) target(%dma_start3A_615 : memref<10000x64xf32, #tpu.memory_space<vmem_shared>>) offsets(%dma_start3A_612 : memref<80xi32, #tpu.memory_space<vmem>>) semaphore(%dma_start3A_617 : memref<!tpu.dma_semaphore, #tpu.memory_space<semaphore_mem>>) {add = true}
      %add3A_618 = arith.constant 6 : i32
      %add3A_619 = arith.addi %add3A_585, %add3A_618 : i32
      %lt3A_620 = arith.constant 250 : i32
      %lt3A_621 = arith.cmpi slt, %add3A_619, %lt3A_620 : i32
      %convert_element_type3A_622 = arith.extui %lt3A_621 : i1 to i32
      %cond3A_623 = arith.constant 0 : i32
      %cond3A_624 = arith.cmpi ne, %convert_element_type3A_622, %cond3A_623 : i32
      scf.if %cond3A_624 {
        %dma_wait3A_625 = arith.constant 5 : i32
        %dma_wait3A_626 = arith.constant 5 : i32
        %dma_wait3A_627 = arith.constant 0 : i32
        %dma_wait3A_628 = arith.constant 0 : i32
        %dma_wait3A_629 = tpu.memref_slice %arg7[%dma_wait3A_625, %dma_wait3A_627, %dma_wait3A_628] : memref<6x80x64xf32, #tpu.memory_space<vmem>> -> memref<1x80x64xf32, #tpu.memory_space<vmem>>
        %dma_wait3A_630 = tpu.memref_squeeze %dma_wait3A_629 : memref<1x80x64xf32, #tpu.memory_space<vmem>> -> memref<80x64xf32, #tpu.memory_space<vmem>>
        %dma_wait3A_631 = arith.constant 0 : i32
        %dma_wait3A_632 = tpu.memref_slice %arg6[%add3A_585, %dma_wait3A_631] : memref<250x80xi32, #tpu.memory_space<vmem>> -> memref<1x80xi32, #tpu.memory_space<vmem>>
        %dma_wait3A_633 = tpu.memref_squeeze %dma_wait3A_632 : memref<1x80xi32, #tpu.memory_space<vmem>> -> memref<80xi32, #tpu.memory_space<vmem>>
        %dma_wait3A_634 = arith.constant 0 : i32
        %dma_wait3A_635 = arith.constant 0 : i32
        %dma_wait3A_636 = tpu.memref_slice %arg9[%dma_wait3A_634, %dma_wait3A_635] : memref<10000x64xf32, #tpu.memory_space<vmem_shared>> -> memref<10000x64xf32, #tpu.memory_space<vmem_shared>>
        %dma_wait3A_637 = tpu.memref_slice %arg11[%dma_wait3A_626] : memref<6x!tpu.dma_semaphore, #tpu.memory_space<semaphore_mem>> -> memref<1x!tpu.dma_semaphore, #tpu.memory_space<semaphore_mem>>
        %dma_wait3A_638 = tpu.memref_squeeze %dma_wait3A_637 : memref<1x!tpu.dma_semaphore, #tpu.memory_space<semaphore_mem>> -> memref<!tpu.dma_semaphore, #tpu.memory_space<semaphore_mem>>
        tpu.wait_indirect_dma semaphore(%dma_wait3A_638 : memref<!tpu.dma_semaphore, #tpu.memory_space<semaphore_mem>>) src(%dma_wait3A_630 : memref<80x64xf32, #tpu.memory_space<vmem>>) dst(%dma_wait3A_636 : memref<10000x64xf32, #tpu.memory_space<vmem_shared>>)
        %dma_start3A_639 = arith.constant 5 : i32
        %dma_start3A_640 = arith.constant 5 : i32
        %dma_start3A_641 = arith.constant 0 : i32
        %dma_start3A_642 = arith.constant 0 : i32
        %dma_start3A_643 = tpu.memref_slice %arg7[%dma_start3A_639, %dma_start3A_641, %dma_start3A_642] : memref<6x80x64xf32, #tpu.memory_space<vmem>> -> memref<1x80x64xf32, #tpu.memory_space<vmem>>
        %dma_start3A_644 = tpu.memref_squeeze %dma_start3A_643 : memref<1x80x64xf32, #tpu.memory_space<vmem>> -> memref<80x64xf32, #tpu.memory_space<vmem>>
        %dma_start3A_645 = arith.constant 0 : i32
        %dma_start3A_646 = tpu.memref_slice %arg5[%add3A_619, %dma_start3A_645] : memref<250x80xi32, #tpu.memory_space<vmem>> -> memref<1x80xi32, #tpu.memory_space<vmem>>
        %dma_start3A_647 = tpu.memref_squeeze %dma_start3A_646 : memref<1x80xi32, #tpu.memory_space<vmem>> -> memref<80xi32, #tpu.memory_space<vmem>>
        %dma_start3A_648 = arith.constant 0 : i32
        %dma_start3A_649 = arith.constant 0 : i32
        %dma_start3A_650 = tpu.memref_slice %arg2[%arg0, %dma_start3A_648, %dma_start3A_649] : memref<2x10000x64xf32, #tpu.memory_space<hbm>> -> memref<1x10000x64xf32, #tpu.memory_space<hbm>>
        %dma_start3A_651 = tpu.memref_squeeze %dma_start3A_650 : memref<1x10000x64xf32, #tpu.memory_space<hbm>> -> memref<10000x64xf32, #tpu.memory_space<hbm>>
        %dma_start3A_652 = arith.constant 0 : i32
        %dma_start3A_653 = arith.constant 0 : i32
        %dma_start3A_654 = tpu.memref_slice %dma_start3A_651[%dma_start3A_652, %dma_start3A_653] : memref<10000x64xf32, #tpu.memory_space<hbm>> -> memref<10000x64xf32, #tpu.memory_space<hbm>>
        %dma_start3A_655 = tpu.memref_slice %arg10[%dma_start3A_640] : memref<6x!tpu.dma_semaphore, #tpu.memory_space<semaphore_mem>> -> memref<1x!tpu.dma_semaphore, #tpu.memory_space<semaphore_mem>>
        %dma_start3A_656 = tpu.memref_squeeze %dma_start3A_655 : memref<1x!tpu.dma_semaphore, #tpu.memory_space<semaphore_mem>> -> memref<!tpu.dma_semaphore, #tpu.memory_space<semaphore_mem>>
        tpu.enqueue_indirect_dma source(%dma_start3A_654 : memref<10000x64xf32, #tpu.memory_space<hbm>>) target(%dma_start3A_644 : memref<80x64xf32, #tpu.memory_space<vmem>>) offsets(%dma_start3A_647 : memref<80xi32, #tpu.memory_space<vmem>>) semaphore(%dma_start3A_656 : memref<!tpu.dma_semaphore, #tpu.memory_space<semaphore_mem>>)
      } else {
      }
    }
    %scan3A_129 = arith.constant 41 : i32
    %dma_wait3A = arith.constant 246 : i32
    %dma_wait3A_130 = arith.constant 0 : i32
    %dma_wait3A_131 = arith.constant 0 : i32
    %dma_wait3A_132 = arith.constant 0 : i32
    %dma_wait3A_133 = arith.constant 0 : i32
    %dma_wait3A_134 = tpu.memref_slice %arg7[%dma_wait3A_130, %dma_wait3A_132, %dma_wait3A_133] : memref<6x80x64xf32, #tpu.memory_space<vmem>> -> memref<1x80x64xf32, #tpu.memory_space<vmem>>
    %dma_wait3A_135 = tpu.memref_squeeze %dma_wait3A_134 : memref<1x80x64xf32, #tpu.memory_space<vmem>> -> memref<80x64xf32, #tpu.memory_space<vmem>>
    %dma_wait3A_136 = arith.constant 0 : i32
    %dma_wait3A_137 = tpu.memref_slice %arg5[%dma_wait3A, %dma_wait3A_136] : memref<250x80xi32, #tpu.memory_space<vmem>> -> memref<1x80xi32, #tpu.memory_space<vmem>>
    %dma_wait3A_138 = tpu.memref_squeeze %dma_wait3A_137 : memref<1x80xi32, #tpu.memory_space<vmem>> -> memref<80xi32, #tpu.memory_space<vmem>>
    %dma_wait3A_139 = arith.constant 0 : i32
    %dma_wait3A_140 = arith.constant 0 : i32
    %dma_wait3A_141 = tpu.memref_slice %arg2[%arg0, %dma_wait3A_139, %dma_wait3A_140] : memref<2x10000x64xf32, #tpu.memory_space<hbm>> -> memref<1x10000x64xf32, #tpu.memory_space<hbm>>
    %dma_wait3A_142 = tpu.memref_squeeze %dma_wait3A_141 : memref<1x10000x64xf32, #tpu.memory_space<hbm>> -> memref<10000x64xf32, #tpu.memory_space<hbm>>
    %dma_wait3A_143 = arith.constant 0 : i32
    %dma_wait3A_144 = arith.constant 0 : i32
    %dma_wait3A_145 = tpu.memref_slice %dma_wait3A_142[%dma_wait3A_143, %dma_wait3A_144] : memref<10000x64xf32, #tpu.memory_space<hbm>> -> memref<10000x64xf32, #tpu.memory_space<hbm>>
    %dma_wait3A_146 = tpu.memref_slice %arg10[%dma_wait3A_131] : memref<6x!tpu.dma_semaphore, #tpu.memory_space<semaphore_mem>> -> memref<1x!tpu.dma_semaphore, #tpu.memory_space<semaphore_mem>>
    %dma_wait3A_147 = tpu.memref_squeeze %dma_wait3A_146 : memref<1x!tpu.dma_semaphore, #tpu.memory_space<semaphore_mem>> -> memref<!tpu.dma_semaphore, #tpu.memory_space<semaphore_mem>>
    tpu.wait_indirect_dma semaphore(%dma_wait3A_147 : memref<!tpu.dma_semaphore, #tpu.memory_space<semaphore_mem>>) src(%dma_wait3A_145 : memref<10000x64xf32, #tpu.memory_space<hbm>>) dst(%dma_wait3A_135 : memref<80x64xf32, #tpu.memory_space<vmem>>)
    %dma_start3A_148 = arith.constant 0 : i32
    %dma_start3A_149 = arith.constant 246 : i32
    %dma_start3A_150 = arith.constant 0 : i32
    %dma_start3A_151 = arith.constant 0 : i32
    %dma_start3A_152 = arith.constant 0 : i32
    %dma_start3A_153 = tpu.memref_slice %arg7[%dma_start3A_148, %dma_start3A_151, %dma_start3A_152] : memref<6x80x64xf32, #tpu.memory_space<vmem>> -> memref<1x80x64xf32, #tpu.memory_space<vmem>>
    %dma_start3A_154 = tpu.memref_squeeze %dma_start3A_153 : memref<1x80x64xf32, #tpu.memory_space<vmem>> -> memref<80x64xf32, #tpu.memory_space<vmem>>
    %dma_start3A_155 = arith.constant 0 : i32
    %dma_start3A_156 = tpu.memref_slice %arg6[%dma_start3A_149, %dma_start3A_155] : memref<250x80xi32, #tpu.memory_space<vmem>> -> memref<1x80xi32, #tpu.memory_space<vmem>>
    %dma_start3A_157 = tpu.memref_squeeze %dma_start3A_156 : memref<1x80xi32, #tpu.memory_space<vmem>> -> memref<80xi32, #tpu.memory_space<vmem>>
    %dma_start3A_158 = arith.constant 0 : i32
    %dma_start3A_159 = arith.constant 0 : i32
    %dma_start3A_160 = tpu.memref_slice %arg9[%dma_start3A_158, %dma_start3A_159] : memref<10000x64xf32, #tpu.memory_space<vmem_shared>> -> memref<10000x64xf32, #tpu.memory_space<vmem_shared>>
    %dma_start3A_161 = tpu.memref_slice %arg11[%dma_start3A_150] : memref<6x!tpu.dma_semaphore, #tpu.memory_space<semaphore_mem>> -> memref<1x!tpu.dma_semaphore, #tpu.memory_space<semaphore_mem>>
    %dma_start3A_162 = tpu.memref_squeeze %dma_start3A_161 : memref<1x!tpu.dma_semaphore, #tpu.memory_space<semaphore_mem>> -> memref<!tpu.dma_semaphore, #tpu.memory_space<semaphore_mem>>
    tpu.enqueue_indirect_dma source(%dma_start3A_154 : memref<80x64xf32, #tpu.memory_space<vmem>>) target(%dma_start3A_160 : memref<10000x64xf32, #tpu.memory_space<vmem_shared>>) offsets(%dma_start3A_157 : memref<80xi32, #tpu.memory_space<vmem>>) semaphore(%dma_start3A_162 : memref<!tpu.dma_semaphore, #tpu.memory_space<semaphore_mem>>) {add = true}
    %dma_wait3A_163 = arith.constant 247 : i32
    %dma_wait3A_164 = arith.constant 1 : i32
    %dma_wait3A_165 = arith.constant 1 : i32
    %dma_wait3A_166 = arith.constant 0 : i32
    %dma_wait3A_167 = arith.constant 0 : i32
    %dma_wait3A_168 = tpu.memref_slice %arg7[%dma_wait3A_164, %dma_wait3A_166, %dma_wait3A_167] : memref<6x80x64xf32, #tpu.memory_space<vmem>> -> memref<1x80x64xf32, #tpu.memory_space<vmem>>
    %dma_wait3A_169 = tpu.memref_squeeze %dma_wait3A_168 : memref<1x80x64xf32, #tpu.memory_space<vmem>> -> memref<80x64xf32, #tpu.memory_space<vmem>>
    %dma_wait3A_170 = arith.constant 0 : i32
    %dma_wait3A_171 = tpu.memref_slice %arg5[%dma_wait3A_163, %dma_wait3A_170] : memref<250x80xi32, #tpu.memory_space<vmem>> -> memref<1x80xi32, #tpu.memory_space<vmem>>
    %dma_wait3A_172 = tpu.memref_squeeze %dma_wait3A_171 : memref<1x80xi32, #tpu.memory_space<vmem>> -> memref<80xi32, #tpu.memory_space<vmem>>
    %dma_wait3A_173 = arith.constant 0 : i32
    %dma_wait3A_174 = arith.constant 0 : i32
    %dma_wait3A_175 = tpu.memref_slice %arg2[%arg0, %dma_wait3A_173, %dma_wait3A_174] : memref<2x10000x64xf32, #tpu.memory_space<hbm>> -> memref<1x10000x64xf32, #tpu.memory_space<hbm>>
    %dma_wait3A_176 = tpu.memref_squeeze %dma_wait3A_175 : memref<1x10000x64xf32, #tpu.memory_space<hbm>> -> memref<10000x64xf32, #tpu.memory_space<hbm>>
    %dma_wait3A_177 = arith.constant 0 : i32
    %dma_wait3A_178 = arith.constant 0 : i32
    %dma_wait3A_179 = tpu.memref_slice %dma_wait3A_176[%dma_wait3A_177, %dma_wait3A_178] : memref<10000x64xf32, #tpu.memory_space<hbm>> -> memref<10000x64xf32, #tpu.memory_space<hbm>>
    %dma_wait3A_180 = tpu.memref_slice %arg10[%dma_wait3A_165] : memref<6x!tpu.dma_semaphore, #tpu.memory_space<semaphore_mem>> -> memref<1x!tpu.dma_semaphore, #tpu.memory_space<semaphore_mem>>
    %dma_wait3A_181 = tpu.memref_squeeze %dma_wait3A_180 : memref<1x!tpu.dma_semaphore, #tpu.memory_space<semaphore_mem>> -> memref<!tpu.dma_semaphore, #tpu.memory_space<semaphore_mem>>
    tpu.wait_indirect_dma semaphore(%dma_wait3A_181 : memref<!tpu.dma_semaphore, #tpu.memory_space<semaphore_mem>>) src(%dma_wait3A_179 : memref<10000x64xf32, #tpu.memory_space<hbm>>) dst(%dma_wait3A_169 : memref<80x64xf32, #tpu.memory_space<vmem>>)
    %dma_start3A_182 = arith.constant 1 : i32
    %dma_start3A_183 = arith.constant 247 : i32
    %dma_start3A_184 = arith.constant 1 : i32
    %dma_start3A_185 = arith.constant 0 : i32
    %dma_start3A_186 = arith.constant 0 : i32
    %dma_start3A_187 = tpu.memref_slice %arg7[%dma_start3A_182, %dma_start3A_185, %dma_start3A_186] : memref<6x80x64xf32, #tpu.memory_space<vmem>> -> memref<1x80x64xf32, #tpu.memory_space<vmem>>
    %dma_start3A_188 = tpu.memref_squeeze %dma_start3A_187 : memref<1x80x64xf32, #tpu.memory_space<vmem>> -> memref<80x64xf32, #tpu.memory_space<vmem>>
    %dma_start3A_189 = arith.constant 0 : i32
    %dma_start3A_190 = tpu.memref_slice %arg6[%dma_start3A_183, %dma_start3A_189] : memref<250x80xi32, #tpu.memory_space<vmem>> -> memref<1x80xi32, #tpu.memory_space<vmem>>
    %dma_start3A_191 = tpu.memref_squeeze %dma_start3A_190 : memref<1x80xi32, #tpu.memory_space<vmem>> -> memref<80xi32, #tpu.memory_space<vmem>>
    %dma_start3A_192 = arith.constant 0 : i32
    %dma_start3A_193 = arith.constant 0 : i32
    %dma_start3A_194 = tpu.memref_slice %arg9[%dma_start3A_192, %dma_start3A_193] : memref<10000x64xf32, #tpu.memory_space<vmem_shared>> -> memref<10000x64xf32, #tpu.memory_space<vmem_shared>>
    %dma_start3A_195 = tpu.memref_slice %arg11[%dma_start3A_184] : memref<6x!tpu.dma_semaphore, #tpu.memory_space<semaphore_mem>> -> memref<1x!tpu.dma_semaphore, #tpu.memory_space<semaphore_mem>>
    %dma_start3A_196 = tpu.memref_squeeze %dma_start3A_195 : memref<1x!tpu.dma_semaphore, #tpu.memory_space<semaphore_mem>> -> memref<!tpu.dma_semaphore, #tpu.memory_space<semaphore_mem>>
    tpu.enqueue_indirect_dma source(%dma_start3A_188 : memref<80x64xf32, #tpu.memory_space<vmem>>) target(%dma_start3A_194 : memref<10000x64xf32, #tpu.memory_space<vmem_shared>>) offsets(%dma_start3A_191 : memref<80xi32, #tpu.memory_space<vmem>>) semaphore(%dma_start3A_196 : memref<!tpu.dma_semaphore, #tpu.memory_space<semaphore_mem>>) {add = true}
    %dma_wait3A_197 = arith.constant 248 : i32
    %dma_wait3A_198 = arith.constant 2 : i32
    %dma_wait3A_199 = arith.constant 2 : i32
    %dma_wait3A_200 = arith.constant 0 : i32
    %dma_wait3A_201 = arith.constant 0 : i32
    %dma_wait3A_202 = tpu.memref_slice %arg7[%dma_wait3A_198, %dma_wait3A_200, %dma_wait3A_201] : memref<6x80x64xf32, #tpu.memory_space<vmem>> -> memref<1x80x64xf32, #tpu.memory_space<vmem>>
    %dma_wait3A_203 = tpu.memref_squeeze %dma_wait3A_202 : memref<1x80x64xf32, #tpu.memory_space<vmem>> -> memref<80x64xf32, #tpu.memory_space<vmem>>
    %dma_wait3A_204 = arith.constant 0 : i32
    %dma_wait3A_205 = tpu.memref_slice %arg5[%dma_wait3A_197, %dma_wait3A_204] : memref<250x80xi32, #tpu.memory_space<vmem>> -> memref<1x80xi32, #tpu.memory_space<vmem>>
    %dma_wait3A_206 = tpu.memref_squeeze %dma_wait3A_205 : memref<1x80xi32, #tpu.memory_space<vmem>> -> memref<80xi32, #tpu.memory_space<vmem>>
    %dma_wait3A_207 = arith.constant 0 : i32
    %dma_wait3A_208 = arith.constant 0 : i32
    %dma_wait3A_209 = tpu.memref_slice %arg2[%arg0, %dma_wait3A_207, %dma_wait3A_208] : memref<2x10000x64xf32, #tpu.memory_space<hbm>> -> memref<1x10000x64xf32, #tpu.memory_space<hbm>>
    %dma_wait3A_210 = tpu.memref_squeeze %dma_wait3A_209 : memref<1x10000x64xf32, #tpu.memory_space<hbm>> -> memref<10000x64xf32, #tpu.memory_space<hbm>>
    %dma_wait3A_211 = arith.constant 0 : i32
    %dma_wait3A_212 = arith.constant 0 : i32
    %dma_wait3A_213 = tpu.memref_slice %dma_wait3A_210[%dma_wait3A_211, %dma_wait3A_212] : memref<10000x64xf32, #tpu.memory_space<hbm>> -> memref<10000x64xf32, #tpu.memory_space<hbm>>
    %dma_wait3A_214 = tpu.memref_slice %arg10[%dma_wait3A_199] : memref<6x!tpu.dma_semaphore, #tpu.memory_space<semaphore_mem>> -> memref<1x!tpu.dma_semaphore, #tpu.memory_space<semaphore_mem>>
    %dma_wait3A_215 = tpu.memref_squeeze %dma_wait3A_214 : memref<1x!tpu.dma_semaphore, #tpu.memory_space<semaphore_mem>> -> memref<!tpu.dma_semaphore, #tpu.memory_space<semaphore_mem>>
    tpu.wait_indirect_dma semaphore(%dma_wait3A_215 : memref<!tpu.dma_semaphore, #tpu.memory_space<semaphore_mem>>) src(%dma_wait3A_213 : memref<10000x64xf32, #tpu.memory_space<hbm>>) dst(%dma_wait3A_203 : memref<80x64xf32, #tpu.memory_space<vmem>>)
    %dma_start3A_216 = arith.constant 2 : i32
    %dma_start3A_217 = arith.constant 248 : i32
    %dma_start3A_218 = arith.constant 2 : i32
    %dma_start3A_219 = arith.constant 0 : i32
    %dma_start3A_220 = arith.constant 0 : i32
    %dma_start3A_221 = tpu.memref_slice %arg7[%dma_start3A_216, %dma_start3A_219, %dma_start3A_220] : memref<6x80x64xf32, #tpu.memory_space<vmem>> -> memref<1x80x64xf32, #tpu.memory_space<vmem>>
    %dma_start3A_222 = tpu.memref_squeeze %dma_start3A_221 : memref<1x80x64xf32, #tpu.memory_space<vmem>> -> memref<80x64xf32, #tpu.memory_space<vmem>>
    %dma_start3A_223 = arith.constant 0 : i32
    %dma_start3A_224 = tpu.memref_slice %arg6[%dma_start3A_217, %dma_start3A_223] : memref<250x80xi32, #tpu.memory_space<vmem>> -> memref<1x80xi32, #tpu.memory_space<vmem>>
    %dma_start3A_225 = tpu.memref_squeeze %dma_start3A_224 : memref<1x80xi32, #tpu.memory_space<vmem>> -> memref<80xi32, #tpu.memory_space<vmem>>
    %dma_start3A_226 = arith.constant 0 : i32
    %dma_start3A_227 = arith.constant 0 : i32
    %dma_start3A_228 = tpu.memref_slice %arg9[%dma_start3A_226, %dma_start3A_227] : memref<10000x64xf32, #tpu.memory_space<vmem_shared>> -> memref<10000x64xf32, #tpu.memory_space<vmem_shared>>
    %dma_start3A_229 = tpu.memref_slice %arg11[%dma_start3A_218] : memref<6x!tpu.dma_semaphore, #tpu.memory_space<semaphore_mem>> -> memref<1x!tpu.dma_semaphore, #tpu.memory_space<semaphore_mem>>
    %dma_start3A_230 = tpu.memref_squeeze %dma_start3A_229 : memref<1x!tpu.dma_semaphore, #tpu.memory_space<semaphore_mem>> -> memref<!tpu.dma_semaphore, #tpu.memory_space<semaphore_mem>>
    tpu.enqueue_indirect_dma source(%dma_start3A_222 : memref<80x64xf32, #tpu.memory_space<vmem>>) target(%dma_start3A_228 : memref<10000x64xf32, #tpu.memory_space<vmem_shared>>) offsets(%dma_start3A_225 : memref<80xi32, #tpu.memory_space<vmem>>) semaphore(%dma_start3A_230 : memref<!tpu.dma_semaphore, #tpu.memory_space<semaphore_mem>>) {add = true}
    %dma_wait3A_231 = arith.constant 249 : i32
    %dma_wait3A_232 = arith.constant 3 : i32
    %dma_wait3A_233 = arith.constant 3 : i32
    %dma_wait3A_234 = arith.constant 0 : i32
    %dma_wait3A_235 = arith.constant 0 : i32
    %dma_wait3A_236 = tpu.memref_slice %arg7[%dma_wait3A_232, %dma_wait3A_234, %dma_wait3A_235] : memref<6x80x64xf32, #tpu.memory_space<vmem>> -> memref<1x80x64xf32, #tpu.memory_space<vmem>>
    %dma_wait3A_237 = tpu.memref_squeeze %dma_wait3A_236 : memref<1x80x64xf32, #tpu.memory_space<vmem>> -> memref<80x64xf32, #tpu.memory_space<vmem>>
    %dma_wait3A_238 = arith.constant 0 : i32
    %dma_wait3A_239 = tpu.memref_slice %arg5[%dma_wait3A_231, %dma_wait3A_238] : memref<250x80xi32, #tpu.memory_space<vmem>> -> memref<1x80xi32, #tpu.memory_space<vmem>>
    %dma_wait3A_240 = tpu.memref_squeeze %dma_wait3A_239 : memref<1x80xi32, #tpu.memory_space<vmem>> -> memref<80xi32, #tpu.memory_space<vmem>>
    %dma_wait3A_241 = arith.constant 0 : i32
    %dma_wait3A_242 = arith.constant 0 : i32
    %dma_wait3A_243 = tpu.memref_slice %arg2[%arg0, %dma_wait3A_241, %dma_wait3A_242] : memref<2x10000x64xf32, #tpu.memory_space<hbm>> -> memref<1x10000x64xf32, #tpu.memory_space<hbm>>
    %dma_wait3A_244 = tpu.memref_squeeze %dma_wait3A_243 : memref<1x10000x64xf32, #tpu.memory_space<hbm>> -> memref<10000x64xf32, #tpu.memory_space<hbm>>
    %dma_wait3A_245 = arith.constant 0 : i32
    %dma_wait3A_246 = arith.constant 0 : i32
    %dma_wait3A_247 = tpu.memref_slice %dma_wait3A_244[%dma_wait3A_245, %dma_wait3A_246] : memref<10000x64xf32, #tpu.memory_space<hbm>> -> memref<10000x64xf32, #tpu.memory_space<hbm>>
    %dma_wait3A_248 = tpu.memref_slice %arg10[%dma_wait3A_233] : memref<6x!tpu.dma_semaphore, #tpu.memory_space<semaphore_mem>> -> memref<1x!tpu.dma_semaphore, #tpu.memory_space<semaphore_mem>>
    %dma_wait3A_249 = tpu.memref_squeeze %dma_wait3A_248 : memref<1x!tpu.dma_semaphore, #tpu.memory_space<semaphore_mem>> -> memref<!tpu.dma_semaphore, #tpu.memory_space<semaphore_mem>>
    tpu.wait_indirect_dma semaphore(%dma_wait3A_249 : memref<!tpu.dma_semaphore, #tpu.memory_space<semaphore_mem>>) src(%dma_wait3A_247 : memref<10000x64xf32, #tpu.memory_space<hbm>>) dst(%dma_wait3A_237 : memref<80x64xf32, #tpu.memory_space<vmem>>)
    %dma_start3A_250 = arith.constant 3 : i32
    %dma_start3A_251 = arith.constant 249 : i32
    %dma_start3A_252 = arith.constant 3 : i32
    %dma_start3A_253 = arith.constant 0 : i32
    %dma_start3A_254 = arith.constant 0 : i32
    %dma_start3A_255 = tpu.memref_slice %arg7[%dma_start3A_250, %dma_start3A_253, %dma_start3A_254] : memref<6x80x64xf32, #tpu.memory_space<vmem>> -> memref<1x80x64xf32, #tpu.memory_space<vmem>>
    %dma_start3A_256 = tpu.memref_squeeze %dma_start3A_255 : memref<1x80x64xf32, #tpu.memory_space<vmem>> -> memref<80x64xf32, #tpu.memory_space<vmem>>
    %dma_start3A_257 = arith.constant 0 : i32
    %dma_start3A_258 = tpu.memref_slice %arg6[%dma_start3A_251, %dma_start3A_257] : memref<250x80xi32, #tpu.memory_space<vmem>> -> memref<1x80xi32, #tpu.memory_space<vmem>>
    %dma_start3A_259 = tpu.memref_squeeze %dma_start3A_258 : memref<1x80xi32, #tpu.memory_space<vmem>> -> memref<80xi32, #tpu.memory_space<vmem>>
    %dma_start3A_260 = arith.constant 0 : i32
    %dma_start3A_261 = arith.constant 0 : i32
    %dma_start3A_262 = tpu.memref_slice %arg9[%dma_start3A_260, %dma_start3A_261] : memref<10000x64xf32, #tpu.memory_space<vmem_shared>> -> memref<10000x64xf32, #tpu.memory_space<vmem_shared>>
    %dma_start3A_263 = tpu.memref_slice %arg11[%dma_start3A_252] : memref<6x!tpu.dma_semaphore, #tpu.memory_space<semaphore_mem>> -> memref<1x!tpu.dma_semaphore, #tpu.memory_space<semaphore_mem>>
    %dma_start3A_264 = tpu.memref_squeeze %dma_start3A_263 : memref<1x!tpu.dma_semaphore, #tpu.memory_space<semaphore_mem>> -> memref<!tpu.dma_semaphore, #tpu.memory_space<semaphore_mem>>
    tpu.enqueue_indirect_dma source(%dma_start3A_256 : memref<80x64xf32, #tpu.memory_space<vmem>>) target(%dma_start3A_262 : memref<10000x64xf32, #tpu.memory_space<vmem_shared>>) offsets(%dma_start3A_259 : memref<80xi32, #tpu.memory_space<vmem>>) semaphore(%dma_start3A_264 : memref<!tpu.dma_semaphore, #tpu.memory_space<semaphore_mem>>) {add = true}
    %dma_wait3A_265 = arith.constant 0 : i32
    %dma_wait3A_266 = arith.constant 0 : i32
    %dma_wait3A_267 = arith.constant 0 : i32
    %dma_wait3A_268 = arith.constant 0 : i32
    %dma_wait3A_269 = arith.constant 0 : i32
    %dma_wait3A_270 = tpu.memref_slice %arg7[%dma_wait3A_265, %dma_wait3A_268, %dma_wait3A_269] : memref<6x80x64xf32, #tpu.memory_space<vmem>> -> memref<1x80x64xf32, #tpu.memory_space<vmem>>
    %dma_wait3A_271 = tpu.memref_squeeze %dma_wait3A_270 : memref<1x80x64xf32, #tpu.memory_space<vmem>> -> memref<80x64xf32, #tpu.memory_space<vmem>>
    %dma_wait3A_272 = arith.constant 0 : i32
    %dma_wait3A_273 = tpu.memref_slice %arg6[%dma_wait3A_266, %dma_wait3A_272] : memref<250x80xi32, #tpu.memory_space<vmem>> -> memref<1x80xi32, #tpu.memory_space<vmem>>
    %dma_wait3A_274 = tpu.memref_squeeze %dma_wait3A_273 : memref<1x80xi32, #tpu.memory_space<vmem>> -> memref<80xi32, #tpu.memory_space<vmem>>
    %dma_wait3A_275 = arith.constant 0 : i32
    %dma_wait3A_276 = arith.constant 0 : i32
    %dma_wait3A_277 = tpu.memref_slice %arg9[%dma_wait3A_275, %dma_wait3A_276] : memref<10000x64xf32, #tpu.memory_space<vmem_shared>> -> memref<10000x64xf32, #tpu.memory_space<vmem_shared>>
    %dma_wait3A_278 = tpu.memref_slice %arg11[%dma_wait3A_267] : memref<6x!tpu.dma_semaphore, #tpu.memory_space<semaphore_mem>> -> memref<1x!tpu.dma_semaphore, #tpu.memory_space<semaphore_mem>>
    %dma_wait3A_279 = tpu.memref_squeeze %dma_wait3A_278 : memref<1x!tpu.dma_semaphore, #tpu.memory_space<semaphore_mem>> -> memref<!tpu.dma_semaphore, #tpu.memory_space<semaphore_mem>>
    tpu.wait_indirect_dma semaphore(%dma_wait3A_279 : memref<!tpu.dma_semaphore, #tpu.memory_space<semaphore_mem>>) src(%dma_wait3A_271 : memref<80x64xf32, #tpu.memory_space<vmem>>) dst(%dma_wait3A_277 : memref<10000x64xf32, #tpu.memory_space<vmem_shared>>)
    %dma_wait3A_280 = arith.constant 1 : i32
    %dma_wait3A_281 = arith.constant 0 : i32
    %dma_wait3A_282 = arith.constant 1 : i32
    %dma_wait3A_283 = arith.constant 0 : i32
    %dma_wait3A_284 = arith.constant 0 : i32
    %dma_wait3A_285 = tpu.memref_slice %arg7[%dma_wait3A_280, %dma_wait3A_283, %dma_wait3A_284] : memref<6x80x64xf32, #tpu.memory_space<vmem>> -> memref<1x80x64xf32, #tpu.memory_space<vmem>>
    %dma_wait3A_286 = tpu.memref_squeeze %dma_wait3A_285 : memref<1x80x64xf32, #tpu.memory_space<vmem>> -> memref<80x64xf32, #tpu.memory_space<vmem>>
    %dma_wait3A_287 = arith.constant 0 : i32
    %dma_wait3A_288 = tpu.memref_slice %arg6[%dma_wait3A_281, %dma_wait3A_287] : memref<250x80xi32, #tpu.memory_space<vmem>> -> memref<1x80xi32, #tpu.memory_space<vmem>>
    %dma_wait3A_289 = tpu.memref_squeeze %dma_wait3A_288 : memref<1x80xi32, #tpu.memory_space<vmem>> -> memref<80xi32, #tpu.memory_space<vmem>>
    %dma_wait3A_290 = arith.constant 0 : i32
    %dma_wait3A_291 = arith.constant 0 : i32
    %dma_wait3A_292 = tpu.memref_slice %arg9[%dma_wait3A_290, %dma_wait3A_291] : memref<10000x64xf32, #tpu.memory_space<vmem_shared>> -> memref<10000x64xf32, #tpu.memory_space<vmem_shared>>
    %dma_wait3A_293 = tpu.memref_slice %arg11[%dma_wait3A_282] : memref<6x!tpu.dma_semaphore, #tpu.memory_space<semaphore_mem>> -> memref<1x!tpu.dma_semaphore, #tpu.memory_space<semaphore_mem>>
    %dma_wait3A_294 = tpu.memref_squeeze %dma_wait3A_293 : memref<1x!tpu.dma_semaphore, #tpu.memory_space<semaphore_mem>> -> memref<!tpu.dma_semaphore, #tpu.memory_space<semaphore_mem>>
    tpu.wait_indirect_dma semaphore(%dma_wait3A_294 : memref<!tpu.dma_semaphore, #tpu.memory_space<semaphore_mem>>) src(%dma_wait3A_286 : memref<80x64xf32, #tpu.memory_space<vmem>>) dst(%dma_wait3A_292 : memref<10000x64xf32, #tpu.memory_space<vmem_shared>>)
    %dma_wait3A_295 = arith.constant 2 : i32
    %dma_wait3A_296 = arith.constant 0 : i32
    %dma_wait3A_297 = arith.constant 2 : i32
    %dma_wait3A_298 = arith.constant 0 : i32
    %dma_wait3A_299 = arith.constant 0 : i32
    %dma_wait3A_300 = tpu.memref_slice %arg7[%dma_wait3A_295, %dma_wait3A_298, %dma_wait3A_299] : memref<6x80x64xf32, #tpu.memory_space<vmem>> -> memref<1x80x64xf32, #tpu.memory_space<vmem>>
    %dma_wait3A_301 = tpu.memref_squeeze %dma_wait3A_300 : memref<1x80x64xf32, #tpu.memory_space<vmem>> -> memref<80x64xf32, #tpu.memory_space<vmem>>
    %dma_wait3A_302 = arith.constant 0 : i32
    %dma_wait3A_303 = tpu.memref_slice %arg6[%dma_wait3A_296, %dma_wait3A_302] : memref<250x80xi32, #tpu.memory_space<vmem>> -> memref<1x80xi32, #tpu.memory_space<vmem>>
    %dma_wait3A_304 = tpu.memref_squeeze %dma_wait3A_303 : memref<1x80xi32, #tpu.memory_space<vmem>> -> memref<80xi32, #tpu.memory_space<vmem>>
    %dma_wait3A_305 = arith.constant 0 : i32
    %dma_wait3A_306 = arith.constant 0 : i32
    %dma_wait3A_307 = tpu.memref_slice %arg9[%dma_wait3A_305, %dma_wait3A_306] : memref<10000x64xf32, #tpu.memory_space<vmem_shared>> -> memref<10000x64xf32, #tpu.memory_space<vmem_shared>>
    %dma_wait3A_308 = tpu.memref_slice %arg11[%dma_wait3A_297] : memref<6x!tpu.dma_semaphore, #tpu.memory_space<semaphore_mem>> -> memref<1x!tpu.dma_semaphore, #tpu.memory_space<semaphore_mem>>
    %dma_wait3A_309 = tpu.memref_squeeze %dma_wait3A_308 : memref<1x!tpu.dma_semaphore, #tpu.memory_space<semaphore_mem>> -> memref<!tpu.dma_semaphore, #tpu.memory_space<semaphore_mem>>
    tpu.wait_indirect_dma semaphore(%dma_wait3A_309 : memref<!tpu.dma_semaphore, #tpu.memory_space<semaphore_mem>>) src(%dma_wait3A_301 : memref<80x64xf32, #tpu.memory_space<vmem>>) dst(%dma_wait3A_307 : memref<10000x64xf32, #tpu.memory_space<vmem_shared>>)
    %dma_wait3A_310 = arith.constant 3 : i32
    %dma_wait3A_311 = arith.constant 0 : i32
    %dma_wait3A_312 = arith.constant 3 : i32
    %dma_wait3A_313 = arith.constant 0 : i32
    %dma_wait3A_314 = arith.constant 0 : i32
    %dma_wait3A_315 = tpu.memref_slice %arg7[%dma_wait3A_310, %dma_wait3A_313, %dma_wait3A_314] : memref<6x80x64xf32, #tpu.memory_space<vmem>> -> memref<1x80x64xf32, #tpu.memory_space<vmem>>
    %dma_wait3A_316 = tpu.memref_squeeze %dma_wait3A_315 : memref<1x80x64xf32, #tpu.memory_space<vmem>> -> memref<80x64xf32, #tpu.memory_space<vmem>>
    %dma_wait3A_317 = arith.constant 0 : i32
    %dma_wait3A_318 = tpu.memref_slice %arg6[%dma_wait3A_311, %dma_wait3A_317] : memref<250x80xi32, #tpu.memory_space<vmem>> -> memref<1x80xi32, #tpu.memory_space<vmem>>
    %dma_wait3A_319 = tpu.memref_squeeze %dma_wait3A_318 : memref<1x80xi32, #tpu.memory_space<vmem>> -> memref<80xi32, #tpu.memory_space<vmem>>
    %dma_wait3A_320 = arith.constant 0 : i32
    %dma_wait3A_321 = arith.constant 0 : i32
    %dma_wait3A_322 = tpu.memref_slice %arg9[%dma_wait3A_320, %dma_wait3A_321] : memref<10000x64xf32, #tpu.memory_space<vmem_shared>> -> memref<10000x64xf32, #tpu.memory_space<vmem_shared>>
    %dma_wait3A_323 = tpu.memref_slice %arg11[%dma_wait3A_312] : memref<6x!tpu.dma_semaphore, #tpu.memory_space<semaphore_mem>> -> memref<1x!tpu.dma_semaphore, #tpu.memory_space<semaphore_mem>>
    %dma_wait3A_324 = tpu.memref_squeeze %dma_wait3A_323 : memref<1x!tpu.dma_semaphore, #tpu.memory_space<semaphore_mem>> -> memref<!tpu.dma_semaphore, #tpu.memory_space<semaphore_mem>>
    tpu.wait_indirect_dma semaphore(%dma_wait3A_324 : memref<!tpu.dma_semaphore, #tpu.memory_space<semaphore_mem>>) src(%dma_wait3A_316 : memref<80x64xf32, #tpu.memory_space<vmem>>) dst(%dma_wait3A_322 : memref<10000x64xf32, #tpu.memory_space<vmem_shared>>)
    %dma_wait3A_325 = arith.constant 4 : i32
    %dma_wait3A_326 = arith.constant 0 : i32
    %dma_wait3A_327 = arith.constant 4 : i32
    %dma_wait3A_328 = arith.constant 0 : i32
    %dma_wait3A_329 = arith.constant 0 : i32
    %dma_wait3A_330 = tpu.memref_slice %arg7[%dma_wait3A_325, %dma_wait3A_328, %dma_wait3A_329] : memref<6x80x64xf32, #tpu.memory_space<vmem>> -> memref<1x80x64xf32, #tpu.memory_space<vmem>>
    %dma_wait3A_331 = tpu.memref_squeeze %dma_wait3A_330 : memref<1x80x64xf32, #tpu.memory_space<vmem>> -> memref<80x64xf32, #tpu.memory_space<vmem>>
    %dma_wait3A_332 = arith.constant 0 : i32
    %dma_wait3A_333 = tpu.memref_slice %arg6[%dma_wait3A_326, %dma_wait3A_332] : memref<250x80xi32, #tpu.memory_space<vmem>> -> memref<1x80xi32, #tpu.memory_space<vmem>>
    %dma_wait3A_334 = tpu.memref_squeeze %dma_wait3A_333 : memref<1x80xi32, #tpu.memory_space<vmem>> -> memref<80xi32, #tpu.memory_space<vmem>>
    %dma_wait3A_335 = arith.constant 0 : i32
    %dma_wait3A_336 = arith.constant 0 : i32
    %dma_wait3A_337 = tpu.memref_slice %arg9[%dma_wait3A_335, %dma_wait3A_336] : memref<10000x64xf32, #tpu.memory_space<vmem_shared>> -> memref<10000x64xf32, #tpu.memory_space<vmem_shared>>
    %dma_wait3A_338 = tpu.memref_slice %arg11[%dma_wait3A_327] : memref<6x!tpu.dma_semaphore, #tpu.memory_space<semaphore_mem>> -> memref<1x!tpu.dma_semaphore, #tpu.memory_space<semaphore_mem>>
    %dma_wait3A_339 = tpu.memref_squeeze %dma_wait3A_338 : memref<1x!tpu.dma_semaphore, #tpu.memory_space<semaphore_mem>> -> memref<!tpu.dma_semaphore, #tpu.memory_space<semaphore_mem>>
    tpu.wait_indirect_dma semaphore(%dma_wait3A_339 : memref<!tpu.dma_semaphore, #tpu.memory_space<semaphore_mem>>) src(%dma_wait3A_331 : memref<80x64xf32, #tpu.memory_space<vmem>>) dst(%dma_wait3A_337 : memref<10000x64xf32, #tpu.memory_space<vmem_shared>>)
    %dma_wait3A_340 = arith.constant 5 : i32
    %dma_wait3A_341 = arith.constant 0 : i32
    %dma_wait3A_342 = arith.constant 5 : i32
    %dma_wait3A_343 = arith.constant 0 : i32
    %dma_wait3A_344 = arith.constant 0 : i32
    %dma_wait3A_345 = tpu.memref_slice %arg7[%dma_wait3A_340, %dma_wait3A_343, %dma_wait3A_344] : memref<6x80x64xf32, #tpu.memory_space<vmem>> -> memref<1x80x64xf32, #tpu.memory_space<vmem>>
    %dma_wait3A_346 = tpu.memref_squeeze %dma_wait3A_345 : memref<1x80x64xf32, #tpu.memory_space<vmem>> -> memref<80x64xf32, #tpu.memory_space<vmem>>
    %dma_wait3A_347 = arith.constant 0 : i32
    %dma_wait3A_348 = tpu.memref_slice %arg6[%dma_wait3A_341, %dma_wait3A_347] : memref<250x80xi32, #tpu.memory_space<vmem>> -> memref<1x80xi32, #tpu.memory_space<vmem>>
    %dma_wait3A_349 = tpu.memref_squeeze %dma_wait3A_348 : memref<1x80xi32, #tpu.memory_space<vmem>> -> memref<80xi32, #tpu.memory_space<vmem>>
    %dma_wait3A_350 = arith.constant 0 : i32
    %dma_wait3A_351 = arith.constant 0 : i32
    %dma_wait3A_352 = tpu.memref_slice %arg9[%dma_wait3A_350, %dma_wait3A_351] : memref<10000x64xf32, #tpu.memory_space<vmem_shared>> -> memref<10000x64xf32, #tpu.memory_space<vmem_shared>>
    %dma_wait3A_353 = tpu.memref_slice %arg11[%dma_wait3A_342] : memref<6x!tpu.dma_semaphore, #tpu.memory_space<semaphore_mem>> -> memref<1x!tpu.dma_semaphore, #tpu.memory_space<semaphore_mem>>
    %dma_wait3A_354 = tpu.memref_squeeze %dma_wait3A_353 : memref<1x!tpu.dma_semaphore, #tpu.memory_space<semaphore_mem>> -> memref<!tpu.dma_semaphore, #tpu.memory_space<semaphore_mem>>
    tpu.wait_indirect_dma semaphore(%dma_wait3A_354 : memref<!tpu.dma_semaphore, #tpu.memory_space<semaphore_mem>>) src(%dma_wait3A_346 : memref<80x64xf32, #tpu.memory_space<vmem>>) dst(%dma_wait3A_352 : memref<10000x64xf32, #tpu.memory_space<vmem_shared>>)
    %barrier3A_355 = arith.constant 0 : index
    tpu.barrier barrier_id(%barrier3A_355)
    %mul3A = arith.constant 624 : i32
    %mul3A_356 = arith.muli %arg1, %mul3A : i32
    %mul3A_357 = arith.constant 624 : i32
    %mul3A_358 = arith.muli %arg1, %mul3A_357 : i32
    "tpu.region"() ({
      %run_scoped3A_364 = tpu.sem_alloc : memref<!tpu.dma_semaphore, #tpu.memory_space<semaphore_mem>>
      %dma_start3A_365 = arith.constant 0 : i32
      %dma_start3A_366 = tpu.memref_slice %arg4[%arg0, %mul3A_358, %dma_start3A_365] : memref<2x10000x64xf32, #tpu.memory_space<hbm>> -> memref<1x624x64xf32, #tpu.memory_space<hbm>>
      %dma_start3A_367 = tpu.memref_squeeze %dma_start3A_366 : memref<1x624x64xf32, #tpu.memory_space<hbm>> -> memref<624x64xf32, #tpu.memory_space<hbm>>
      %dma_start3A_368 = arith.constant 0 : i32
      %dma_start3A_369 = tpu.memref_slice %arg9[%mul3A_356, %dma_start3A_368] : memref<10000x64xf32, #tpu.memory_space<vmem_shared>> -> memref<624x64xf32, #tpu.memory_space<vmem_shared>>
      tpu.enqueue_dma source(%dma_start3A_369 : memref<624x64xf32, #tpu.memory_space<vmem_shared>>) target(%dma_start3A_367 : memref<624x64xf32, #tpu.memory_space<hbm>>) target_semaphore(%run_scoped3A_364 : memref<!tpu.dma_semaphore, #tpu.memory_space<semaphore_mem>>)
      %dma_wait3A_370 = arith.constant 0 : i32
      %dma_wait3A_371 = tpu.memref_slice %arg4[%arg0, %mul3A_358, %dma_wait3A_370] : memref<2x10000x64xf32, #tpu.memory_space<hbm>> -> memref<1x624x64xf32, #tpu.memory_space<hbm>>
      %dma_wait3A_372 = tpu.memref_squeeze %dma_wait3A_371 : memref<1x624x64xf32, #tpu.memory_space<hbm>> -> memref<624x64xf32, #tpu.memory_space<hbm>>
      %dma_wait3A_373 = arith.constant 0 : i32
      %dma_wait3A_374 = tpu.memref_slice %arg9[%mul3A_356, %dma_wait3A_373] : memref<10000x64xf32, #tpu.memory_space<vmem_shared>> -> memref<624x64xf32, #tpu.memory_space<vmem_shared>>
      tpu.wait_dma2 semaphore(%run_scoped3A_364 : memref<!tpu.dma_semaphore, #tpu.memory_space<semaphore_mem>>) src(%dma_wait3A_374 : memref<624x64xf32, #tpu.memory_space<vmem_shared>>) dst(%dma_wait3A_372 : memref<624x64xf32, #tpu.memory_space<hbm>>)
      tpu.yield
    }) : () -> ()
    %eq3A_359 = arith.constant 0 : i32
    %eq3A_360 = arith.cmpi eq, %arg1, %eq3A_359 : i32
    %convert_element_type3A_361 = arith.extui %eq3A_360 : i1 to i32
    %cond3A_362 = arith.constant 0 : i32
    %cond3A_363 = arith.cmpi ne, %convert_element_type3A_361, %cond3A_362 : i32
    scf.if %cond3A_363 {
      "tpu.region"() ({
        %run_scoped3A_364 = tpu.sem_alloc : memref<!tpu.dma_semaphore, #tpu.memory_space<semaphore_mem>>
        %dma_start3A_365 = arith.constant 9984 : i32
        %dma_start3A_366 = arith.constant 0 : i32
        %dma_start3A_367 = tpu.memref_slice %arg4[%arg0, %dma_start3A_365, %dma_start3A_366] : memref<2x10000x64xf32, #tpu.memory_space<hbm>> -> memref<1x16x64xf32, #tpu.memory_space<hbm>>
        %dma_start3A_368 = tpu.memref_squeeze %dma_start3A_367 : memref<1x16x64xf32, #tpu.memory_space<hbm>> -> memref<16x64xf32, #tpu.memory_space<hbm>>
        %dma_start3A_369 = arith.constant 9984 : i32
        %dma_start3A_370 = arith.constant 0 : i32
        %dma_start3A_371 = tpu.memref_slice %arg9[%dma_start3A_369, %dma_start3A_370] : memref<10000x64xf32, #tpu.memory_space<vmem_shared>> -> memref<16x64xf32, #tpu.memory_space<vmem_shared>>
        tpu.enqueue_dma source(%dma_start3A_371 : memref<16x64xf32, #tpu.memory_space<vmem_shared>>) target(%dma_start3A_368 : memref<16x64xf32, #tpu.memory_space<hbm>>) target_semaphore(%run_scoped3A_364 : memref<!tpu.dma_semaphore, #tpu.memory_space<semaphore_mem>>)
        %dma_wait3A_372 = arith.constant 9984 : i32
        %dma_wait3A_373 = arith.constant 0 : i32
        %dma_wait3A_374 = tpu.memref_slice %arg4[%arg0, %dma_wait3A_372, %dma_wait3A_373] : memref<2x10000x64xf32, #tpu.memory_space<hbm>> -> memref<1x16x64xf32, #tpu.memory_space<hbm>>
        %dma_wait3A_375 = tpu.memref_squeeze %dma_wait3A_374 : memref<1x16x64xf32, #tpu.memory_space<hbm>> -> memref<16x64xf32, #tpu.memory_space<hbm>>
        %dma_wait3A_376 = arith.constant 9984 : i32
        %dma_wait3A_377 = arith.constant 0 : i32
        %dma_wait3A_378 = tpu.memref_slice %arg9[%dma_wait3A_376, %dma_wait3A_377] : memref<10000x64xf32, #tpu.memory_space<vmem_shared>> -> memref<16x64xf32, #tpu.memory_space<vmem_shared>>
        tpu.wait_dma2 semaphore(%run_scoped3A_364 : memref<!tpu.dma_semaphore, #tpu.memory_space<semaphore_mem>>) src(%dma_wait3A_378 : memref<16x64xf32, #tpu.memory_space<vmem_shared>>) dst(%dma_wait3A_375 : memref<16x64xf32, #tpu.memory_space<hbm>>)
        tpu.yield
      }) : () -> ()
    } else {
    }
    return
  }
}

#map = affine_map<(d0, d1) -> (0, 0, 0)>
#map1 = affine_map<(d0, d1) -> (0, 0, 0, 0)>
module attributes {stable_mosaic.version = 14 : i64} {
  func.func @_sc_edge_pass(%arg0: i32, %arg1: i32, %arg2: memref<2x10000x64xf32, #tpu.memory_space<hbm>>, %arg3: memref<2x16x250x80xi32, #tpu.memory_space<hbm>>, %arg4: memref<2x10000x64xf32, #tpu.memory_space<hbm>>, %arg5: memref<250x80xi32, #tpu.memory_space<vmem>>, %arg6: memref<250x80xi32, #tpu.memory_space<vmem>>, %arg7: memref<6x80x64xf32, #tpu.memory_space<vmem>>, %arg8: memref<208x64xf32, #tpu.memory_space<vmem>>, %arg9: memref<10000x64xf32, #tpu.memory_space<vmem_shared>>, %arg10: memref<6x!tpu.dma_semaphore, #tpu.memory_space<semaphore_mem>>, %arg11: memref<6x!tpu.dma_semaphore, #tpu.memory_space<semaphore_mem>>) attributes {dimension_semantics = [#tpu.dimension_semantics<core_parallel>, #tpu.dimension_semantics<subcore_parallel>], iteration_bounds = array<i64: 2, 16>, scalar_prefetch = 0 : i64, scratch_operands = 7 : i64, tpu.core_type = #tpu.core_type<sc_vector_subcore>, window_params = [{transform_indices = #map}, {transform_indices = #map1}, {transform_indices = #map}]} {
    %scan3A = arith.constant 0 : i32
    %scan3A_0 = arith.constant 208 : i32
    %scan3A_1 = arith.addi %scan3A, %scan3A_0 : i32
    %scan3A_2 = arith.constant 1 : i32
    scf.for %scan3A_364 = %scan3A to %scan3A_1 step %scan3A_2  : i32 {
      %mul3A_365 = arith.constant 1 : i32
      %mul3A_366 = arith.muli %scan3A_364, %mul3A_365 : i32
      %add3A = arith.constant 0 : i32
      %add3A_367 = arith.addi %add3A, %mul3A_366 : i32
      %scan3A_368 = arith.constant 0 : i32
      %scan3A_369 = arith.constant 4 : i32
      %scan3A_370 = arith.addi %scan3A_368, %scan3A_369 : i32
      %scan3A_371 = arith.constant 1 : i32
      scf.for %scan3A_373 = %scan3A_368 to %scan3A_370 step %scan3A_371  : i32 {
        %mul3A_374 = arith.constant 16 : i32
        %mul3A_375 = arith.muli %scan3A_373, %mul3A_374 : i32
        %add3A_376 = arith.constant 0 : i32
        %add3A_377 = arith.addi %add3A_376, %mul3A_375 : i32
        %broadcast_in_dim3A = arith.constant 0.000000e+00 : f32
        %broadcast_in_dim3A_378 = vector.broadcast %broadcast_in_dim3A : f32 to vector<16xf32>
        %swap3A = arith.index_cast %add3A_367 : i32 to index
        %swap3A_379 = arith.index_cast %add3A_377 : i32 to index
        %swap3A_380 = tpu.vector_load %arg8[%swap3A, %swap3A_379] {strides = array<i32>} : memref<208x64xf32, #tpu.memory_space<vmem>>, vector<1x16xf32>,
        %swap3A_381 = vector.shape_cast %swap3A_380 : vector<1x16xf32> to vector<16xf32>
        %swap3A_382 = vector.shape_cast %broadcast_in_dim3A_378 : vector<16xf32> to vector<1x16xf32>
        tpu.vector_store %arg8[%swap3A, %swap3A_379], %swap3A_382 {strides = array<i32>} : memref<208x64xf32, #tpu.memory_space<vmem>>, vector<1x16xf32>,
      }
      %scan3A_372 = arith.constant 4 : i32
    }
    %scan3A_3 = arith.constant 208 : i32
    %scan3A_4 = arith.constant 0 : i32
    %scan3A_5 = arith.constant 3 : i32
    %scan3A_6 = arith.addi %scan3A_4, %scan3A_5 : i32
    %scan3A_7 = arith.constant 1 : i32
    scf.for %scan3A_364 = %scan3A_4 to %scan3A_6 step %scan3A_7  : i32 {
      %mul3A_365 = arith.constant 1 : i32
      %mul3A_366 = arith.muli %scan3A_364, %mul3A_365 : i32
      %add3A = arith.constant 0 : i32
      %add3A_367 = arith.addi %add3A, %mul3A_366 : i32
      %mul3A_368 = arith.constant 624 : i32
      %mul3A_369 = arith.muli %arg1, %mul3A_368 : i32
      %mul3A_370 = arith.constant 208 : i32
      %mul3A_371 = arith.muli %add3A_367, %mul3A_370 : i32
      %add3A_372 = arith.addi %mul3A_369, %mul3A_371 : i32
      "tpu.region"() ({
        %run_scoped3A_373 = tpu.sem_alloc : memref<!tpu.dma_semaphore, #tpu.memory_space<semaphore_mem>>
        %dma_start3A_374 = arith.constant 0 : i32
        %dma_start3A_375 = tpu.memref_slice %arg9[%add3A_372, %dma_start3A_374] : memref<10000x64xf32, #tpu.memory_space<vmem_shared>> -> memref<208x64xf32, #tpu.memory_space<vmem_shared>>
        %dma_start3A_376 = arith.constant 0 : i32
        %dma_start3A_377 = tpu.memref_slice %arg9[%add3A_372, %dma_start3A_376] : memref<10000x64xf32, #tpu.memory_space<vmem_shared>> -> memref<208x64xf32, #tpu.memory_space<vmem_shared>>
        tpu.enqueue_dma source(%arg8 : memref<208x64xf32, #tpu.memory_space<vmem>>) target(%dma_start3A_377 : memref<208x64xf32, #tpu.memory_space<vmem_shared>>) target_semaphore(%run_scoped3A_373 : memref<!tpu.dma_semaphore, #tpu.memory_space<semaphore_mem>>)
        %dma_wait3A_378 = arith.constant 0 : i32
        %dma_wait3A_379 = tpu.memref_slice %arg9[%add3A_372, %dma_wait3A_378] : memref<10000x64xf32, #tpu.memory_space<vmem_shared>> -> memref<208x64xf32, #tpu.memory_space<vmem_shared>>
        %dma_wait3A_380 = arith.constant 0 : i32
        %dma_wait3A_381 = tpu.memref_slice %arg9[%add3A_372, %dma_wait3A_380] : memref<10000x64xf32, #tpu.memory_space<vmem_shared>> -> memref<208x64xf32, #tpu.memory_space<vmem_shared>>
        tpu.wait_dma2 semaphore(%run_scoped3A_373 : memref<!tpu.dma_semaphore, #tpu.memory_space<semaphore_mem>>) src(%arg8 : memref<208x64xf32, #tpu.memory_space<vmem>>) dst(%dma_wait3A_381 : memref<208x64xf32, #tpu.memory_space<vmem_shared>>)
        tpu.yield
      }) : () -> ()
    }
    %scan3A_8 = arith.constant 3 : i32
    %eq3A = arith.constant 0 : i32
    %eq3A_9 = arith.cmpi eq, %arg1, %eq3A : i32
    %convert_element_type3A = arith.extui %eq3A_9 : i1 to i32
    %cond3A = arith.constant 0 : i32
    %cond3A_10 = arith.cmpi ne, %convert_element_type3A, %cond3A : i32
    scf.if %cond3A_10 {
      "tpu.region"() ({
        %run_scoped3A_364 = tpu.sem_alloc : memref<!tpu.dma_semaphore, #tpu.memory_space<semaphore_mem>>
        %dma_start3A_365 = arith.constant 0 : i32
        %dma_start3A_366 = arith.constant 0 : i32
        %dma_start3A_367 = tpu.memref_slice %arg8[%dma_start3A_365, %dma_start3A_366] : memref<208x64xf32, #tpu.memory_space<vmem>> -> memref<16x64xf32, #tpu.memory_space<vmem>>
        %dma_start3A_368 = arith.constant 9984 : i32
        %dma_start3A_369 = arith.constant 0 : i32
        %dma_start3A_370 = tpu.memref_slice %arg9[%dma_start3A_368, %dma_start3A_369] : memref<10000x64xf32, #tpu.memory_space<vmem_shared>> -> memref<16x64xf32, #tpu.memory_space<vmem_shared>>
        %dma_start3A_371 = arith.constant 9984 : i32
        %dma_start3A_372 = arith.constant 0 : i32
        %dma_start3A_373 = tpu.memref_slice %arg9[%dma_start3A_371, %dma_start3A_372] : memref<10000x64xf32, #tpu.memory_space<vmem_shared>> -> memref<16x64xf32, #tpu.memory_space<vmem_shared>>
        %dma_start3A_374 = arith.constant 0 : i32
        %dma_start3A_375 = arith.constant 0 : i32
        %dma_start3A_376 = tpu.memref_slice %arg8[%dma_start3A_374, %dma_start3A_375] : memref<208x64xf32, #tpu.memory_space<vmem>> -> memref<16x64xf32, #tpu.memory_space<vmem>>
        tpu.enqueue_dma source(%dma_start3A_376 : memref<16x64xf32, #tpu.memory_space<vmem>>) target(%dma_start3A_373 : memref<16x64xf32, #tpu.memory_space<vmem_shared>>) target_semaphore(%run_scoped3A_364 : memref<!tpu.dma_semaphore, #tpu.memory_space<semaphore_mem>>)
        %dma_wait3A_377 = arith.constant 0 : i32
        %dma_wait3A_378 = arith.constant 0 : i32
        %dma_wait3A_379 = tpu.memref_slice %arg8[%dma_wait3A_377, %dma_wait3A_378] : memref<208x64xf32, #tpu.memory_space<vmem>> -> memref<16x64xf32, #tpu.memory_space<vmem>>
        %dma_wait3A_380 = arith.constant 9984 : i32
        %dma_wait3A_381 = arith.constant 0 : i32
        %dma_wait3A_382 = tpu.memref_slice %arg9[%dma_wait3A_380, %dma_wait3A_381] : memref<10000x64xf32, #tpu.memory_space<vmem_shared>> -> memref<16x64xf32, #tpu.memory_space<vmem_shared>>
        %dma_wait3A_383 = arith.constant 9984 : i32
        %dma_wait3A_384 = arith.constant 0 : i32
        %dma_wait3A_385 = tpu.memref_slice %arg9[%dma_wait3A_383, %dma_wait3A_384] : memref<10000x64xf32, #tpu.memory_space<vmem_shared>> -> memref<16x64xf32, #tpu.memory_space<vmem_shared>>
        %dma_wait3A_386 = arith.constant 0 : i32
        %dma_wait3A_387 = arith.constant 0 : i32
        %dma_wait3A_388 = tpu.memref_slice %arg8[%dma_wait3A_386, %dma_wait3A_387] : memref<208x64xf32, #tpu.memory_space<vmem>> -> memref<16x64xf32, #tpu.memory_space<vmem>>
        tpu.wait_dma2 semaphore(%run_scoped3A_364 : memref<!tpu.dma_semaphore, #tpu.memory_space<semaphore_mem>>) src(%dma_wait3A_388 : memref<16x64xf32, #tpu.memory_space<vmem>>) dst(%dma_wait3A_385 : memref<16x64xf32, #tpu.memory_space<vmem_shared>>)
        tpu.yield
      }) : () -> ()
    } else {
    }
    %run_scoped3A = arith.constant 0 : i32
    "tpu.region"() ({
      %run_scoped3A_364 = tpu.sem_alloc : memref<!tpu.dma_semaphore, #tpu.memory_space<semaphore_mem>>
      %dma_start3A_365 = arith.constant 0 : i32
      %dma_start3A_366 = arith.constant 0 : i32
      %dma_start3A_367 = tpu.memref_slice %arg3[%run_scoped3A, %arg1, %dma_start3A_365, %dma_start3A_366] : memref<2x16x250x80xi32, #tpu.memory_space<hbm>> -> memref<1x1x250x80xi32, #tpu.memory_space<hbm>>
      %dma_start3A_368 = tpu.memref_squeeze %dma_start3A_367 : memref<1x1x250x80xi32, #tpu.memory_space<hbm>> -> memref<250x80xi32, #tpu.memory_space<hbm>>
      %dma_start3A_369 = arith.constant 0 : i32
      %dma_start3A_370 = arith.constant 0 : i32
      %dma_start3A_371 = tpu.memref_slice %arg3[%run_scoped3A, %arg1, %dma_start3A_369, %dma_start3A_370] : memref<2x16x250x80xi32, #tpu.memory_space<hbm>> -> memref<1x1x250x80xi32, #tpu.memory_space<hbm>>
      %dma_start3A_372 = tpu.memref_squeeze %dma_start3A_371 : memref<1x1x250x80xi32, #tpu.memory_space<hbm>> -> memref<250x80xi32, #tpu.memory_space<hbm>>
      tpu.enqueue_dma source(%dma_start3A_372 : memref<250x80xi32, #tpu.memory_space<hbm>>) target(%arg5 : memref<250x80xi32, #tpu.memory_space<vmem>>) target_semaphore(%run_scoped3A_364 : memref<!tpu.dma_semaphore, #tpu.memory_space<semaphore_mem>>)
      %dma_wait3A_373 = arith.constant 0 : i32
      %dma_wait3A_374 = arith.constant 0 : i32
      %dma_wait3A_375 = tpu.memref_slice %arg3[%run_scoped3A, %arg1, %dma_wait3A_373, %dma_wait3A_374] : memref<2x16x250x80xi32, #tpu.memory_space<hbm>> -> memref<1x1x250x80xi32, #tpu.memory_space<hbm>>
      %dma_wait3A_376 = tpu.memref_squeeze %dma_wait3A_375 : memref<1x1x250x80xi32, #tpu.memory_space<hbm>> -> memref<250x80xi32, #tpu.memory_space<hbm>>
      %dma_wait3A_377 = arith.constant 0 : i32
      %dma_wait3A_378 = arith.constant 0 : i32
      %dma_wait3A_379 = tpu.memref_slice %arg3[%run_scoped3A, %arg1, %dma_wait3A_377, %dma_wait3A_378] : memref<2x16x250x80xi32, #tpu.memory_space<hbm>> -> memref<1x1x250x80xi32, #tpu.memory_space<hbm>>
      %dma_wait3A_380 = tpu.memref_squeeze %dma_wait3A_379 : memref<1x1x250x80xi32, #tpu.memory_space<hbm>> -> memref<250x80xi32, #tpu.memory_space<hbm>>
      tpu.wait_dma2 semaphore(%run_scoped3A_364 : memref<!tpu.dma_semaphore, #tpu.memory_space<semaphore_mem>>) src(%dma_wait3A_380 : memref<250x80xi32, #tpu.memory_space<hbm>>) dst(%arg5 : memref<250x80xi32, #tpu.memory_space<vmem>>)
      tpu.yield
    }) : () -> ()
    %run_scoped3A_11 = arith.constant 1 : i32
    "tpu.region"() ({
      %run_scoped3A_364 = tpu.sem_alloc : memref<!tpu.dma_semaphore, #tpu.memory_space<semaphore_mem>>
      %dma_start3A_365 = arith.constant 0 : i32
      %dma_start3A_366 = arith.constant 0 : i32
      %dma_start3A_367 = tpu.memref_slice %arg3[%run_scoped3A_11, %arg1, %dma_start3A_365, %dma_start3A_366] : memref<2x16x250x80xi32, #tpu.memory_space<hbm>> -> memref<1x1x250x80xi32, #tpu.memory_space<hbm>>
      %dma_start3A_368 = tpu.memref_squeeze %dma_start3A_367 : memref<1x1x250x80xi32, #tpu.memory_space<hbm>> -> memref<250x80xi32, #tpu.memory_space<hbm>>
      %dma_start3A_369 = arith.constant 0 : i32
      %dma_start3A_370 = arith.constant 0 : i32
      %dma_start3A_371 = tpu.memref_slice %arg3[%run_scoped3A_11, %arg1, %dma_start3A_369, %dma_start3A_370] : memref<2x16x250x80xi32, #tpu.memory_space<hbm>> -> memref<1x1x250x80xi32, #tpu.memory_space<hbm>>
      %dma_start3A_372 = tpu.memref_squeeze %dma_start3A_371 : memref<1x1x250x80xi32, #tpu.memory_space<hbm>> -> memref<250x80xi32, #tpu.memory_space<hbm>>
      tpu.enqueue_dma source(%dma_start3A_372 : memref<250x80xi32, #tpu.memory_space<hbm>>) target(%arg6 : memref<250x80xi32, #tpu.memory_space<vmem>>) target_semaphore(%run_scoped3A_364 : memref<!tpu.dma_semaphore, #tpu.memory_space<semaphore_mem>>)
      %dma_wait3A_373 = arith.constant 0 : i32
      %dma_wait3A_374 = arith.constant 0 : i32
      %dma_wait3A_375 = tpu.memref_slice %arg3[%run_scoped3A_11, %arg1, %dma_wait3A_373, %dma_wait3A_374] : memref<2x16x250x80xi32, #tpu.memory_space<hbm>> -> memref<1x1x250x80xi32, #tpu.memory_space<hbm>>
      %dma_wait3A_376 = tpu.memref_squeeze %dma_wait3A_375 : memref<1x1x250x80xi32, #tpu.memory_space<hbm>> -> memref<250x80xi32, #tpu.memory_space<hbm>>
      %dma_wait3A_377 = arith.constant 0 : i32
      %dma_wait3A_378 = arith.constant 0 : i32
      %dma_wait3A_379 = tpu.memref_slice %arg3[%run_scoped3A_11, %arg1, %dma_wait3A_377, %dma_wait3A_378] : memref<2x16x250x80xi32, #tpu.memory_space<hbm>> -> memref<1x1x250x80xi32, #tpu.memory_space<hbm>>
      %dma_wait3A_380 = tpu.memref_squeeze %dma_wait3A_379 : memref<1x1x250x80xi32, #tpu.memory_space<hbm>> -> memref<250x80xi32, #tpu.memory_space<hbm>>
      tpu.wait_dma2 semaphore(%run_scoped3A_364 : memref<!tpu.dma_semaphore, #tpu.memory_space<semaphore_mem>>) src(%dma_wait3A_380 : memref<250x80xi32, #tpu.memory_space<hbm>>) dst(%arg6 : memref<250x80xi32, #tpu.memory_space<vmem>>)
      tpu.yield
    }) : () -> ()
    %barrier3A = arith.constant 0 : index
    tpu.barrier barrier_id(%barrier3A)
    %dma_start3A = arith.constant 0 : i32
    %dma_start3A_12 = arith.constant 0 : i32
    %dma_start3A_13 = arith.constant 0 : i32
    %dma_start3A_14 = arith.constant 0 : i32
    %dma_start3A_15 = arith.constant 0 : i32
    %dma_start3A_16 = tpu.memref_slice %arg7[%dma_start3A_12, %dma_start3A_14, %dma_start3A_15] : memref<6x80x64xf32, #tpu.memory_space<vmem>> -> memref<1x80x64xf32, #tpu.memory_space<vmem>>
    %dma_start3A_17 = tpu.memref_squeeze %dma_start3A_16 : memref<1x80x64xf32, #tpu.memory_space<vmem>> -> memref<80x64xf32, #tpu.memory_space<vmem>>
    %dma_start3A_18 = arith.constant 0 : i32
    %dma_start3A_19 = tpu.memref_slice %arg5[%dma_start3A, %dma_start3A_18] : memref<250x80xi32, #tpu.memory_space<vmem>> -> memref<1x80xi32, #tpu.memory_space<vmem>>
    %dma_start3A_20 = tpu.memref_squeeze %dma_start3A_19 : memref<1x80xi32, #tpu.memory_space<vmem>> -> memref<80xi32, #tpu.memory_space<vmem>>
    %dma_start3A_21 = arith.constant 0 : i32
    %dma_start3A_22 = arith.constant 0 : i32
    %dma_start3A_23 = tpu.memref_slice %arg2[%arg0, %dma_start3A_21, %dma_start3A_22] : memref<2x10000x64xf32, #tpu.memory_space<hbm>> -> memref<1x10000x64xf32, #tpu.memory_space<hbm>>
    %dma_start3A_24 = tpu.memref_squeeze %dma_start3A_23 : memref<1x10000x64xf32, #tpu.memory_space<hbm>> -> memref<10000x64xf32, #tpu.memory_space<hbm>>
    %dma_start3A_25 = arith.constant 0 : i32
    %dma_start3A_26 = arith.constant 0 : i32
    %dma_start3A_27 = tpu.memref_slice %dma_start3A_24[%dma_start3A_25, %dma_start3A_26] : memref<10000x64xf32, #tpu.memory_space<hbm>> -> memref<10000x64xf32, #tpu.memory_space<hbm>>
    %dma_start3A_28 = tpu.memref_slice %arg10[%dma_start3A_13] : memref<6x!tpu.dma_semaphore, #tpu.memory_space<semaphore_mem>> -> memref<1x!tpu.dma_semaphore, #tpu.memory_space<semaphore_mem>>
    %dma_start3A_29 = tpu.memref_squeeze %dma_start3A_28 : memref<1x!tpu.dma_semaphore, #tpu.memory_space<semaphore_mem>> -> memref<!tpu.dma_semaphore, #tpu.memory_space<semaphore_mem>>
    tpu.enqueue_indirect_dma source(%dma_start3A_27 : memref<10000x64xf32, #tpu.memory_space<hbm>>) target(%dma_start3A_17 : memref<80x64xf32, #tpu.memory_space<vmem>>) offsets(%dma_start3A_20 : memref<80xi32, #tpu.memory_space<vmem>>) semaphore(%dma_start3A_29 : memref<!tpu.dma_semaphore, #tpu.memory_space<semaphore_mem>>)
    %dma_start3A_30 = arith.constant 1 : i32
    %dma_start3A_31 = arith.constant 1 : i32
    %dma_start3A_32 = arith.constant 1 : i32
    %dma_start3A_33 = arith.constant 0 : i32
    %dma_start3A_34 = arith.constant 0 : i32
    %dma_start3A_35 = tpu.memref_slice %arg7[%dma_start3A_31, %dma_start3A_33, %dma_start3A_34] : memref<6x80x64xf32, #tpu.memory_space<vmem>> -> memref<1x80x64xf32, #tpu.memory_space<vmem>>
    %dma_start3A_36 = tpu.memref_squeeze %dma_start3A_35 : memref<1x80x64xf32, #tpu.memory_space<vmem>> -> memref<80x64xf32, #tpu.memory_space<vmem>>
    %dma_start3A_37 = arith.constant 0 : i32
    %dma_start3A_38 = tpu.memref_slice %arg5[%dma_start3A_30, %dma_start3A_37] : memref<250x80xi32, #tpu.memory_space<vmem>> -> memref<1x80xi32, #tpu.memory_space<vmem>>
    %dma_start3A_39 = tpu.memref_squeeze %dma_start3A_38 : memref<1x80xi32, #tpu.memory_space<vmem>> -> memref<80xi32, #tpu.memory_space<vmem>>
    %dma_start3A_40 = arith.constant 0 : i32
    %dma_start3A_41 = arith.constant 0 : i32
    %dma_start3A_42 = tpu.memref_slice %arg2[%arg0, %dma_start3A_40, %dma_start3A_41] : memref<2x10000x64xf32, #tpu.memory_space<hbm>> -> memref<1x10000x64xf32, #tpu.memory_space<hbm>>
    %dma_start3A_43 = tpu.memref_squeeze %dma_start3A_42 : memref<1x10000x64xf32, #tpu.memory_space<hbm>> -> memref<10000x64xf32, #tpu.memory_space<hbm>>
    %dma_start3A_44 = arith.constant 0 : i32
    %dma_start3A_45 = arith.constant 0 : i32
    %dma_start3A_46 = tpu.memref_slice %dma_start3A_43[%dma_start3A_44, %dma_start3A_45] : memref<10000x64xf32, #tpu.memory_space<hbm>> -> memref<10000x64xf32, #tpu.memory_space<hbm>>
    %dma_start3A_47 = tpu.memref_slice %arg10[%dma_start3A_32] : memref<6x!tpu.dma_semaphore, #tpu.memory_space<semaphore_mem>> -> memref<1x!tpu.dma_semaphore, #tpu.memory_space<semaphore_mem>>
    %dma_start3A_48 = tpu.memref_squeeze %dma_start3A_47 : memref<1x!tpu.dma_semaphore, #tpu.memory_space<semaphore_mem>> -> memref<!tpu.dma_semaphore, #tpu.memory_space<semaphore_mem>>
    tpu.enqueue_indirect_dma source(%dma_start3A_46 : memref<10000x64xf32, #tpu.memory_space<hbm>>) target(%dma_start3A_36 : memref<80x64xf32, #tpu.memory_space<vmem>>) offsets(%dma_start3A_39 : memref<80xi32, #tpu.memory_space<vmem>>) semaphore(%dma_start3A_48 : memref<!tpu.dma_semaphore, #tpu.memory_space<semaphore_mem>>)
    %dma_start3A_49 = arith.constant 2 : i32
    %dma_start3A_50 = arith.constant 2 : i32
    %dma_start3A_51 = arith.constant 2 : i32
    %dma_start3A_52 = arith.constant 0 : i32
    %dma_start3A_53 = arith.constant 0 : i32
    %dma_start3A_54 = tpu.memref_slice %arg7[%dma_start3A_50, %dma_start3A_52, %dma_start3A_53] : memref<6x80x64xf32, #tpu.memory_space<vmem>> -> memref<1x80x64xf32, #tpu.memory_space<vmem>>
    %dma_start3A_55 = tpu.memref_squeeze %dma_start3A_54 : memref<1x80x64xf32, #tpu.memory_space<vmem>> -> memref<80x64xf32, #tpu.memory_space<vmem>>
    %dma_start3A_56 = arith.constant 0 : i32
    %dma_start3A_57 = tpu.memref_slice %arg5[%dma_start3A_49, %dma_start3A_56] : memref<250x80xi32, #tpu.memory_space<vmem>> -> memref<1x80xi32, #tpu.memory_space<vmem>>
    %dma_start3A_58 = tpu.memref_squeeze %dma_start3A_57 : memref<1x80xi32, #tpu.memory_space<vmem>> -> memref<80xi32, #tpu.memory_space<vmem>>
    %dma_start3A_59 = arith.constant 0 : i32
    %dma_start3A_60 = arith.constant 0 : i32
    %dma_start3A_61 = tpu.memref_slice %arg2[%arg0, %dma_start3A_59, %dma_start3A_60] : memref<2x10000x64xf32, #tpu.memory_space<hbm>> -> memref<1x10000x64xf32, #tpu.memory_space<hbm>>
    %dma_start3A_62 = tpu.memref_squeeze %dma_start3A_61 : memref<1x10000x64xf32, #tpu.memory_space<hbm>> -> memref<10000x64xf32, #tpu.memory_space<hbm>>
    %dma_start3A_63 = arith.constant 0 : i32
    %dma_start3A_64 = arith.constant 0 : i32
    %dma_start3A_65 = tpu.memref_slice %dma_start3A_62[%dma_start3A_63, %dma_start3A_64] : memref<10000x64xf32, #tpu.memory_space<hbm>> -> memref<10000x64xf32, #tpu.memory_space<hbm>>
    %dma_start3A_66 = tpu.memref_slice %arg10[%dma_start3A_51] : memref<6x!tpu.dma_semaphore, #tpu.memory_space<semaphore_mem>> -> memref<1x!tpu.dma_semaphore, #tpu.memory_space<semaphore_mem>>
    %dma_start3A_67 = tpu.memref_squeeze %dma_start3A_66 : memref<1x!tpu.dma_semaphore, #tpu.memory_space<semaphore_mem>> -> memref<!tpu.dma_semaphore, #tpu.memory_space<semaphore_mem>>
    tpu.enqueue_indirect_dma source(%dma_start3A_65 : memref<10000x64xf32, #tpu.memory_space<hbm>>) target(%dma_start3A_55 : memref<80x64xf32, #tpu.memory_space<vmem>>) offsets(%dma_start3A_58 : memref<80xi32, #tpu.memory_space<vmem>>) semaphore(%dma_start3A_67 : memref<!tpu.dma_semaphore, #tpu.memory_space<semaphore_mem>>)
    %dma_start3A_68 = arith.constant 3 : i32
    %dma_start3A_69 = arith.constant 3 : i32
    %dma_start3A_70 = arith.constant 3 : i32
    %dma_start3A_71 = arith.constant 0 : i32
    %dma_start3A_72 = arith.constant 0 : i32
    %dma_start3A_73 = tpu.memref_slice %arg7[%dma_start3A_69, %dma_start3A_71, %dma_start3A_72] : memref<6x80x64xf32, #tpu.memory_space<vmem>> -> memref<1x80x64xf32, #tpu.memory_space<vmem>>
    %dma_start3A_74 = tpu.memref_squeeze %dma_start3A_73 : memref<1x80x64xf32, #tpu.memory_space<vmem>> -> memref<80x64xf32, #tpu.memory_space<vmem>>
    %dma_start3A_75 = arith.constant 0 : i32
    %dma_start3A_76 = tpu.memref_slice %arg5[%dma_start3A_68, %dma_start3A_75] : memref<250x80xi32, #tpu.memory_space<vmem>> -> memref<1x80xi32, #tpu.memory_space<vmem>>
    %dma_start3A_77 = tpu.memref_squeeze %dma_start3A_76 : memref<1x80xi32, #tpu.memory_space<vmem>> -> memref<80xi32, #tpu.memory_space<vmem>>
    %dma_start3A_78 = arith.constant 0 : i32
    %dma_start3A_79 = arith.constant 0 : i32
    %dma_start3A_80 = tpu.memref_slice %arg2[%arg0, %dma_start3A_78, %dma_start3A_79] : memref<2x10000x64xf32, #tpu.memory_space<hbm>> -> memref<1x10000x64xf32, #tpu.memory_space<hbm>>
    %dma_start3A_81 = tpu.memref_squeeze %dma_start3A_80 : memref<1x10000x64xf32, #tpu.memory_space<hbm>> -> memref<10000x64xf32, #tpu.memory_space<hbm>>
    %dma_start3A_82 = arith.constant 0 : i32
    %dma_start3A_83 = arith.constant 0 : i32
    %dma_start3A_84 = tpu.memref_slice %dma_start3A_81[%dma_start3A_82, %dma_start3A_83] : memref<10000x64xf32, #tpu.memory_space<hbm>> -> memref<10000x64xf32, #tpu.memory_space<hbm>>
    %dma_start3A_85 = tpu.memref_slice %arg10[%dma_start3A_70] : memref<6x!tpu.dma_semaphore, #tpu.memory_space<semaphore_mem>> -> memref<1x!tpu.dma_semaphore, #tpu.memory_space<semaphore_mem>>
    %dma_start3A_86 = tpu.memref_squeeze %dma_start3A_85 : memref<1x!tpu.dma_semaphore, #tpu.memory_space<semaphore_mem>> -> memref<!tpu.dma_semaphore, #tpu.memory_space<semaphore_mem>>
    tpu.enqueue_indirect_dma source(%dma_start3A_84 : memref<10000x64xf32, #tpu.memory_space<hbm>>) target(%dma_start3A_74 : memref<80x64xf32, #tpu.memory_space<vmem>>) offsets(%dma_start3A_77 : memref<80xi32, #tpu.memory_space<vmem>>) semaphore(%dma_start3A_86 : memref<!tpu.dma_semaphore, #tpu.memory_space<semaphore_mem>>)
    %dma_start3A_87 = arith.constant 4 : i32
    %dma_start3A_88 = arith.constant 4 : i32
    %dma_start3A_89 = arith.constant 4 : i32
    %dma_start3A_90 = arith.constant 0 : i32
    %dma_start3A_91 = arith.constant 0 : i32
    %dma_start3A_92 = tpu.memref_slice %arg7[%dma_start3A_88, %dma_start3A_90, %dma_start3A_91] : memref<6x80x64xf32, #tpu.memory_space<vmem>> -> memref<1x80x64xf32, #tpu.memory_space<vmem>>
    %dma_start3A_93 = tpu.memref_squeeze %dma_start3A_92 : memref<1x80x64xf32, #tpu.memory_space<vmem>> -> memref<80x64xf32, #tpu.memory_space<vmem>>
    %dma_start3A_94 = arith.constant 0 : i32
    %dma_start3A_95 = tpu.memref_slice %arg5[%dma_start3A_87, %dma_start3A_94] : memref<250x80xi32, #tpu.memory_space<vmem>> -> memref<1x80xi32, #tpu.memory_space<vmem>>
    %dma_start3A_96 = tpu.memref_squeeze %dma_start3A_95 : memref<1x80xi32, #tpu.memory_space<vmem>> -> memref<80xi32, #tpu.memory_space<vmem>>
    %dma_start3A_97 = arith.constant 0 : i32
    %dma_start3A_98 = arith.constant 0 : i32
    %dma_start3A_99 = tpu.memref_slice %arg2[%arg0, %dma_start3A_97, %dma_start3A_98] : memref<2x10000x64xf32, #tpu.memory_space<hbm>> -> memref<1x10000x64xf32, #tpu.memory_space<hbm>>
    %dma_start3A_100 = tpu.memref_squeeze %dma_start3A_99 : memref<1x10000x64xf32, #tpu.memory_space<hbm>> -> memref<10000x64xf32, #tpu.memory_space<hbm>>
    %dma_start3A_101 = arith.constant 0 : i32
    %dma_start3A_102 = arith.constant 0 : i32
    %dma_start3A_103 = tpu.memref_slice %dma_start3A_100[%dma_start3A_101, %dma_start3A_102] : memref<10000x64xf32, #tpu.memory_space<hbm>> -> memref<10000x64xf32, #tpu.memory_space<hbm>>
    %dma_start3A_104 = tpu.memref_slice %arg10[%dma_start3A_89] : memref<6x!tpu.dma_semaphore, #tpu.memory_space<semaphore_mem>> -> memref<1x!tpu.dma_semaphore, #tpu.memory_space<semaphore_mem>>
    %dma_start3A_105 = tpu.memref_squeeze %dma_start3A_104 : memref<1x!tpu.dma_semaphore, #tpu.memory_space<semaphore_mem>> -> memref<!tpu.dma_semaphore, #tpu.memory_space<semaphore_mem>>
    tpu.enqueue_indirect_dma source(%dma_start3A_103 : memref<10000x64xf32, #tpu.memory_space<hbm>>) target(%dma_start3A_93 : memref<80x64xf32, #tpu.memory_space<vmem>>) offsets(%dma_start3A_96 : memref<80xi32, #tpu.memory_space<vmem>>) semaphore(%dma_start3A_105 : memref<!tpu.dma_semaphore, #tpu.memory_space<semaphore_mem>>)
    %dma_start3A_106 = arith.constant 5 : i32
    %dma_start3A_107 = arith.constant 5 : i32
    %dma_start3A_108 = arith.constant 5 : i32
    %dma_start3A_109 = arith.constant 0 : i32
    %dma_start3A_110 = arith.constant 0 : i32
    %dma_start3A_111 = tpu.memref_slice %arg7[%dma_start3A_107, %dma_start3A_109, %dma_start3A_110] : memref<6x80x64xf32, #tpu.memory_space<vmem>> -> memref<1x80x64xf32, #tpu.memory_space<vmem>>
    %dma_start3A_112 = tpu.memref_squeeze %dma_start3A_111 : memref<1x80x64xf32, #tpu.memory_space<vmem>> -> memref<80x64xf32, #tpu.memory_space<vmem>>
    %dma_start3A_113 = arith.constant 0 : i32
    %dma_start3A_114 = tpu.memref_slice %arg5[%dma_start3A_106, %dma_start3A_113] : memref<250x80xi32, #tpu.memory_space<vmem>> -> memref<1x80xi32, #tpu.memory_space<vmem>>
    %dma_start3A_115 = tpu.memref_squeeze %dma_start3A_114 : memref<1x80xi32, #tpu.memory_space<vmem>> -> memref<80xi32, #tpu.memory_space<vmem>>
    %dma_start3A_116 = arith.constant 0 : i32
    %dma_start3A_117 = arith.constant 0 : i32
    %dma_start3A_118 = tpu.memref_slice %arg2[%arg0, %dma_start3A_116, %dma_start3A_117] : memref<2x10000x64xf32, #tpu.memory_space<hbm>> -> memref<1x10000x64xf32, #tpu.memory_space<hbm>>
    %dma_start3A_119 = tpu.memref_squeeze %dma_start3A_118 : memref<1x10000x64xf32, #tpu.memory_space<hbm>> -> memref<10000x64xf32, #tpu.memory_space<hbm>>
    %dma_start3A_120 = arith.constant 0 : i32
    %dma_start3A_121 = arith.constant 0 : i32
    %dma_start3A_122 = tpu.memref_slice %dma_start3A_119[%dma_start3A_120, %dma_start3A_121] : memref<10000x64xf32, #tpu.memory_space<hbm>> -> memref<10000x64xf32, #tpu.memory_space<hbm>>
    %dma_start3A_123 = tpu.memref_slice %arg10[%dma_start3A_108] : memref<6x!tpu.dma_semaphore, #tpu.memory_space<semaphore_mem>> -> memref<1x!tpu.dma_semaphore, #tpu.memory_space<semaphore_mem>>
    %dma_start3A_124 = tpu.memref_squeeze %dma_start3A_123 : memref<1x!tpu.dma_semaphore, #tpu.memory_space<semaphore_mem>> -> memref<!tpu.dma_semaphore, #tpu.memory_space<semaphore_mem>>
    tpu.enqueue_indirect_dma source(%dma_start3A_122 : memref<10000x64xf32, #tpu.memory_space<hbm>>) target(%dma_start3A_112 : memref<80x64xf32, #tpu.memory_space<vmem>>) offsets(%dma_start3A_115 : memref<80xi32, #tpu.memory_space<vmem>>) semaphore(%dma_start3A_124 : memref<!tpu.dma_semaphore, #tpu.memory_space<semaphore_mem>>)
    %scan3A_125 = arith.constant 0 : i32
    %scan3A_126 = arith.constant 41 : i32
    %scan3A_127 = arith.addi %scan3A_125, %scan3A_126 : i32
    %scan3A_128 = arith.constant 1 : i32
    scf.for %scan3A_364 = %scan3A_125 to %scan3A_127 step %scan3A_128  : i32 {
      %mul3A_365 = arith.constant 1 : i32
      %mul3A_366 = arith.muli %scan3A_364, %mul3A_365 : i32
      %add3A = arith.constant 0 : i32
      %add3A_367 = arith.addi %add3A, %mul3A_366 : i32
      %mul3A_368 = arith.constant 6 : i32
      %mul3A_369 = arith.muli %add3A_367, %mul3A_368 : i32
      %add3A_370 = arith.constant 0 : i32
      %add3A_371 = arith.addi %mul3A_369, %add3A_370 : i32
      %dma_wait3A_372 = arith.constant 0 : i32
      %dma_wait3A_373 = arith.constant 0 : i32
      %dma_wait3A_374 = arith.constant 0 : i32
      %dma_wait3A_375 = arith.constant 0 : i32
      %dma_wait3A_376 = tpu.memref_slice %arg7[%dma_wait3A_372, %dma_wait3A_374, %dma_wait3A_375] : memref<6x80x64xf32, #tpu.memory_space<vmem>> -> memref<1x80x64xf32, #tpu.memory_space<vmem>>
      %dma_wait3A_377 = tpu.memref_squeeze %dma_wait3A_376 : memref<1x80x64xf32, #tpu.memory_space<vmem>> -> memref<80x64xf32, #tpu.memory_space<vmem>>
      %dma_wait3A_378 = arith.constant 0 : i32
      %dma_wait3A_379 = tpu.memref_slice %arg5[%add3A_371, %dma_wait3A_378] : memref<250x80xi32, #tpu.memory_space<vmem>> -> memref<1x80xi32, #tpu.memory_space<vmem>>
      %dma_wait3A_380 = tpu.memref_squeeze %dma_wait3A_379 : memref<1x80xi32, #tpu.memory_space<vmem>> -> memref<80xi32, #tpu.memory_space<vmem>>
      %dma_wait3A_381 = arith.constant 0 : i32
      %dma_wait3A_382 = arith.constant 0 : i32
      %dma_wait3A_383 = tpu.memref_slice %arg2[%arg0, %dma_wait3A_381, %dma_wait3A_382] : memref<2x10000x64xf32, #tpu.memory_space<hbm>> -> memref<1x10000x64xf32, #tpu.memory_space<hbm>>
      %dma_wait3A_384 = tpu.memref_squeeze %dma_wait3A_383 : memref<1x10000x64xf32, #tpu.memory_space<hbm>> -> memref<10000x64xf32, #tpu.memory_space<hbm>>
      %dma_wait3A_385 = arith.constant 0 : i32
      %dma_wait3A_386 = arith.constant 0 : i32
      %dma_wait3A_387 = tpu.memref_slice %dma_wait3A_384[%dma_wait3A_385, %dma_wait3A_386] : memref<10000x64xf32, #tpu.memory_space<hbm>> -> memref<10000x64xf32, #tpu.memory_space<hbm>>
      %dma_wait3A_388 = tpu.memref_slice %arg10[%dma_wait3A_373] : memref<6x!tpu.dma_semaphore, #tpu.memory_space<semaphore_mem>> -> memref<1x!tpu.dma_semaphore, #tpu.memory_space<semaphore_mem>>
      %dma_wait3A_389 = tpu.memref_squeeze %dma_wait3A_388 : memref<1x!tpu.dma_semaphore, #tpu.memory_space<semaphore_mem>> -> memref<!tpu.dma_semaphore, #tpu.memory_space<semaphore_mem>>
      tpu.wait_indirect_dma semaphore(%dma_wait3A_389 : memref<!tpu.dma_semaphore, #tpu.memory_space<semaphore_mem>>) src(%dma_wait3A_387 : memref<10000x64xf32, #tpu.memory_space<hbm>>) dst(%dma_wait3A_377 : memref<80x64xf32, #tpu.memory_space<vmem>>)
      %dma_start3A_390 = arith.constant 0 : i32
      %dma_start3A_391 = arith.constant 0 : i32
      %dma_start3A_392 = arith.constant 0 : i32
      %dma_start3A_393 = arith.constant 0 : i32
      %dma_start3A_394 = tpu.memref_slice %arg7[%dma_start3A_390, %dma_start3A_392, %dma_start3A_393] : memref<6x80x64xf32, #tpu.memory_space<vmem>> -> memref<1x80x64xf32, #tpu.memory_space<vmem>>
      %dma_start3A_395 = tpu.memref_squeeze %dma_start3A_394 : memref<1x80x64xf32, #tpu.memory_space<vmem>> -> memref<80x64xf32, #tpu.memory_space<vmem>>
      %dma_start3A_396 = arith.constant 0 : i32
      %dma_start3A_397 = tpu.memref_slice %arg6[%add3A_371, %dma_start3A_396] : memref<250x80xi32, #tpu.memory_space<vmem>> -> memref<1x80xi32, #tpu.memory_space<vmem>>
      %dma_start3A_398 = tpu.memref_squeeze %dma_start3A_397 : memref<1x80xi32, #tpu.memory_space<vmem>> -> memref<80xi32, #tpu.memory_space<vmem>>
      %dma_start3A_399 = arith.constant 0 : i32
      %dma_start3A_400 = arith.constant 0 : i32
      %dma_start3A_401 = tpu.memref_slice %arg9[%dma_start3A_399, %dma_start3A_400] : memref<10000x64xf32, #tpu.memory_space<vmem_shared>> -> memref<10000x64xf32, #tpu.memory_space<vmem_shared>>
      %dma_start3A_402 = tpu.memref_slice %arg11[%dma_start3A_391] : memref<6x!tpu.dma_semaphore, #tpu.memory_space<semaphore_mem>> -> memref<1x!tpu.dma_semaphore, #tpu.memory_space<semaphore_mem>>
      %dma_start3A_403 = tpu.memref_squeeze %dma_start3A_402 : memref<1x!tpu.dma_semaphore, #tpu.memory_space<semaphore_mem>> -> memref<!tpu.dma_semaphore, #tpu.memory_space<semaphore_mem>>
      tpu.enqueue_indirect_dma source(%dma_start3A_395 : memref<80x64xf32, #tpu.memory_space<vmem>>) target(%dma_start3A_401 : memref<10000x64xf32, #tpu.memory_space<vmem_shared>>) offsets(%dma_start3A_398 : memref<80xi32, #tpu.memory_space<vmem>>) semaphore(%dma_start3A_403 : memref<!tpu.dma_semaphore, #tpu.memory_space<semaphore_mem>>) {add = true}
      %add3A_404 = arith.constant 6 : i32
      %add3A_405 = arith.addi %add3A_371, %add3A_404 : i32
      %lt3A = arith.constant 250 : i32
      %lt3A_406 = arith.cmpi slt, %add3A_405, %lt3A : i32
      %convert_element_type3A_407 = arith.extui %lt3A_406 : i1 to i32
      %cond3A_408 = arith.constant 0 : i32
      %cond3A_409 = arith.cmpi ne, %convert_element_type3A_407, %cond3A_408 : i32
      scf.if %cond3A_409 {
        %dma_wait3A_625 = arith.constant 0 : i32
        %dma_wait3A_626 = arith.constant 0 : i32
        %dma_wait3A_627 = arith.constant 0 : i32
        %dma_wait3A_628 = arith.constant 0 : i32
        %dma_wait3A_629 = tpu.memref_slice %arg7[%dma_wait3A_625, %dma_wait3A_627, %dma_wait3A_628] : memref<6x80x64xf32, #tpu.memory_space<vmem>> -> memref<1x80x64xf32, #tpu.memory_space<vmem>>
        %dma_wait3A_630 = tpu.memref_squeeze %dma_wait3A_629 : memref<1x80x64xf32, #tpu.memory_space<vmem>> -> memref<80x64xf32, #tpu.memory_space<vmem>>
        %dma_wait3A_631 = arith.constant 0 : i32
        %dma_wait3A_632 = tpu.memref_slice %arg6[%add3A_371, %dma_wait3A_631] : memref<250x80xi32, #tpu.memory_space<vmem>> -> memref<1x80xi32, #tpu.memory_space<vmem>>
        %dma_wait3A_633 = tpu.memref_squeeze %dma_wait3A_632 : memref<1x80xi32, #tpu.memory_space<vmem>> -> memref<80xi32, #tpu.memory_space<vmem>>
        %dma_wait3A_634 = arith.constant 0 : i32
        %dma_wait3A_635 = arith.constant 0 : i32
        %dma_wait3A_636 = tpu.memref_slice %arg9[%dma_wait3A_634, %dma_wait3A_635] : memref<10000x64xf32, #tpu.memory_space<vmem_shared>> -> memref<10000x64xf32, #tpu.memory_space<vmem_shared>>
        %dma_wait3A_637 = tpu.memref_slice %arg11[%dma_wait3A_626] : memref<6x!tpu.dma_semaphore, #tpu.memory_space<semaphore_mem>> -> memref<1x!tpu.dma_semaphore, #tpu.memory_space<semaphore_mem>>
        %dma_wait3A_638 = tpu.memref_squeeze %dma_wait3A_637 : memref<1x!tpu.dma_semaphore, #tpu.memory_space<semaphore_mem>> -> memref<!tpu.dma_semaphore, #tpu.memory_space<semaphore_mem>>
        tpu.wait_indirect_dma semaphore(%dma_wait3A_638 : memref<!tpu.dma_semaphore, #tpu.memory_space<semaphore_mem>>) src(%dma_wait3A_630 : memref<80x64xf32, #tpu.memory_space<vmem>>) dst(%dma_wait3A_636 : memref<10000x64xf32, #tpu.memory_space<vmem_shared>>)
        %dma_start3A_639 = arith.constant 0 : i32
        %dma_start3A_640 = arith.constant 0 : i32
        %dma_start3A_641 = arith.constant 0 : i32
        %dma_start3A_642 = arith.constant 0 : i32
        %dma_start3A_643 = tpu.memref_slice %arg7[%dma_start3A_639, %dma_start3A_641, %dma_start3A_642] : memref<6x80x64xf32, #tpu.memory_space<vmem>> -> memref<1x80x64xf32, #tpu.memory_space<vmem>>
        %dma_start3A_644 = tpu.memref_squeeze %dma_start3A_643 : memref<1x80x64xf32, #tpu.memory_space<vmem>> -> memref<80x64xf32, #tpu.memory_space<vmem>>
        %dma_start3A_645 = arith.constant 0 : i32
        %dma_start3A_646 = tpu.memref_slice %arg5[%add3A_405, %dma_start3A_645] : memref<250x80xi32, #tpu.memory_space<vmem>> -> memref<1x80xi32, #tpu.memory_space<vmem>>
        %dma_start3A_647 = tpu.memref_squeeze %dma_start3A_646 : memref<1x80xi32, #tpu.memory_space<vmem>> -> memref<80xi32, #tpu.memory_space<vmem>>
        %dma_start3A_648 = arith.constant 0 : i32
        %dma_start3A_649 = arith.constant 0 : i32
        %dma_start3A_650 = tpu.memref_slice %arg2[%arg0, %dma_start3A_648, %dma_start3A_649] : memref<2x10000x64xf32, #tpu.memory_space<hbm>> -> memref<1x10000x64xf32, #tpu.memory_space<hbm>>
        %dma_start3A_651 = tpu.memref_squeeze %dma_start3A_650 : memref<1x10000x64xf32, #tpu.memory_space<hbm>> -> memref<10000x64xf32, #tpu.memory_space<hbm>>
        %dma_start3A_652 = arith.constant 0 : i32
        %dma_start3A_653 = arith.constant 0 : i32
        %dma_start3A_654 = tpu.memref_slice %dma_start3A_651[%dma_start3A_652, %dma_start3A_653] : memref<10000x64xf32, #tpu.memory_space<hbm>> -> memref<10000x64xf32, #tpu.memory_space<hbm>>
        %dma_start3A_655 = tpu.memref_slice %arg10[%dma_start3A_640] : memref<6x!tpu.dma_semaphore, #tpu.memory_space<semaphore_mem>> -> memref<1x!tpu.dma_semaphore, #tpu.memory_space<semaphore_mem>>
        %dma_start3A_656 = tpu.memref_squeeze %dma_start3A_655 : memref<1x!tpu.dma_semaphore, #tpu.memory_space<semaphore_mem>> -> memref<!tpu.dma_semaphore, #tpu.memory_space<semaphore_mem>>
        tpu.enqueue_indirect_dma source(%dma_start3A_654 : memref<10000x64xf32, #tpu.memory_space<hbm>>) target(%dma_start3A_644 : memref<80x64xf32, #tpu.memory_space<vmem>>) offsets(%dma_start3A_647 : memref<80xi32, #tpu.memory_space<vmem>>) semaphore(%dma_start3A_656 : memref<!tpu.dma_semaphore, #tpu.memory_space<semaphore_mem>>)
      } else {
      }
      %mul3A_410 = arith.constant 6 : i32
      %mul3A_411 = arith.muli %add3A_367, %mul3A_410 : i32
      %add3A_412 = arith.constant 1 : i32
      %add3A_413 = arith.addi %mul3A_411, %add3A_412 : i32
      %dma_wait3A_414 = arith.constant 1 : i32
      %dma_wait3A_415 = arith.constant 1 : i32
      %dma_wait3A_416 = arith.constant 0 : i32
      %dma_wait3A_417 = arith.constant 0 : i32
      %dma_wait3A_418 = tpu.memref_slice %arg7[%dma_wait3A_414, %dma_wait3A_416, %dma_wait3A_417] : memref<6x80x64xf32, #tpu.memory_space<vmem>> -> memref<1x80x64xf32, #tpu.memory_space<vmem>>
      %dma_wait3A_419 = tpu.memref_squeeze %dma_wait3A_418 : memref<1x80x64xf32, #tpu.memory_space<vmem>> -> memref<80x64xf32, #tpu.memory_space<vmem>>
      %dma_wait3A_420 = arith.constant 0 : i32
      %dma_wait3A_421 = tpu.memref_slice %arg5[%add3A_413, %dma_wait3A_420] : memref<250x80xi32, #tpu.memory_space<vmem>> -> memref<1x80xi32, #tpu.memory_space<vmem>>
      %dma_wait3A_422 = tpu.memref_squeeze %dma_wait3A_421 : memref<1x80xi32, #tpu.memory_space<vmem>> -> memref<80xi32, #tpu.memory_space<vmem>>
      %dma_wait3A_423 = arith.constant 0 : i32
      %dma_wait3A_424 = arith.constant 0 : i32
      %dma_wait3A_425 = tpu.memref_slice %arg2[%arg0, %dma_wait3A_423, %dma_wait3A_424] : memref<2x10000x64xf32, #tpu.memory_space<hbm>> -> memref<1x10000x64xf32, #tpu.memory_space<hbm>>
      %dma_wait3A_426 = tpu.memref_squeeze %dma_wait3A_425 : memref<1x10000x64xf32, #tpu.memory_space<hbm>> -> memref<10000x64xf32, #tpu.memory_space<hbm>>
      %dma_wait3A_427 = arith.constant 0 : i32
      %dma_wait3A_428 = arith.constant 0 : i32
      %dma_wait3A_429 = tpu.memref_slice %dma_wait3A_426[%dma_wait3A_427, %dma_wait3A_428] : memref<10000x64xf32, #tpu.memory_space<hbm>> -> memref<10000x64xf32, #tpu.memory_space<hbm>>
      %dma_wait3A_430 = tpu.memref_slice %arg10[%dma_wait3A_415] : memref<6x!tpu.dma_semaphore, #tpu.memory_space<semaphore_mem>> -> memref<1x!tpu.dma_semaphore, #tpu.memory_space<semaphore_mem>>
      %dma_wait3A_431 = tpu.memref_squeeze %dma_wait3A_430 : memref<1x!tpu.dma_semaphore, #tpu.memory_space<semaphore_mem>> -> memref<!tpu.dma_semaphore, #tpu.memory_space<semaphore_mem>>
      tpu.wait_indirect_dma semaphore(%dma_wait3A_431 : memref<!tpu.dma_semaphore, #tpu.memory_space<semaphore_mem>>) src(%dma_wait3A_429 : memref<10000x64xf32, #tpu.memory_space<hbm>>) dst(%dma_wait3A_419 : memref<80x64xf32, #tpu.memory_space<vmem>>)
      %dma_start3A_432 = arith.constant 1 : i32
      %dma_start3A_433 = arith.constant 1 : i32
      %dma_start3A_434 = arith.constant 0 : i32
      %dma_start3A_435 = arith.constant 0 : i32
      %dma_start3A_436 = tpu.memref_slice %arg7[%dma_start3A_432, %dma_start3A_434, %dma_start3A_435] : memref<6x80x64xf32, #tpu.memory_space<vmem>> -> memref<1x80x64xf32, #tpu.memory_space<vmem>>
      %dma_start3A_437 = tpu.memref_squeeze %dma_start3A_436 : memref<1x80x64xf32, #tpu.memory_space<vmem>> -> memref<80x64xf32, #tpu.memory_space<vmem>>
      %dma_start3A_438 = arith.constant 0 : i32
      %dma_start3A_439 = tpu.memref_slice %arg6[%add3A_413, %dma_start3A_438] : memref<250x80xi32, #tpu.memory_space<vmem>> -> memref<1x80xi32, #tpu.memory_space<vmem>>
      %dma_start3A_440 = tpu.memref_squeeze %dma_start3A_439 : memref<1x80xi32, #tpu.memory_space<vmem>> -> memref<80xi32, #tpu.memory_space<vmem>>
      %dma_start3A_441 = arith.constant 0 : i32
      %dma_start3A_442 = arith.constant 0 : i32
      %dma_start3A_443 = tpu.memref_slice %arg9[%dma_start3A_441, %dma_start3A_442] : memref<10000x64xf32, #tpu.memory_space<vmem_shared>> -> memref<10000x64xf32, #tpu.memory_space<vmem_shared>>
      %dma_start3A_444 = tpu.memref_slice %arg11[%dma_start3A_433] : memref<6x!tpu.dma_semaphore, #tpu.memory_space<semaphore_mem>> -> memref<1x!tpu.dma_semaphore, #tpu.memory_space<semaphore_mem>>
      %dma_start3A_445 = tpu.memref_squeeze %dma_start3A_444 : memref<1x!tpu.dma_semaphore, #tpu.memory_space<semaphore_mem>> -> memref<!tpu.dma_semaphore, #tpu.memory_space<semaphore_mem>>
      tpu.enqueue_indirect_dma source(%dma_start3A_437 : memref<80x64xf32, #tpu.memory_space<vmem>>) target(%dma_start3A_443 : memref<10000x64xf32, #tpu.memory_space<vmem_shared>>) offsets(%dma_start3A_440 : memref<80xi32, #tpu.memory_space<vmem>>) semaphore(%dma_start3A_445 : memref<!tpu.dma_semaphore, #tpu.memory_space<semaphore_mem>>) {add = true}
      %add3A_446 = arith.constant 6 : i32
      %add3A_447 = arith.addi %add3A_413, %add3A_446 : i32
      %lt3A_448 = arith.constant 250 : i32
      %lt3A_449 = arith.cmpi slt, %add3A_447, %lt3A_448 : i32
      %convert_element_type3A_450 = arith.extui %lt3A_449 : i1 to i32
      %cond3A_451 = arith.constant 0 : i32
      %cond3A_452 = arith.cmpi ne, %convert_element_type3A_450, %cond3A_451 : i32
      scf.if %cond3A_452 {
        %dma_wait3A_625 = arith.constant 1 : i32
        %dma_wait3A_626 = arith.constant 1 : i32
        %dma_wait3A_627 = arith.constant 0 : i32
        %dma_wait3A_628 = arith.constant 0 : i32
        %dma_wait3A_629 = tpu.memref_slice %arg7[%dma_wait3A_625, %dma_wait3A_627, %dma_wait3A_628] : memref<6x80x64xf32, #tpu.memory_space<vmem>> -> memref<1x80x64xf32, #tpu.memory_space<vmem>>
        %dma_wait3A_630 = tpu.memref_squeeze %dma_wait3A_629 : memref<1x80x64xf32, #tpu.memory_space<vmem>> -> memref<80x64xf32, #tpu.memory_space<vmem>>
        %dma_wait3A_631 = arith.constant 0 : i32
        %dma_wait3A_632 = tpu.memref_slice %arg6[%add3A_413, %dma_wait3A_631] : memref<250x80xi32, #tpu.memory_space<vmem>> -> memref<1x80xi32, #tpu.memory_space<vmem>>
        %dma_wait3A_633 = tpu.memref_squeeze %dma_wait3A_632 : memref<1x80xi32, #tpu.memory_space<vmem>> -> memref<80xi32, #tpu.memory_space<vmem>>
        %dma_wait3A_634 = arith.constant 0 : i32
        %dma_wait3A_635 = arith.constant 0 : i32
        %dma_wait3A_636 = tpu.memref_slice %arg9[%dma_wait3A_634, %dma_wait3A_635] : memref<10000x64xf32, #tpu.memory_space<vmem_shared>> -> memref<10000x64xf32, #tpu.memory_space<vmem_shared>>
        %dma_wait3A_637 = tpu.memref_slice %arg11[%dma_wait3A_626] : memref<6x!tpu.dma_semaphore, #tpu.memory_space<semaphore_mem>> -> memref<1x!tpu.dma_semaphore, #tpu.memory_space<semaphore_mem>>
        %dma_wait3A_638 = tpu.memref_squeeze %dma_wait3A_637 : memref<1x!tpu.dma_semaphore, #tpu.memory_space<semaphore_mem>> -> memref<!tpu.dma_semaphore, #tpu.memory_space<semaphore_mem>>
        tpu.wait_indirect_dma semaphore(%dma_wait3A_638 : memref<!tpu.dma_semaphore, #tpu.memory_space<semaphore_mem>>) src(%dma_wait3A_630 : memref<80x64xf32, #tpu.memory_space<vmem>>) dst(%dma_wait3A_636 : memref<10000x64xf32, #tpu.memory_space<vmem_shared>>)
        %dma_start3A_639 = arith.constant 1 : i32
        %dma_start3A_640 = arith.constant 1 : i32
        %dma_start3A_641 = arith.constant 0 : i32
        %dma_start3A_642 = arith.constant 0 : i32
        %dma_start3A_643 = tpu.memref_slice %arg7[%dma_start3A_639, %dma_start3A_641, %dma_start3A_642] : memref<6x80x64xf32, #tpu.memory_space<vmem>> -> memref<1x80x64xf32, #tpu.memory_space<vmem>>
        %dma_start3A_644 = tpu.memref_squeeze %dma_start3A_643 : memref<1x80x64xf32, #tpu.memory_space<vmem>> -> memref<80x64xf32, #tpu.memory_space<vmem>>
        %dma_start3A_645 = arith.constant 0 : i32
        %dma_start3A_646 = tpu.memref_slice %arg5[%add3A_447, %dma_start3A_645] : memref<250x80xi32, #tpu.memory_space<vmem>> -> memref<1x80xi32, #tpu.memory_space<vmem>>
        %dma_start3A_647 = tpu.memref_squeeze %dma_start3A_646 : memref<1x80xi32, #tpu.memory_space<vmem>> -> memref<80xi32, #tpu.memory_space<vmem>>
        %dma_start3A_648 = arith.constant 0 : i32
        %dma_start3A_649 = arith.constant 0 : i32
        %dma_start3A_650 = tpu.memref_slice %arg2[%arg0, %dma_start3A_648, %dma_start3A_649] : memref<2x10000x64xf32, #tpu.memory_space<hbm>> -> memref<1x10000x64xf32, #tpu.memory_space<hbm>>
        %dma_start3A_651 = tpu.memref_squeeze %dma_start3A_650 : memref<1x10000x64xf32, #tpu.memory_space<hbm>> -> memref<10000x64xf32, #tpu.memory_space<hbm>>
        %dma_start3A_652 = arith.constant 0 : i32
        %dma_start3A_653 = arith.constant 0 : i32
        %dma_start3A_654 = tpu.memref_slice %dma_start3A_651[%dma_start3A_652, %dma_start3A_653] : memref<10000x64xf32, #tpu.memory_space<hbm>> -> memref<10000x64xf32, #tpu.memory_space<hbm>>
        %dma_start3A_655 = tpu.memref_slice %arg10[%dma_start3A_640] : memref<6x!tpu.dma_semaphore, #tpu.memory_space<semaphore_mem>> -> memref<1x!tpu.dma_semaphore, #tpu.memory_space<semaphore_mem>>
        %dma_start3A_656 = tpu.memref_squeeze %dma_start3A_655 : memref<1x!tpu.dma_semaphore, #tpu.memory_space<semaphore_mem>> -> memref<!tpu.dma_semaphore, #tpu.memory_space<semaphore_mem>>
        tpu.enqueue_indirect_dma source(%dma_start3A_654 : memref<10000x64xf32, #tpu.memory_space<hbm>>) target(%dma_start3A_644 : memref<80x64xf32, #tpu.memory_space<vmem>>) offsets(%dma_start3A_647 : memref<80xi32, #tpu.memory_space<vmem>>) semaphore(%dma_start3A_656 : memref<!tpu.dma_semaphore, #tpu.memory_space<semaphore_mem>>)
      } else {
      }
      %mul3A_453 = arith.constant 6 : i32
      %mul3A_454 = arith.muli %add3A_367, %mul3A_453 : i32
      %add3A_455 = arith.constant 2 : i32
      %add3A_456 = arith.addi %mul3A_454, %add3A_455 : i32
      %dma_wait3A_457 = arith.constant 2 : i32
      %dma_wait3A_458 = arith.constant 2 : i32
      %dma_wait3A_459 = arith.constant 0 : i32
      %dma_wait3A_460 = arith.constant 0 : i32
      %dma_wait3A_461 = tpu.memref_slice %arg7[%dma_wait3A_457, %dma_wait3A_459, %dma_wait3A_460] : memref<6x80x64xf32, #tpu.memory_space<vmem>> -> memref<1x80x64xf32, #tpu.memory_space<vmem>>
      %dma_wait3A_462 = tpu.memref_squeeze %dma_wait3A_461 : memref<1x80x64xf32, #tpu.memory_space<vmem>> -> memref<80x64xf32, #tpu.memory_space<vmem>>
      %dma_wait3A_463 = arith.constant 0 : i32
      %dma_wait3A_464 = tpu.memref_slice %arg5[%add3A_456, %dma_wait3A_463] : memref<250x80xi32, #tpu.memory_space<vmem>> -> memref<1x80xi32, #tpu.memory_space<vmem>>
      %dma_wait3A_465 = tpu.memref_squeeze %dma_wait3A_464 : memref<1x80xi32, #tpu.memory_space<vmem>> -> memref<80xi32, #tpu.memory_space<vmem>>
      %dma_wait3A_466 = arith.constant 0 : i32
      %dma_wait3A_467 = arith.constant 0 : i32
      %dma_wait3A_468 = tpu.memref_slice %arg2[%arg0, %dma_wait3A_466, %dma_wait3A_467] : memref<2x10000x64xf32, #tpu.memory_space<hbm>> -> memref<1x10000x64xf32, #tpu.memory_space<hbm>>
      %dma_wait3A_469 = tpu.memref_squeeze %dma_wait3A_468 : memref<1x10000x64xf32, #tpu.memory_space<hbm>> -> memref<10000x64xf32, #tpu.memory_space<hbm>>
      %dma_wait3A_470 = arith.constant 0 : i32
      %dma_wait3A_471 = arith.constant 0 : i32
      %dma_wait3A_472 = tpu.memref_slice %dma_wait3A_469[%dma_wait3A_470, %dma_wait3A_471] : memref<10000x64xf32, #tpu.memory_space<hbm>> -> memref<10000x64xf32, #tpu.memory_space<hbm>>
      %dma_wait3A_473 = tpu.memref_slice %arg10[%dma_wait3A_458] : memref<6x!tpu.dma_semaphore, #tpu.memory_space<semaphore_mem>> -> memref<1x!tpu.dma_semaphore, #tpu.memory_space<semaphore_mem>>
      %dma_wait3A_474 = tpu.memref_squeeze %dma_wait3A_473 : memref<1x!tpu.dma_semaphore, #tpu.memory_space<semaphore_mem>> -> memref<!tpu.dma_semaphore, #tpu.memory_space<semaphore_mem>>
      tpu.wait_indirect_dma semaphore(%dma_wait3A_474 : memref<!tpu.dma_semaphore, #tpu.memory_space<semaphore_mem>>) src(%dma_wait3A_472 : memref<10000x64xf32, #tpu.memory_space<hbm>>) dst(%dma_wait3A_462 : memref<80x64xf32, #tpu.memory_space<vmem>>)
      %dma_start3A_475 = arith.constant 2 : i32
      %dma_start3A_476 = arith.constant 2 : i32
      %dma_start3A_477 = arith.constant 0 : i32
      %dma_start3A_478 = arith.constant 0 : i32
      %dma_start3A_479 = tpu.memref_slice %arg7[%dma_start3A_475, %dma_start3A_477, %dma_start3A_478] : memref<6x80x64xf32, #tpu.memory_space<vmem>> -> memref<1x80x64xf32, #tpu.memory_space<vmem>>
      %dma_start3A_480 = tpu.memref_squeeze %dma_start3A_479 : memref<1x80x64xf32, #tpu.memory_space<vmem>> -> memref<80x64xf32, #tpu.memory_space<vmem>>
      %dma_start3A_481 = arith.constant 0 : i32
      %dma_start3A_482 = tpu.memref_slice %arg6[%add3A_456, %dma_start3A_481] : memref<250x80xi32, #tpu.memory_space<vmem>> -> memref<1x80xi32, #tpu.memory_space<vmem>>
      %dma_start3A_483 = tpu.memref_squeeze %dma_start3A_482 : memref<1x80xi32, #tpu.memory_space<vmem>> -> memref<80xi32, #tpu.memory_space<vmem>>
      %dma_start3A_484 = arith.constant 0 : i32
      %dma_start3A_485 = arith.constant 0 : i32
      %dma_start3A_486 = tpu.memref_slice %arg9[%dma_start3A_484, %dma_start3A_485] : memref<10000x64xf32, #tpu.memory_space<vmem_shared>> -> memref<10000x64xf32, #tpu.memory_space<vmem_shared>>
      %dma_start3A_487 = tpu.memref_slice %arg11[%dma_start3A_476] : memref<6x!tpu.dma_semaphore, #tpu.memory_space<semaphore_mem>> -> memref<1x!tpu.dma_semaphore, #tpu.memory_space<semaphore_mem>>
      %dma_start3A_488 = tpu.memref_squeeze %dma_start3A_487 : memref<1x!tpu.dma_semaphore, #tpu.memory_space<semaphore_mem>> -> memref<!tpu.dma_semaphore, #tpu.memory_space<semaphore_mem>>
      tpu.enqueue_indirect_dma source(%dma_start3A_480 : memref<80x64xf32, #tpu.memory_space<vmem>>) target(%dma_start3A_486 : memref<10000x64xf32, #tpu.memory_space<vmem_shared>>) offsets(%dma_start3A_483 : memref<80xi32, #tpu.memory_space<vmem>>) semaphore(%dma_start3A_488 : memref<!tpu.dma_semaphore, #tpu.memory_space<semaphore_mem>>) {add = true}
      %add3A_489 = arith.constant 6 : i32
      %add3A_490 = arith.addi %add3A_456, %add3A_489 : i32
      %lt3A_491 = arith.constant 250 : i32
      %lt3A_492 = arith.cmpi slt, %add3A_490, %lt3A_491 : i32
      %convert_element_type3A_493 = arith.extui %lt3A_492 : i1 to i32
      %cond3A_494 = arith.constant 0 : i32
      %cond3A_495 = arith.cmpi ne, %convert_element_type3A_493, %cond3A_494 : i32
      scf.if %cond3A_495 {
        %dma_wait3A_625 = arith.constant 2 : i32
        %dma_wait3A_626 = arith.constant 2 : i32
        %dma_wait3A_627 = arith.constant 0 : i32
        %dma_wait3A_628 = arith.constant 0 : i32
        %dma_wait3A_629 = tpu.memref_slice %arg7[%dma_wait3A_625, %dma_wait3A_627, %dma_wait3A_628] : memref<6x80x64xf32, #tpu.memory_space<vmem>> -> memref<1x80x64xf32, #tpu.memory_space<vmem>>
        %dma_wait3A_630 = tpu.memref_squeeze %dma_wait3A_629 : memref<1x80x64xf32, #tpu.memory_space<vmem>> -> memref<80x64xf32, #tpu.memory_space<vmem>>
        %dma_wait3A_631 = arith.constant 0 : i32
        %dma_wait3A_632 = tpu.memref_slice %arg6[%add3A_456, %dma_wait3A_631] : memref<250x80xi32, #tpu.memory_space<vmem>> -> memref<1x80xi32, #tpu.memory_space<vmem>>
        %dma_wait3A_633 = tpu.memref_squeeze %dma_wait3A_632 : memref<1x80xi32, #tpu.memory_space<vmem>> -> memref<80xi32, #tpu.memory_space<vmem>>
        %dma_wait3A_634 = arith.constant 0 : i32
        %dma_wait3A_635 = arith.constant 0 : i32
        %dma_wait3A_636 = tpu.memref_slice %arg9[%dma_wait3A_634, %dma_wait3A_635] : memref<10000x64xf32, #tpu.memory_space<vmem_shared>> -> memref<10000x64xf32, #tpu.memory_space<vmem_shared>>
        %dma_wait3A_637 = tpu.memref_slice %arg11[%dma_wait3A_626] : memref<6x!tpu.dma_semaphore, #tpu.memory_space<semaphore_mem>> -> memref<1x!tpu.dma_semaphore, #tpu.memory_space<semaphore_mem>>
        %dma_wait3A_638 = tpu.memref_squeeze %dma_wait3A_637 : memref<1x!tpu.dma_semaphore, #tpu.memory_space<semaphore_mem>> -> memref<!tpu.dma_semaphore, #tpu.memory_space<semaphore_mem>>
        tpu.wait_indirect_dma semaphore(%dma_wait3A_638 : memref<!tpu.dma_semaphore, #tpu.memory_space<semaphore_mem>>) src(%dma_wait3A_630 : memref<80x64xf32, #tpu.memory_space<vmem>>) dst(%dma_wait3A_636 : memref<10000x64xf32, #tpu.memory_space<vmem_shared>>)
        %dma_start3A_639 = arith.constant 2 : i32
        %dma_start3A_640 = arith.constant 2 : i32
        %dma_start3A_641 = arith.constant 0 : i32
        %dma_start3A_642 = arith.constant 0 : i32
        %dma_start3A_643 = tpu.memref_slice %arg7[%dma_start3A_639, %dma_start3A_641, %dma_start3A_642] : memref<6x80x64xf32, #tpu.memory_space<vmem>> -> memref<1x80x64xf32, #tpu.memory_space<vmem>>
        %dma_start3A_644 = tpu.memref_squeeze %dma_start3A_643 : memref<1x80x64xf32, #tpu.memory_space<vmem>> -> memref<80x64xf32, #tpu.memory_space<vmem>>
        %dma_start3A_645 = arith.constant 0 : i32
        %dma_start3A_646 = tpu.memref_slice %arg5[%add3A_490, %dma_start3A_645] : memref<250x80xi32, #tpu.memory_space<vmem>> -> memref<1x80xi32, #tpu.memory_space<vmem>>
        %dma_start3A_647 = tpu.memref_squeeze %dma_start3A_646 : memref<1x80xi32, #tpu.memory_space<vmem>> -> memref<80xi32, #tpu.memory_space<vmem>>
        %dma_start3A_648 = arith.constant 0 : i32
        %dma_start3A_649 = arith.constant 0 : i32
        %dma_start3A_650 = tpu.memref_slice %arg2[%arg0, %dma_start3A_648, %dma_start3A_649] : memref<2x10000x64xf32, #tpu.memory_space<hbm>> -> memref<1x10000x64xf32, #tpu.memory_space<hbm>>
        %dma_start3A_651 = tpu.memref_squeeze %dma_start3A_650 : memref<1x10000x64xf32, #tpu.memory_space<hbm>> -> memref<10000x64xf32, #tpu.memory_space<hbm>>
        %dma_start3A_652 = arith.constant 0 : i32
        %dma_start3A_653 = arith.constant 0 : i32
        %dma_start3A_654 = tpu.memref_slice %dma_start3A_651[%dma_start3A_652, %dma_start3A_653] : memref<10000x64xf32, #tpu.memory_space<hbm>> -> memref<10000x64xf32, #tpu.memory_space<hbm>>
        %dma_start3A_655 = tpu.memref_slice %arg10[%dma_start3A_640] : memref<6x!tpu.dma_semaphore, #tpu.memory_space<semaphore_mem>> -> memref<1x!tpu.dma_semaphore, #tpu.memory_space<semaphore_mem>>
        %dma_start3A_656 = tpu.memref_squeeze %dma_start3A_655 : memref<1x!tpu.dma_semaphore, #tpu.memory_space<semaphore_mem>> -> memref<!tpu.dma_semaphore, #tpu.memory_space<semaphore_mem>>
        tpu.enqueue_indirect_dma source(%dma_start3A_654 : memref<10000x64xf32, #tpu.memory_space<hbm>>) target(%dma_start3A_644 : memref<80x64xf32, #tpu.memory_space<vmem>>) offsets(%dma_start3A_647 : memref<80xi32, #tpu.memory_space<vmem>>) semaphore(%dma_start3A_656 : memref<!tpu.dma_semaphore, #tpu.memory_space<semaphore_mem>>)
      } else {
      }
      %mul3A_496 = arith.constant 6 : i32
      %mul3A_497 = arith.muli %add3A_367, %mul3A_496 : i32
      %add3A_498 = arith.constant 3 : i32
      %add3A_499 = arith.addi %mul3A_497, %add3A_498 : i32
      %dma_wait3A_500 = arith.constant 3 : i32
      %dma_wait3A_501 = arith.constant 3 : i32
      %dma_wait3A_502 = arith.constant 0 : i32
      %dma_wait3A_503 = arith.constant 0 : i32
      %dma_wait3A_504 = tpu.memref_slice %arg7[%dma_wait3A_500, %dma_wait3A_502, %dma_wait3A_503] : memref<6x80x64xf32, #tpu.memory_space<vmem>> -> memref<1x80x64xf32, #tpu.memory_space<vmem>>
      %dma_wait3A_505 = tpu.memref_squeeze %dma_wait3A_504 : memref<1x80x64xf32, #tpu.memory_space<vmem>> -> memref<80x64xf32, #tpu.memory_space<vmem>>
      %dma_wait3A_506 = arith.constant 0 : i32
      %dma_wait3A_507 = tpu.memref_slice %arg5[%add3A_499, %dma_wait3A_506] : memref<250x80xi32, #tpu.memory_space<vmem>> -> memref<1x80xi32, #tpu.memory_space<vmem>>
      %dma_wait3A_508 = tpu.memref_squeeze %dma_wait3A_507 : memref<1x80xi32, #tpu.memory_space<vmem>> -> memref<80xi32, #tpu.memory_space<vmem>>
      %dma_wait3A_509 = arith.constant 0 : i32
      %dma_wait3A_510 = arith.constant 0 : i32
      %dma_wait3A_511 = tpu.memref_slice %arg2[%arg0, %dma_wait3A_509, %dma_wait3A_510] : memref<2x10000x64xf32, #tpu.memory_space<hbm>> -> memref<1x10000x64xf32, #tpu.memory_space<hbm>>
      %dma_wait3A_512 = tpu.memref_squeeze %dma_wait3A_511 : memref<1x10000x64xf32, #tpu.memory_space<hbm>> -> memref<10000x64xf32, #tpu.memory_space<hbm>>
      %dma_wait3A_513 = arith.constant 0 : i32
      %dma_wait3A_514 = arith.constant 0 : i32
      %dma_wait3A_515 = tpu.memref_slice %dma_wait3A_512[%dma_wait3A_513, %dma_wait3A_514] : memref<10000x64xf32, #tpu.memory_space<hbm>> -> memref<10000x64xf32, #tpu.memory_space<hbm>>
      %dma_wait3A_516 = tpu.memref_slice %arg10[%dma_wait3A_501] : memref<6x!tpu.dma_semaphore, #tpu.memory_space<semaphore_mem>> -> memref<1x!tpu.dma_semaphore, #tpu.memory_space<semaphore_mem>>
      %dma_wait3A_517 = tpu.memref_squeeze %dma_wait3A_516 : memref<1x!tpu.dma_semaphore, #tpu.memory_space<semaphore_mem>> -> memref<!tpu.dma_semaphore, #tpu.memory_space<semaphore_mem>>
      tpu.wait_indirect_dma semaphore(%dma_wait3A_517 : memref<!tpu.dma_semaphore, #tpu.memory_space<semaphore_mem>>) src(%dma_wait3A_515 : memref<10000x64xf32, #tpu.memory_space<hbm>>) dst(%dma_wait3A_505 : memref<80x64xf32, #tpu.memory_space<vmem>>)
      %dma_start3A_518 = arith.constant 3 : i32
      %dma_start3A_519 = arith.constant 3 : i32
      %dma_start3A_520 = arith.constant 0 : i32
      %dma_start3A_521 = arith.constant 0 : i32
      %dma_start3A_522 = tpu.memref_slice %arg7[%dma_start3A_518, %dma_start3A_520, %dma_start3A_521] : memref<6x80x64xf32, #tpu.memory_space<vmem>> -> memref<1x80x64xf32, #tpu.memory_space<vmem>>
      %dma_start3A_523 = tpu.memref_squeeze %dma_start3A_522 : memref<1x80x64xf32, #tpu.memory_space<vmem>> -> memref<80x64xf32, #tpu.memory_space<vmem>>
      %dma_start3A_524 = arith.constant 0 : i32
      %dma_start3A_525 = tpu.memref_slice %arg6[%add3A_499, %dma_start3A_524] : memref<250x80xi32, #tpu.memory_space<vmem>> -> memref<1x80xi32, #tpu.memory_space<vmem>>
      %dma_start3A_526 = tpu.memref_squeeze %dma_start3A_525 : memref<1x80xi32, #tpu.memory_space<vmem>> -> memref<80xi32, #tpu.memory_space<vmem>>
      %dma_start3A_527 = arith.constant 0 : i32
      %dma_start3A_528 = arith.constant 0 : i32
      %dma_start3A_529 = tpu.memref_slice %arg9[%dma_start3A_527, %dma_start3A_528] : memref<10000x64xf32, #tpu.memory_space<vmem_shared>> -> memref<10000x64xf32, #tpu.memory_space<vmem_shared>>
      %dma_start3A_530 = tpu.memref_slice %arg11[%dma_start3A_519] : memref<6x!tpu.dma_semaphore, #tpu.memory_space<semaphore_mem>> -> memref<1x!tpu.dma_semaphore, #tpu.memory_space<semaphore_mem>>
      %dma_start3A_531 = tpu.memref_squeeze %dma_start3A_530 : memref<1x!tpu.dma_semaphore, #tpu.memory_space<semaphore_mem>> -> memref<!tpu.dma_semaphore, #tpu.memory_space<semaphore_mem>>
      tpu.enqueue_indirect_dma source(%dma_start3A_523 : memref<80x64xf32, #tpu.memory_space<vmem>>) target(%dma_start3A_529 : memref<10000x64xf32, #tpu.memory_space<vmem_shared>>) offsets(%dma_start3A_526 : memref<80xi32, #tpu.memory_space<vmem>>) semaphore(%dma_start3A_531 : memref<!tpu.dma_semaphore, #tpu.memory_space<semaphore_mem>>) {add = true}
      %add3A_532 = arith.constant 6 : i32
      %add3A_533 = arith.addi %add3A_499, %add3A_532 : i32
      %lt3A_534 = arith.constant 250 : i32
      %lt3A_535 = arith.cmpi slt, %add3A_533, %lt3A_534 : i32
      %convert_element_type3A_536 = arith.extui %lt3A_535 : i1 to i32
      %cond3A_537 = arith.constant 0 : i32
      %cond3A_538 = arith.cmpi ne, %convert_element_type3A_536, %cond3A_537 : i32
      scf.if %cond3A_538 {
        %dma_wait3A_625 = arith.constant 3 : i32
        %dma_wait3A_626 = arith.constant 3 : i32
        %dma_wait3A_627 = arith.constant 0 : i32
        %dma_wait3A_628 = arith.constant 0 : i32
        %dma_wait3A_629 = tpu.memref_slice %arg7[%dma_wait3A_625, %dma_wait3A_627, %dma_wait3A_628] : memref<6x80x64xf32, #tpu.memory_space<vmem>> -> memref<1x80x64xf32, #tpu.memory_space<vmem>>
        %dma_wait3A_630 = tpu.memref_squeeze %dma_wait3A_629 : memref<1x80x64xf32, #tpu.memory_space<vmem>> -> memref<80x64xf32, #tpu.memory_space<vmem>>
        %dma_wait3A_631 = arith.constant 0 : i32
        %dma_wait3A_632 = tpu.memref_slice %arg6[%add3A_499, %dma_wait3A_631] : memref<250x80xi32, #tpu.memory_space<vmem>> -> memref<1x80xi32, #tpu.memory_space<vmem>>
        %dma_wait3A_633 = tpu.memref_squeeze %dma_wait3A_632 : memref<1x80xi32, #tpu.memory_space<vmem>> -> memref<80xi32, #tpu.memory_space<vmem>>
        %dma_wait3A_634 = arith.constant 0 : i32
        %dma_wait3A_635 = arith.constant 0 : i32
        %dma_wait3A_636 = tpu.memref_slice %arg9[%dma_wait3A_634, %dma_wait3A_635] : memref<10000x64xf32, #tpu.memory_space<vmem_shared>> -> memref<10000x64xf32, #tpu.memory_space<vmem_shared>>
        %dma_wait3A_637 = tpu.memref_slice %arg11[%dma_wait3A_626] : memref<6x!tpu.dma_semaphore, #tpu.memory_space<semaphore_mem>> -> memref<1x!tpu.dma_semaphore, #tpu.memory_space<semaphore_mem>>
        %dma_wait3A_638 = tpu.memref_squeeze %dma_wait3A_637 : memref<1x!tpu.dma_semaphore, #tpu.memory_space<semaphore_mem>> -> memref<!tpu.dma_semaphore, #tpu.memory_space<semaphore_mem>>
        tpu.wait_indirect_dma semaphore(%dma_wait3A_638 : memref<!tpu.dma_semaphore, #tpu.memory_space<semaphore_mem>>) src(%dma_wait3A_630 : memref<80x64xf32, #tpu.memory_space<vmem>>) dst(%dma_wait3A_636 : memref<10000x64xf32, #tpu.memory_space<vmem_shared>>)
        %dma_start3A_639 = arith.constant 3 : i32
        %dma_start3A_640 = arith.constant 3 : i32
        %dma_start3A_641 = arith.constant 0 : i32
        %dma_start3A_642 = arith.constant 0 : i32
        %dma_start3A_643 = tpu.memref_slice %arg7[%dma_start3A_639, %dma_start3A_641, %dma_start3A_642] : memref<6x80x64xf32, #tpu.memory_space<vmem>> -> memref<1x80x64xf32, #tpu.memory_space<vmem>>
        %dma_start3A_644 = tpu.memref_squeeze %dma_start3A_643 : memref<1x80x64xf32, #tpu.memory_space<vmem>> -> memref<80x64xf32, #tpu.memory_space<vmem>>
        %dma_start3A_645 = arith.constant 0 : i32
        %dma_start3A_646 = tpu.memref_slice %arg5[%add3A_533, %dma_start3A_645] : memref<250x80xi32, #tpu.memory_space<vmem>> -> memref<1x80xi32, #tpu.memory_space<vmem>>
        %dma_start3A_647 = tpu.memref_squeeze %dma_start3A_646 : memref<1x80xi32, #tpu.memory_space<vmem>> -> memref<80xi32, #tpu.memory_space<vmem>>
        %dma_start3A_648 = arith.constant 0 : i32
        %dma_start3A_649 = arith.constant 0 : i32
        %dma_start3A_650 = tpu.memref_slice %arg2[%arg0, %dma_start3A_648, %dma_start3A_649] : memref<2x10000x64xf32, #tpu.memory_space<hbm>> -> memref<1x10000x64xf32, #tpu.memory_space<hbm>>
        %dma_start3A_651 = tpu.memref_squeeze %dma_start3A_650 : memref<1x10000x64xf32, #tpu.memory_space<hbm>> -> memref<10000x64xf32, #tpu.memory_space<hbm>>
        %dma_start3A_652 = arith.constant 0 : i32
        %dma_start3A_653 = arith.constant 0 : i32
        %dma_start3A_654 = tpu.memref_slice %dma_start3A_651[%dma_start3A_652, %dma_start3A_653] : memref<10000x64xf32, #tpu.memory_space<hbm>> -> memref<10000x64xf32, #tpu.memory_space<hbm>>
        %dma_start3A_655 = tpu.memref_slice %arg10[%dma_start3A_640] : memref<6x!tpu.dma_semaphore, #tpu.memory_space<semaphore_mem>> -> memref<1x!tpu.dma_semaphore, #tpu.memory_space<semaphore_mem>>
        %dma_start3A_656 = tpu.memref_squeeze %dma_start3A_655 : memref<1x!tpu.dma_semaphore, #tpu.memory_space<semaphore_mem>> -> memref<!tpu.dma_semaphore, #tpu.memory_space<semaphore_mem>>
        tpu.enqueue_indirect_dma source(%dma_start3A_654 : memref<10000x64xf32, #tpu.memory_space<hbm>>) target(%dma_start3A_644 : memref<80x64xf32, #tpu.memory_space<vmem>>) offsets(%dma_start3A_647 : memref<80xi32, #tpu.memory_space<vmem>>) semaphore(%dma_start3A_656 : memref<!tpu.dma_semaphore, #tpu.memory_space<semaphore_mem>>)
      } else {
      }
      %mul3A_539 = arith.constant 6 : i32
      %mul3A_540 = arith.muli %add3A_367, %mul3A_539 : i32
      %add3A_541 = arith.constant 4 : i32
      %add3A_542 = arith.addi %mul3A_540, %add3A_541 : i32
      %dma_wait3A_543 = arith.constant 4 : i32
      %dma_wait3A_544 = arith.constant 4 : i32
      %dma_wait3A_545 = arith.constant 0 : i32
      %dma_wait3A_546 = arith.constant 0 : i32
      %dma_wait3A_547 = tpu.memref_slice %arg7[%dma_wait3A_543, %dma_wait3A_545, %dma_wait3A_546] : memref<6x80x64xf32, #tpu.memory_space<vmem>> -> memref<1x80x64xf32, #tpu.memory_space<vmem>>
      %dma_wait3A_548 = tpu.memref_squeeze %dma_wait3A_547 : memref<1x80x64xf32, #tpu.memory_space<vmem>> -> memref<80x64xf32, #tpu.memory_space<vmem>>
      %dma_wait3A_549 = arith.constant 0 : i32
      %dma_wait3A_550 = tpu.memref_slice %arg5[%add3A_542, %dma_wait3A_549] : memref<250x80xi32, #tpu.memory_space<vmem>> -> memref<1x80xi32, #tpu.memory_space<vmem>>
      %dma_wait3A_551 = tpu.memref_squeeze %dma_wait3A_550 : memref<1x80xi32, #tpu.memory_space<vmem>> -> memref<80xi32, #tpu.memory_space<vmem>>
      %dma_wait3A_552 = arith.constant 0 : i32
      %dma_wait3A_553 = arith.constant 0 : i32
      %dma_wait3A_554 = tpu.memref_slice %arg2[%arg0, %dma_wait3A_552, %dma_wait3A_553] : memref<2x10000x64xf32, #tpu.memory_space<hbm>> -> memref<1x10000x64xf32, #tpu.memory_space<hbm>>
      %dma_wait3A_555 = tpu.memref_squeeze %dma_wait3A_554 : memref<1x10000x64xf32, #tpu.memory_space<hbm>> -> memref<10000x64xf32, #tpu.memory_space<hbm>>
      %dma_wait3A_556 = arith.constant 0 : i32
      %dma_wait3A_557 = arith.constant 0 : i32
      %dma_wait3A_558 = tpu.memref_slice %dma_wait3A_555[%dma_wait3A_556, %dma_wait3A_557] : memref<10000x64xf32, #tpu.memory_space<hbm>> -> memref<10000x64xf32, #tpu.memory_space<hbm>>
      %dma_wait3A_559 = tpu.memref_slice %arg10[%dma_wait3A_544] : memref<6x!tpu.dma_semaphore, #tpu.memory_space<semaphore_mem>> -> memref<1x!tpu.dma_semaphore, #tpu.memory_space<semaphore_mem>>
      %dma_wait3A_560 = tpu.memref_squeeze %dma_wait3A_559 : memref<1x!tpu.dma_semaphore, #tpu.memory_space<semaphore_mem>> -> memref<!tpu.dma_semaphore, #tpu.memory_space<semaphore_mem>>
      tpu.wait_indirect_dma semaphore(%dma_wait3A_560 : memref<!tpu.dma_semaphore, #tpu.memory_space<semaphore_mem>>) src(%dma_wait3A_558 : memref<10000x64xf32, #tpu.memory_space<hbm>>) dst(%dma_wait3A_548 : memref<80x64xf32, #tpu.memory_space<vmem>>)
      %dma_start3A_561 = arith.constant 4 : i32
      %dma_start3A_562 = arith.constant 4 : i32
      %dma_start3A_563 = arith.constant 0 : i32
      %dma_start3A_564 = arith.constant 0 : i32
      %dma_start3A_565 = tpu.memref_slice %arg7[%dma_start3A_561, %dma_start3A_563, %dma_start3A_564] : memref<6x80x64xf32, #tpu.memory_space<vmem>> -> memref<1x80x64xf32, #tpu.memory_space<vmem>>
      %dma_start3A_566 = tpu.memref_squeeze %dma_start3A_565 : memref<1x80x64xf32, #tpu.memory_space<vmem>> -> memref<80x64xf32, #tpu.memory_space<vmem>>
      %dma_start3A_567 = arith.constant 0 : i32
      %dma_start3A_568 = tpu.memref_slice %arg6[%add3A_542, %dma_start3A_567] : memref<250x80xi32, #tpu.memory_space<vmem>> -> memref<1x80xi32, #tpu.memory_space<vmem>>
      %dma_start3A_569 = tpu.memref_squeeze %dma_start3A_568 : memref<1x80xi32, #tpu.memory_space<vmem>> -> memref<80xi32, #tpu.memory_space<vmem>>
      %dma_start3A_570 = arith.constant 0 : i32
      %dma_start3A_571 = arith.constant 0 : i32
      %dma_start3A_572 = tpu.memref_slice %arg9[%dma_start3A_570, %dma_start3A_571] : memref<10000x64xf32, #tpu.memory_space<vmem_shared>> -> memref<10000x64xf32, #tpu.memory_space<vmem_shared>>
      %dma_start3A_573 = tpu.memref_slice %arg11[%dma_start3A_562] : memref<6x!tpu.dma_semaphore, #tpu.memory_space<semaphore_mem>> -> memref<1x!tpu.dma_semaphore, #tpu.memory_space<semaphore_mem>>
      %dma_start3A_574 = tpu.memref_squeeze %dma_start3A_573 : memref<1x!tpu.dma_semaphore, #tpu.memory_space<semaphore_mem>> -> memref<!tpu.dma_semaphore, #tpu.memory_space<semaphore_mem>>
      tpu.enqueue_indirect_dma source(%dma_start3A_566 : memref<80x64xf32, #tpu.memory_space<vmem>>) target(%dma_start3A_572 : memref<10000x64xf32, #tpu.memory_space<vmem_shared>>) offsets(%dma_start3A_569 : memref<80xi32, #tpu.memory_space<vmem>>) semaphore(%dma_start3A_574 : memref<!tpu.dma_semaphore, #tpu.memory_space<semaphore_mem>>) {add = true}
      %add3A_575 = arith.constant 6 : i32
      %add3A_576 = arith.addi %add3A_542, %add3A_575 : i32
      %lt3A_577 = arith.constant 250 : i32
      %lt3A_578 = arith.cmpi slt, %add3A_576, %lt3A_577 : i32
      %convert_element_type3A_579 = arith.extui %lt3A_578 : i1 to i32
      %cond3A_580 = arith.constant 0 : i32
      %cond3A_581 = arith.cmpi ne, %convert_element_type3A_579, %cond3A_580 : i32
      scf.if %cond3A_581 {
        %dma_wait3A_625 = arith.constant 4 : i32
        %dma_wait3A_626 = arith.constant 4 : i32
        %dma_wait3A_627 = arith.constant 0 : i32
        %dma_wait3A_628 = arith.constant 0 : i32
        %dma_wait3A_629 = tpu.memref_slice %arg7[%dma_wait3A_625, %dma_wait3A_627, %dma_wait3A_628] : memref<6x80x64xf32, #tpu.memory_space<vmem>> -> memref<1x80x64xf32, #tpu.memory_space<vmem>>
        %dma_wait3A_630 = tpu.memref_squeeze %dma_wait3A_629 : memref<1x80x64xf32, #tpu.memory_space<vmem>> -> memref<80x64xf32, #tpu.memory_space<vmem>>
        %dma_wait3A_631 = arith.constant 0 : i32
        %dma_wait3A_632 = tpu.memref_slice %arg6[%add3A_542, %dma_wait3A_631] : memref<250x80xi32, #tpu.memory_space<vmem>> -> memref<1x80xi32, #tpu.memory_space<vmem>>
        %dma_wait3A_633 = tpu.memref_squeeze %dma_wait3A_632 : memref<1x80xi32, #tpu.memory_space<vmem>> -> memref<80xi32, #tpu.memory_space<vmem>>
        %dma_wait3A_634 = arith.constant 0 : i32
        %dma_wait3A_635 = arith.constant 0 : i32
        %dma_wait3A_636 = tpu.memref_slice %arg9[%dma_wait3A_634, %dma_wait3A_635] : memref<10000x64xf32, #tpu.memory_space<vmem_shared>> -> memref<10000x64xf32, #tpu.memory_space<vmem_shared>>
        %dma_wait3A_637 = tpu.memref_slice %arg11[%dma_wait3A_626] : memref<6x!tpu.dma_semaphore, #tpu.memory_space<semaphore_mem>> -> memref<1x!tpu.dma_semaphore, #tpu.memory_space<semaphore_mem>>
        %dma_wait3A_638 = tpu.memref_squeeze %dma_wait3A_637 : memref<1x!tpu.dma_semaphore, #tpu.memory_space<semaphore_mem>> -> memref<!tpu.dma_semaphore, #tpu.memory_space<semaphore_mem>>
        tpu.wait_indirect_dma semaphore(%dma_wait3A_638 : memref<!tpu.dma_semaphore, #tpu.memory_space<semaphore_mem>>) src(%dma_wait3A_630 : memref<80x64xf32, #tpu.memory_space<vmem>>) dst(%dma_wait3A_636 : memref<10000x64xf32, #tpu.memory_space<vmem_shared>>)
        %dma_start3A_639 = arith.constant 4 : i32
        %dma_start3A_640 = arith.constant 4 : i32
        %dma_start3A_641 = arith.constant 0 : i32
        %dma_start3A_642 = arith.constant 0 : i32
        %dma_start3A_643 = tpu.memref_slice %arg7[%dma_start3A_639, %dma_start3A_641, %dma_start3A_642] : memref<6x80x64xf32, #tpu.memory_space<vmem>> -> memref<1x80x64xf32, #tpu.memory_space<vmem>>
        %dma_start3A_644 = tpu.memref_squeeze %dma_start3A_643 : memref<1x80x64xf32, #tpu.memory_space<vmem>> -> memref<80x64xf32, #tpu.memory_space<vmem>>
        %dma_start3A_645 = arith.constant 0 : i32
        %dma_start3A_646 = tpu.memref_slice %arg5[%add3A_576, %dma_start3A_645] : memref<250x80xi32, #tpu.memory_space<vmem>> -> memref<1x80xi32, #tpu.memory_space<vmem>>
        %dma_start3A_647 = tpu.memref_squeeze %dma_start3A_646 : memref<1x80xi32, #tpu.memory_space<vmem>> -> memref<80xi32, #tpu.memory_space<vmem>>
        %dma_start3A_648 = arith.constant 0 : i32
        %dma_start3A_649 = arith.constant 0 : i32
        %dma_start3A_650 = tpu.memref_slice %arg2[%arg0, %dma_start3A_648, %dma_start3A_649] : memref<2x10000x64xf32, #tpu.memory_space<hbm>> -> memref<1x10000x64xf32, #tpu.memory_space<hbm>>
        %dma_start3A_651 = tpu.memref_squeeze %dma_start3A_650 : memref<1x10000x64xf32, #tpu.memory_space<hbm>> -> memref<10000x64xf32, #tpu.memory_space<hbm>>
        %dma_start3A_652 = arith.constant 0 : i32
        %dma_start3A_653 = arith.constant 0 : i32
        %dma_start3A_654 = tpu.memref_slice %dma_start3A_651[%dma_start3A_652, %dma_start3A_653] : memref<10000x64xf32, #tpu.memory_space<hbm>> -> memref<10000x64xf32, #tpu.memory_space<hbm>>
        %dma_start3A_655 = tpu.memref_slice %arg10[%dma_start3A_640] : memref<6x!tpu.dma_semaphore, #tpu.memory_space<semaphore_mem>> -> memref<1x!tpu.dma_semaphore, #tpu.memory_space<semaphore_mem>>
        %dma_start3A_656 = tpu.memref_squeeze %dma_start3A_655 : memref<1x!tpu.dma_semaphore, #tpu.memory_space<semaphore_mem>> -> memref<!tpu.dma_semaphore, #tpu.memory_space<semaphore_mem>>
        tpu.enqueue_indirect_dma source(%dma_start3A_654 : memref<10000x64xf32, #tpu.memory_space<hbm>>) target(%dma_start3A_644 : memref<80x64xf32, #tpu.memory_space<vmem>>) offsets(%dma_start3A_647 : memref<80xi32, #tpu.memory_space<vmem>>) semaphore(%dma_start3A_656 : memref<!tpu.dma_semaphore, #tpu.memory_space<semaphore_mem>>)
      } else {
      }
      %mul3A_582 = arith.constant 6 : i32
      %mul3A_583 = arith.muli %add3A_367, %mul3A_582 : i32
      %add3A_584 = arith.constant 5 : i32
      %add3A_585 = arith.addi %mul3A_583, %add3A_584 : i32
      %dma_wait3A_586 = arith.constant 5 : i32
      %dma_wait3A_587 = arith.constant 5 : i32
      %dma_wait3A_588 = arith.constant 0 : i32
      %dma_wait3A_589 = arith.constant 0 : i32
      %dma_wait3A_590 = tpu.memref_slice %arg7[%dma_wait3A_586, %dma_wait3A_588, %dma_wait3A_589] : memref<6x80x64xf32, #tpu.memory_space<vmem>> -> memref<1x80x64xf32, #tpu.memory_space<vmem>>
      %dma_wait3A_591 = tpu.memref_squeeze %dma_wait3A_590 : memref<1x80x64xf32, #tpu.memory_space<vmem>> -> memref<80x64xf32, #tpu.memory_space<vmem>>
      %dma_wait3A_592 = arith.constant 0 : i32
      %dma_wait3A_593 = tpu.memref_slice %arg5[%add3A_585, %dma_wait3A_592] : memref<250x80xi32, #tpu.memory_space<vmem>> -> memref<1x80xi32, #tpu.memory_space<vmem>>
      %dma_wait3A_594 = tpu.memref_squeeze %dma_wait3A_593 : memref<1x80xi32, #tpu.memory_space<vmem>> -> memref<80xi32, #tpu.memory_space<vmem>>
      %dma_wait3A_595 = arith.constant 0 : i32
      %dma_wait3A_596 = arith.constant 0 : i32
      %dma_wait3A_597 = tpu.memref_slice %arg2[%arg0, %dma_wait3A_595, %dma_wait3A_596] : memref<2x10000x64xf32, #tpu.memory_space<hbm>> -> memref<1x10000x64xf32, #tpu.memory_space<hbm>>
      %dma_wait3A_598 = tpu.memref_squeeze %dma_wait3A_597 : memref<1x10000x64xf32, #tpu.memory_space<hbm>> -> memref<10000x64xf32, #tpu.memory_space<hbm>>
      %dma_wait3A_599 = arith.constant 0 : i32
      %dma_wait3A_600 = arith.constant 0 : i32
      %dma_wait3A_601 = tpu.memref_slice %dma_wait3A_598[%dma_wait3A_599, %dma_wait3A_600] : memref<10000x64xf32, #tpu.memory_space<hbm>> -> memref<10000x64xf32, #tpu.memory_space<hbm>>
      %dma_wait3A_602 = tpu.memref_slice %arg10[%dma_wait3A_587] : memref<6x!tpu.dma_semaphore, #tpu.memory_space<semaphore_mem>> -> memref<1x!tpu.dma_semaphore, #tpu.memory_space<semaphore_mem>>
      %dma_wait3A_603 = tpu.memref_squeeze %dma_wait3A_602 : memref<1x!tpu.dma_semaphore, #tpu.memory_space<semaphore_mem>> -> memref<!tpu.dma_semaphore, #tpu.memory_space<semaphore_mem>>
      tpu.wait_indirect_dma semaphore(%dma_wait3A_603 : memref<!tpu.dma_semaphore, #tpu.memory_space<semaphore_mem>>) src(%dma_wait3A_601 : memref<10000x64xf32, #tpu.memory_space<hbm>>) dst(%dma_wait3A_591 : memref<80x64xf32, #tpu.memory_space<vmem>>)
      %dma_start3A_604 = arith.constant 5 : i32
      %dma_start3A_605 = arith.constant 5 : i32
      %dma_start3A_606 = arith.constant 0 : i32
      %dma_start3A_607 = arith.constant 0 : i32
      %dma_start3A_608 = tpu.memref_slice %arg7[%dma_start3A_604, %dma_start3A_606, %dma_start3A_607] : memref<6x80x64xf32, #tpu.memory_space<vmem>> -> memref<1x80x64xf32, #tpu.memory_space<vmem>>
      %dma_start3A_609 = tpu.memref_squeeze %dma_start3A_608 : memref<1x80x64xf32, #tpu.memory_space<vmem>> -> memref<80x64xf32, #tpu.memory_space<vmem>>
      %dma_start3A_610 = arith.constant 0 : i32
      %dma_start3A_611 = tpu.memref_slice %arg6[%add3A_585, %dma_start3A_610] : memref<250x80xi32, #tpu.memory_space<vmem>> -> memref<1x80xi32, #tpu.memory_space<vmem>>
      %dma_start3A_612 = tpu.memref_squeeze %dma_start3A_611 : memref<1x80xi32, #tpu.memory_space<vmem>> -> memref<80xi32, #tpu.memory_space<vmem>>
      %dma_start3A_613 = arith.constant 0 : i32
      %dma_start3A_614 = arith.constant 0 : i32
      %dma_start3A_615 = tpu.memref_slice %arg9[%dma_start3A_613, %dma_start3A_614] : memref<10000x64xf32, #tpu.memory_space<vmem_shared>> -> memref<10000x64xf32, #tpu.memory_space<vmem_shared>>
      %dma_start3A_616 = tpu.memref_slice %arg11[%dma_start3A_605] : memref<6x!tpu.dma_semaphore, #tpu.memory_space<semaphore_mem>> -> memref<1x!tpu.dma_semaphore, #tpu.memory_space<semaphore_mem>>
      %dma_start3A_617 = tpu.memref_squeeze %dma_start3A_616 : memref<1x!tpu.dma_semaphore, #tpu.memory_space<semaphore_mem>> -> memref<!tpu.dma_semaphore, #tpu.memory_space<semaphore_mem>>
      tpu.enqueue_indirect_dma source(%dma_start3A_609 : memref<80x64xf32, #tpu.memory_space<vmem>>) target(%dma_start3A_615 : memref<10000x64xf32, #tpu.memory_space<vmem_shared>>) offsets(%dma_start3A_612 : memref<80xi32, #tpu.memory_space<vmem>>) semaphore(%dma_start3A_617 : memref<!tpu.dma_semaphore, #tpu.memory_space<semaphore_mem>>) {add = true}
      %add3A_618 = arith.constant 6 : i32
      %add3A_619 = arith.addi %add3A_585, %add3A_618 : i32
      %lt3A_620 = arith.constant 250 : i32
      %lt3A_621 = arith.cmpi slt, %add3A_619, %lt3A_620 : i32
      %convert_element_type3A_622 = arith.extui %lt3A_621 : i1 to i32
      %cond3A_623 = arith.constant 0 : i32
      %cond3A_624 = arith.cmpi ne, %convert_element_type3A_622, %cond3A_623 : i32
      scf.if %cond3A_624 {
        %dma_wait3A_625 = arith.constant 5 : i32
        %dma_wait3A_626 = arith.constant 5 : i32
        %dma_wait3A_627 = arith.constant 0 : i32
        %dma_wait3A_628 = arith.constant 0 : i32
        %dma_wait3A_629 = tpu.memref_slice %arg7[%dma_wait3A_625, %dma_wait3A_627, %dma_wait3A_628] : memref<6x80x64xf32, #tpu.memory_space<vmem>> -> memref<1x80x64xf32, #tpu.memory_space<vmem>>
        %dma_wait3A_630 = tpu.memref_squeeze %dma_wait3A_629 : memref<1x80x64xf32, #tpu.memory_space<vmem>> -> memref<80x64xf32, #tpu.memory_space<vmem>>
        %dma_wait3A_631 = arith.constant 0 : i32
        %dma_wait3A_632 = tpu.memref_slice %arg6[%add3A_585, %dma_wait3A_631] : memref<250x80xi32, #tpu.memory_space<vmem>> -> memref<1x80xi32, #tpu.memory_space<vmem>>
        %dma_wait3A_633 = tpu.memref_squeeze %dma_wait3A_632 : memref<1x80xi32, #tpu.memory_space<vmem>> -> memref<80xi32, #tpu.memory_space<vmem>>
        %dma_wait3A_634 = arith.constant 0 : i32
        %dma_wait3A_635 = arith.constant 0 : i32
        %dma_wait3A_636 = tpu.memref_slice %arg9[%dma_wait3A_634, %dma_wait3A_635] : memref<10000x64xf32, #tpu.memory_space<vmem_shared>> -> memref<10000x64xf32, #tpu.memory_space<vmem_shared>>
        %dma_wait3A_637 = tpu.memref_slice %arg11[%dma_wait3A_626] : memref<6x!tpu.dma_semaphore, #tpu.memory_space<semaphore_mem>> -> memref<1x!tpu.dma_semaphore, #tpu.memory_space<semaphore_mem>>
        %dma_wait3A_638 = tpu.memref_squeeze %dma_wait3A_637 : memref<1x!tpu.dma_semaphore, #tpu.memory_space<semaphore_mem>> -> memref<!tpu.dma_semaphore, #tpu.memory_space<semaphore_mem>>
        tpu.wait_indirect_dma semaphore(%dma_wait3A_638 : memref<!tpu.dma_semaphore, #tpu.memory_space<semaphore_mem>>) src(%dma_wait3A_630 : memref<80x64xf32, #tpu.memory_space<vmem>>) dst(%dma_wait3A_636 : memref<10000x64xf32, #tpu.memory_space<vmem_shared>>)
        %dma_start3A_639 = arith.constant 5 : i32
        %dma_start3A_640 = arith.constant 5 : i32
        %dma_start3A_641 = arith.constant 0 : i32
        %dma_start3A_642 = arith.constant 0 : i32
        %dma_start3A_643 = tpu.memref_slice %arg7[%dma_start3A_639, %dma_start3A_641, %dma_start3A_642] : memref<6x80x64xf32, #tpu.memory_space<vmem>> -> memref<1x80x64xf32, #tpu.memory_space<vmem>>
        %dma_start3A_644 = tpu.memref_squeeze %dma_start3A_643 : memref<1x80x64xf32, #tpu.memory_space<vmem>> -> memref<80x64xf32, #tpu.memory_space<vmem>>
        %dma_start3A_645 = arith.constant 0 : i32
        %dma_start3A_646 = tpu.memref_slice %arg5[%add3A_619, %dma_start3A_645] : memref<250x80xi32, #tpu.memory_space<vmem>> -> memref<1x80xi32, #tpu.memory_space<vmem>>
        %dma_start3A_647 = tpu.memref_squeeze %dma_start3A_646 : memref<1x80xi32, #tpu.memory_space<vmem>> -> memref<80xi32, #tpu.memory_space<vmem>>
        %dma_start3A_648 = arith.constant 0 : i32
        %dma_start3A_649 = arith.constant 0 : i32
        %dma_start3A_650 = tpu.memref_slice %arg2[%arg0, %dma_start3A_648, %dma_start3A_649] : memref<2x10000x64xf32, #tpu.memory_space<hbm>> -> memref<1x10000x64xf32, #tpu.memory_space<hbm>>
        %dma_start3A_651 = tpu.memref_squeeze %dma_start3A_650 : memref<1x10000x64xf32, #tpu.memory_space<hbm>> -> memref<10000x64xf32, #tpu.memory_space<hbm>>
        %dma_start3A_652 = arith.constant 0 : i32
        %dma_start3A_653 = arith.constant 0 : i32
        %dma_start3A_654 = tpu.memref_slice %dma_start3A_651[%dma_start3A_652, %dma_start3A_653] : memref<10000x64xf32, #tpu.memory_space<hbm>> -> memref<10000x64xf32, #tpu.memory_space<hbm>>
        %dma_start3A_655 = tpu.memref_slice %arg10[%dma_start3A_640] : memref<6x!tpu.dma_semaphore, #tpu.memory_space<semaphore_mem>> -> memref<1x!tpu.dma_semaphore, #tpu.memory_space<semaphore_mem>>
        %dma_start3A_656 = tpu.memref_squeeze %dma_start3A_655 : memref<1x!tpu.dma_semaphore, #tpu.memory_space<semaphore_mem>> -> memref<!tpu.dma_semaphore, #tpu.memory_space<semaphore_mem>>
        tpu.enqueue_indirect_dma source(%dma_start3A_654 : memref<10000x64xf32, #tpu.memory_space<hbm>>) target(%dma_start3A_644 : memref<80x64xf32, #tpu.memory_space<vmem>>) offsets(%dma_start3A_647 : memref<80xi32, #tpu.memory_space<vmem>>) semaphore(%dma_start3A_656 : memref<!tpu.dma_semaphore, #tpu.memory_space<semaphore_mem>>)
      } else {
      }
    }
    %scan3A_129 = arith.constant 41 : i32
    %dma_wait3A = arith.constant 246 : i32
    %dma_wait3A_130 = arith.constant 0 : i32
    %dma_wait3A_131 = arith.constant 0 : i32
    %dma_wait3A_132 = arith.constant 0 : i32
    %dma_wait3A_133 = arith.constant 0 : i32
    %dma_wait3A_134 = tpu.memref_slice %arg7[%dma_wait3A_130, %dma_wait3A_132, %dma_wait3A_133] : memref<6x80x64xf32, #tpu.memory_space<vmem>> -> memref<1x80x64xf32, #tpu.memory_space<vmem>>
    %dma_wait3A_135 = tpu.memref_squeeze %dma_wait3A_134 : memref<1x80x64xf32, #tpu.memory_space<vmem>> -> memref<80x64xf32, #tpu.memory_space<vmem>>
    %dma_wait3A_136 = arith.constant 0 : i32
    %dma_wait3A_137 = tpu.memref_slice %arg5[%dma_wait3A, %dma_wait3A_136] : memref<250x80xi32, #tpu.memory_space<vmem>> -> memref<1x80xi32, #tpu.memory_space<vmem>>
    %dma_wait3A_138 = tpu.memref_squeeze %dma_wait3A_137 : memref<1x80xi32, #tpu.memory_space<vmem>> -> memref<80xi32, #tpu.memory_space<vmem>>
    %dma_wait3A_139 = arith.constant 0 : i32
    %dma_wait3A_140 = arith.constant 0 : i32
    %dma_wait3A_141 = tpu.memref_slice %arg2[%arg0, %dma_wait3A_139, %dma_wait3A_140] : memref<2x10000x64xf32, #tpu.memory_space<hbm>> -> memref<1x10000x64xf32, #tpu.memory_space<hbm>>
    %dma_wait3A_142 = tpu.memref_squeeze %dma_wait3A_141 : memref<1x10000x64xf32, #tpu.memory_space<hbm>> -> memref<10000x64xf32, #tpu.memory_space<hbm>>
    %dma_wait3A_143 = arith.constant 0 : i32
    %dma_wait3A_144 = arith.constant 0 : i32
    %dma_wait3A_145 = tpu.memref_slice %dma_wait3A_142[%dma_wait3A_143, %dma_wait3A_144] : memref<10000x64xf32, #tpu.memory_space<hbm>> -> memref<10000x64xf32, #tpu.memory_space<hbm>>
    %dma_wait3A_146 = tpu.memref_slice %arg10[%dma_wait3A_131] : memref<6x!tpu.dma_semaphore, #tpu.memory_space<semaphore_mem>> -> memref<1x!tpu.dma_semaphore, #tpu.memory_space<semaphore_mem>>
    %dma_wait3A_147 = tpu.memref_squeeze %dma_wait3A_146 : memref<1x!tpu.dma_semaphore, #tpu.memory_space<semaphore_mem>> -> memref<!tpu.dma_semaphore, #tpu.memory_space<semaphore_mem>>
    tpu.wait_indirect_dma semaphore(%dma_wait3A_147 : memref<!tpu.dma_semaphore, #tpu.memory_space<semaphore_mem>>) src(%dma_wait3A_145 : memref<10000x64xf32, #tpu.memory_space<hbm>>) dst(%dma_wait3A_135 : memref<80x64xf32, #tpu.memory_space<vmem>>)
    %dma_start3A_148 = arith.constant 0 : i32
    %dma_start3A_149 = arith.constant 246 : i32
    %dma_start3A_150 = arith.constant 0 : i32
    %dma_start3A_151 = arith.constant 0 : i32
    %dma_start3A_152 = arith.constant 0 : i32
    %dma_start3A_153 = tpu.memref_slice %arg7[%dma_start3A_148, %dma_start3A_151, %dma_start3A_152] : memref<6x80x64xf32, #tpu.memory_space<vmem>> -> memref<1x80x64xf32, #tpu.memory_space<vmem>>
    %dma_start3A_154 = tpu.memref_squeeze %dma_start3A_153 : memref<1x80x64xf32, #tpu.memory_space<vmem>> -> memref<80x64xf32, #tpu.memory_space<vmem>>
    %dma_start3A_155 = arith.constant 0 : i32
    %dma_start3A_156 = tpu.memref_slice %arg6[%dma_start3A_149, %dma_start3A_155] : memref<250x80xi32, #tpu.memory_space<vmem>> -> memref<1x80xi32, #tpu.memory_space<vmem>>
    %dma_start3A_157 = tpu.memref_squeeze %dma_start3A_156 : memref<1x80xi32, #tpu.memory_space<vmem>> -> memref<80xi32, #tpu.memory_space<vmem>>
    %dma_start3A_158 = arith.constant 0 : i32
    %dma_start3A_159 = arith.constant 0 : i32
    %dma_start3A_160 = tpu.memref_slice %arg9[%dma_start3A_158, %dma_start3A_159] : memref<10000x64xf32, #tpu.memory_space<vmem_shared>> -> memref<10000x64xf32, #tpu.memory_space<vmem_shared>>
    %dma_start3A_161 = tpu.memref_slice %arg11[%dma_start3A_150] : memref<6x!tpu.dma_semaphore, #tpu.memory_space<semaphore_mem>> -> memref<1x!tpu.dma_semaphore, #tpu.memory_space<semaphore_mem>>
    %dma_start3A_162 = tpu.memref_squeeze %dma_start3A_161 : memref<1x!tpu.dma_semaphore, #tpu.memory_space<semaphore_mem>> -> memref<!tpu.dma_semaphore, #tpu.memory_space<semaphore_mem>>
    tpu.enqueue_indirect_dma source(%dma_start3A_154 : memref<80x64xf32, #tpu.memory_space<vmem>>) target(%dma_start3A_160 : memref<10000x64xf32, #tpu.memory_space<vmem_shared>>) offsets(%dma_start3A_157 : memref<80xi32, #tpu.memory_space<vmem>>) semaphore(%dma_start3A_162 : memref<!tpu.dma_semaphore, #tpu.memory_space<semaphore_mem>>) {add = true}
    %dma_wait3A_163 = arith.constant 247 : i32
    %dma_wait3A_164 = arith.constant 1 : i32
    %dma_wait3A_165 = arith.constant 1 : i32
    %dma_wait3A_166 = arith.constant 0 : i32
    %dma_wait3A_167 = arith.constant 0 : i32
    %dma_wait3A_168 = tpu.memref_slice %arg7[%dma_wait3A_164, %dma_wait3A_166, %dma_wait3A_167] : memref<6x80x64xf32, #tpu.memory_space<vmem>> -> memref<1x80x64xf32, #tpu.memory_space<vmem>>
    %dma_wait3A_169 = tpu.memref_squeeze %dma_wait3A_168 : memref<1x80x64xf32, #tpu.memory_space<vmem>> -> memref<80x64xf32, #tpu.memory_space<vmem>>
    %dma_wait3A_170 = arith.constant 0 : i32
    %dma_wait3A_171 = tpu.memref_slice %arg5[%dma_wait3A_163, %dma_wait3A_170] : memref<250x80xi32, #tpu.memory_space<vmem>> -> memref<1x80xi32, #tpu.memory_space<vmem>>
    %dma_wait3A_172 = tpu.memref_squeeze %dma_wait3A_171 : memref<1x80xi32, #tpu.memory_space<vmem>> -> memref<80xi32, #tpu.memory_space<vmem>>
    %dma_wait3A_173 = arith.constant 0 : i32
    %dma_wait3A_174 = arith.constant 0 : i32
    %dma_wait3A_175 = tpu.memref_slice %arg2[%arg0, %dma_wait3A_173, %dma_wait3A_174] : memref<2x10000x64xf32, #tpu.memory_space<hbm>> -> memref<1x10000x64xf32, #tpu.memory_space<hbm>>
    %dma_wait3A_176 = tpu.memref_squeeze %dma_wait3A_175 : memref<1x10000x64xf32, #tpu.memory_space<hbm>> -> memref<10000x64xf32, #tpu.memory_space<hbm>>
    %dma_wait3A_177 = arith.constant 0 : i32
    %dma_wait3A_178 = arith.constant 0 : i32
    %dma_wait3A_179 = tpu.memref_slice %dma_wait3A_176[%dma_wait3A_177, %dma_wait3A_178] : memref<10000x64xf32, #tpu.memory_space<hbm>> -> memref<10000x64xf32, #tpu.memory_space<hbm>>
    %dma_wait3A_180 = tpu.memref_slice %arg10[%dma_wait3A_165] : memref<6x!tpu.dma_semaphore, #tpu.memory_space<semaphore_mem>> -> memref<1x!tpu.dma_semaphore, #tpu.memory_space<semaphore_mem>>
    %dma_wait3A_181 = tpu.memref_squeeze %dma_wait3A_180 : memref<1x!tpu.dma_semaphore, #tpu.memory_space<semaphore_mem>> -> memref<!tpu.dma_semaphore, #tpu.memory_space<semaphore_mem>>
    tpu.wait_indirect_dma semaphore(%dma_wait3A_181 : memref<!tpu.dma_semaphore, #tpu.memory_space<semaphore_mem>>) src(%dma_wait3A_179 : memref<10000x64xf32, #tpu.memory_space<hbm>>) dst(%dma_wait3A_169 : memref<80x64xf32, #tpu.memory_space<vmem>>)
    %dma_start3A_182 = arith.constant 1 : i32
    %dma_start3A_183 = arith.constant 247 : i32
    %dma_start3A_184 = arith.constant 1 : i32
    %dma_start3A_185 = arith.constant 0 : i32
    %dma_start3A_186 = arith.constant 0 : i32
    %dma_start3A_187 = tpu.memref_slice %arg7[%dma_start3A_182, %dma_start3A_185, %dma_start3A_186] : memref<6x80x64xf32, #tpu.memory_space<vmem>> -> memref<1x80x64xf32, #tpu.memory_space<vmem>>
    %dma_start3A_188 = tpu.memref_squeeze %dma_start3A_187 : memref<1x80x64xf32, #tpu.memory_space<vmem>> -> memref<80x64xf32, #tpu.memory_space<vmem>>
    %dma_start3A_189 = arith.constant 0 : i32
    %dma_start3A_190 = tpu.memref_slice %arg6[%dma_start3A_183, %dma_start3A_189] : memref<250x80xi32, #tpu.memory_space<vmem>> -> memref<1x80xi32, #tpu.memory_space<vmem>>
    %dma_start3A_191 = tpu.memref_squeeze %dma_start3A_190 : memref<1x80xi32, #tpu.memory_space<vmem>> -> memref<80xi32, #tpu.memory_space<vmem>>
    %dma_start3A_192 = arith.constant 0 : i32
    %dma_start3A_193 = arith.constant 0 : i32
    %dma_start3A_194 = tpu.memref_slice %arg9[%dma_start3A_192, %dma_start3A_193] : memref<10000x64xf32, #tpu.memory_space<vmem_shared>> -> memref<10000x64xf32, #tpu.memory_space<vmem_shared>>
    %dma_start3A_195 = tpu.memref_slice %arg11[%dma_start3A_184] : memref<6x!tpu.dma_semaphore, #tpu.memory_space<semaphore_mem>> -> memref<1x!tpu.dma_semaphore, #tpu.memory_space<semaphore_mem>>
    %dma_start3A_196 = tpu.memref_squeeze %dma_start3A_195 : memref<1x!tpu.dma_semaphore, #tpu.memory_space<semaphore_mem>> -> memref<!tpu.dma_semaphore, #tpu.memory_space<semaphore_mem>>
    tpu.enqueue_indirect_dma source(%dma_start3A_188 : memref<80x64xf32, #tpu.memory_space<vmem>>) target(%dma_start3A_194 : memref<10000x64xf32, #tpu.memory_space<vmem_shared>>) offsets(%dma_start3A_191 : memref<80xi32, #tpu.memory_space<vmem>>) semaphore(%dma_start3A_196 : memref<!tpu.dma_semaphore, #tpu.memory_space<semaphore_mem>>) {add = true}
    %dma_wait3A_197 = arith.constant 248 : i32
    %dma_wait3A_198 = arith.constant 2 : i32
    %dma_wait3A_199 = arith.constant 2 : i32
    %dma_wait3A_200 = arith.constant 0 : i32
    %dma_wait3A_201 = arith.constant 0 : i32
    %dma_wait3A_202 = tpu.memref_slice %arg7[%dma_wait3A_198, %dma_wait3A_200, %dma_wait3A_201] : memref<6x80x64xf32, #tpu.memory_space<vmem>> -> memref<1x80x64xf32, #tpu.memory_space<vmem>>
    %dma_wait3A_203 = tpu.memref_squeeze %dma_wait3A_202 : memref<1x80x64xf32, #tpu.memory_space<vmem>> -> memref<80x64xf32, #tpu.memory_space<vmem>>
    %dma_wait3A_204 = arith.constant 0 : i32
    %dma_wait3A_205 = tpu.memref_slice %arg5[%dma_wait3A_197, %dma_wait3A_204] : memref<250x80xi32, #tpu.memory_space<vmem>> -> memref<1x80xi32, #tpu.memory_space<vmem>>
    %dma_wait3A_206 = tpu.memref_squeeze %dma_wait3A_205 : memref<1x80xi32, #tpu.memory_space<vmem>> -> memref<80xi32, #tpu.memory_space<vmem>>
    %dma_wait3A_207 = arith.constant 0 : i32
    %dma_wait3A_208 = arith.constant 0 : i32
    %dma_wait3A_209 = tpu.memref_slice %arg2[%arg0, %dma_wait3A_207, %dma_wait3A_208] : memref<2x10000x64xf32, #tpu.memory_space<hbm>> -> memref<1x10000x64xf32, #tpu.memory_space<hbm>>
    %dma_wait3A_210 = tpu.memref_squeeze %dma_wait3A_209 : memref<1x10000x64xf32, #tpu.memory_space<hbm>> -> memref<10000x64xf32, #tpu.memory_space<hbm>>
    %dma_wait3A_211 = arith.constant 0 : i32
    %dma_wait3A_212 = arith.constant 0 : i32
    %dma_wait3A_213 = tpu.memref_slice %dma_wait3A_210[%dma_wait3A_211, %dma_wait3A_212] : memref<10000x64xf32, #tpu.memory_space<hbm>> -> memref<10000x64xf32, #tpu.memory_space<hbm>>
    %dma_wait3A_214 = tpu.memref_slice %arg10[%dma_wait3A_199] : memref<6x!tpu.dma_semaphore, #tpu.memory_space<semaphore_mem>> -> memref<1x!tpu.dma_semaphore, #tpu.memory_space<semaphore_mem>>
    %dma_wait3A_215 = tpu.memref_squeeze %dma_wait3A_214 : memref<1x!tpu.dma_semaphore, #tpu.memory_space<semaphore_mem>> -> memref<!tpu.dma_semaphore, #tpu.memory_space<semaphore_mem>>
    tpu.wait_indirect_dma semaphore(%dma_wait3A_215 : memref<!tpu.dma_semaphore, #tpu.memory_space<semaphore_mem>>) src(%dma_wait3A_213 : memref<10000x64xf32, #tpu.memory_space<hbm>>) dst(%dma_wait3A_203 : memref<80x64xf32, #tpu.memory_space<vmem>>)
    %dma_start3A_216 = arith.constant 2 : i32
    %dma_start3A_217 = arith.constant 248 : i32
    %dma_start3A_218 = arith.constant 2 : i32
    %dma_start3A_219 = arith.constant 0 : i32
    %dma_start3A_220 = arith.constant 0 : i32
    %dma_start3A_221 = tpu.memref_slice %arg7[%dma_start3A_216, %dma_start3A_219, %dma_start3A_220] : memref<6x80x64xf32, #tpu.memory_space<vmem>> -> memref<1x80x64xf32, #tpu.memory_space<vmem>>
    %dma_start3A_222 = tpu.memref_squeeze %dma_start3A_221 : memref<1x80x64xf32, #tpu.memory_space<vmem>> -> memref<80x64xf32, #tpu.memory_space<vmem>>
    %dma_start3A_223 = arith.constant 0 : i32
    %dma_start3A_224 = tpu.memref_slice %arg6[%dma_start3A_217, %dma_start3A_223] : memref<250x80xi32, #tpu.memory_space<vmem>> -> memref<1x80xi32, #tpu.memory_space<vmem>>
    %dma_start3A_225 = tpu.memref_squeeze %dma_start3A_224 : memref<1x80xi32, #tpu.memory_space<vmem>> -> memref<80xi32, #tpu.memory_space<vmem>>
    %dma_start3A_226 = arith.constant 0 : i32
    %dma_start3A_227 = arith.constant 0 : i32
    %dma_start3A_228 = tpu.memref_slice %arg9[%dma_start3A_226, %dma_start3A_227] : memref<10000x64xf32, #tpu.memory_space<vmem_shared>> -> memref<10000x64xf32, #tpu.memory_space<vmem_shared>>
    %dma_start3A_229 = tpu.memref_slice %arg11[%dma_start3A_218] : memref<6x!tpu.dma_semaphore, #tpu.memory_space<semaphore_mem>> -> memref<1x!tpu.dma_semaphore, #tpu.memory_space<semaphore_mem>>
    %dma_start3A_230 = tpu.memref_squeeze %dma_start3A_229 : memref<1x!tpu.dma_semaphore, #tpu.memory_space<semaphore_mem>> -> memref<!tpu.dma_semaphore, #tpu.memory_space<semaphore_mem>>
    tpu.enqueue_indirect_dma source(%dma_start3A_222 : memref<80x64xf32, #tpu.memory_space<vmem>>) target(%dma_start3A_228 : memref<10000x64xf32, #tpu.memory_space<vmem_shared>>) offsets(%dma_start3A_225 : memref<80xi32, #tpu.memory_space<vmem>>) semaphore(%dma_start3A_230 : memref<!tpu.dma_semaphore, #tpu.memory_space<semaphore_mem>>) {add = true}
    %dma_wait3A_231 = arith.constant 249 : i32
    %dma_wait3A_232 = arith.constant 3 : i32
    %dma_wait3A_233 = arith.constant 3 : i32
    %dma_wait3A_234 = arith.constant 0 : i32
    %dma_wait3A_235 = arith.constant 0 : i32
    %dma_wait3A_236 = tpu.memref_slice %arg7[%dma_wait3A_232, %dma_wait3A_234, %dma_wait3A_235] : memref<6x80x64xf32, #tpu.memory_space<vmem>> -> memref<1x80x64xf32, #tpu.memory_space<vmem>>
    %dma_wait3A_237 = tpu.memref_squeeze %dma_wait3A_236 : memref<1x80x64xf32, #tpu.memory_space<vmem>> -> memref<80x64xf32, #tpu.memory_space<vmem>>
    %dma_wait3A_238 = arith.constant 0 : i32
    %dma_wait3A_239 = tpu.memref_slice %arg5[%dma_wait3A_231, %dma_wait3A_238] : memref<250x80xi32, #tpu.memory_space<vmem>> -> memref<1x80xi32, #tpu.memory_space<vmem>>
    %dma_wait3A_240 = tpu.memref_squeeze %dma_wait3A_239 : memref<1x80xi32, #tpu.memory_space<vmem>> -> memref<80xi32, #tpu.memory_space<vmem>>
    %dma_wait3A_241 = arith.constant 0 : i32
    %dma_wait3A_242 = arith.constant 0 : i32
    %dma_wait3A_243 = tpu.memref_slice %arg2[%arg0, %dma_wait3A_241, %dma_wait3A_242] : memref<2x10000x64xf32, #tpu.memory_space<hbm>> -> memref<1x10000x64xf32, #tpu.memory_space<hbm>>
    %dma_wait3A_244 = tpu.memref_squeeze %dma_wait3A_243 : memref<1x10000x64xf32, #tpu.memory_space<hbm>> -> memref<10000x64xf32, #tpu.memory_space<hbm>>
    %dma_wait3A_245 = arith.constant 0 : i32
    %dma_wait3A_246 = arith.constant 0 : i32
    %dma_wait3A_247 = tpu.memref_slice %dma_wait3A_244[%dma_wait3A_245, %dma_wait3A_246] : memref<10000x64xf32, #tpu.memory_space<hbm>> -> memref<10000x64xf32, #tpu.memory_space<hbm>>
    %dma_wait3A_248 = tpu.memref_slice %arg10[%dma_wait3A_233] : memref<6x!tpu.dma_semaphore, #tpu.memory_space<semaphore_mem>> -> memref<1x!tpu.dma_semaphore, #tpu.memory_space<semaphore_mem>>
    %dma_wait3A_249 = tpu.memref_squeeze %dma_wait3A_248 : memref<1x!tpu.dma_semaphore, #tpu.memory_space<semaphore_mem>> -> memref<!tpu.dma_semaphore, #tpu.memory_space<semaphore_mem>>
    tpu.wait_indirect_dma semaphore(%dma_wait3A_249 : memref<!tpu.dma_semaphore, #tpu.memory_space<semaphore_mem>>) src(%dma_wait3A_247 : memref<10000x64xf32, #tpu.memory_space<hbm>>) dst(%dma_wait3A_237 : memref<80x64xf32, #tpu.memory_space<vmem>>)
    %dma_start3A_250 = arith.constant 3 : i32
    %dma_start3A_251 = arith.constant 249 : i32
    %dma_start3A_252 = arith.constant 3 : i32
    %dma_start3A_253 = arith.constant 0 : i32
    %dma_start3A_254 = arith.constant 0 : i32
    %dma_start3A_255 = tpu.memref_slice %arg7[%dma_start3A_250, %dma_start3A_253, %dma_start3A_254] : memref<6x80x64xf32, #tpu.memory_space<vmem>> -> memref<1x80x64xf32, #tpu.memory_space<vmem>>
    %dma_start3A_256 = tpu.memref_squeeze %dma_start3A_255 : memref<1x80x64xf32, #tpu.memory_space<vmem>> -> memref<80x64xf32, #tpu.memory_space<vmem>>
    %dma_start3A_257 = arith.constant 0 : i32
    %dma_start3A_258 = tpu.memref_slice %arg6[%dma_start3A_251, %dma_start3A_257] : memref<250x80xi32, #tpu.memory_space<vmem>> -> memref<1x80xi32, #tpu.memory_space<vmem>>
    %dma_start3A_259 = tpu.memref_squeeze %dma_start3A_258 : memref<1x80xi32, #tpu.memory_space<vmem>> -> memref<80xi32, #tpu.memory_space<vmem>>
    %dma_start3A_260 = arith.constant 0 : i32
    %dma_start3A_261 = arith.constant 0 : i32
    %dma_start3A_262 = tpu.memref_slice %arg9[%dma_start3A_260, %dma_start3A_261] : memref<10000x64xf32, #tpu.memory_space<vmem_shared>> -> memref<10000x64xf32, #tpu.memory_space<vmem_shared>>
    %dma_start3A_263 = tpu.memref_slice %arg11[%dma_start3A_252] : memref<6x!tpu.dma_semaphore, #tpu.memory_space<semaphore_mem>> -> memref<1x!tpu.dma_semaphore, #tpu.memory_space<semaphore_mem>>
    %dma_start3A_264 = tpu.memref_squeeze %dma_start3A_263 : memref<1x!tpu.dma_semaphore, #tpu.memory_space<semaphore_mem>> -> memref<!tpu.dma_semaphore, #tpu.memory_space<semaphore_mem>>
    tpu.enqueue_indirect_dma source(%dma_start3A_256 : memref<80x64xf32, #tpu.memory_space<vmem>>) target(%dma_start3A_262 : memref<10000x64xf32, #tpu.memory_space<vmem_shared>>) offsets(%dma_start3A_259 : memref<80xi32, #tpu.memory_space<vmem>>) semaphore(%dma_start3A_264 : memref<!tpu.dma_semaphore, #tpu.memory_space<semaphore_mem>>) {add = true}
    %dma_wait3A_265 = arith.constant 0 : i32
    %dma_wait3A_266 = arith.constant 0 : i32
    %dma_wait3A_267 = arith.constant 0 : i32
    %dma_wait3A_268 = arith.constant 0 : i32
    %dma_wait3A_269 = arith.constant 0 : i32
    %dma_wait3A_270 = tpu.memref_slice %arg7[%dma_wait3A_265, %dma_wait3A_268, %dma_wait3A_269] : memref<6x80x64xf32, #tpu.memory_space<vmem>> -> memref<1x80x64xf32, #tpu.memory_space<vmem>>
    %dma_wait3A_271 = tpu.memref_squeeze %dma_wait3A_270 : memref<1x80x64xf32, #tpu.memory_space<vmem>> -> memref<80x64xf32, #tpu.memory_space<vmem>>
    %dma_wait3A_272 = arith.constant 0 : i32
    %dma_wait3A_273 = tpu.memref_slice %arg6[%dma_wait3A_266, %dma_wait3A_272] : memref<250x80xi32, #tpu.memory_space<vmem>> -> memref<1x80xi32, #tpu.memory_space<vmem>>
    %dma_wait3A_274 = tpu.memref_squeeze %dma_wait3A_273 : memref<1x80xi32, #tpu.memory_space<vmem>> -> memref<80xi32, #tpu.memory_space<vmem>>
    %dma_wait3A_275 = arith.constant 0 : i32
    %dma_wait3A_276 = arith.constant 0 : i32
    %dma_wait3A_277 = tpu.memref_slice %arg9[%dma_wait3A_275, %dma_wait3A_276] : memref<10000x64xf32, #tpu.memory_space<vmem_shared>> -> memref<10000x64xf32, #tpu.memory_space<vmem_shared>>
    %dma_wait3A_278 = tpu.memref_slice %arg11[%dma_wait3A_267] : memref<6x!tpu.dma_semaphore, #tpu.memory_space<semaphore_mem>> -> memref<1x!tpu.dma_semaphore, #tpu.memory_space<semaphore_mem>>
    %dma_wait3A_279 = tpu.memref_squeeze %dma_wait3A_278 : memref<1x!tpu.dma_semaphore, #tpu.memory_space<semaphore_mem>> -> memref<!tpu.dma_semaphore, #tpu.memory_space<semaphore_mem>>
    tpu.wait_indirect_dma semaphore(%dma_wait3A_279 : memref<!tpu.dma_semaphore, #tpu.memory_space<semaphore_mem>>) src(%dma_wait3A_271 : memref<80x64xf32, #tpu.memory_space<vmem>>) dst(%dma_wait3A_277 : memref<10000x64xf32, #tpu.memory_space<vmem_shared>>)
    %dma_wait3A_280 = arith.constant 1 : i32
    %dma_wait3A_281 = arith.constant 0 : i32
    %dma_wait3A_282 = arith.constant 1 : i32
    %dma_wait3A_283 = arith.constant 0 : i32
    %dma_wait3A_284 = arith.constant 0 : i32
    %dma_wait3A_285 = tpu.memref_slice %arg7[%dma_wait3A_280, %dma_wait3A_283, %dma_wait3A_284] : memref<6x80x64xf32, #tpu.memory_space<vmem>> -> memref<1x80x64xf32, #tpu.memory_space<vmem>>
    %dma_wait3A_286 = tpu.memref_squeeze %dma_wait3A_285 : memref<1x80x64xf32, #tpu.memory_space<vmem>> -> memref<80x64xf32, #tpu.memory_space<vmem>>
    %dma_wait3A_287 = arith.constant 0 : i32
    %dma_wait3A_288 = tpu.memref_slice %arg6[%dma_wait3A_281, %dma_wait3A_287] : memref<250x80xi32, #tpu.memory_space<vmem>> -> memref<1x80xi32, #tpu.memory_space<vmem>>
    %dma_wait3A_289 = tpu.memref_squeeze %dma_wait3A_288 : memref<1x80xi32, #tpu.memory_space<vmem>> -> memref<80xi32, #tpu.memory_space<vmem>>
    %dma_wait3A_290 = arith.constant 0 : i32
    %dma_wait3A_291 = arith.constant 0 : i32
    %dma_wait3A_292 = tpu.memref_slice %arg9[%dma_wait3A_290, %dma_wait3A_291] : memref<10000x64xf32, #tpu.memory_space<vmem_shared>> -> memref<10000x64xf32, #tpu.memory_space<vmem_shared>>
    %dma_wait3A_293 = tpu.memref_slice %arg11[%dma_wait3A_282] : memref<6x!tpu.dma_semaphore, #tpu.memory_space<semaphore_mem>> -> memref<1x!tpu.dma_semaphore, #tpu.memory_space<semaphore_mem>>
    %dma_wait3A_294 = tpu.memref_squeeze %dma_wait3A_293 : memref<1x!tpu.dma_semaphore, #tpu.memory_space<semaphore_mem>> -> memref<!tpu.dma_semaphore, #tpu.memory_space<semaphore_mem>>
    tpu.wait_indirect_dma semaphore(%dma_wait3A_294 : memref<!tpu.dma_semaphore, #tpu.memory_space<semaphore_mem>>) src(%dma_wait3A_286 : memref<80x64xf32, #tpu.memory_space<vmem>>) dst(%dma_wait3A_292 : memref<10000x64xf32, #tpu.memory_space<vmem_shared>>)
    %dma_wait3A_295 = arith.constant 2 : i32
    %dma_wait3A_296 = arith.constant 0 : i32
    %dma_wait3A_297 = arith.constant 2 : i32
    %dma_wait3A_298 = arith.constant 0 : i32
    %dma_wait3A_299 = arith.constant 0 : i32
    %dma_wait3A_300 = tpu.memref_slice %arg7[%dma_wait3A_295, %dma_wait3A_298, %dma_wait3A_299] : memref<6x80x64xf32, #tpu.memory_space<vmem>> -> memref<1x80x64xf32, #tpu.memory_space<vmem>>
    %dma_wait3A_301 = tpu.memref_squeeze %dma_wait3A_300 : memref<1x80x64xf32, #tpu.memory_space<vmem>> -> memref<80x64xf32, #tpu.memory_space<vmem>>
    %dma_wait3A_302 = arith.constant 0 : i32
    %dma_wait3A_303 = tpu.memref_slice %arg6[%dma_wait3A_296, %dma_wait3A_302] : memref<250x80xi32, #tpu.memory_space<vmem>> -> memref<1x80xi32, #tpu.memory_space<vmem>>
    %dma_wait3A_304 = tpu.memref_squeeze %dma_wait3A_303 : memref<1x80xi32, #tpu.memory_space<vmem>> -> memref<80xi32, #tpu.memory_space<vmem>>
    %dma_wait3A_305 = arith.constant 0 : i32
    %dma_wait3A_306 = arith.constant 0 : i32
    %dma_wait3A_307 = tpu.memref_slice %arg9[%dma_wait3A_305, %dma_wait3A_306] : memref<10000x64xf32, #tpu.memory_space<vmem_shared>> -> memref<10000x64xf32, #tpu.memory_space<vmem_shared>>
    %dma_wait3A_308 = tpu.memref_slice %arg11[%dma_wait3A_297] : memref<6x!tpu.dma_semaphore, #tpu.memory_space<semaphore_mem>> -> memref<1x!tpu.dma_semaphore, #tpu.memory_space<semaphore_mem>>
    %dma_wait3A_309 = tpu.memref_squeeze %dma_wait3A_308 : memref<1x!tpu.dma_semaphore, #tpu.memory_space<semaphore_mem>> -> memref<!tpu.dma_semaphore, #tpu.memory_space<semaphore_mem>>
    tpu.wait_indirect_dma semaphore(%dma_wait3A_309 : memref<!tpu.dma_semaphore, #tpu.memory_space<semaphore_mem>>) src(%dma_wait3A_301 : memref<80x64xf32, #tpu.memory_space<vmem>>) dst(%dma_wait3A_307 : memref<10000x64xf32, #tpu.memory_space<vmem_shared>>)
    %dma_wait3A_310 = arith.constant 3 : i32
    %dma_wait3A_311 = arith.constant 0 : i32
    %dma_wait3A_312 = arith.constant 3 : i32
    %dma_wait3A_313 = arith.constant 0 : i32
    %dma_wait3A_314 = arith.constant 0 : i32
    %dma_wait3A_315 = tpu.memref_slice %arg7[%dma_wait3A_310, %dma_wait3A_313, %dma_wait3A_314] : memref<6x80x64xf32, #tpu.memory_space<vmem>> -> memref<1x80x64xf32, #tpu.memory_space<vmem>>
    %dma_wait3A_316 = tpu.memref_squeeze %dma_wait3A_315 : memref<1x80x64xf32, #tpu.memory_space<vmem>> -> memref<80x64xf32, #tpu.memory_space<vmem>>
    %dma_wait3A_317 = arith.constant 0 : i32
    %dma_wait3A_318 = tpu.memref_slice %arg6[%dma_wait3A_311, %dma_wait3A_317] : memref<250x80xi32, #tpu.memory_space<vmem>> -> memref<1x80xi32, #tpu.memory_space<vmem>>
    %dma_wait3A_319 = tpu.memref_squeeze %dma_wait3A_318 : memref<1x80xi32, #tpu.memory_space<vmem>> -> memref<80xi32, #tpu.memory_space<vmem>>
    %dma_wait3A_320 = arith.constant 0 : i32
    %dma_wait3A_321 = arith.constant 0 : i32
    %dma_wait3A_322 = tpu.memref_slice %arg9[%dma_wait3A_320, %dma_wait3A_321] : memref<10000x64xf32, #tpu.memory_space<vmem_shared>> -> memref<10000x64xf32, #tpu.memory_space<vmem_shared>>
    %dma_wait3A_323 = tpu.memref_slice %arg11[%dma_wait3A_312] : memref<6x!tpu.dma_semaphore, #tpu.memory_space<semaphore_mem>> -> memref<1x!tpu.dma_semaphore, #tpu.memory_space<semaphore_mem>>
    %dma_wait3A_324 = tpu.memref_squeeze %dma_wait3A_323 : memref<1x!tpu.dma_semaphore, #tpu.memory_space<semaphore_mem>> -> memref<!tpu.dma_semaphore, #tpu.memory_space<semaphore_mem>>
    tpu.wait_indirect_dma semaphore(%dma_wait3A_324 : memref<!tpu.dma_semaphore, #tpu.memory_space<semaphore_mem>>) src(%dma_wait3A_316 : memref<80x64xf32, #tpu.memory_space<vmem>>) dst(%dma_wait3A_322 : memref<10000x64xf32, #tpu.memory_space<vmem_shared>>)
    %dma_wait3A_325 = arith.constant 4 : i32
    %dma_wait3A_326 = arith.constant 0 : i32
    %dma_wait3A_327 = arith.constant 4 : i32
    %dma_wait3A_328 = arith.constant 0 : i32
    %dma_wait3A_329 = arith.constant 0 : i32
    %dma_wait3A_330 = tpu.memref_slice %arg7[%dma_wait3A_325, %dma_wait3A_328, %dma_wait3A_329] : memref<6x80x64xf32, #tpu.memory_space<vmem>> -> memref<1x80x64xf32, #tpu.memory_space<vmem>>
    %dma_wait3A_331 = tpu.memref_squeeze %dma_wait3A_330 : memref<1x80x64xf32, #tpu.memory_space<vmem>> -> memref<80x64xf32, #tpu.memory_space<vmem>>
    %dma_wait3A_332 = arith.constant 0 : i32
    %dma_wait3A_333 = tpu.memref_slice %arg6[%dma_wait3A_326, %dma_wait3A_332] : memref<250x80xi32, #tpu.memory_space<vmem>> -> memref<1x80xi32, #tpu.memory_space<vmem>>
    %dma_wait3A_334 = tpu.memref_squeeze %dma_wait3A_333 : memref<1x80xi32, #tpu.memory_space<vmem>> -> memref<80xi32, #tpu.memory_space<vmem>>
    %dma_wait3A_335 = arith.constant 0 : i32
    %dma_wait3A_336 = arith.constant 0 : i32
    %dma_wait3A_337 = tpu.memref_slice %arg9[%dma_wait3A_335, %dma_wait3A_336] : memref<10000x64xf32, #tpu.memory_space<vmem_shared>> -> memref<10000x64xf32, #tpu.memory_space<vmem_shared>>
    %dma_wait3A_338 = tpu.memref_slice %arg11[%dma_wait3A_327] : memref<6x!tpu.dma_semaphore, #tpu.memory_space<semaphore_mem>> -> memref<1x!tpu.dma_semaphore, #tpu.memory_space<semaphore_mem>>
    %dma_wait3A_339 = tpu.memref_squeeze %dma_wait3A_338 : memref<1x!tpu.dma_semaphore, #tpu.memory_space<semaphore_mem>> -> memref<!tpu.dma_semaphore, #tpu.memory_space<semaphore_mem>>
    tpu.wait_indirect_dma semaphore(%dma_wait3A_339 : memref<!tpu.dma_semaphore, #tpu.memory_space<semaphore_mem>>) src(%dma_wait3A_331 : memref<80x64xf32, #tpu.memory_space<vmem>>) dst(%dma_wait3A_337 : memref<10000x64xf32, #tpu.memory_space<vmem_shared>>)
    %dma_wait3A_340 = arith.constant 5 : i32
    %dma_wait3A_341 = arith.constant 0 : i32
    %dma_wait3A_342 = arith.constant 5 : i32
    %dma_wait3A_343 = arith.constant 0 : i32
    %dma_wait3A_344 = arith.constant 0 : i32
    %dma_wait3A_345 = tpu.memref_slice %arg7[%dma_wait3A_340, %dma_wait3A_343, %dma_wait3A_344] : memref<6x80x64xf32, #tpu.memory_space<vmem>> -> memref<1x80x64xf32, #tpu.memory_space<vmem>>
    %dma_wait3A_346 = tpu.memref_squeeze %dma_wait3A_345 : memref<1x80x64xf32, #tpu.memory_space<vmem>> -> memref<80x64xf32, #tpu.memory_space<vmem>>
    %dma_wait3A_347 = arith.constant 0 : i32
    %dma_wait3A_348 = tpu.memref_slice %arg6[%dma_wait3A_341, %dma_wait3A_347] : memref<250x80xi32, #tpu.memory_space<vmem>> -> memref<1x80xi32, #tpu.memory_space<vmem>>
    %dma_wait3A_349 = tpu.memref_squeeze %dma_wait3A_348 : memref<1x80xi32, #tpu.memory_space<vmem>> -> memref<80xi32, #tpu.memory_space<vmem>>
    %dma_wait3A_350 = arith.constant 0 : i32
    %dma_wait3A_351 = arith.constant 0 : i32
    %dma_wait3A_352 = tpu.memref_slice %arg9[%dma_wait3A_350, %dma_wait3A_351] : memref<10000x64xf32, #tpu.memory_space<vmem_shared>> -> memref<10000x64xf32, #tpu.memory_space<vmem_shared>>
    %dma_wait3A_353 = tpu.memref_slice %arg11[%dma_wait3A_342] : memref<6x!tpu.dma_semaphore, #tpu.memory_space<semaphore_mem>> -> memref<1x!tpu.dma_semaphore, #tpu.memory_space<semaphore_mem>>
    %dma_wait3A_354 = tpu.memref_squeeze %dma_wait3A_353 : memref<1x!tpu.dma_semaphore, #tpu.memory_space<semaphore_mem>> -> memref<!tpu.dma_semaphore, #tpu.memory_space<semaphore_mem>>
    tpu.wait_indirect_dma semaphore(%dma_wait3A_354 : memref<!tpu.dma_semaphore, #tpu.memory_space<semaphore_mem>>) src(%dma_wait3A_346 : memref<80x64xf32, #tpu.memory_space<vmem>>) dst(%dma_wait3A_352 : memref<10000x64xf32, #tpu.memory_space<vmem_shared>>)
    %barrier3A_355 = arith.constant 0 : index
    tpu.barrier barrier_id(%barrier3A_355)
    %mul3A = arith.constant 624 : i32
    %mul3A_356 = arith.muli %arg1, %mul3A : i32
    %mul3A_357 = arith.constant 624 : i32
    %mul3A_358 = arith.muli %arg1, %mul3A_357 : i32
    "tpu.region"() ({
      %run_scoped3A_364 = tpu.sem_alloc : memref<!tpu.dma_semaphore, #tpu.memory_space<semaphore_mem>>
      %dma_start3A_365 = arith.constant 0 : i32
      %dma_start3A_366 = tpu.memref_slice %arg4[%arg0, %mul3A_358, %dma_start3A_365] : memref<2x10000x64xf32, #tpu.memory_space<hbm>> -> memref<1x624x64xf32, #tpu.memory_space<hbm>>
      %dma_start3A_367 = tpu.memref_squeeze %dma_start3A_366 : memref<1x624x64xf32, #tpu.memory_space<hbm>> -> memref<624x64xf32, #tpu.memory_space<hbm>>
      %dma_start3A_368 = arith.constant 0 : i32
      %dma_start3A_369 = tpu.memref_slice %arg9[%mul3A_356, %dma_start3A_368] : memref<10000x64xf32, #tpu.memory_space<vmem_shared>> -> memref<624x64xf32, #tpu.memory_space<vmem_shared>>
      tpu.enqueue_dma source(%dma_start3A_369 : memref<624x64xf32, #tpu.memory_space<vmem_shared>>) target(%dma_start3A_367 : memref<624x64xf32, #tpu.memory_space<hbm>>) target_semaphore(%run_scoped3A_364 : memref<!tpu.dma_semaphore, #tpu.memory_space<semaphore_mem>>)
      %dma_wait3A_370 = arith.constant 0 : i32
      %dma_wait3A_371 = tpu.memref_slice %arg4[%arg0, %mul3A_358, %dma_wait3A_370] : memref<2x10000x64xf32, #tpu.memory_space<hbm>> -> memref<1x624x64xf32, #tpu.memory_space<hbm>>
      %dma_wait3A_372 = tpu.memref_squeeze %dma_wait3A_371 : memref<1x624x64xf32, #tpu.memory_space<hbm>> -> memref<624x64xf32, #tpu.memory_space<hbm>>
      %dma_wait3A_373 = arith.constant 0 : i32
      %dma_wait3A_374 = tpu.memref_slice %arg9[%mul3A_356, %dma_wait3A_373] : memref<10000x64xf32, #tpu.memory_space<vmem_shared>> -> memref<624x64xf32, #tpu.memory_space<vmem_shared>>
      tpu.wait_dma2 semaphore(%run_scoped3A_364 : memref<!tpu.dma_semaphore, #tpu.memory_space<semaphore_mem>>) src(%dma_wait3A_374 : memref<624x64xf32, #tpu.memory_space<vmem_shared>>) dst(%dma_wait3A_372 : memref<624x64xf32, #tpu.memory_space<hbm>>)
      tpu.yield
    }) : () -> ()
    %eq3A_359 = arith.constant 0 : i32
    %eq3A_360 = arith.cmpi eq, %arg1, %eq3A_359 : i32
    %convert_element_type3A_361 = arith.extui %eq3A_360 : i1 to i32
    %cond3A_362 = arith.constant 0 : i32
    %cond3A_363 = arith.cmpi ne, %convert_element_type3A_361, %cond3A_362 : i32
    scf.if %cond3A_363 {
      "tpu.region"() ({
        %run_scoped3A_364 = tpu.sem_alloc : memref<!tpu.dma_semaphore, #tpu.memory_space<semaphore_mem>>
        %dma_start3A_365 = arith.constant 9984 : i32
        %dma_start3A_366 = arith.constant 0 : i32
        %dma_start3A_367 = tpu.memref_slice %arg4[%arg0, %dma_start3A_365, %dma_start3A_366] : memref<2x10000x64xf32, #tpu.memory_space<hbm>> -> memref<1x16x64xf32, #tpu.memory_space<hbm>>
        %dma_start3A_368 = tpu.memref_squeeze %dma_start3A_367 : memref<1x16x64xf32, #tpu.memory_space<hbm>> -> memref<16x64xf32, #tpu.memory_space<hbm>>
        %dma_start3A_369 = arith.constant 9984 : i32
        %dma_start3A_370 = arith.constant 0 : i32
        %dma_start3A_371 = tpu.memref_slice %arg9[%dma_start3A_369, %dma_start3A_370] : memref<10000x64xf32, #tpu.memory_space<vmem_shared>> -> memref<16x64xf32, #tpu.memory_space<vmem_shared>>
        tpu.enqueue_dma source(%dma_start3A_371 : memref<16x64xf32, #tpu.memory_space<vmem_shared>>) target(%dma_start3A_368 : memref<16x64xf32, #tpu.memory_space<hbm>>) target_semaphore(%run_scoped3A_364 : memref<!tpu.dma_semaphore, #tpu.memory_space<semaphore_mem>>)
        %dma_wait3A_372 = arith.constant 9984 : i32
        %dma_wait3A_373 = arith.constant 0 : i32
        %dma_wait3A_374 = tpu.memref_slice %arg4[%arg0, %dma_wait3A_372, %dma_wait3A_373] : memref<2x10000x64xf32, #tpu.memory_space<hbm>> -> memref<1x16x64xf32, #tpu.memory_space<hbm>>
        %dma_wait3A_375 = tpu.memref_squeeze %dma_wait3A_374 : memref<1x16x64xf32, #tpu.memory_space<hbm>> -> memref<16x64xf32, #tpu.memory_space<hbm>>
        %dma_wait3A_376 = arith.constant 9984 : i32
        %dma_wait3A_377 = arith.constant 0 : i32
        %dma_wait3A_378 = tpu.memref_slice %arg9[%dma_wait3A_376, %dma_wait3A_377] : memref<10000x64xf32, #tpu.memory_space<vmem_shared>> -> memref<16x64xf32, #tpu.memory_space<vmem_shared>>
        tpu.wait_dma2 semaphore(%run_scoped3A_364 : memref<!tpu.dma_semaphore, #tpu.memory_space<semaphore_mem>>) src(%dma_wait3A_378 : memref<16x64xf32, #tpu.memory_space<vmem_shared>>) dst(%dma_wait3A_375 : memref<16x64xf32, #tpu.memory_space<hbm>>)
        tpu.yield
      }) : () -> ()
    } else {
    }
    return
  }
}

module attributes {stable_mosaic.version = 14 : i64} {
  func.func @_tc_h1_body(%arg0: i32, %arg1: memref<1000x128xf32, #tpu.memory_space<vmem>>, %arg2: memref<1000x128xf32, #tpu.memory_space<vmem>>, %arg3: memref<128x128xf32, #tpu.memory_space<vmem>>, %arg4: memref<2x1000x128xf32, #tpu.memory_space<vmem>>, %arg5: memref<2x1000x128xf32, #tpu.memory_space<vmem>>) attributes {dimension_semantics = [#tpu.dimension_semantics<arbitrary>], iteration_bounds = array<i64: 5>, scalar_prefetch = 0 : i64, scratch_operands = 0 : i64, tpu.core_type = #tpu.core_type<tc>, window_params = [{transform_indices = @transform_0, window_bounds = array<i64: 1000, 128>}, {transform_indices = @transform_1, window_bounds = array<i64: 1000, 128>}, {pipeline_mode = #tpu.pipeline_mode<synchronous>, transform_indices = @transform_2, window_bounds = array<i64: 128, 128>}, {transform_indices = @transform_3, window_bounds = array<i64: 2, 1000, 128>}, {transform_indices = @transform_4, window_bounds = array<i64: 2, 1000, 128>}]} {
    %get3A = arith.constant 0 : index
    %get3A_0 = arith.constant 0 : index
    %get3A_1 = arith.constant 0 : index
    %get3A_2 = vector.load %arg4[%get3A, %get3A_0, %get3A_1] : memref<2x1000x128xf32, #tpu.memory_space<vmem>>, vector<1x1000x128xf32>
    %get3A_3 = vector.shape_cast %get3A_2 : vector<1x1000x128xf32> to vector<1000x128xf32>
    %get3A_4 = arith.constant 1 : index
    %get3A_5 = arith.constant 0 : index
    %get3A_6 = arith.constant 0 : index
    %get3A_7 = vector.load %arg4[%get3A_4, %get3A_5, %get3A_6] : memref<2x1000x128xf32, #tpu.memory_space<vmem>>, vector<1x1000x128xf32>
    %get3A_8 = vector.shape_cast %get3A_7 : vector<1x1000x128xf32> to vector<1000x128xf32>
    %add3A = arith.addf %get3A_3, %get3A_8 : vector<1000x128xf32>
    %add3A_9 = arith.constant 1.000000e+00 : f32
    %add3A_10 = vector.broadcast %add3A_9 : f32 to vector<1000x128xf32>
    %add3A_11 = arith.addf %add3A, %add3A_10 : vector<1000x128xf32>
    %rsqrt3A = math.rsqrt %add3A_11 : vector<1000x128xf32>
    %get3A_12 = arith.constant 0 : index
    %get3A_13 = arith.constant 0 : index
    %get3A_14 = vector.load %arg3[%get3A_12, %get3A_13] : memref<128x128xf32, #tpu.memory_space<vmem>>, vector<128x128xf32>
    %get3A_15 = arith.constant 0 : index
    %get3A_16 = arith.constant 0 : index
    %get3A_17 = vector.load %arg1[%get3A_15, %get3A_16] : memref<1000x128xf32, #tpu.memory_space<vmem>>, vector<1000x128xf32>
    %dot_general3A = arith.constant dense<0.000000e+00> : vector<1000x128xf32>
    %dot_general3A_18 = tpu.matmul %get3A_17, %get3A_14, %dot_general3A {dimension_numbers = #tpu.dot_dimension_numbers<[1], [0], [0], [1], [0, 0, 1, 1], [], []>, transpose_lhs_hint = false} : vector<1000x128xf32>, vector<128x128xf32>, vector<1000x128xf32> -> vector<1000x128xf32>
    %get3A_19 = arith.constant 0 : index
    %get3A_20 = arith.constant 0 : index
    %get3A_21 = vector.load %arg2[%get3A_19, %get3A_20] : memref<1000x128xf32, #tpu.memory_space<vmem>>, vector<1000x128xf32>
    %dot_general3A_22 = arith.constant dense<0.000000e+00> : vector<1000x128xf32>
    %dot_general3A_23 = tpu.matmul %get3A_21, %get3A_14, %dot_general3A_22 {dimension_numbers = #tpu.dot_dimension_numbers<[1], [0], [0], [1], [0, 0, 1, 1], [], []>, transpose_lhs_hint = false} : vector<1000x128xf32>, vector<128x128xf32>, vector<1000x128xf32> -> vector<1000x128xf32>
    %slice3A = vector.extract_strided_slice %dot_general3A_18 {offsets = [0, 0], sizes = [1000, 64], strides = [1, 1]} : vector<1000x128xf32> to vector<1000x64xf32>
    %slice3A_24 = vector.extract_strided_slice %dot_general3A_23 {offsets = [0, 0], sizes = [1000, 64], strides = [1, 1]} : vector<1000x128xf32> to vector<1000x64xf32>
    %concatenate3A = tpu.concatenate %slice3A, %slice3A_24 in 1 : vector<1000x64xf32>, vector<1000x64xf32> -> vector<1000x128xf32>
    %swap3A = arith.constant 0 : index
    %swap3A_25 = arith.constant 0 : index
    %swap3A_26 = arith.constant 0 : index
    %swap3A_27 = vector.load %arg5[%swap3A, %swap3A_25, %swap3A_26] : memref<2x1000x128xf32, #tpu.memory_space<vmem>>, vector<1x1000x128xf32>
    %swap3A_28 = vector.shape_cast %swap3A_27 : vector<1x1000x128xf32> to vector<1000x128xf32>
    %swap3A_29 = vector.shape_cast %concatenate3A : vector<1000x128xf32> to vector<1x1000x128xf32>
    tpu.vector_store %arg5[%swap3A, %swap3A_25, %swap3A_26], %swap3A_29 {strides = array<i32>} : memref<2x1000x128xf32, #tpu.memory_space<vmem>>, vector<1x1000x128xf32>,
    %slice3A_30 = vector.extract_strided_slice %dot_general3A_18 {offsets = [0, 64], sizes = [1000, 64], strides = [1, 1]} : vector<1000x128xf32> to vector<1000x64xf32>
    %slice3A_31 = vector.extract_strided_slice %dot_general3A_23 {offsets = [0, 64], sizes = [1000, 64], strides = [1, 1]} : vector<1000x128xf32> to vector<1000x64xf32>
    %concatenate3A_32 = tpu.concatenate %slice3A_30, %slice3A_31 in 1 : vector<1000x64xf32>, vector<1000x64xf32> -> vector<1000x128xf32>
    %swap3A_33 = arith.constant 1 : index
    %swap3A_34 = arith.constant 0 : index
    %swap3A_35 = arith.constant 0 : index
    %swap3A_36 = vector.load %arg5[%swap3A_33, %swap3A_34, %swap3A_35] : memref<2x1000x128xf32, #tpu.memory_space<vmem>>, vector<1x1000x128xf32>
    %swap3A_37 = vector.shape_cast %swap3A_36 : vector<1x1000x128xf32> to vector<1000x128xf32>
    %swap3A_38 = vector.shape_cast %concatenate3A_32 : vector<1000x128xf32> to vector<1x1000x128xf32>
    tpu.vector_store %arg5[%swap3A_33, %swap3A_34, %swap3A_35], %swap3A_38 {strides = array<i32>} : memref<2x1000x128xf32, #tpu.memory_space<vmem>>, vector<1x1000x128xf32>,
    %get3A_39 = arith.constant 0 : index
    %get3A_40 = arith.constant 0 : index
    %get3A_41 = arith.constant 0 : index
    %get3A_42 = vector.load %arg5[%get3A_39, %get3A_40, %get3A_41] : memref<2x1000x128xf32, #tpu.memory_space<vmem>>, vector<1x1000x128xf32>
    %get3A_43 = vector.shape_cast %get3A_42 : vector<1x1000x128xf32> to vector<1000x128xf32>
    %mul3A = arith.mulf %get3A_43, %rsqrt3A : vector<1000x128xf32>
    %swap3A_44 = arith.constant 0 : index
    %swap3A_45 = arith.constant 0 : index
    %swap3A_46 = arith.constant 0 : index
    %swap3A_47 = vector.load %arg5[%swap3A_44, %swap3A_45, %swap3A_46] : memref<2x1000x128xf32, #tpu.memory_space<vmem>>, vector<1x1000x128xf32>
    %swap3A_48 = vector.shape_cast %swap3A_47 : vector<1x1000x128xf32> to vector<1000x128xf32>
    %swap3A_49 = vector.shape_cast %mul3A : vector<1000x128xf32> to vector<1x1000x128xf32>
    tpu.vector_store %arg5[%swap3A_44, %swap3A_45, %swap3A_46], %swap3A_49 {strides = array<i32>} : memref<2x1000x128xf32, #tpu.memory_space<vmem>>, vector<1x1000x128xf32>,
    %get3A_50 = arith.constant 1 : index
    %get3A_51 = arith.constant 0 : index
    %get3A_52 = arith.constant 0 : index
    %get3A_53 = vector.load %arg5[%get3A_50, %get3A_51, %get3A_52] : memref<2x1000x128xf32, #tpu.memory_space<vmem>>, vector<1x1000x128xf32>
    %get3A_54 = vector.shape_cast %get3A_53 : vector<1x1000x128xf32> to vector<1000x128xf32>
    %mul3A_55 = arith.mulf %get3A_54, %rsqrt3A : vector<1000x128xf32>
    %swap3A_56 = arith.constant 1 : index
    %swap3A_57 = arith.constant 0 : index
    %swap3A_58 = arith.constant 0 : index
    %swap3A_59 = vector.load %arg5[%swap3A_56, %swap3A_57, %swap3A_58] : memref<2x1000x128xf32, #tpu.memory_space<vmem>>, vector<1x1000x128xf32>
    %swap3A_60 = vector.shape_cast %swap3A_59 : vector<1x1000x128xf32> to vector<1000x128xf32>
    %swap3A_61 = vector.shape_cast %mul3A_55 : vector<1000x128xf32> to vector<1x1000x128xf32>
    tpu.vector_store %arg5[%swap3A_56, %swap3A_57, %swap3A_58], %swap3A_61 {strides = array<i32>} : memref<2x1000x128xf32, #tpu.memory_space<vmem>>, vector<1x1000x128xf32>,
    return
  }
  func.func @transform_0(%arg0: i32) -> (i32, i32) {
    %c0_i32 = arith.constant 0 : i32
    %c0_i32_0 = arith.constant 0 : i32
    return %arg0, %c0_i32 : i32, i32
  }
  func.func @transform_1(%arg0: i32) -> (i32, i32) {
    %add3A = arith.constant 5 : i32
    %add3A_0 = arith.addi %arg0, %add3A : i32
    %c0_i32 = arith.constant 0 : i32
    %c0_i32_1 = arith.constant 0 : i32
    return %add3A_0, %c0_i32 : i32, i32
  }
  func.func @transform_2(%arg0: i32) -> (i32, i32) {
    %c0_i32 = arith.constant 0 : i32
    %c0_i32_0 = arith.constant 0 : i32
    %c0_i32_1 = arith.constant 0 : i32
    return %c0_i32, %c0_i32_0 : i32, i32
  }
  func.func @transform_3(%arg0: i32) -> (i32, i32, i32) {
    %c0_i32 = arith.constant 0 : i32
    %c0_i32_0 = arith.constant 0 : i32
    %c0_i32_1 = arith.constant 0 : i32
    return %c0_i32, %arg0, %c0_i32_0 : i32, i32, i32
  }
  func.func @transform_4(%arg0: i32) -> (i32, i32, i32) {
    %c0_i32 = arith.constant 0 : i32
    %c0_i32_0 = arith.constant 0 : i32
    %c0_i32_1 = arith.constant 0 : i32
    return %c0_i32, %arg0, %c0_i32_0 : i32, i32, i32
  }
}

module attributes {stable_mosaic.version = 14 : i64} {
  func.func @_tc_mid_body(%arg0: i32, %arg1: memref<2x1000x128xf32, #tpu.memory_space<vmem>>, %arg2: memref<2x1000x128xf32, #tpu.memory_space<vmem>>, %arg3: memref<2x1000x128xf32, #tpu.memory_space<vmem>>, %arg4: memref<128x128xf32, #tpu.memory_space<vmem>>, %arg5: memref<2x1x128xf32, #tpu.memory_space<vmem>>, %arg6: memref<2x1000x128xf32, #tpu.memory_space<vmem>>) attributes {dimension_semantics = [#tpu.dimension_semantics<arbitrary>], iteration_bounds = array<i64: 5>, scalar_prefetch = 0 : i64, scratch_operands = 0 : i64, tpu.core_type = #tpu.core_type<tc>, window_params = [{transform_indices = @transform_0, window_bounds = array<i64: 2, 1000, 128>}, {transform_indices = @transform_1, window_bounds = array<i64: 2, 1000, 128>}, {transform_indices = @transform_2, window_bounds = array<i64: 2, 1000, 128>}, {pipeline_mode = #tpu.pipeline_mode<synchronous>, transform_indices = @transform_3, window_bounds = array<i64: 128, 128>}, {pipeline_mode = #tpu.pipeline_mode<synchronous>, transform_indices = @transform_4, window_bounds = array<i64: 2, 1, 128>}, {transform_indices = @transform_5, window_bounds = array<i64: 2, 1000, 128>}]} {
    %get3A = arith.constant 0 : index
    %get3A_0 = arith.constant 0 : index
    %get3A_1 = arith.constant 0 : index
    %get3A_2 = vector.load %arg3[%get3A, %get3A_0, %get3A_1] : memref<2x1000x128xf32, #tpu.memory_space<vmem>>, vector<1x1000x128xf32>
    %get3A_3 = vector.shape_cast %get3A_2 : vector<1x1000x128xf32> to vector<1000x128xf32>
    %get3A_4 = arith.constant 1 : index
    %get3A_5 = arith.constant 0 : index
    %get3A_6 = arith.constant 0 : index
    %get3A_7 = vector.load %arg3[%get3A_4, %get3A_5, %get3A_6] : memref<2x1000x128xf32, #tpu.memory_space<vmem>>, vector<1x1000x128xf32>
    %get3A_8 = vector.shape_cast %get3A_7 : vector<1x1000x128xf32> to vector<1000x128xf32>
    %add3A = arith.addf %get3A_3, %get3A_8 : vector<1000x128xf32>
    %add3A_9 = arith.constant 1.000000e+00 : f32
    %add3A_10 = vector.broadcast %add3A_9 : f32 to vector<1000x128xf32>
    %add3A_11 = arith.addf %add3A, %add3A_10 : vector<1000x128xf32>
    %rsqrt3A = math.rsqrt %add3A_11 : vector<1000x128xf32>
    %get3A_12 = arith.constant 0 : index
    %get3A_13 = arith.constant 0 : index
    %get3A_14 = arith.constant 0 : index
    %get3A_15 = vector.load %arg1[%get3A_12, %get3A_13, %get3A_14] : memref<2x1000x128xf32, #tpu.memory_space<vmem>>, vector<1x1000x128xf32>
    %get3A_16 = vector.shape_cast %get3A_15 : vector<1x1000x128xf32> to vector<1000x128xf32>
    %get3A_17 = arith.constant 0 : index
    %get3A_18 = arith.constant 0 : index
    %get3A_19 = arith.constant 0 : index
    %get3A_20 = vector.load %arg2[%get3A_17, %get3A_18, %get3A_19] : memref<2x1000x128xf32, #tpu.memory_space<vmem>>, vector<1x1000x128xf32>
    %get3A_21 = vector.shape_cast %get3A_20 : vector<1x1000x128xf32> to vector<1000x128xf32>
    %add3A_22 = arith.addf %get3A_16, %get3A_21 : vector<1000x128xf32>
    %mul3A = arith.mulf %rsqrt3A, %add3A_22 : vector<1000x128xf32>
    %get3A_23 = arith.constant 0 : index
    %get3A_24 = arith.constant 0 : index
    %get3A_25 = arith.constant 0 : index
    %get3A_26 = vector.load %arg5[%get3A_23, %get3A_24, %get3A_25] : memref<2x1x128xf32, #tpu.memory_space<vmem>>, vector<1x1x128xf32>
    %get3A_27 = vector.shape_cast %get3A_26 : vector<1x1x128xf32> to vector<1x128xf32>
    %add3A_28 = vector.broadcast %get3A_27 : vector<1x128xf32> to vector<1000x128xf32>
    %add3A_29 = arith.addf %mul3A, %add3A_28 : vector<1000x128xf32>
    %get3A_30 = arith.constant 1 : index
    %get3A_31 = arith.constant 0 : index
    %get3A_32 = arith.constant 0 : index
    %get3A_33 = vector.load %arg1[%get3A_30, %get3A_31, %get3A_32] : memref<2x1000x128xf32, #tpu.memory_space<vmem>>, vector<1x1000x128xf32>
    %get3A_34 = vector.shape_cast %get3A_33 : vector<1x1000x128xf32> to vector<1000x128xf32>
    %get3A_35 = arith.constant 1 : index
    %get3A_36 = arith.constant 0 : index
    %get3A_37 = arith.constant 0 : index
    %get3A_38 = vector.load %arg2[%get3A_35, %get3A_36, %get3A_37] : memref<2x1000x128xf32, #tpu.memory_space<vmem>>, vector<1x1000x128xf32>
    %get3A_39 = vector.shape_cast %get3A_38 : vector<1x1000x128xf32> to vector<1000x128xf32>
    %add3A_40 = arith.addf %get3A_34, %get3A_39 : vector<1000x128xf32>
    %mul3A_41 = arith.mulf %rsqrt3A, %add3A_40 : vector<1000x128xf32>
    %get3A_42 = arith.constant 1 : index
    %get3A_43 = arith.constant 0 : index
    %get3A_44 = arith.constant 0 : index
    %get3A_45 = vector.load %arg5[%get3A_42, %get3A_43, %get3A_44] : memref<2x1x128xf32, #tpu.memory_space<vmem>>, vector<1x1x128xf32>
    %get3A_46 = vector.shape_cast %get3A_45 : vector<1x1x128xf32> to vector<1x128xf32>
    %add3A_47 = vector.broadcast %get3A_46 : vector<1x128xf32> to vector<1000x128xf32>
    %add3A_48 = arith.addf %mul3A_41, %add3A_47 : vector<1000x128xf32>
    %slice3A = vector.extract_strided_slice %add3A_29 {offsets = [0, 0], sizes = [1000, 64], strides = [1, 1]} : vector<1000x128xf32> to vector<1000x64xf32>
    %slice3A_49 = vector.extract_strided_slice %add3A_48 {offsets = [0, 0], sizes = [1000, 64], strides = [1, 1]} : vector<1000x128xf32> to vector<1000x64xf32>
    %concatenate3A = tpu.concatenate %slice3A, %slice3A_49 in 1 : vector<1000x64xf32>, vector<1000x64xf32> -> vector<1000x128xf32>
    %slice3A_50 = vector.extract_strided_slice %add3A_29 {offsets = [0, 64], sizes = [1000, 64], strides = [1, 1]} : vector<1000x128xf32> to vector<1000x64xf32>
    %slice3A_51 = vector.extract_strided_slice %add3A_48 {offsets = [0, 64], sizes = [1000, 64], strides = [1, 1]} : vector<1000x128xf32> to vector<1000x64xf32>
    %concatenate3A_52 = tpu.concatenate %slice3A_50, %slice3A_51 in 1 : vector<1000x64xf32>, vector<1000x64xf32> -> vector<1000x128xf32>
    %get3A_53 = arith.constant 0 : index
    %get3A_54 = arith.constant 0 : index
    %get3A_55 = vector.load %arg4[%get3A_53, %get3A_54] : memref<128x128xf32, #tpu.memory_space<vmem>>, vector<128x128xf32>
    %dot_general3A = arith.constant dense<0.000000e+00> : vector<1000x128xf32>
    %dot_general3A_56 = tpu.matmul %concatenate3A, %get3A_55, %dot_general3A {dimension_numbers = #tpu.dot_dimension_numbers<[1], [0], [0], [1], [0, 0, 1, 1], [], []>, transpose_lhs_hint = false} : vector<1000x128xf32>, vector<128x128xf32>, vector<1000x128xf32> -> vector<1000x128xf32>
    %dot_general3A_57 = arith.constant dense<0.000000e+00> : vector<1000x128xf32>
    %dot_general3A_58 = tpu.matmul %concatenate3A_52, %get3A_55, %dot_general3A_57 {dimension_numbers = #tpu.dot_dimension_numbers<[1], [0], [0], [1], [0, 0, 1, 1], [], []>, transpose_lhs_hint = false} : vector<1000x128xf32>, vector<128x128xf32>, vector<1000x128xf32> -> vector<1000x128xf32>
    %slice3A_59 = vector.extract_strided_slice %dot_general3A_56 {offsets = [0, 0], sizes = [1000, 64], strides = [1, 1]} : vector<1000x128xf32> to vector<1000x64xf32>
    %slice3A_60 = vector.extract_strided_slice %dot_general3A_58 {offsets = [0, 0], sizes = [1000, 64], strides = [1, 1]} : vector<1000x128xf32> to vector<1000x64xf32>
    %concatenate3A_61 = tpu.concatenate %slice3A_59, %slice3A_60 in 1 : vector<1000x64xf32>, vector<1000x64xf32> -> vector<1000x128xf32>
    %swap3A = arith.constant 0 : index
    %swap3A_62 = arith.constant 0 : index
    %swap3A_63 = arith.constant 0 : index
    %swap3A_64 = vector.load %arg6[%swap3A, %swap3A_62, %swap3A_63] : memref<2x1000x128xf32, #tpu.memory_space<vmem>>, vector<1x1000x128xf32>
    %swap3A_65 = vector.shape_cast %swap3A_64 : vector<1x1000x128xf32> to vector<1000x128xf32>
    %swap3A_66 = vector.shape_cast %concatenate3A_61 : vector<1000x128xf32> to vector<1x1000x128xf32>
    tpu.vector_store %arg6[%swap3A, %swap3A_62, %swap3A_63], %swap3A_66 {strides = array<i32>} : memref<2x1000x128xf32, #tpu.memory_space<vmem>>, vector<1x1000x128xf32>,
    %slice3A_67 = vector.extract_strided_slice %dot_general3A_56 {offsets = [0, 64], sizes = [1000, 64], strides = [1, 1]} : vector<1000x128xf32> to vector<1000x64xf32>
    %slice3A_68 = vector.extract_strided_slice %dot_general3A_58 {offsets = [0, 64], sizes = [1000, 64], strides = [1, 1]} : vector<1000x128xf32> to vector<1000x64xf32>
    %concatenate3A_69 = tpu.concatenate %slice3A_67, %slice3A_68 in 1 : vector<1000x64xf32>, vector<1000x64xf32> -> vector<1000x128xf32>
    %swap3A_70 = arith.constant 1 : index
    %swap3A_71 = arith.constant 0 : index
    %swap3A_72 = arith.constant 0 : index
    %swap3A_73 = vector.load %arg6[%swap3A_70, %swap3A_71, %swap3A_72] : memref<2x1000x128xf32, #tpu.memory_space<vmem>>, vector<1x1000x128xf32>
    %swap3A_74 = vector.shape_cast %swap3A_73 : vector<1x1000x128xf32> to vector<1000x128xf32>
    %swap3A_75 = vector.shape_cast %concatenate3A_69 : vector<1000x128xf32> to vector<1x1000x128xf32>
    tpu.vector_store %arg6[%swap3A_70, %swap3A_71, %swap3A_72], %swap3A_75 {strides = array<i32>} : memref<2x1000x128xf32, #tpu.memory_space<vmem>>, vector<1x1000x128xf32>,
    %get3A_76 = arith.constant 0 : index
    %get3A_77 = arith.constant 0 : index
    %get3A_78 = arith.constant 0 : index
    %get3A_79 = vector.load %arg6[%get3A_76, %get3A_77, %get3A_78] : memref<2x1000x128xf32, #tpu.memory_space<vmem>>, vector<1x1000x128xf32>
    %get3A_80 = vector.shape_cast %get3A_79 : vector<1x1000x128xf32> to vector<1000x128xf32>
    %mul3A_81 = arith.mulf %get3A_80, %rsqrt3A : vector<1000x128xf32>
    %swap3A_82 = arith.constant 0 : index
    %swap3A_83 = arith.constant 0 : index
    %swap3A_84 = arith.constant 0 : index
    %swap3A_85 = vector.load %arg6[%swap3A_82, %swap3A_83, %swap3A_84] : memref<2x1000x128xf32, #tpu.memory_space<vmem>>, vector<1x1000x128xf32>
    %swap3A_86 = vector.shape_cast %swap3A_85 : vector<1x1000x128xf32> to vector<1000x128xf32>
    %swap3A_87 = vector.shape_cast %mul3A_81 : vector<1000x128xf32> to vector<1x1000x128xf32>
    tpu.vector_store %arg6[%swap3A_82, %swap3A_83, %swap3A_84], %swap3A_87 {strides = array<i32>} : memref<2x1000x128xf32, #tpu.memory_space<vmem>>, vector<1x1000x128xf32>,
    %get3A_88 = arith.constant 1 : index
    %get3A_89 = arith.constant 0 : index
    %get3A_90 = arith.constant 0 : index
    %get3A_91 = vector.load %arg6[%get3A_88, %get3A_89, %get3A_90] : memref<2x1000x128xf32, #tpu.memory_space<vmem>>, vector<1x1000x128xf32>
    %get3A_92 = vector.shape_cast %get3A_91 : vector<1x1000x128xf32> to vector<1000x128xf32>
    %mul3A_93 = arith.mulf %get3A_92, %rsqrt3A : vector<1000x128xf32>
    %swap3A_94 = arith.constant 1 : index
    %swap3A_95 = arith.constant 0 : index
    %swap3A_96 = arith.constant 0 : index
    %swap3A_97 = vector.load %arg6[%swap3A_94, %swap3A_95, %swap3A_96] : memref<2x1000x128xf32, #tpu.memory_space<vmem>>, vector<1x1000x128xf32>
    %swap3A_98 = vector.shape_cast %swap3A_97 : vector<1x1000x128xf32> to vector<1000x128xf32>
    %swap3A_99 = vector.shape_cast %mul3A_93 : vector<1000x128xf32> to vector<1x1000x128xf32>
    tpu.vector_store %arg6[%swap3A_94, %swap3A_95, %swap3A_96], %swap3A_99 {strides = array<i32>} : memref<2x1000x128xf32, #tpu.memory_space<vmem>>, vector<1x1000x128xf32>,
    return
  }
  func.func @transform_0(%arg0: i32) -> (i32, i32, i32) {
    %c0_i32 = arith.constant 0 : i32
    %c0_i32_0 = arith.constant 0 : i32
    %c0_i32_1 = arith.constant 0 : i32
    return %c0_i32, %arg0, %c0_i32_0 : i32, i32, i32
  }
  func.func @transform_1(%arg0: i32) -> (i32, i32, i32) {
    %c0_i32 = arith.constant 0 : i32
    %c0_i32_0 = arith.constant 0 : i32
    %c0_i32_1 = arith.constant 0 : i32
    return %c0_i32, %arg0, %c0_i32_0 : i32, i32, i32
  }
  func.func @transform_2(%arg0: i32) -> (i32, i32, i32) {
    %c0_i32 = arith.constant 0 : i32
    %c0_i32_0 = arith.constant 0 : i32
    %c0_i32_1 = arith.constant 0 : i32
    return %c0_i32, %arg0, %c0_i32_0 : i32, i32, i32
  }
  func.func @transform_3(%arg0: i32) -> (i32, i32) {
    %c0_i32 = arith.constant 0 : i32
    %c0_i32_0 = arith.constant 0 : i32
    %c0_i32_1 = arith.constant 0 : i32
    return %c0_i32, %c0_i32_0 : i32, i32
  }
  func.func @transform_4(%arg0: i32) -> (i32, i32, i32) {
    %c0_i32 = arith.constant 0 : i32
    %c0_i32_0 = arith.constant 0 : i32
    %c0_i32_1 = arith.constant 0 : i32
    %c0_i32_2 = arith.constant 0 : i32
    return %c0_i32, %c0_i32_0, %c0_i32_1 : i32, i32, i32
  }
  func.func @transform_5(%arg0: i32) -> (i32, i32, i32) {
    %c0_i32 = arith.constant 0 : i32
    %c0_i32_0 = arith.constant 0 : i32
    %c0_i32_1 = arith.constant 0 : i32
    return %c0_i32, %arg0, %c0_i32_0 : i32, i32, i32
  }
}

module attributes {stable_mosaic.version = 14 : i64} {
  func.func @_tc_final_body(%arg0: i32, %arg1: memref<2x1000x128xf32, #tpu.memory_space<vmem>>, %arg2: memref<2x1000x128xf32, #tpu.memory_space<vmem>>, %arg3: memref<2x1000x128xf32, #tpu.memory_space<vmem>>, %arg4: memref<2x1x128xf32, #tpu.memory_space<vmem>>, %arg5: memref<1000x1xi32, #tpu.memory_space<vmem>>, %arg6: memref<1000x1xi32, #tpu.memory_space<vmem>>, %arg7: memref<128x128xf32, #tpu.memory_space<vmem>>) attributes {dimension_semantics = [#tpu.dimension_semantics<arbitrary>], iteration_bounds = array<i64: 5>, scalar_prefetch = 0 : i64, scratch_operands = 0 : i64, tpu.core_type = #tpu.core_type<tc>, window_params = [{transform_indices = @transform_0, window_bounds = array<i64: 2, 1000, 128>}, {transform_indices = @transform_1, window_bounds = array<i64: 2, 1000, 128>}, {transform_indices = @transform_2, window_bounds = array<i64: 2, 1000, 128>}, {pipeline_mode = #tpu.pipeline_mode<synchronous>, transform_indices = @transform_3, window_bounds = array<i64: 2, 1, 128>}, {transform_indices = @transform_4, window_bounds = array<i64: 1000, 1>}, {transform_indices = @transform_5, window_bounds = array<i64: 1000, 1>}, {pipeline_mode = #tpu.pipeline_mode<synchronous>, transform_indices = @transform_6, window_bounds = array<i64: 128, 128>}]} {
    %get3A = arith.constant 0 : index
    %get3A_0 = arith.constant 0 : index
    %get3A_1 = arith.constant 0 : index
    %get3A_2 = vector.load %arg3[%get3A, %get3A_0, %get3A_1] : memref<2x1000x128xf32, #tpu.memory_space<vmem>>, vector<1x1000x128xf32>
    %get3A_3 = vector.shape_cast %get3A_2 : vector<1x1000x128xf32> to vector<1000x128xf32>
    %get3A_4 = arith.constant 1 : index
    %get3A_5 = arith.constant 0 : index
    %get3A_6 = arith.constant 0 : index
    %get3A_7 = vector.load %arg3[%get3A_4, %get3A_5, %get3A_6] : memref<2x1000x128xf32, #tpu.memory_space<vmem>>, vector<1x1000x128xf32>
    %get3A_8 = vector.shape_cast %get3A_7 : vector<1x1000x128xf32> to vector<1000x128xf32>
    %add3A = arith.addf %get3A_3, %get3A_8 : vector<1000x128xf32>
    %add3A_9 = arith.constant 1.000000e+00 : f32
    %add3A_10 = vector.broadcast %add3A_9 : f32 to vector<1000x128xf32>
    %add3A_11 = arith.addf %add3A, %add3A_10 : vector<1000x128xf32>
    %rsqrt3A = math.rsqrt %add3A_11 : vector<1000x128xf32>
    %get3A_12 = arith.constant 0 : index
    %get3A_13 = arith.constant 0 : index
    %get3A_14 = arith.constant 0 : index
    %get3A_15 = vector.load %arg1[%get3A_12, %get3A_13, %get3A_14] : memref<2x1000x128xf32, #tpu.memory_space<vmem>>, vector<1x1000x128xf32>
    %get3A_16 = vector.shape_cast %get3A_15 : vector<1x1000x128xf32> to vector<1000x128xf32>
    %get3A_17 = arith.constant 0 : index
    %get3A_18 = arith.constant 0 : index
    %get3A_19 = arith.constant 0 : index
    %get3A_20 = vector.load %arg2[%get3A_17, %get3A_18, %get3A_19] : memref<2x1000x128xf32, #tpu.memory_space<vmem>>, vector<1x1000x128xf32>
    %get3A_21 = vector.shape_cast %get3A_20 : vector<1x1000x128xf32> to vector<1000x128xf32>
    %add3A_22 = arith.addf %get3A_16, %get3A_21 : vector<1000x128xf32>
    %mul3A = arith.mulf %rsqrt3A, %add3A_22 : vector<1000x128xf32>
    %get3A_23 = arith.constant 0 : index
    %get3A_24 = arith.constant 0 : index
    %get3A_25 = arith.constant 0 : index
    %get3A_26 = vector.load %arg4[%get3A_23, %get3A_24, %get3A_25] : memref<2x1x128xf32, #tpu.memory_space<vmem>>, vector<1x1x128xf32>
    %get3A_27 = vector.shape_cast %get3A_26 : vector<1x1x128xf32> to vector<1x128xf32>
    %add3A_28 = vector.broadcast %get3A_27 : vector<1x128xf32> to vector<1000x128xf32>
    %add3A_29 = arith.addf %mul3A, %add3A_28 : vector<1000x128xf32>
    %get3A_30 = arith.constant 1 : index
    %get3A_31 = arith.constant 0 : index
    %get3A_32 = arith.constant 0 : index
    %get3A_33 = vector.load %arg1[%get3A_30, %get3A_31, %get3A_32] : memref<2x1000x128xf32, #tpu.memory_space<vmem>>, vector<1x1000x128xf32>
    %get3A_34 = vector.shape_cast %get3A_33 : vector<1x1000x128xf32> to vector<1000x128xf32>
    %get3A_35 = arith.constant 1 : index
    %get3A_36 = arith.constant 0 : index
    %get3A_37 = arith.constant 0 : index
    %get3A_38 = vector.load %arg2[%get3A_35, %get3A_36, %get3A_37] : memref<2x1000x128xf32, #tpu.memory_space<vmem>>, vector<1x1000x128xf32>
    %get3A_39 = vector.shape_cast %get3A_38 : vector<1x1000x128xf32> to vector<1000x128xf32>
    %add3A_40 = arith.addf %get3A_34, %get3A_39 : vector<1000x128xf32>
    %mul3A_41 = arith.mulf %rsqrt3A, %add3A_40 : vector<1000x128xf32>
    %get3A_42 = arith.constant 1 : index
    %get3A_43 = arith.constant 0 : index
    %get3A_44 = arith.constant 0 : index
    %get3A_45 = vector.load %arg4[%get3A_42, %get3A_43, %get3A_44] : memref<2x1x128xf32, #tpu.memory_space<vmem>>, vector<1x1x128xf32>
    %get3A_46 = vector.shape_cast %get3A_45 : vector<1x1x128xf32> to vector<1x128xf32>
    %add3A_47 = vector.broadcast %get3A_46 : vector<1x128xf32> to vector<1000x128xf32>
    %add3A_48 = arith.addf %mul3A_41, %add3A_47 : vector<1000x128xf32>
    %slice3A = vector.extract_strided_slice %add3A_29 {offsets = [0, 0], sizes = [1000, 64], strides = [1, 1]} : vector<1000x128xf32> to vector<1000x64xf32>
    %slice3A_49 = vector.extract_strided_slice %add3A_48 {offsets = [0, 0], sizes = [1000, 64], strides = [1, 1]} : vector<1000x128xf32> to vector<1000x64xf32>
    %concatenate3A = tpu.concatenate %slice3A, %slice3A_49 in 1 : vector<1000x64xf32>, vector<1000x64xf32> -> vector<1000x128xf32>
    %slice3A_50 = vector.extract_strided_slice %add3A_29 {offsets = [0, 64], sizes = [1000, 64], strides = [1, 1]} : vector<1000x128xf32> to vector<1000x64xf32>
    %slice3A_51 = vector.extract_strided_slice %add3A_48 {offsets = [0, 64], sizes = [1000, 64], strides = [1, 1]} : vector<1000x128xf32> to vector<1000x64xf32>
    %concatenate3A_52 = tpu.concatenate %slice3A_50, %slice3A_51 in 1 : vector<1000x64xf32>, vector<1000x64xf32> -> vector<1000x128xf32>
    %iota3A = tpu.iota {dimensions = array<i32: 1>} : vector<1000x128xi32>
    %get3A_53 = arith.constant 0 : index
    %get3A_54 = arith.constant 0 : index
    %get3A_55 = vector.load %arg5[%get3A_53, %get3A_54] : memref<1000x1xi32, #tpu.memory_space<vmem>>, vector<1000x1xi32>
    %eq3A = vector.broadcast %get3A_55 : vector<1000x1xi32> to vector<1000x128xi32>
    %eq3A_56 = arith.cmpi eq, %eq3A, %iota3A : vector<1000x128xi32>
    %convert_element_type3A = arith.extui %eq3A_56 : vector<1000x128xi1> to vector<1000x128xi32>
    %convert_element_type3A_57 = arith.sitofp %convert_element_type3A : vector<1000x128xi32> to vector<1000x128xf32>
    %get3A_58 = arith.constant 0 : index
    %get3A_59 = arith.constant 0 : index
    %get3A_60 = vector.load %arg6[%get3A_58, %get3A_59] : memref<1000x1xi32, #tpu.memory_space<vmem>>, vector<1000x1xi32>
    %eq3A_61 = vector.broadcast %get3A_60 : vector<1000x1xi32> to vector<1000x128xi32>
    %eq3A_62 = arith.cmpi eq, %eq3A_61, %iota3A : vector<1000x128xi32>
    %convert_element_type3A_63 = arith.extui %eq3A_62 : vector<1000x128xi1> to vector<1000x128xi32>
    %convert_element_type3A_64 = arith.sitofp %convert_element_type3A_63 : vector<1000x128xi32> to vector<1000x128xf32>
    %eq3A_65 = arith.constant 0 : i32
    %eq3A_66 = arith.cmpi eq, %arg0, %eq3A_65 : i32
    %convert_element_type3A_67 = arith.extui %eq3A_66 : i1 to i32
    %cond3A = arith.constant 0 : i32
    %cond3A_68 = arith.cmpi ne, %convert_element_type3A_67, %cond3A : i32
    scf.if %cond3A_68 {
      %broadcast_in_dim3A = arith.constant 0.000000e+00 : f32
      %broadcast_in_dim3A_79 = vector.broadcast %broadcast_in_dim3A : f32 to vector<128x128xf32>
      %swap3A_80 = arith.constant 0 : index
      %swap3A_81 = arith.constant 0 : index
      %swap3A_82 = vector.load %arg7[%swap3A_80, %swap3A_81] : memref<128x128xf32, #tpu.memory_space<vmem>>, vector<128x128xf32>
      tpu.vector_store %arg7[%swap3A_80, %swap3A_81], %broadcast_in_dim3A_79 {strides = array<i32>} : memref<128x128xf32, #tpu.memory_space<vmem>>, vector<128x128xf32>,
    } else {
    }
    %get3A_69 = arith.constant 0 : index
    %get3A_70 = arith.constant 0 : index
    %get3A_71 = vector.load %arg7[%get3A_69, %get3A_70] : memref<128x128xf32, #tpu.memory_space<vmem>>, vector<128x128xf32>
    %dot_general3A = arith.constant dense<0.000000e+00> : vector<128x128xf32>
    %dot_general3A_72 = tpu.matmul %convert_element_type3A_57, %concatenate3A, %dot_general3A {dimension_numbers = #tpu.dot_dimension_numbers<[0], [0], [1], [1], [0, 1, 1, 1], [], []>, transpose_lhs_hint = false} : vector<1000x128xf32>, vector<1000x128xf32>, vector<128x128xf32> -> vector<128x128xf32>
    %dot_general3A_73 = arith.constant dense<0.000000e+00> : vector<128x128xf32>
    %dot_general3A_74 = tpu.matmul %convert_element_type3A_64, %concatenate3A_52, %dot_general3A_73 {dimension_numbers = #tpu.dot_dimension_numbers<[0], [0], [1], [1], [0, 1, 1, 1], [], []>, transpose_lhs_hint = false} : vector<1000x128xf32>, vector<1000x128xf32>, vector<128x128xf32> -> vector<128x128xf32>
    %add3A_75 = arith.addf %dot_general3A_72, %dot_general3A_74 : vector<128x128xf32>
    %add3A_76 = arith.addf %get3A_71, %add3A_75 : vector<128x128xf32>
    %swap3A = arith.constant 0 : index
    %swap3A_77 = arith.constant 0 : index
    %swap3A_78 = vector.load %arg7[%swap3A, %swap3A_77] : memref<128x128xf32, #tpu.memory_space<vmem>>, vector<128x128xf32>
    tpu.vector_store %arg7[%swap3A, %swap3A_77], %add3A_76 {strides = array<i32>} : memref<128x128xf32, #tpu.memory_space<vmem>>, vector<128x128xf32>,
    return
  }
  func.func @transform_0(%arg0: i32) -> (i32, i32, i32) {
    %c0_i32 = arith.constant 0 : i32
    %c0_i32_0 = arith.constant 0 : i32
    %c0_i32_1 = arith.constant 0 : i32
    return %c0_i32, %arg0, %c0_i32_0 : i32, i32, i32
  }
  func.func @transform_1(%arg0: i32) -> (i32, i32, i32) {
    %c0_i32 = arith.constant 0 : i32
    %c0_i32_0 = arith.constant 0 : i32
    %c0_i32_1 = arith.constant 0 : i32
    return %c0_i32, %arg0, %c0_i32_0 : i32, i32, i32
  }
  func.func @transform_2(%arg0: i32) -> (i32, i32, i32) {
    %c0_i32 = arith.constant 0 : i32
    %c0_i32_0 = arith.constant 0 : i32
    %c0_i32_1 = arith.constant 0 : i32
    return %c0_i32, %arg0, %c0_i32_0 : i32, i32, i32
  }
  func.func @transform_3(%arg0: i32) -> (i32, i32, i32) {
    %c0_i32 = arith.constant 0 : i32
    %c0_i32_0 = arith.constant 0 : i32
    %c0_i32_1 = arith.constant 0 : i32
    %c0_i32_2 = arith.constant 0 : i32
    return %c0_i32, %c0_i32_0, %c0_i32_1 : i32, i32, i32
  }
  func.func @transform_4(%arg0: i32) -> (i32, i32) {
    %c0_i32 = arith.constant 0 : i32
    %c0_i32_0 = arith.constant 0 : i32
    return %arg0, %c0_i32 : i32, i32
  }
  func.func @transform_5(%arg0: i32) -> (i32, i32) {
    %add3A = arith.constant 5 : i32
    %add3A_0 = arith.addi %arg0, %add3A : i32
    %c0_i32 = arith.constant 0 : i32
    %c0_i32_1 = arith.constant 0 : i32
    return %add3A_0, %c0_i32 : i32, i32
  }
  func.func @transform_6(%arg0: i32) -> (i32, i32) {
    %c0_i32 = arith.constant 0 : i32
    %c0_i32_0 = arith.constant 0 : i32
    %c0_i32_1 = arith.constant 0 : i32
    return %c0_i32, %c0_i32_0 : i32, i32
  }
}

</mosaic_0001>

<sc_bundles>
// kernel: kernel.11.cloned.1.call-start
scs
__scs_entry_jumppad:
0x0: {  	(pc) =	sbr.rel $0x88, $3  }
0x1: {  	(tag) =	ssettag $0x0;
	lr =	simm.s32 $0x1  }
0x2: {  	[smem:$0x3F9A] =	sst lr;
	_ =	strace $0xD0000000  }
0x3: {  	_ = 	snop  }
0x4: {  	_ = 	snop  }
0x5: {  	_ = 	snop  }
0x6: {  	_ = 	snop  }
0x7: {  	_ = 	snop  }
__scs_overlays_trampoline_lowered:
0x8: {  	[smem:$0x3FA9] =	sst s0  }
0x9: {  	[smem:$0x3FAA] =	sst s1  }
0xa: {  	[smem:$0x3FAB] =	sst s2  }
0xb: {  	[smem:$0x3FAC] =	sst s3  }
0xc: {  	[smem:$0x3FAD] =	sst s4  }
0xd: {  	[smem:$0x3FAE] =	sst s5  }
0xe: {  	[smem:$0x3FAF] =	sst s6  }
0xf: {  	[smem:$0x3FB0] =	sst s7  }
0x10: {  	[smem:$0x3FB1] =	sst s8  }
0x11: {  	[smem:$0x3FB2] =	sst s9;
	s0 =	simm.s32 @!p0 $0x0  }
0x12: {  	s1 =	sld [smem:$0x3F98];
	s0 =	simm.s32 @p0 $0x1  }
0x13: {  	[smem:$0x3FB3] =	sst s0;
	s0 =	simm.s32 @!p1 $0x0  }
0x14: {  	s2 =	sld [smem:$0x3F97];
	s0 =	simm.s32 @p1 $0x1  }
0x15: {  	[smem:$0x3FB4] =	sst s0;
	s0 =	simm.s32 @!p2 $0x0  }
0x16: {  	s3 =	sld [smem:$0x3FDB];
	s0 =	simm.s32 @p2 $0x1  }
0x17: {  	s4 =	simm.s32 $0x1BF5;
	[smem:$0x3FB6] =	sst s0  }
0x18: {  	s0 =	sld [smem:$0x3F99];
	_ =	swait.ge [sflag:s4], $0x0  }
0x19: {  	s7 =	sld [smem:$0x3F9A]  }
0x1a: {  	s8 =	sadd.s32 $0xFFFFE003, lr  }
0x1b: {  	s9 =	sadd.s32 $0xFFFFFEF7, lr;
	s5 =	simm.s32 $0xFFFFFFFF;
	p2 =	slt.u32 s8, $0xFFFFF086  }
0x1c: {  	p1 =	slt.u32 s9, $0xF7A;
	s5 =	simm.s32 @!p2 $0x0  }
0x1d: {  	s5 =	simm.s32 @p1 $0x1;
	p0 =	seq.s32 s7, s2  }
0x1e: {  	s7 =	smul.u32 @!p0 $0xF7A, s2;
	p2 =	seq.s32 @!p0 s5, $0x0  }
0x1f: {  	s9 =	smul.u32 $0xF7A, s1;
	s8 =	simm.s32 @!p0 $0x1BF5;
	p2 =	por !p2, p0  }
0x20: {  	[sflag:s8] =	ssyncset.s32 @!p0 $0xFFFFF086;
	s6 =	sadd.s32 @!p0 s3, s7;
	s7 =	simm.s32 @!p0 $0x108  }
0x21: {  	s3 =	sadd.s32 s3, s9;
	s6 =	sadd.s32 @!p0 $0x88, s6;
	s7 =	simm.s32 @p2 $0x1082  }
0x22: {  	[simem:s7], [sflag:s8] =	dma.local @!p0 [hbm:s6], $0xF7A  }
0x23: {  	s9 =	sor.u32 $0xD0000000, s2;
	s6 =	simm.s32 $0x108;
	_ =	swait.ge @!p0 [sflag:s8], $0x0  }
0x24: {  	s3 =	sadd.s32 $0x88, s3;
	s6 =	simm.s32 @!p1 $0x1082;
	[sflag:s4] =	ssyncset.s32 $0xFFFFF086  }
0x25: {  	[simem:s6], [sflag:s4] =	dma.local [hbm:s3], $0xF7A  }
0x26: {  	[smem:$0x3F9A] =	sst s1;
	(tag) =	ssettag s2;
	_ =	strace s9  }
0x27: {  	s1 =	sld [smem:$0x3FAA]  }
0x28: {  	s2 =	sld [smem:$0x3FAB]  }
0x29: {  	s4 =	sld [smem:$0x3FAD]  }
0x2a: {  	p0 =	seq.s32 s5, $0x0;
	s5 =	sld [smem:$0x3FAE]  }
0x2b: {  	s6 =	sld [smem:$0x3FAF]  }
0x2c: {  	s7 =	sld [smem:$0x3FB0]  }
0x2d: {  	s3 =	simm.s32 $0x108;
	s8 =	sld [smem:$0x3FB1]  }
0x2e: {  	s3 =	simm.s32 @!p0 $0x1082;
	s9 =	sld [smem:$0x3FB2]  }
0x2f: {  	lr =	sadd.s32 s0, s3;
	s0 =	sld [smem:$0x3FA9]  }
0x30: {  	s3 =	sld [smem:$0x3FAC]  }
0x31: {  	[smem:$0x3FB5] =	sst s10  }
0x32: {  	s10 =	sld [smem:$0x3FB3];
	_ =	sdelay $0x3  }
0x33: {  	p0 =	seq.s32 s10, $0x1;
	s10 =	sld [smem:$0x3FB5];
	_ =	sdelay $0x3  }
0x34: {  	[smem:$0x3FB5] =	sst s10  }
0x35: {  	s10 =	sld [smem:$0x3FB4];
	_ =	sdelay $0x3  }
0x36: {  	p1 =	seq.s32 s10, $0x1;
	s10 =	sld [smem:$0x3FB5];
	_ =	sdelay $0x3  }
0x37: {  	[smem:$0x3FB5] =	sst s10  }
0x38: {  	s10 =	sld [smem:$0x3FB6]  }
0x39: {  	_ = 	snop;
	(pc) =	sbr.ind lr, $3  }
0x3a: {  	_ = 	snop  }
0x3b: {  	_ = 	snop  }
0x3c: {  	p2 =	seq.s32 s10, $0x1;
	s10 =	sld [smem:$0x3FB5]  }
0x3d: {  	_ =	shalt  }
0x3e: {  	_ =	shalt  }
0x3f: {  	_ =	shalt  }
0x40: {  	_ =	shalt  }
0x41: {  	_ =	shalt  }
0x42: {  	_ =	shalt  }
0x43: {  	_ =	shalt  }
0x44: {  	_ =	shalt  }
0x45: {  	_ =	shalt  }
0x46: {  	_ =	shalt  }
0x47: {  	_ =	shalt  }
0x48: {  	_ =	shalt  }
0x49: {  	_ =	shalt  }
0x4a: {  	_ =	shalt  }
0x4b: {  	_ =	shalt  }
0x4c: {  	_ =	shalt  }
0x4d: {  	_ =	shalt  }
0x4e: {  	_ =	shalt  }
0x4f: {  	_ =	shalt  }
0x50: {  	_ =	shalt  }
0x51: {  	_ =	shalt  }
0x52: {  	_ =	shalt  }
0x53: {  	_ =	shalt  }
0x54: {  	_ =	shalt  }
0x55: {  	_ =	shalt  }
0x56: {  	_ =	shalt  }
0x57: {  	_ =	shalt  }
0x58: {  	_ =	shalt  }
0x59: {  	_ =	shalt  }
0x5a: {  	_ =	shalt  }
0x5b: {  	_ =	shalt  }
0x5c: {  	_ =	shalt  }
0x5d: {  	_ =	shalt  }
0x5e: {  	_ =	shalt  }
0x5f: {  	_ =	shalt  }
0x60: {  	_ =	shalt  }
0x61: {  	_ =	shalt  }
0x62: {  	_ =	shalt  }
0x63: {  	_ =	shalt  }
0x64: {  	_ =	shalt  }
0x65: {  	_ =	shalt  }
0x66: {  	_ =	shalt  }
0x67: {  	_ =	shalt  }
0x68: {  	_ =	shalt  }
0x69: {  	_ =	shalt  }
0x6a: {  	_ =	shalt  }
0x6b: {  	_ =	shalt  }
0x6c: {  	_ =	shalt  }
0x6d: {  	_ =	shalt  }
0x6e: {  	_ =	shalt  }
0x6f: {  	_ =	shalt  }
0x70: {  	_ =	shalt  }
0x71: {  	_ =	shalt  }
0x72: {  	_ =	shalt  }
0x73: {  	_ =	shalt  }
0x74: {  	_ =	shalt  }
0x75: {  	_ =	shalt  }
0x76: {  	_ =	shalt  }
0x77: {  	_ =	shalt  }
0x78: {  	_ =	shalt  }
0x79: {  	_ =	shalt  }
0x7a: {  	_ =	shalt  }
0x7b: {  	_ =	shalt  }
0x7c: {  	_ =	shalt  }
0x7d: {  	_ =	shalt  }
0x7e: {  	_ =	shalt  }
0x7f: {  	_ =	shalt  }
0x80: {  	_ =	shalt  }
0x81: {  	_ =	shalt  }
0x82: {  	_ =	shalt  }
0x83: {  	_ =	shalt  }
0x84: {  	_ =	shalt  }
0x85: {  	_ =	shalt  }
0x86: {  	_ =	shalt  }
0x87: {  	_ =	shalt  }
.Lfunc_end0:
.L_simem_size_0:
called_computation.1_lowered:
.L_overlay_start_0:
0x88: {  	s2 =	sld [smem:$0x3FD9]  }
0x89: {  	s3 =	sld [smem:$0x3FFE];
	_ =	sdelay $0x1  }
0x8a: {  	s1 =	srdreg.scid  }
0x8b: {  	s0 =	sand.u32 $0x1, s1  }
0x8c: {  	s16 =	sshll.u32 s0, $0xA;
	s2 =	sadd.s32 s3, s2  }
0x8d: {  	s2 =	sadd.s32 s2, s16  }
0x8e: {  	[smem:$0x3FC1] =	sst s2  }
0x8f: {  	_ = 	snop  }
0x90: {  	(tm) =	ssettm $0x1  }
0x91: {  	s17 =	sld [smem:$0x3FFB];
	_ =	sdelay $0x3  }
0x92: {  	_ =	strace s17  }
0x93: {  	s2 =	sld [smem:$0x3FFC];
	_ =	sdelay $0x3  }
0x94: {  	_ =	strace s2  }
0x95: {  	s2 =	sld [smem:$0x3FFD];
	_ =	sdelay $0x3  }
0x96: {  	_ =	strace s2  }
0x97: {  	_ =	strace $0x8FFFFFFF  }
0x98: {  	s18 =	sld [smem:$0x3FDB];
	_ =	sdelay $0x1  }
0x99: {  	s19 =	simm.s32 $_scs_section_size  }
0x9a: {  	s4 =	simm.s32 $_size__tile_overlayer_lowered;
	s5 =	simm.s32 $_tile_overlayer_lowered  }
0x9b: {  	s22 =	simm.s32 $0x1BFF;
	s21 =	sshll.u32 s5, $0x1;
	s2 =	sadd.s32 s19, s18  }
0x9c: {  	s6 =	simm.s32 $0x0;
	s20 =	sshll.u32 s4, $0x1;
	s4 =	sadd.s32 s21, s2  }
0x9d: {  	[timem:s6], [sflag:s22] =	dma.local [hbm:s4], s20  }
0x9e: {  	_ =	swait.ge [sflag:s22], s20  }
0x9f: {  	s3 =	ssub.s32 $0x0, s20;
	[sflag:s22] =	ssyncset.done $0x0  }
0xa0: {  	[sflag:s22] =	ssyncadd.s32 s3;
	_ =	sdelay $0x1  }
0xa1: {  	s23 =	simm.s32 $0x1B8B  }
0xa2: {  	_ =	swait.ge [sflag:s23], $0x1  }
0xa3: {  	[sflag:s23] =	ssyncset.done $0x0  }
0xa4: {  	s25 =	simm.s32 $0x1B8E;
	s24 =	sld [smem:$0x3FFE];
	[sflag:s23] =	ssyncadd.s32 $0xFFFFFFFF  }
0xa5: {  	s26 =	simm.s32 $execute0_lowered;
	[smem:$0x3FD2] =	sst s25  }
0xa6: {  	s4 =	sshll.u32 s26, $0x1;
	_ =	strace $0x80000049;
	[dreg:$0x1] =	wrdreg $0xFFFFFFFF  }
0xa7: {  	s28 =	simm.s32 $_size_execute0_lowered;
	s2 =	sadd.s32 s2, s4;
	[dreg:$0x0] =	wrdreg $0x0  }
0xa8: {  	s4 =	sshll.u32 s28, $0x1;
	[dreg:$0x2] =	wrdreg s2  }
0xa9: {  	[dreg:$0x3] =	wrdreg s4  }
0xaa: {  	[dreg:$0x4] =	wrdreg $0xC0  }
0xab: {  	_ =	task [dreg:s6], $0x5FFFF  }
0xac: {  	[dreg:$0x1] =	wrdreg $0xFFFFFFFF  }
0xad: {  	[dreg:$0x0] =	wrdreg $0x60  }
0xae: {  	[dreg:$0x2] =	wrdreg s24  }
0xaf: {  	[dreg:$0x3] =	wrdreg $0x148400  }
0xb0: {  	[dreg:$0x4] =	wrdreg $0x9  }
0xb1: {  	_ =	task.clear_ibuf [dreg:s6], $0x5FFFF;
	_ =	strace $0x90000049  }
0xb2: {  	s29 =	simm.s32 $0x9;
	_ =	strace $0x8000004B  }
0xb3: {  	_ =	swait.ge [sflag:s29], $0x1  }
0xb4: {  	[sflag:s29] =	ssyncadd.s32 $0xFFFFFFFF  }
0xb5: {  	_ =	strace $0x9000004B  }
0xb6: {  	_ =	sfence  }
0xb7: {  	s30 =	sld [smem:$0x0];
	_ =	sdelay $0x2  }
0xb8: {  	s31 =	sshll.u32 s1, $0xD;
	s1 =	sshrl.u32 s1, $0x2  }
0xb9: {  	s3 =	sand.u32 $0x4000, s31;
	s1 =	sadd.s32 s1, s30  }
0xba: {  	s0 =	sor.u32 s3, s0;
	s1 =	sshll.u32 s1, $0x11  }
0xbb: {  	s0 =	sor.u32 s1, s0  }
0xbc: {  	s0 =	sadd.s32 $0x8F2B, s0  }
0xbd: {  	[sflag:s0] =	ssyncadd.remote.s32 $0x1  }
0xbe: {  	_ =	sfence.sel $0xFFFF  }
0xbf: {  	[dreg:$0x0] =	wrdreg $0xFFFFFFFF;
	(pc) =	sbr.abs _section_cstart, $3  }
0xc0: {  	[dreg:$0x1] =	wrdreg $0xFFFFFFFF  }
0xc1: {  	_ =	task.clear_ibuf [dreg:s6], $0x2FFFF;
	_ =	strace $0x9FFFFFFF  }
0xc2: {  	(tm) =	ssettm $0x7FFFFFFF  }
0xc3: {  	_ =	shalt  }
tec
execute0_lowered:
.L_overlay_start_1:
0x0: {  	(tag) =	ssettag $0x1  }
0x1: {  	s0 =	rddreg [dreg:$0x0]  }
0x2: {  	s1 =	rddreg [dreg:$0x1]  }
0x3: {  	s2 =	srdreg.scid;
	s11 =	stileid.u32  }
0x4: {  	s14 =	simm.s32 $0x11440;
	s15 =	simm.s32 $0xD;
	s17 =	simm.s32 $0x50  }
0x5: {  	s18 =	simm.s32 $0x9C40;
	s19 =	simm.s32 $0xB040;
	s29 =	simm.s32 $0x10040  }
0x6: {  	s30 =	simm.s32 $0x1;
	s31 =	simm.s32 $0x7;
	s16 =	simm.s32 $0x8  }
0x7: {  	s20 =	simm.s32 $0x3;
	s28 =	simm.s32 $0xA;
	s4 =	smul.u32 $0x4E20, s11  }
0x8: {  	s3 =	sand.u32 $0x1, s2;
	s2 =	simm.s32 $0x0;
	s9 =	smul.u32 $0x9C00, s11  }
0x9: {  	s22 =	smul.u32 $0x27000, s11;
	p0 =	sne.s32 s11, $0x0;
	[smem:$0x7FF] =	sst s2  }
0xa: {  	s5 =	smul.u32 $0x9C400, s3;
	s3 =	ssub.s32 $0x2, s3;
	_ =	strace $0x8000004A  }
0xb: {  	s4 =	sshrl.u32 s4, $0x3;
	s21 =	sshrl.u32 s3, $0x1;
	s23 =	sshrl.u32 s22, $0x2  }
0xc: {  	s24 =	sadd.s32 s9, s1;
	s22 =	simm.s32 $0x9;
	s6 =	sshrl.u32 s5, $0x3  }
0xd: {  	s8 =	sadd.s32 s4, s0;
	s3 =	ssub.s32 s3, s21;
	s4 =	sadd.s32 $0x9C000, s1  }
0xe: {  	s5 =	sadd.s32 s9, s5;
	s21 =	simm.s32 $0xC440;
	s7 =	sadd.s32 s6, s0  }
0xf: {  	s0 =	sadd.s32 $0x3E400, s0;
	s10 =	sadd.s32 $0x3800, s8;
	s8 =	sadd.s32 $0xD440, s8  }
0x10: {  	s5 =	sshrl.u32 s5, $0x3;
	s25 =	smax.u32 s3, $0x1;
	[dreg:$0x3] =	wrdreg s10  }
0x11: {  	s3 =	simm.s32 $0x5;
	[dreg:$0x4] =	wrdreg s8;
	s7 =	sadd.s32 $0x17200, s7  }
0x12: {  	s5 =	sadd.s32 s0, s5;
	s0 =	sadd.s32 s0, s6;
	s10 =	sadd.s32 s23, s1  }
0x13: {  	[dreg:$0x7] =	wrdreg s25;
	s23 =	simm.s32 $0xD840;
	s25 =	sshrl.u32 s24, $0x3  }
0x14: {  	s24 =	simm.s32 $0x4;
	s6 =	simm.s32 $0x6;
	s8 =	simm.s32 $0xC  }
0x15: {  	[dreg:$0x5] =	wrdreg s5;
	s0 =	sadd.s32 $0x13800, s0;
	s26 =	sadd.s32 $0x3400, s10  }
0x16: {  	s13 =	sadd.s32 $0x6800, s10;
	s5 =	simm.s32 $0xB;
	[dreg:$0x6] =	wrdreg s0  }
0x17: {  	v0 =	vimm.f32 $0.0e+00;
	[dreg:$0x8] =	wrdreg s26;
	s26 =	simm.s32 $0xEC40;
	s0 =	simm.s32 $0x2  }
.LBB2_1:
0x18: {  	s11 =	simm.s32 $0x100;
	s9 =	simm.s32 $0x0  }
.LBB2_2:
0x19: {  	p1 =	sne.s32 s11, $0xCF00;
	[tilespmem:s9+$0x11470] =	vst v0;
	s12 =	smov.u32 s11;
	s11 =	sadd.s32 $0x100, s11  }
.Ltmp0:
0x1a: {  	[tilespmem:s9+$0x11460] =	vst v0;
	(pc) =	sbr.rel @p1 .LBB2_2-.Ltmp0, $3  }
0x1b: {  	[tilespmem:s9+$0x11440] =	vst v0  }
0x1c: {  	[tilespmem:s9+$0x11450] =	vst v0;
	_ =	sdelay $0x1  }
0x1d: {  	s9 =	sshra.s32 s12, $0x2  }
0x1e: {  	[tilespmem:s9+$0x11470] =	vst v0  }
0x1f: {  	[tilespmem:s9+$0x11460] =	vst v0  }
0x20: {  	[tilespmem:s9+$0x11440] =	vst v0  }
0x21: {  	[tilespmem:s9+$0x11450] =	vst v0  }
0x22: {  	[spmem:s10] =	stream.linear.scatter [tilespmem:s14], [sflag:$0xD], $0x3400, $0x38;
	[tilespmem:$0x1E480] =	vst v63  }
0x23: {  	_ =	swait.ge [sflag:s15], $0x3400  }
0x24: {  	[sflag:s15] =	ssyncset.done $0x0  }
0x25: {  	s11 =	rddreg [dreg:$0x8];
	[sflag:s15] =	ssyncadd.s32 $0xFFFFCC00  }
0x26: {  	[spmem:s11] =	stream.linear.scatter [tilespmem:s14], [sflag:$0xD], $0x3400, $0x38;
	[tilespmem:$0x1E480] =	vst v63  }
0x27: {  	_ =	swait.ge [sflag:s15], $0x3400  }
0x28: {  	[sflag:s15] =	ssyncset.done $0x0  }
0x29: {  	[sflag:s15] =	ssyncadd.s32 $0xFFFFCC00  }
0x2a: {  	[spmem:s13] =	stream.linear.scatter [tilespmem:s14], [sflag:$0xD], $0x3400, $0x38;
	[tilespmem:$0x1E480] =	vst v63  }
0x2b: {  	_ =	swait.ge [sflag:s15], $0x3400  }
0x2c: {  	[sflag:s15] =	ssyncset.done $0x0  }
0x2d: {  	s9 =	simm.s32 @!p0 $0x11440;
	[sflag:s15] =	ssyncadd.s32 $0xFFFFCC00  }
0x2e: {  	[spmem:s4] =	stream.linear.scatter @!p0 [tilespmem:s9], [sflag:$0xD], $0x400, $0x38;
	[tilespmem:$0x1E480] =	vst v63  }
0x2f: {  	s9 =	simm.s32 @!p0 $0xD  }
0x30: {  	_ =	swait.ge @!p0 [sflag:s9], $0x400  }
0x31: {  	[sflag:s9] =	ssyncset.done @!p0 $0x0  }
0x32: {  	s11 =	rddreg [dreg:$0x3];
	[sflag:s9] =	ssyncadd.s32 @!p0 $0xFFFFFC00;
	s9 =	simm.s32 $0x0  }
0x33: {  	[tilespmem:s9], [sflag:$0xD] =	stream.linear.gather [hbm4b:s11+s9], $0x4E20, $0x38;
	[tilespmem:$0x1E480] =	vst v63  }
0x34: {  	_ =	swait.ge [sflag:s15], $0x4E20  }
0x35: {  	[sflag:s15] =	ssyncset.done $0x0  }
0x36: {  	s12 =	simm.s32 $0x4E20;
	s11 =	rddreg [dreg:$0x4];
	[sflag:s15] =	ssyncadd.s32 $0xFFFFB1E0  }
0x37: {  	[tilespmem:s12], [sflag:$0xD] =	stream.linear.gather [hbm4b:s11+s9], $0x4E20, $0x38;
	[tilespmem:$0x1E480] =	vst v63  }
0x38: {  	_ =	swait.ge [sflag:s15], $0x4E20  }
0x39: {  	[sflag:s15] =	ssyncset.done $0x0  }
0x3a: {  	[sflag:s15] =	ssyncadd.s32 $0xFFFFB1E0  }
0x3b: {  	[bflag:$0x0] =	sbarrier.arrive $0xFFFF  }
0x3c: {  	[tilespmem:s18], [sflag:$0x1] =	stream.indirect.gather [hbm4b:s7+s17], $0x40, s9, s17, $0xb8;
	[tilespmem:$0x1E480] =	vst v63  }
0x3d: {  	_ = 	snop  }
0x3e: {  	[tilespmem:s19], [sflag:$0x2] =	stream.indirect.gather [hbm4b:s7+s17], $0x40, s17, s17, $0xb8;
	[tilespmem:$0x1E480] =	vst v63  }
0x3f: {  	s12 =	simm.s32 $0xA0  }
0x40: {  	[tilespmem:s21], [sflag:$0x3] =	stream.indirect.gather [hbm4b:s7+s17], $0x40, s12, s17, $0xb8;
	[tilespmem:$0x1E480] =	vst v63  }
0x41: {  	s11 =	simm.s32 $0xF0  }
0x42: {  	[tilespmem:s23], [sflag:$0x4] =	stream.indirect.gather [hbm4b:s7+s17], $0x40, s11, s17, $0xb8;
	[tilespmem:$0x1E480] =	vst v63  }
0x43: {  	s12 =	simm.s32 $0x140  }
0x44: {  	[tilespmem:s26], [sflag:$0x5] =	stream.indirect.gather [hbm4b:s7+s17], $0x40, s12, s17, $0xb8;
	[tilespmem:$0x1E480] =	vst v63  }
0x45: {  	s11 =	simm.s32 $0x190  }
0x46: {  	[tilespmem:s29], [sflag:$0x6] =	stream.indirect.gather [hbm4b:s7+s17], $0x40, s11, s17, $0xb8;
	[tilespmem:$0x1E480] =	vst v63  }
0x47: {  	_ =	swait.ge [sflag:s30], $0x1400  }
0x48: {  	[sflag:s30] =	ssyncset.done $0x0  }
0x49: {  	s12 =	simm.s32 $0x4E20;
	[sflag:s30] =	ssyncadd.s32 $0xFFFFEC00  }
0x4a: {  	[spmem:s1] =	stream.indirect.scatter.add.f32 [tilespmem:s18], [sflag:$0x7], $0x40, s12, s17, $0xb8;
	[tilespmem:$0x1E480] =	vst v63  }
0x4b: {  	_ =	swait.ge [sflag:s31], $0x1400  }
0x4c: {  	[sflag:s31] =	ssyncset.done $0x0  }
0x4d: {  	s11 =	simm.s32 $0x1E0;
	[sflag:s31] =	ssyncadd.s32 $0xFFFFEC00  }
0x4e: {  	[tilespmem:s18], [sflag:$0x1] =	stream.indirect.gather [hbm4b:s7+s17], $0x40, s11, s17, $0xb8;
	[tilespmem:$0x1E480] =	vst v63  }
0x4f: {  	_ =	swait.ge [sflag:s0], $0x1400  }
0x50: {  	[sflag:s0] =	ssyncset.done $0x0  }
0x51: {  	s12 =	simm.s32 $0x4E70;
	[sflag:s0] =	ssyncadd.s32 $0xFFFFEC00  }
0x52: {  	[spmem:s1] =	stream.indirect.scatter.add.f32 [tilespmem:s19], [sflag:$0x8], $0x40, s12, s17, $0xb8;
	[tilespmem:$0x1E480] =	vst v63  }
0x53: {  	_ =	swait.ge [sflag:s16], $0x1400  }
0x54: {  	[sflag:s16] =	ssyncset.done $0x0  }
0x55: {  	s11 =	simm.s32 $0x230;
	[sflag:s16] =	ssyncadd.s32 $0xFFFFEC00  }
0x56: {  	[tilespmem:s19], [sflag:$0x2] =	stream.indirect.gather [hbm4b:s7+s17], $0x40, s11, s17, $0xb8;
	[tilespmem:$0x1E480] =	vst v63  }
0x57: {  	_ =	swait.ge [sflag:s20], $0x1400  }
0x58: {  	[sflag:s20] =	ssyncset.done $0x0  }
0x59: {  	s12 =	simm.s32 $0x4EC0;
	[sflag:s20] =	ssyncadd.s32 $0xFFFFEC00  }
0x5a: {  	[spmem:s1] =	stream.indirect.scatter.add.f32 [tilespmem:s21], [sflag:$0x9], $0x40, s12, s17, $0xb8;
	[tilespmem:$0x1E480] =	vst v63  }
0x5b: {  	_ =	swait.ge [sflag:s22], $0x1400  }
0x5c: {  	[sflag:s22] =	ssyncset.done $0x0  }
0x5d: {  	s11 =	simm.s32 $0x280;
	[sflag:s22] =	ssyncadd.s32 $0xFFFFEC00  }
0x5e: {  	[tilespmem:s21], [sflag:$0x3] =	stream.indirect.gather [hbm4b:s7+s17], $0x40, s11, s17, $0xb8;
	[tilespmem:$0x1E480] =	vst v63  }
0x5f: {  	_ =	swait.ge [sflag:s24], $0x1400  }
0x60: {  	[sflag:s24] =	ssyncset.done $0x0  }
0x61: {  	s12 =	simm.s32 $0x4F10;
	[sflag:s24] =	ssyncadd.s32 $0xFFFFEC00  }
0x62: {  	[spmem:s1] =	stream.indirect.scatter.add.f32 [tilespmem:s23], [sflag:$0xA], $0x40, s12, s17, $0xb8;
	[tilespmem:$0x1E480] =	vst v63  }
0x63: {  	_ =	swait.ge [sflag:s28], $0x1400  }
0x64: {  	[sflag:s28] =	ssyncset.done $0x0  }
0x65: {  	s11 =	simm.s32 $0x2D0;
	[sflag:s28] =	ssyncadd.s32 $0xFFFFEC00  }
0x66: {  	[tilespmem:s23], [sflag:$0x4] =	stream.indirect.gather [hbm4b:s7+s17], $0x40, s11, s17, $0xb8;
	[tilespmem:$0x1E480] =	vst v63  }
0x67: {  	_ =	swait.ge [sflag:s3], $0x1400  }
0x68: {  	[sflag:s3] =	ssyncset.done $0x0  }
0x69: {  	s12 =	simm.s32 $0x4F60;
	[sflag:s3] =	ssyncadd.s32 $0xFFFFEC00  }
0x6a: {  	[spmem:s1] =	stream.indirect.scatter.add.f32 [tilespmem:s26], [sflag:$0xB], $0x40, s12, s17, $0xb8;
	[tilespmem:$0x1E480] =	vst v63  }
0x6b: {  	_ =	swait.ge [sflag:s5], $0x1400  }
0x6c: {  	[sflag:s5] =	ssyncset.done $0x0  }
0x6d: {  	s11 =	simm.s32 $0x320;
	[sflag:s5] =	ssyncadd.s32 $0xFFFFEC00  }
0x6e: {  	[tilespmem:s26], [sflag:$0x5] =	stream.indirect.gather [hbm4b:s7+s17], $0x40, s11, s17, $0xb8;
	[tilespmem:$0x1E480] =	vst v63  }
0x6f: {  	_ =	swait.ge [sflag:s6], $0x1400  }
0x70: {  	[sflag:s6] =	ssyncset.done $0x0  }
0x71: {  	s12 =	simm.s32 $0x4FB0;
	[sflag:s6] =	ssyncadd.s32 $0xFFFFEC00  }
0x72: {  	[spmem:s1] =	stream.indirect.scatter.add.f32 [tilespmem:s29], [sflag:$0xC], $0x40, s12, s17, $0xb8;
	[tilespmem:$0x1E480] =	vst v63  }
0x73: {  	_ =	swait.ge [sflag:s8], $0x1400  }
0x74: {  	[sflag:s8] =	ssyncset.done $0x0  }
0x75: {  	s9 =	simm.s32 $0x780;
	s11 =	simm.s32 $0x370;
	[sflag:s8] =	ssyncadd.s32 $0xFFFFEC00  }
.LBB2_4:
0x76: {  	[tilespmem:s29], [sflag:$0x6] =	stream.indirect.gather [hbm4b:s7+s17], $0x40, s11, s17, $0xb8;
	[tilespmem:$0x1E480] =	vst v63  }
0x77: {  	s11 =	smov.u32 s9  }
0x78: {  	p1 =	sne.s32 s9, $0x12480;
	s9 =	sadd.s32 $0x780, s9;
	_ =	swait.ge [sflag:s30], $0x1400  }
0x79: {  	s11 =	sshra.s32 s11, $0x2;
	[sflag:s30] =	ssyncset.done $0x0  }
0x7a: {  	s12 =	sadd.s32 $0x4E20, s11;
	[sflag:s30] =	ssyncadd.s32 $0xFFFFEC00  }
0x7b: {  	[spmem:s1] =	stream.indirect.scatter.add.f32 [tilespmem:s18], [sflag:$0x7], $0x40, s12, s17, $0xb8;
	[tilespmem:$0x1E480] =	vst v63  }
0x7c: {  	_ =	swait.ge [sflag:s31], $0x1400  }
0x7d: {  	[sflag:s31] =	ssyncset.done $0x0  }
0x7e: {  	s12 =	sadd.s32 $0x1E0, s11;
	[sflag:s31] =	ssyncadd.s32 $0xFFFFEC00  }
0x7f: {  	[tilespmem:s18], [sflag:$0x1] =	stream.indirect.gather [hbm4b:s7+s17], $0x40, s12, s17, $0xb8;
	[tilespmem:$0x1E480] =	vst v63  }
0x80: {  	_ =	swait.ge [sflag:s0], $0x1400  }
0x81: {  	[sflag:s0] =	ssyncset.done $0x0  }
0x82: {  	s12 =	sadd.s32 $0x4E70, s11;
	[sflag:s0] =	ssyncadd.s32 $0xFFFFEC00  }
0x83: {  	[spmem:s1] =	stream.indirect.scatter.add.f32 [tilespmem:s19], [sflag:$0x8], $0x40, s12, s17, $0xb8;
	[tilespmem:$0x1E480] =	vst v63  }
0x84: {  	_ =	swait.ge [sflag:s16], $0x1400  }
0x85: {  	[sflag:s16] =	ssyncset.done $0x0  }
0x86: {  	s12 =	sadd.s32 $0x230, s11;
	[sflag:s16] =	ssyncadd.s32 $0xFFFFEC00  }
0x87: {  	[tilespmem:s19], [sflag:$0x2] =	stream.indirect.gather [hbm4b:s7+s17], $0x40, s12, s17, $0xb8;
	[tilespmem:$0x1E480] =	vst v63  }
0x88: {  	_ =	swait.ge [sflag:s20], $0x1400  }
0x89: {  	[sflag:s20] =	ssyncset.done $0x0  }
0x8a: {  	s12 =	sadd.s32 $0x4EC0, s11;
	[sflag:s20] =	ssyncadd.s32 $0xFFFFEC00  }
0x8b: {  	[spmem:s1] =	stream.indirect.scatter.add.f32 [tilespmem:s21], [sflag:$0x9], $0x40, s12, s17, $0xb8;
	[tilespmem:$0x1E480] =	vst v63  }
0x8c: {  	_ =	swait.ge [sflag:s22], $0x1400  }
0x8d: {  	[sflag:s22] =	ssyncset.done $0x0  }
0x8e: {  	s12 =	sadd.s32 $0x280, s11;
	[sflag:s22] =	ssyncadd.s32 $0xFFFFEC00  }
0x8f: {  	[tilespmem:s21], [sflag:$0x3] =	stream.indirect.gather [hbm4b:s7+s17], $0x40, s12, s17, $0xb8;
	[tilespmem:$0x1E480] =	vst v63  }
0x90: {  	_ =	swait.ge [sflag:s24], $0x1400  }
0x91: {  	[sflag:s24] =	ssyncset.done $0x0  }
0x92: {  	s12 =	sadd.s32 $0x4F10, s11;
	[sflag:s24] =	ssyncadd.s32 $0xFFFFEC00  }
0x93: {  	[spmem:s1] =	stream.indirect.scatter.add.f32 [tilespmem:s23], [sflag:$0xA], $0x40, s12, s17, $0xb8;
	[tilespmem:$0x1E480] =	vst v63  }
0x94: {  	_ =	swait.ge [sflag:s28], $0x1400  }
0x95: {  	[sflag:s28] =	ssyncset.done $0x0  }
0x96: {  	s12 =	sadd.s32 $0x2D0, s11;
	[sflag:s28] =	ssyncadd.s32 $0xFFFFEC00  }
0x97: {  	[tilespmem:s23], [sflag:$0x4] =	stream.indirect.gather [hbm4b:s7+s17], $0x40, s12, s17, $0xb8;
	[tilespmem:$0x1E480] =	vst v63  }
0x98: {  	_ =	swait.ge [sflag:s3], $0x1400  }
0x99: {  	[sflag:s3] =	ssyncset.done $0x0  }
0x9a: {  	s12 =	sadd.s32 $0x4F60, s11;
	[sflag:s3] =	ssyncadd.s32 $0xFFFFEC00  }
0x9b: {  	[spmem:s1] =	stream.indirect.scatter.add.f32 [tilespmem:s26], [sflag:$0xB], $0x40, s12, s17, $0xb8;
	[tilespmem:$0x1E480] =	vst v63  }
0x9c: {  	_ =	swait.ge [sflag:s5], $0x1400  }
0x9d: {  	[sflag:s5] =	ssyncset.done $0x0  }
0x9e: {  	s12 =	sadd.s32 $0x320, s11;
	[sflag:s5] =	ssyncadd.s32 $0xFFFFEC00  }
0x9f: {  	[tilespmem:s26], [sflag:$0x5] =	stream.indirect.gather [hbm4b:s7+s17], $0x40, s12, s17, $0xb8;
	[tilespmem:$0x1E480] =	vst v63  }
0xa0: {  	_ =	swait.ge [sflag:s6], $0x1400  }
0xa1: {  	[sflag:s6] =	ssyncset.done $0x0  }
.Ltmp1:
0xa2: {  	s12 =	sadd.s32 $0x4FB0, s11;
	[sflag:s6] =	ssyncadd.s32 $0xFFFFEC00;
	(pc) =	sbr.rel @p1 .LBB2_4-.Ltmp1, $4  }
0xa3: {  	[spmem:s1] =	stream.indirect.scatter.add.f32 [tilespmem:s29], [sflag:$0xC], $0x40, s12, s17, $0xb8;
	[tilespmem:$0x1E480] =	vst v63  }
0xa4: {  	_ =	swait.ge [sflag:s8], $0x1400  }
0xa5: {  	[sflag:s8] =	ssyncset.done $0x0  }
0xa6: {  	s11 =	sadd.s32 $0x370, s11;
	[sflag:s8] =	ssyncadd.s32 $0xFFFFEC00  }
0xa7: {  	[tilespmem:s29], [sflag:$0x6] =	stream.indirect.gather [hbm4b:s7+s17], $0x40, s11, s17, $0xb8;
	[tilespmem:$0x1E480] =	vst v63  }
0xa8: {  	_ =	swait.ge [sflag:s30], $0x1400  }
0xa9: {  	[sflag:s30] =	ssyncset.done $0x0  }
0xaa: {  	s9 =	simm.s32 $0x9920;
	[sflag:s30] =	ssyncadd.s32 $0xFFFFEC00  }
0xab: {  	[spmem:s1] =	stream.indirect.scatter.add.f32 [tilespmem:s18], [sflag:$0x7], $0x40, s9, s17, $0xb8;
	[tilespmem:$0x1E480] =	vst v63  }
0xac: {  	_ =	swait.ge [sflag:s31], $0x1400  }
0xad: {  	[sflag:s31] =	ssyncset.done $0x0  }
0xae: {  	s12 =	simm.s32 $0x4CE0;
	[sflag:s31] =	ssyncadd.s32 $0xFFFFEC00  }
0xaf: {  	[tilespmem:s18], [sflag:$0x1] =	stream.indirect.gather [hbm4b:s7+s17], $0x40, s12, s17, $0xb8;
	[tilespmem:$0x1E480] =	vst v63  }
0xb0: {  	_ =	swait.ge [sflag:s0], $0x1400  }
0xb1: {  	[sflag:s0] =	ssyncset.done $0x0  }
0xb2: {  	s11 =	simm.s32 $0x9970;
	[sflag:s0] =	ssyncadd.s32 $0xFFFFEC00  }
0xb3: {  	[spmem:s1] =	stream.indirect.scatter.add.f32 [tilespmem:s19], [sflag:$0x8], $0x40, s11, s17, $0xb8;
	[tilespmem:$0x1E480] =	vst v63  }
0xb4: {  	_ =	swait.ge [sflag:s16], $0x1400  }
0xb5: {  	[sflag:s16] =	ssyncset.done $0x0  }
0xb6: {  	s12 =	simm.s32 $0x4D30;
	[sflag:s16] =	ssyncadd.s32 $0xFFFFEC00  }
0xb7: {  	[tilespmem:s19], [sflag:$0x2] =	stream.indirect.gather [hbm4b:s7+s17], $0x40, s12, s17, $0xb8;
	[tilespmem:$0x1E480] =	vst v63  }
0xb8: {  	_ =	swait.ge [sflag:s20], $0x1400  }
0xb9: {  	[sflag:s20] =	ssyncset.done $0x0  }
0xba: {  	s11 =	simm.s32 $0x99C0;
	[sflag:s20] =	ssyncadd.s32 $0xFFFFEC00  }
0xbb: {  	[spmem:s1] =	stream.indirect.scatter.add.f32 [tilespmem:s21], [sflag:$0x9], $0x40, s11, s17, $0xb8;
	[tilespmem:$0x1E480] =	vst v63  }
0xbc: {  	_ =	swait.ge [sflag:s22], $0x1400  }
0xbd: {  	[sflag:s22] =	ssyncset.done $0x0  }
0xbe: {  	s12 =	simm.s32 $0x4D80;
	[sflag:s22] =	ssyncadd.s32 $0xFFFFEC00  }
0xbf: {  	[tilespmem:s21], [sflag:$0x3] =	stream.indirect.gather [hbm4b:s7+s17], $0x40, s12, s17, $0xb8;
	[tilespmem:$0x1E480] =	vst v63  }
0xc0: {  	_ =	swait.ge [sflag:s24], $0x1400  }
0xc1: {  	[sflag:s24] =	ssyncset.done $0x0  }
0xc2: {  	s11 =	simm.s32 $0x9A10;
	[sflag:s24] =	ssyncadd.s32 $0xFFFFEC00  }
0xc3: {  	[spmem:s1] =	stream.indirect.scatter.add.f32 [tilespmem:s23], [sflag:$0xA], $0x40, s11, s17, $0xb8;
	[tilespmem:$0x1E480] =	vst v63  }
0xc4: {  	_ =	swait.ge [sflag:s28], $0x1400  }
0xc5: {  	[sflag:s28] =	ssyncset.done $0x0  }
0xc6: {  	s12 =	simm.s32 $0x4DD0;
	[sflag:s28] =	ssyncadd.s32 $0xFFFFEC00  }
0xc7: {  	[tilespmem:s23], [sflag:$0x4] =	stream.indirect.gather [hbm4b:s7+s17], $0x40, s12, s17, $0xb8;
	[tilespmem:$0x1E480] =	vst v63  }
0xc8: {  	_ =	swait.ge [sflag:s3], $0x1400  }
0xc9: {  	[sflag:s3] =	ssyncset.done $0x0  }
0xca: {  	s11 =	simm.s32 $0x9A60;
	[sflag:s3] =	ssyncadd.s32 $0xFFFFEC00  }
0xcb: {  	[spmem:s1] =	stream.indirect.scatter.add.f32 [tilespmem:s26], [sflag:$0xB], $0x40, s11, s17, $0xb8;
	[tilespmem:$0x1E480] =	vst v63  }
0xcc: {  	_ =	swait.ge [sflag:s6], $0x1400  }
0xcd: {  	[sflag:s6] =	ssyncset.done $0x0  }
0xce: {  	s12 =	simm.s32 $0x9AB0;
	[sflag:s6] =	ssyncadd.s32 $0xFFFFEC00  }
0xcf: {  	[spmem:s1] =	stream.indirect.scatter.add.f32 [tilespmem:s29], [sflag:$0xC], $0x40, s12, s17, $0xb8;
	[tilespmem:$0x1E480] =	vst v63  }
0xd0: {  	_ =	swait.ge [sflag:s30], $0x1400  }
0xd1: {  	[sflag:s30] =	ssyncset.done $0x0  }
0xd2: {  	s11 =	simm.s32 $0x9B00;
	[sflag:s30] =	ssyncadd.s32 $0xFFFFEC00  }
0xd3: {  	[spmem:s1] =	stream.indirect.scatter.add.f32 [tilespmem:s18], [sflag:$0x7], $0x40, s11, s17, $0xb8;
	[tilespmem:$0x1E480] =	vst v63  }
0xd4: {  	_ =	swait.ge [sflag:s0], $0x1400  }
0xd5: {  	[sflag:s0] =	ssyncset.done $0x0  }
0xd6: {  	s12 =	simm.s32 $0x9B50;
	[sflag:s0] =	ssyncadd.s32 $0xFFFFEC00  }
0xd7: {  	[spmem:s1] =	stream.indirect.scatter.add.f32 [tilespmem:s19], [sflag:$0x8], $0x40, s12, s17, $0xb8;
	[tilespmem:$0x1E480] =	vst v63  }
0xd8: {  	_ =	swait.ge [sflag:s20], $0x1400  }
0xd9: {  	[sflag:s20] =	ssyncset.done $0x0  }
0xda: {  	s11 =	simm.s32 $0x9BA0;
	[sflag:s20] =	ssyncadd.s32 $0xFFFFEC00  }
0xdb: {  	[spmem:s1] =	stream.indirect.scatter.add.f32 [tilespmem:s21], [sflag:$0x9], $0x40, s11, s17, $0xb8;
	[tilespmem:$0x1E480] =	vst v63  }
0xdc: {  	_ =	swait.ge [sflag:s24], $0x1400  }
0xdd: {  	[sflag:s24] =	ssyncset.done $0x0  }
0xde: {  	s12 =	simm.s32 $0x9BF0;
	[sflag:s24] =	ssyncadd.s32 $0xFFFFEC00  }
0xdf: {  	[spmem:s1] =	stream.indirect.scatter.add.f32 [tilespmem:s23], [sflag:$0xA], $0x40, s12, s17, $0xb8;
	[tilespmem:$0x1E480] =	vst v63  }
0xe0: {  	_ =	swait.ge [sflag:s31], $0x1400  }
0xe1: {  	[sflag:s31] =	ssyncset.done $0x0  }
0xe2: {  	[sflag:s31] =	ssyncadd.s32 $0xFFFFEC00  }
0xe3: {  	_ =	swait.ge [sflag:s16], $0x1400  }
0xe4: {  	[sflag:s16] =	ssyncset.done $0x0  }
0xe5: {  	[sflag:s16] =	ssyncadd.s32 $0xFFFFEC00  }
0xe6: {  	_ =	swait.ge [sflag:s22], $0x1400  }
0xe7: {  	[sflag:s22] =	ssyncset.done $0x0  }
0xe8: {  	[sflag:s22] =	ssyncadd.s32 $0xFFFFEC00  }
0xe9: {  	_ =	swait.ge [sflag:s28], $0x1400  }
0xea: {  	[sflag:s28] =	ssyncset.done $0x0  }
0xeb: {  	[sflag:s28] =	ssyncadd.s32 $0xFFFFEC00  }
0xec: {  	_ =	swait.ge [sflag:s5], $0x1400  }
0xed: {  	[sflag:s5] =	ssyncset.done $0x0  }
0xee: {  	[sflag:s5] =	ssyncadd.s32 $0xFFFFEC00  }
0xef: {  	_ =	swait.ge [sflag:s8], $0x1400  }
0xf0: {  	[sflag:s8] =	ssyncset.done $0x0  }
0xf1: {  	s11 =	stileid.u32;
	[sflag:s8] =	ssyncadd.s32 $0xFFFFEC00  }
0xf2: {  	s9 =	sshll.u32 s11, $0x6;
	[bflag:$0x0] =	sbarrier.arrive $0xFFFF  }
0xf3: {  	s9 =	sor.u32 $0x1C0D, s9;
	s12 =	rddreg [dreg:$0x5]  }
0xf4: {  	[hbm:s12], [sflag:s9] =	dma.local [spmem:s25], $0x1380  }
0xf5: {  	_ =	swait.ge [sflag:s15], $0x1380  }
0xf6: {  	[sflag:s15] =	ssyncset.done $0x0  }
0xf7: {  	s11 =	sshrl.u32 @!p0 s4, $0x3;
	s12 =	rddreg [dreg:$0x6];
	[sflag:s15] =	ssyncadd.s32 $0xFFFFEC80  }
0xf8: {  	[hbm:s12], [sflag:s9] =	dma.local @!p0 [spmem:s11], $0x80  }
0xf9: {  	s9 =	simm.s32 @!p0 $0xD  }
0xfa: {  	_ =	swait.ge @!p0 [sflag:s9], $0x80  }
0xfb: {  	s2 =	sadd.s32 $0x1, s2;
	s12 =	rddreg [dreg:$0x7]  }
0xfc: {  	p1 =	sne.s32 s2, s12  }
.Ltmp2:
0xfd: {  	_ = 	snop;
	(pc) =	sbr.rel @p1 .LBB2_1-.Ltmp2, $3  }
0xfe: {  	_ =	sdelay $0x1  }
0xff: {  	[sflag:s9] =	ssyncset.done @!p0 $0x0  }
0x100: {  	[sflag:s9] =	ssyncadd.s32 @!p0 $0xFFFFFF80  }
0x101: {  	_ =	sfence.sel $0x180000  }
0x102: {  	[bflag:$0x0] =	sbarrier.arrive $0xFFFF  }
0x103: {  	_ =	strace $0x9000004A  }
0x104: {  	[bflag:$0x2] =	sbarrier.arrive $0xFFFF  }
0x105: {  	s0 =	rddreg [dreg:$0x2]  }
0x106: {  	s0 =	sadd.s32 @!p0 $0x100000, s0  }
0x107: {  	[sflag:s0] =	ssyncadd.tile.s32 @!p0 $0x1;
	_ =	shalt  }
.Lfunc_end2:
_tile_overlayer_lowered:
.L_overlay_start_2:
0x108: {  	(tag) =	ssettag $0x2  }
0x109: {  	s0 =	rddreg [dreg:$0x0];
	s2 =	stileid.u32  }
0x10a: {  	s1 =	rddreg [dreg:$0x1];
	p0 =	sne.s32 s2, $0x0  }
0x10b: {  	s3 =	rddreg [dreg:$0x2];
	[bflag:$0x3] =	sbarrier.arrive $0xFFFF;
	s2 =	simm.s32 @!p0 $0x1C0D  }
0x10c: {  	[timem:s3], [sflag:s2] =	dma.local @!p0 [hbm:s0], s1  }
0x10d: {  	s0 =	simm.s32 @!p0 $0xD  }
0x10e: {  	_ =	swait.ge @!p0 [sflag:s0], s1  }
0x10f: {  	s1 =	ssub.s32 @!p0 $0x0, s1;
	[sflag:s0] =	ssyncset.done @!p0 $0x0  }
0x110: {  	[sflag:s0] =	ssyncadd.s32 @!p0 s1  }
0x111: {  	[bflag:$0x3] =	sbarrier.arrive $0xFFFF  }
0x112: {  	_ =	shalt  }

// kernel: kernel.14.cloned.1.call-start
scs
__scs_entry_jumppad:
0x0: {  	(pc) =	sbr.rel $0x88, $3  }
0x1: {  	(tag) =	ssettag $0x0;
	lr =	simm.s32 $0x1  }
0x2: {  	[smem:$0x3F9A] =	sst lr;
	_ =	strace $0xD0000000  }
0x3: {  	_ = 	snop  }
0x4: {  	_ = 	snop  }
0x5: {  	_ = 	snop  }
0x6: {  	_ = 	snop  }
0x7: {  	_ = 	snop  }
__scs_overlays_trampoline_lowered:
0x8: {  	[smem:$0x3FA9] =	sst s0  }
0x9: {  	[smem:$0x3FAA] =	sst s1  }
0xa: {  	[smem:$0x3FAB] =	sst s2  }
0xb: {  	[smem:$0x3FAC] =	sst s3  }
0xc: {  	[smem:$0x3FAD] =	sst s4  }
0xd: {  	[smem:$0x3FAE] =	sst s5  }
0xe: {  	[smem:$0x3FAF] =	sst s6  }
0xf: {  	[smem:$0x3FB0] =	sst s7  }
0x10: {  	[smem:$0x3FB1] =	sst s8  }
0x11: {  	[smem:$0x3FB2] =	sst s9;
	s0 =	simm.s32 @!p0 $0x0  }
0x12: {  	s1 =	sld [smem:$0x3F98];
	s0 =	simm.s32 @p0 $0x1  }
0x13: {  	[smem:$0x3FB3] =	sst s0;
	s0 =	simm.s32 @!p1 $0x0  }
0x14: {  	s2 =	sld [smem:$0x3F97];
	s0 =	simm.s32 @p1 $0x1  }
0x15: {  	[smem:$0x3FB4] =	sst s0;
	s0 =	simm.s32 @!p2 $0x0  }
0x16: {  	s3 =	sld [smem:$0x3FDB];
	s0 =	simm.s32 @p2 $0x1  }
0x17: {  	s4 =	simm.s32 $0x1BF5;
	[smem:$0x3FB6] =	sst s0  }
0x18: {  	s0 =	sld [smem:$0x3F99];
	_ =	swait.ge [sflag:s4], $0x0  }
0x19: {  	s7 =	sld [smem:$0x3F9A]  }
0x1a: {  	s8 =	sadd.s32 $0xFFFFE003, lr  }
0x1b: {  	s9 =	sadd.s32 $0xFFFFFEF7, lr;
	s5 =	simm.s32 $0xFFFFFFFF;
	p2 =	slt.u32 s8, $0xFFFFF086  }
0x1c: {  	p1 =	slt.u32 s9, $0xF7A;
	s5 =	simm.s32 @!p2 $0x0  }
0x1d: {  	s5 =	simm.s32 @p1 $0x1;
	p0 =	seq.s32 s7, s2  }
0x1e: {  	s7 =	smul.u32 @!p0 $0xF7A, s2;
	p2 =	seq.s32 @!p0 s5, $0x0  }
0x1f: {  	s9 =	smul.u32 $0xF7A, s1;
	s8 =	simm.s32 @!p0 $0x1BF5;
	p2 =	por !p2, p0  }
0x20: {  	[sflag:s8] =	ssyncset.s32 @!p0 $0xFFFFF086;
	s6 =	sadd.s32 @!p0 s3, s7;
	s7 =	simm.s32 @!p0 $0x108  }
0x21: {  	s3 =	sadd.s32 s3, s9;
	s6 =	sadd.s32 @!p0 $0x88, s6;
	s7 =	simm.s32 @p2 $0x1082  }
0x22: {  	[simem:s7], [sflag:s8] =	dma.local @!p0 [hbm:s6], $0xF7A  }
0x23: {  	s9 =	sor.u32 $0xD0000000, s2;
	s6 =	simm.s32 $0x108;
	_ =	swait.ge @!p0 [sflag:s8], $0x0  }
0x24: {  	s3 =	sadd.s32 $0x88, s3;
	s6 =	simm.s32 @!p1 $0x1082;
	[sflag:s4] =	ssyncset.s32 $0xFFFFF086  }
0x25: {  	[simem:s6], [sflag:s4] =	dma.local [hbm:s3], $0xF7A  }
0x26: {  	[smem:$0x3F9A] =	sst s1;
	(tag) =	ssettag s2;
	_ =	strace s9  }
0x27: {  	s1 =	sld [smem:$0x3FAA]  }
0x28: {  	s2 =	sld [smem:$0x3FAB]  }
0x29: {  	s4 =	sld [smem:$0x3FAD]  }
0x2a: {  	p0 =	seq.s32 s5, $0x0;
	s5 =	sld [smem:$0x3FAE]  }
0x2b: {  	s6 =	sld [smem:$0x3FAF]  }
0x2c: {  	s7 =	sld [smem:$0x3FB0]  }
0x2d: {  	s3 =	simm.s32 $0x108;
	s8 =	sld [smem:$0x3FB1]  }
0x2e: {  	s3 =	simm.s32 @!p0 $0x1082;
	s9 =	sld [smem:$0x3FB2]  }
0x2f: {  	lr =	sadd.s32 s0, s3;
	s0 =	sld [smem:$0x3FA9]  }
0x30: {  	s3 =	sld [smem:$0x3FAC]  }
0x31: {  	[smem:$0x3FB5] =	sst s10  }
0x32: {  	s10 =	sld [smem:$0x3FB3];
	_ =	sdelay $0x3  }
0x33: {  	p0 =	seq.s32 s10, $0x1;
	s10 =	sld [smem:$0x3FB5];
	_ =	sdelay $0x3  }
0x34: {  	[smem:$0x3FB5] =	sst s10  }
0x35: {  	s10 =	sld [smem:$0x3FB4];
	_ =	sdelay $0x3  }
0x36: {  	p1 =	seq.s32 s10, $0x1;
	s10 =	sld [smem:$0x3FB5];
	_ =	sdelay $0x3  }
0x37: {  	[smem:$0x3FB5] =	sst s10  }
0x38: {  	s10 =	sld [smem:$0x3FB6]  }
0x39: {  	_ = 	snop;
	(pc) =	sbr.ind lr, $3  }
0x3a: {  	_ = 	snop  }
0x3b: {  	_ = 	snop  }
0x3c: {  	p2 =	seq.s32 s10, $0x1;
	s10 =	sld [smem:$0x3FB5]  }
0x3d: {  	_ =	shalt  }
0x3e: {  	_ =	shalt  }
0x3f: {  	_ =	shalt  }
0x40: {  	_ =	shalt  }
0x41: {  	_ =	shalt  }
0x42: {  	_ =	shalt  }
0x43: {  	_ =	shalt  }
0x44: {  	_ =	shalt  }
0x45: {  	_ =	shalt  }
0x46: {  	_ =	shalt  }
0x47: {  	_ =	shalt  }
0x48: {  	_ =	shalt  }
0x49: {  	_ =	shalt  }
0x4a: {  	_ =	shalt  }
0x4b: {  	_ =	shalt  }
0x4c: {  	_ =	shalt  }
0x4d: {  	_ =	shalt  }
0x4e: {  	_ =	shalt  }
0x4f: {  	_ =	shalt  }
0x50: {  	_ =	shalt  }
0x51: {  	_ =	shalt  }
0x52: {  	_ =	shalt  }
0x53: {  	_ =	shalt  }
0x54: {  	_ =	shalt  }
0x55: {  	_ =	shalt  }
0x56: {  	_ =	shalt  }
0x57: {  	_ =	shalt  }
0x58: {  	_ =	shalt  }
0x59: {  	_ =	shalt  }
0x5a: {  	_ =	shalt  }
0x5b: {  	_ =	shalt  }
0x5c: {  	_ =	shalt  }
0x5d: {  	_ =	shalt  }
0x5e: {  	_ =	shalt  }
0x5f: {  	_ =	shalt  }
0x60: {  	_ =	shalt  }
0x61: {  	_ =	shalt  }
0x62: {  	_ =	shalt  }
0x63: {  	_ =	shalt  }
0x64: {  	_ =	shalt  }
0x65: {  	_ =	shalt  }
0x66: {  	_ =	shalt  }
0x67: {  	_ =	shalt  }
0x68: {  	_ =	shalt  }
0x69: {  	_ =	shalt  }
0x6a: {  	_ =	shalt  }
0x6b: {  	_ =	shalt  }
0x6c: {  	_ =	shalt  }
0x6d: {  	_ =	shalt  }
0x6e: {  	_ =	shalt  }
0x6f: {  	_ =	shalt  }
0x70: {  	_ =	shalt  }
0x71: {  	_ =	shalt  }
0x72: {  	_ =	shalt  }
0x73: {  	_ =	shalt  }
0x74: {  	_ =	shalt  }
0x75: {  	_ =	shalt  }
0x76: {  	_ =	shalt  }
0x77: {  	_ =	shalt  }
0x78: {  	_ =	shalt  }
0x79: {  	_ =	shalt  }
0x7a: {  	_ =	shalt  }
0x7b: {  	_ =	shalt  }
0x7c: {  	_ =	shalt  }
0x7d: {  	_ =	shalt  }
0x7e: {  	_ =	shalt  }
0x7f: {  	_ =	shalt  }
0x80: {  	_ =	shalt  }
0x81: {  	_ =	shalt  }
0x82: {  	_ =	shalt  }
0x83: {  	_ =	shalt  }
0x84: {  	_ =	shalt  }
0x85: {  	_ =	shalt  }
0x86: {  	_ =	shalt  }
0x87: {  	_ =	shalt  }
.Lfunc_end0:
.L_simem_size_0:
called_computation.2_lowered:
.L_overlay_start_0:
0x88: {  	s2 =	sld [smem:$0x3FD9]  }
0x89: {  	s3 =	sld [smem:$0x3FFE];
	_ =	sdelay $0x1  }
0x8a: {  	s1 =	srdreg.scid  }
0x8b: {  	s0 =	sand.u32 $0x1, s1  }
0x8c: {  	s16 =	sshll.u32 s0, $0xA;
	s2 =	sadd.s32 s3, s2  }
0x8d: {  	s2 =	sadd.s32 s2, s16  }
0x8e: {  	[smem:$0x3FC1] =	sst s2  }
0x8f: {  	_ = 	snop  }
0x90: {  	(tm) =	ssettm $0x1  }
0x91: {  	s17 =	sld [smem:$0x3FFB];
	_ =	sdelay $0x3  }
0x92: {  	_ =	strace s17  }
0x93: {  	s2 =	sld [smem:$0x3FFC];
	_ =	sdelay $0x3  }
0x94: {  	_ =	strace s2  }
0x95: {  	s2 =	sld [smem:$0x3FFD];
	_ =	sdelay $0x3  }
0x96: {  	_ =	strace s2  }
0x97: {  	_ =	strace $0x8FFFFFFF  }
0x98: {  	s18 =	sld [smem:$0x3FDB];
	_ =	sdelay $0x1  }
0x99: {  	s19 =	simm.s32 $_scs_section_size  }
0x9a: {  	s4 =	simm.s32 $_size__tile_overlayer_lowered;
	s5 =	simm.s32 $_tile_overlayer_lowered  }
0x9b: {  	s22 =	simm.s32 $0x1BFF;
	s21 =	sshll.u32 s5, $0x1;
	s2 =	sadd.s32 s19, s18  }
0x9c: {  	s6 =	simm.s32 $0x0;
	s20 =	sshll.u32 s4, $0x1;
	s4 =	sadd.s32 s21, s2  }
0x9d: {  	[timem:s6], [sflag:s22] =	dma.local [hbm:s4], s20  }
0x9e: {  	_ =	swait.ge [sflag:s22], s20  }
0x9f: {  	s3 =	ssub.s32 $0x0, s20;
	[sflag:s22] =	ssyncset.done $0x0  }
0xa0: {  	[sflag:s22] =	ssyncadd.s32 s3;
	_ =	sdelay $0x1  }
0xa1: {  	s23 =	simm.s32 $0x1B8B  }
0xa2: {  	_ =	swait.ge [sflag:s23], $0x1  }
0xa3: {  	[sflag:s23] =	ssyncset.done $0x0  }
0xa4: {  	s25 =	simm.s32 $0x1B8E;
	s24 =	sld [smem:$0x3FFE];
	[sflag:s23] =	ssyncadd.s32 $0xFFFFFFFF  }
0xa5: {  	s26 =	simm.s32 $execute0_lowered;
	[smem:$0x3FD2] =	sst s25  }
0xa6: {  	s4 =	sshll.u32 s26, $0x1;
	_ =	strace $0x8000004C;
	[dreg:$0x1] =	wrdreg $0xFFFFFFFF  }
0xa7: {  	s28 =	simm.s32 $_size_execute0_lowered;
	s2 =	sadd.s32 s2, s4;
	[dreg:$0x0] =	wrdreg $0x0  }
0xa8: {  	s4 =	sshll.u32 s28, $0x1;
	[dreg:$0x2] =	wrdreg s2  }
0xa9: {  	[dreg:$0x3] =	wrdreg s4  }
0xaa: {  	[dreg:$0x4] =	wrdreg $0xC0  }
0xab: {  	_ =	task [dreg:s6], $0x5FFFF  }
0xac: {  	[dreg:$0x1] =	wrdreg $0xFFFFFFFF  }
0xad: {  	[dreg:$0x0] =	wrdreg $0x60  }
0xae: {  	[dreg:$0x2] =	wrdreg s24  }
0xaf: {  	[dreg:$0x3] =	wrdreg $0x148400  }
0xb0: {  	[dreg:$0x4] =	wrdreg $0x9  }
0xb1: {  	_ =	task.clear_ibuf [dreg:s6], $0x5FFFF;
	_ =	strace $0x9000004C  }
0xb2: {  	s29 =	simm.s32 $0x9;
	_ =	strace $0x8000004E  }
0xb3: {  	_ =	swait.ge [sflag:s29], $0x1  }
0xb4: {  	[sflag:s29] =	ssyncadd.s32 $0xFFFFFFFF  }
0xb5: {  	_ =	strace $0x9000004E  }
0xb6: {  	_ =	sfence  }
0xb7: {  	s30 =	sld [smem:$0x0];
	_ =	sdelay $0x2  }
0xb8: {  	s31 =	sshll.u32 s1, $0xD;
	s1 =	sshrl.u32 s1, $0x2  }
0xb9: {  	s3 =	sand.u32 $0x4000, s31;
	s1 =	sadd.s32 s1, s30  }
0xba: {  	s0 =	sor.u32 s3, s0;
	s1 =	sshll.u32 s1, $0x11  }
0xbb: {  	s0 =	sor.u32 s1, s0  }
0xbc: {  	s0 =	sadd.s32 $0x8F2B, s0  }
0xbd: {  	[sflag:s0] =	ssyncadd.remote.s32 $0x1  }
0xbe: {  	_ =	sfence.sel $0xFFFF  }
0xbf: {  	[dreg:$0x0] =	wrdreg $0xFFFFFFFF;
	(pc) =	sbr.abs _section_cstart, $3  }
0xc0: {  	[dreg:$0x1] =	wrdreg $0xFFFFFFFF  }
0xc1: {  	_ =	task.clear_ibuf [dreg:s6], $0x2FFFF;
	_ =	strace $0x9FFFFFFF  }
0xc2: {  	(tm) =	ssettm $0x7FFFFFFF  }
0xc3: {  	_ =	shalt  }
tec
execute0_lowered:
.L_overlay_start_1:
0x0: {  	(tag) =	ssettag $0x1  }
0x1: {  	s0 =	rddreg [dreg:$0x0]  }
0x2: {  	s1 =	rddreg [dreg:$0x1]  }
0x3: {  	s2 =	srdreg.scid;
	s11 =	stileid.u32  }
0x4: {  	s14 =	simm.s32 $0x11440;
	s15 =	simm.s32 $0xD;
	s17 =	simm.s32 $0x50  }
0x5: {  	s18 =	simm.s32 $0x9C40;
	s19 =	simm.s32 $0xB040;
	s29 =	simm.s32 $0x10040  }
0x6: {  	s30 =	simm.s32 $0x1;
	s31 =	simm.s32 $0x7;
	s16 =	simm.s32 $0x8  }
0x7: {  	s20 =	simm.s32 $0x3;
	s28 =	simm.s32 $0xA;
	s4 =	smul.u32 $0x4E20, s11  }
0x8: {  	s3 =	sand.u32 $0x1, s2;
	s2 =	simm.s32 $0x0;
	s9 =	smul.u32 $0x9C00, s11  }
0x9: {  	s22 =	smul.u32 $0x27000, s11;
	p0 =	sne.s32 s11, $0x0;
	[smem:$0x7FF] =	sst s2  }
0xa: {  	s5 =	smul.u32 $0x9C400, s3;
	s3 =	ssub.s32 $0x2, s3;
	_ =	strace $0x8000004D  }
0xb: {  	s4 =	sshrl.u32 s4, $0x3;
	s21 =	sshrl.u32 s3, $0x1;
	s23 =	sshrl.u32 s22, $0x2  }
0xc: {  	s24 =	sadd.s32 s9, s1;
	s22 =	simm.s32 $0x9;
	s6 =	sshrl.u32 s5, $0x3  }
0xd: {  	s8 =	sadd.s32 s4, s0;
	s3 =	ssub.s32 s3, s21;
	s4 =	sadd.s32 $0x9C000, s1  }
0xe: {  	s5 =	sadd.s32 s9, s5;
	s21 =	simm.s32 $0xC440;
	s7 =	sadd.s32 s6, s0  }
0xf: {  	s0 =	sadd.s32 $0x3E400, s0;
	s10 =	sadd.s32 $0x3800, s8;
	s8 =	sadd.s32 $0xD440, s8  }
0x10: {  	s5 =	sshrl.u32 s5, $0x3;
	s25 =	smax.u32 s3, $0x1;
	[dreg:$0x3] =	wrdreg s10  }
0x11: {  	s3 =	simm.s32 $0x5;
	[dreg:$0x4] =	wrdreg s8;
	s7 =	sadd.s32 $0x17200, s7  }
0x12: {  	s5 =	sadd.s32 s0, s5;
	s0 =	sadd.s32 s0, s6;
	s10 =	sadd.s32 s23, s1  }
0x13: {  	[dreg:$0x7] =	wrdreg s25;
	s23 =	simm.s32 $0xD840;
	s25 =	sshrl.u32 s24, $0x3  }
0x14: {  	s24 =	simm.s32 $0x4;
	s6 =	simm.s32 $0x6;
	s8 =	simm.s32 $0xC  }
0x15: {  	[dreg:$0x5] =	wrdreg s5;
	s0 =	sadd.s32 $0x13800, s0;
	s26 =	sadd.s32 $0x3400, s10  }
0x16: {  	s13 =	sadd.s32 $0x6800, s10;
	s5 =	simm.s32 $0xB;
	[dreg:$0x6] =	wrdreg s0  }
0x17: {  	v0 =	vimm.f32 $0.0e+00;
	[dreg:$0x8] =	wrdreg s26;
	s26 =	simm.s32 $0xEC40;
	s0 =	simm.s32 $0x2  }
.LBB2_1:
0x18: {  	s11 =	simm.s32 $0x100;
	s9 =	simm.s32 $0x0  }
.LBB2_2:
0x19: {  	p1 =	sne.s32 s11, $0xCF00;
	[tilespmem:s9+$0x11470] =	vst v0;
	s12 =	smov.u32 s11;
	s11 =	sadd.s32 $0x100, s11  }
.Ltmp0:
0x1a: {  	[tilespmem:s9+$0x11460] =	vst v0;
	(pc) =	sbr.rel @p1 .LBB2_2-.Ltmp0, $3  }
0x1b: {  	[tilespmem:s9+$0x11440] =	vst v0  }
0x1c: {  	[tilespmem:s9+$0x11450] =	vst v0;
	_ =	sdelay $0x1  }
0x1d: {  	s9 =	sshra.s32 s12, $0x2  }
0x1e: {  	[tilespmem:s9+$0x11470] =	vst v0  }
0x1f: {  	[tilespmem:s9+$0x11460] =	vst v0  }
0x20: {  	[tilespmem:s9+$0x11440] =	vst v0  }
0x21: {  	[tilespmem:s9+$0x11450] =	vst v0  }
0x22: {  	[spmem:s10] =	stream.linear.scatter [tilespmem:s14], [sflag:$0xD], $0x3400, $0x38;
	[tilespmem:$0x1E480] =	vst v63  }
0x23: {  	_ =	swait.ge [sflag:s15], $0x3400  }
0x24: {  	[sflag:s15] =	ssyncset.done $0x0  }
0x25: {  	s11 =	rddreg [dreg:$0x8];
	[sflag:s15] =	ssyncadd.s32 $0xFFFFCC00  }
0x26: {  	[spmem:s11] =	stream.linear.scatter [tilespmem:s14], [sflag:$0xD], $0x3400, $0x38;
	[tilespmem:$0x1E480] =	vst v63  }
0x27: {  	_ =	swait.ge [sflag:s15], $0x3400  }
0x28: {  	[sflag:s15] =	ssyncset.done $0x0  }
0x29: {  	[sflag:s15] =	ssyncadd.s32 $0xFFFFCC00  }
0x2a: {  	[spmem:s13] =	stream.linear.scatter [tilespmem:s14], [sflag:$0xD], $0x3400, $0x38;
	[tilespmem:$0x1E480] =	vst v63  }
0x2b: {  	_ =	swait.ge [sflag:s15], $0x3400  }
0x2c: {  	[sflag:s15] =	ssyncset.done $0x0  }
0x2d: {  	s9 =	simm.s32 @!p0 $0x11440;
	[sflag:s15] =	ssyncadd.s32 $0xFFFFCC00  }
0x2e: {  	[spmem:s4] =	stream.linear.scatter @!p0 [tilespmem:s9], [sflag:$0xD], $0x400, $0x38;
	[tilespmem:$0x1E480] =	vst v63  }
0x2f: {  	s9 =	simm.s32 @!p0 $0xD  }
0x30: {  	_ =	swait.ge @!p0 [sflag:s9], $0x400  }
0x31: {  	[sflag:s9] =	ssyncset.done @!p0 $0x0  }
0x32: {  	s11 =	rddreg [dreg:$0x3];
	[sflag:s9] =	ssyncadd.s32 @!p0 $0xFFFFFC00;
	s9 =	simm.s32 $0x0  }
0x33: {  	[tilespmem:s9], [sflag:$0xD] =	stream.linear.gather [hbm4b:s11+s9], $0x4E20, $0x38;
	[tilespmem:$0x1E480] =	vst v63  }
0x34: {  	_ =	swait.ge [sflag:s15], $0x4E20  }
0x35: {  	[sflag:s15] =	ssyncset.done $0x0  }
0x36: {  	s12 =	simm.s32 $0x4E20;
	s11 =	rddreg [dreg:$0x4];
	[sflag:s15] =	ssyncadd.s32 $0xFFFFB1E0  }
0x37: {  	[tilespmem:s12], [sflag:$0xD] =	stream.linear.gather [hbm4b:s11+s9], $0x4E20, $0x38;
	[tilespmem:$0x1E480] =	vst v63  }
0x38: {  	_ =	swait.ge [sflag:s15], $0x4E20  }
0x39: {  	[sflag:s15] =	ssyncset.done $0x0  }
0x3a: {  	[sflag:s15] =	ssyncadd.s32 $0xFFFFB1E0  }
0x3b: {  	[bflag:$0x0] =	sbarrier.arrive $0xFFFF  }
0x3c: {  	[tilespmem:s18], [sflag:$0x1] =	stream.indirect.gather [hbm4b:s7+s17], $0x40, s9, s17, $0xb8;
	[tilespmem:$0x1E480] =	vst v63  }
0x3d: {  	_ = 	snop  }
0x3e: {  	[tilespmem:s19], [sflag:$0x2] =	stream.indirect.gather [hbm4b:s7+s17], $0x40, s17, s17, $0xb8;
	[tilespmem:$0x1E480] =	vst v63  }
0x3f: {  	s12 =	simm.s32 $0xA0  }
0x40: {  	[tilespmem:s21], [sflag:$0x3] =	stream.indirect.gather [hbm4b:s7+s17], $0x40, s12, s17, $0xb8;
	[tilespmem:$0x1E480] =	vst v63  }
0x41: {  	s11 =	simm.s32 $0xF0  }
0x42: {  	[tilespmem:s23], [sflag:$0x4] =	stream.indirect.gather [hbm4b:s7+s17], $0x40, s11, s17, $0xb8;
	[tilespmem:$0x1E480] =	vst v63  }
0x43: {  	s12 =	simm.s32 $0x140  }
0x44: {  	[tilespmem:s26], [sflag:$0x5] =	stream.indirect.gather [hbm4b:s7+s17], $0x40, s12, s17, $0xb8;
	[tilespmem:$0x1E480] =	vst v63  }
0x45: {  	s11 =	simm.s32 $0x190  }
0x46: {  	[tilespmem:s29], [sflag:$0x6] =	stream.indirect.gather [hbm4b:s7+s17], $0x40, s11, s17, $0xb8;
	[tilespmem:$0x1E480] =	vst v63  }
0x47: {  	_ =	swait.ge [sflag:s30], $0x1400  }
0x48: {  	[sflag:s30] =	ssyncset.done $0x0  }
0x49: {  	s12 =	simm.s32 $0x4E20;
	[sflag:s30] =	ssyncadd.s32 $0xFFFFEC00  }
0x4a: {  	[spmem:s1] =	stream.indirect.scatter.add.f32 [tilespmem:s18], [sflag:$0x7], $0x40, s12, s17, $0xb8;
	[tilespmem:$0x1E480] =	vst v63  }
0x4b: {  	_ =	swait.ge [sflag:s31], $0x1400  }
0x4c: {  	[sflag:s31] =	ssyncset.done $0x0  }
0x4d: {  	s11 =	simm.s32 $0x1E0;
	[sflag:s31] =	ssyncadd.s32 $0xFFFFEC00  }
0x4e: {  	[tilespmem:s18], [sflag:$0x1] =	stream.indirect.gather [hbm4b:s7+s17], $0x40, s11, s17, $0xb8;
	[tilespmem:$0x1E480] =	vst v63  }
0x4f: {  	_ =	swait.ge [sflag:s0], $0x1400  }
0x50: {  	[sflag:s0] =	ssyncset.done $0x0  }
0x51: {  	s12 =	simm.s32 $0x4E70;
	[sflag:s0] =	ssyncadd.s32 $0xFFFFEC00  }
0x52: {  	[spmem:s1] =	stream.indirect.scatter.add.f32 [tilespmem:s19], [sflag:$0x8], $0x40, s12, s17, $0xb8;
	[tilespmem:$0x1E480] =	vst v63  }
0x53: {  	_ =	swait.ge [sflag:s16], $0x1400  }
0x54: {  	[sflag:s16] =	ssyncset.done $0x0  }
0x55: {  	s11 =	simm.s32 $0x230;
	[sflag:s16] =	ssyncadd.s32 $0xFFFFEC00  }
0x56: {  	[tilespmem:s19], [sflag:$0x2] =	stream.indirect.gather [hbm4b:s7+s17], $0x40, s11, s17, $0xb8;
	[tilespmem:$0x1E480] =	vst v63  }
0x57: {  	_ =	swait.ge [sflag:s20], $0x1400  }
0x58: {  	[sflag:s20] =	ssyncset.done $0x0  }
0x59: {  	s12 =	simm.s32 $0x4EC0;
	[sflag:s20] =	ssyncadd.s32 $0xFFFFEC00  }
0x5a: {  	[spmem:s1] =	stream.indirect.scatter.add.f32 [tilespmem:s21], [sflag:$0x9], $0x40, s12, s17, $0xb8;
	[tilespmem:$0x1E480] =	vst v63  }
0x5b: {  	_ =	swait.ge [sflag:s22], $0x1400  }
0x5c: {  	[sflag:s22] =	ssyncset.done $0x0  }
0x5d: {  	s11 =	simm.s32 $0x280;
	[sflag:s22] =	ssyncadd.s32 $0xFFFFEC00  }
0x5e: {  	[tilespmem:s21], [sflag:$0x3] =	stream.indirect.gather [hbm4b:s7+s17], $0x40, s11, s17, $0xb8;
	[tilespmem:$0x1E480] =	vst v63  }
0x5f: {  	_ =	swait.ge [sflag:s24], $0x1400  }
0x60: {  	[sflag:s24] =	ssyncset.done $0x0  }
0x61: {  	s12 =	simm.s32 $0x4F10;
	[sflag:s24] =	ssyncadd.s32 $0xFFFFEC00  }
0x62: {  	[spmem:s1] =	stream.indirect.scatter.add.f32 [tilespmem:s23], [sflag:$0xA], $0x40, s12, s17, $0xb8;
	[tilespmem:$0x1E480] =	vst v63  }
0x63: {  	_ =	swait.ge [sflag:s28], $0x1400  }
0x64: {  	[sflag:s28] =	ssyncset.done $0x0  }
0x65: {  	s11 =	simm.s32 $0x2D0;
	[sflag:s28] =	ssyncadd.s32 $0xFFFFEC00  }
0x66: {  	[tilespmem:s23], [sflag:$0x4] =	stream.indirect.gather [hbm4b:s7+s17], $0x40, s11, s17, $0xb8;
	[tilespmem:$0x1E480] =	vst v63  }
0x67: {  	_ =	swait.ge [sflag:s3], $0x1400  }
0x68: {  	[sflag:s3] =	ssyncset.done $0x0  }
0x69: {  	s12 =	simm.s32 $0x4F60;
	[sflag:s3] =	ssyncadd.s32 $0xFFFFEC00  }
0x6a: {  	[spmem:s1] =	stream.indirect.scatter.add.f32 [tilespmem:s26], [sflag:$0xB], $0x40, s12, s17, $0xb8;
	[tilespmem:$0x1E480] =	vst v63  }
0x6b: {  	_ =	swait.ge [sflag:s5], $0x1400  }
0x6c: {  	[sflag:s5] =	ssyncset.done $0x0  }
0x6d: {  	s11 =	simm.s32 $0x320;
	[sflag:s5] =	ssyncadd.s32 $0xFFFFEC00  }
0x6e: {  	[tilespmem:s26], [sflag:$0x5] =	stream.indirect.gather [hbm4b:s7+s17], $0x40, s11, s17, $0xb8;
	[tilespmem:$0x1E480] =	vst v63  }
0x6f: {  	_ =	swait.ge [sflag:s6], $0x1400  }
0x70: {  	[sflag:s6] =	ssyncset.done $0x0  }
0x71: {  	s12 =	simm.s32 $0x4FB0;
	[sflag:s6] =	ssyncadd.s32 $0xFFFFEC00  }
0x72: {  	[spmem:s1] =	stream.indirect.scatter.add.f32 [tilespmem:s29], [sflag:$0xC], $0x40, s12, s17, $0xb8;
	[tilespmem:$0x1E480] =	vst v63  }
0x73: {  	_ =	swait.ge [sflag:s8], $0x1400  }
0x74: {  	[sflag:s8] =	ssyncset.done $0x0  }
0x75: {  	s9 =	simm.s32 $0x780;
	s11 =	simm.s32 $0x370;
	[sflag:s8] =	ssyncadd.s32 $0xFFFFEC00  }
.LBB2_4:
0x76: {  	[tilespmem:s29], [sflag:$0x6] =	stream.indirect.gather [hbm4b:s7+s17], $0x40, s11, s17, $0xb8;
	[tilespmem:$0x1E480] =	vst v63  }
0x77: {  	s11 =	smov.u32 s9  }
0x78: {  	p1 =	sne.s32 s9, $0x12480;
	s9 =	sadd.s32 $0x780, s9;
	_ =	swait.ge [sflag:s30], $0x1400  }
0x79: {  	s11 =	sshra.s32 s11, $0x2;
	[sflag:s30] =	ssyncset.done $0x0  }
0x7a: {  	s12 =	sadd.s32 $0x4E20, s11;
	[sflag:s30] =	ssyncadd.s32 $0xFFFFEC00  }
0x7b: {  	[spmem:s1] =	stream.indirect.scatter.add.f32 [tilespmem:s18], [sflag:$0x7], $0x40, s12, s17, $0xb8;
	[tilespmem:$0x1E480] =	vst v63  }
0x7c: {  	_ =	swait.ge [sflag:s31], $0x1400  }
0x7d: {  	[sflag:s31] =	ssyncset.done $0x0  }
0x7e: {  	s12 =	sadd.s32 $0x1E0, s11;
	[sflag:s31] =	ssyncadd.s32 $0xFFFFEC00  }
0x7f: {  	[tilespmem:s18], [sflag:$0x1] =	stream.indirect.gather [hbm4b:s7+s17], $0x40, s12, s17, $0xb8;
	[tilespmem:$0x1E480] =	vst v63  }
0x80: {  	_ =	swait.ge [sflag:s0], $0x1400  }
0x81: {  	[sflag:s0] =	ssyncset.done $0x0  }
0x82: {  	s12 =	sadd.s32 $0x4E70, s11;
	[sflag:s0] =	ssyncadd.s32 $0xFFFFEC00  }
0x83: {  	[spmem:s1] =	stream.indirect.scatter.add.f32 [tilespmem:s19], [sflag:$0x8], $0x40, s12, s17, $0xb8;
	[tilespmem:$0x1E480] =	vst v63  }
0x84: {  	_ =	swait.ge [sflag:s16], $0x1400  }
0x85: {  	[sflag:s16] =	ssyncset.done $0x0  }
0x86: {  	s12 =	sadd.s32 $0x230, s11;
	[sflag:s16] =	ssyncadd.s32 $0xFFFFEC00  }
0x87: {  	[tilespmem:s19], [sflag:$0x2] =	stream.indirect.gather [hbm4b:s7+s17], $0x40, s12, s17, $0xb8;
	[tilespmem:$0x1E480] =	vst v63  }
0x88: {  	_ =	swait.ge [sflag:s20], $0x1400  }
0x89: {  	[sflag:s20] =	ssyncset.done $0x0  }
0x8a: {  	s12 =	sadd.s32 $0x4EC0, s11;
	[sflag:s20] =	ssyncadd.s32 $0xFFFFEC00  }
0x8b: {  	[spmem:s1] =	stream.indirect.scatter.add.f32 [tilespmem:s21], [sflag:$0x9], $0x40, s12, s17, $0xb8;
	[tilespmem:$0x1E480] =	vst v63  }
0x8c: {  	_ =	swait.ge [sflag:s22], $0x1400  }
0x8d: {  	[sflag:s22] =	ssyncset.done $0x0  }
0x8e: {  	s12 =	sadd.s32 $0x280, s11;
	[sflag:s22] =	ssyncadd.s32 $0xFFFFEC00  }
0x8f: {  	[tilespmem:s21], [sflag:$0x3] =	stream.indirect.gather [hbm4b:s7+s17], $0x40, s12, s17, $0xb8;
	[tilespmem:$0x1E480] =	vst v63  }
0x90: {  	_ =	swait.ge [sflag:s24], $0x1400  }
0x91: {  	[sflag:s24] =	ssyncset.done $0x0  }
0x92: {  	s12 =	sadd.s32 $0x4F10, s11;
	[sflag:s24] =	ssyncadd.s32 $0xFFFFEC00  }
0x93: {  	[spmem:s1] =	stream.indirect.scatter.add.f32 [tilespmem:s23], [sflag:$0xA], $0x40, s12, s17, $0xb8;
	[tilespmem:$0x1E480] =	vst v63  }
0x94: {  	_ =	swait.ge [sflag:s28], $0x1400  }
0x95: {  	[sflag:s28] =	ssyncset.done $0x0  }
0x96: {  	s12 =	sadd.s32 $0x2D0, s11;
	[sflag:s28] =	ssyncadd.s32 $0xFFFFEC00  }
0x97: {  	[tilespmem:s23], [sflag:$0x4] =	stream.indirect.gather [hbm4b:s7+s17], $0x40, s12, s17, $0xb8;
	[tilespmem:$0x1E480] =	vst v63  }
0x98: {  	_ =	swait.ge [sflag:s3], $0x1400  }
0x99: {  	[sflag:s3] =	ssyncset.done $0x0  }
0x9a: {  	s12 =	sadd.s32 $0x4F60, s11;
	[sflag:s3] =	ssyncadd.s32 $0xFFFFEC00  }
0x9b: {  	[spmem:s1] =	stream.indirect.scatter.add.f32 [tilespmem:s26], [sflag:$0xB], $0x40, s12, s17, $0xb8;
	[tilespmem:$0x1E480] =	vst v63  }
0x9c: {  	_ =	swait.ge [sflag:s5], $0x1400  }
0x9d: {  	[sflag:s5] =	ssyncset.done $0x0  }
0x9e: {  	s12 =	sadd.s32 $0x320, s11;
	[sflag:s5] =	ssyncadd.s32 $0xFFFFEC00  }
0x9f: {  	[tilespmem:s26], [sflag:$0x5] =	stream.indirect.gather [hbm4b:s7+s17], $0x40, s12, s17, $0xb8;
	[tilespmem:$0x1E480] =	vst v63  }
0xa0: {  	_ =	swait.ge [sflag:s6], $0x1400  }
0xa1: {  	[sflag:s6] =	ssyncset.done $0x0  }
.Ltmp1:
0xa2: {  	s12 =	sadd.s32 $0x4FB0, s11;
	[sflag:s6] =	ssyncadd.s32 $0xFFFFEC00;
	(pc) =	sbr.rel @p1 .LBB2_4-.Ltmp1, $4  }
0xa3: {  	[spmem:s1] =	stream.indirect.scatter.add.f32 [tilespmem:s29], [sflag:$0xC], $0x40, s12, s17, $0xb8;
	[tilespmem:$0x1E480] =	vst v63  }
0xa4: {  	_ =	swait.ge [sflag:s8], $0x1400  }
0xa5: {  	[sflag:s8] =	ssyncset.done $0x0  }
0xa6: {  	s11 =	sadd.s32 $0x370, s11;
	[sflag:s8] =	ssyncadd.s32 $0xFFFFEC00  }
0xa7: {  	[tilespmem:s29], [sflag:$0x6] =	stream.indirect.gather [hbm4b:s7+s17], $0x40, s11, s17, $0xb8;
	[tilespmem:$0x1E480] =	vst v63  }
0xa8: {  	_ =	swait.ge [sflag:s30], $0x1400  }
0xa9: {  	[sflag:s30] =	ssyncset.done $0x0  }
0xaa: {  	s9 =	simm.s32 $0x9920;
	[sflag:s30] =	ssyncadd.s32 $0xFFFFEC00  }
0xab: {  	[spmem:s1] =	stream.indirect.scatter.add.f32 [tilespmem:s18], [sflag:$0x7], $0x40, s9, s17, $0xb8;
	[tilespmem:$0x1E480] =	vst v63  }
0xac: {  	_ =	swait.ge [sflag:s31], $0x1400  }
0xad: {  	[sflag:s31] =	ssyncset.done $0x0  }
0xae: {  	s12 =	simm.s32 $0x4CE0;
	[sflag:s31] =	ssyncadd.s32 $0xFFFFEC00  }
0xaf: {  	[tilespmem:s18], [sflag:$0x1] =	stream.indirect.gather [hbm4b:s7+s17], $0x40, s12, s17, $0xb8;
	[tilespmem:$0x1E480] =	vst v63  }
0xb0: {  	_ =	swait.ge [sflag:s0], $0x1400  }
0xb1: {  	[sflag:s0] =	ssyncset.done $0x0  }
0xb2: {  	s11 =	simm.s32 $0x9970;
	[sflag:s0] =	ssyncadd.s32 $0xFFFFEC00  }
0xb3: {  	[spmem:s1] =	stream.indirect.scatter.add.f32 [tilespmem:s19], [sflag:$0x8], $0x40, s11, s17, $0xb8;
	[tilespmem:$0x1E480] =	vst v63  }
0xb4: {  	_ =	swait.ge [sflag:s16], $0x1400  }
0xb5: {  	[sflag:s16] =	ssyncset.done $0x0  }
0xb6: {  	s12 =	simm.s32 $0x4D30;
	[sflag:s16] =	ssyncadd.s32 $0xFFFFEC00  }
0xb7: {  	[tilespmem:s19], [sflag:$0x2] =	stream.indirect.gather [hbm4b:s7+s17], $0x40, s12, s17, $0xb8;
	[tilespmem:$0x1E480] =	vst v63  }
0xb8: {  	_ =	swait.ge [sflag:s20], $0x1400  }
0xb9: {  	[sflag:s20] =	ssyncset.done $0x0  }
0xba: {  	s11 =	simm.s32 $0x99C0;
	[sflag:s20] =	ssyncadd.s32 $0xFFFFEC00  }
0xbb: {  	[spmem:s1] =	stream.indirect.scatter.add.f32 [tilespmem:s21], [sflag:$0x9], $0x40, s11, s17, $0xb8;
	[tilespmem:$0x1E480] =	vst v63  }
0xbc: {  	_ =	swait.ge [sflag:s22], $0x1400  }
0xbd: {  	[sflag:s22] =	ssyncset.done $0x0  }
0xbe: {  	s12 =	simm.s32 $0x4D80;
	[sflag:s22] =	ssyncadd.s32 $0xFFFFEC00  }
0xbf: {  	[tilespmem:s21], [sflag:$0x3] =	stream.indirect.gather [hbm4b:s7+s17], $0x40, s12, s17, $0xb8;
	[tilespmem:$0x1E480] =	vst v63  }
0xc0: {  	_ =	swait.ge [sflag:s24], $0x1400  }
0xc1: {  	[sflag:s24] =	ssyncset.done $0x0  }
0xc2: {  	s11 =	simm.s32 $0x9A10;
	[sflag:s24] =	ssyncadd.s32 $0xFFFFEC00  }
0xc3: {  	[spmem:s1] =	stream.indirect.scatter.add.f32 [tilespmem:s23], [sflag:$0xA], $0x40, s11, s17, $0xb8;
	[tilespmem:$0x1E480] =	vst v63  }
0xc4: {  	_ =	swait.ge [sflag:s28], $0x1400  }
0xc5: {  	[sflag:s28] =	ssyncset.done $0x0  }
0xc6: {  	s12 =	simm.s32 $0x4DD0;
	[sflag:s28] =	ssyncadd.s32 $0xFFFFEC00  }
0xc7: {  	[tilespmem:s23], [sflag:$0x4] =	stream.indirect.gather [hbm4b:s7+s17], $0x40, s12, s17, $0xb8;
	[tilespmem:$0x1E480] =	vst v63  }
0xc8: {  	_ =	swait.ge [sflag:s3], $0x1400  }
0xc9: {  	[sflag:s3] =	ssyncset.done $0x0  }
0xca: {  	s11 =	simm.s32 $0x9A60;
	[sflag:s3] =	ssyncadd.s32 $0xFFFFEC00  }
0xcb: {  	[spmem:s1] =	stream.indirect.scatter.add.f32 [tilespmem:s26], [sflag:$0xB], $0x40, s11, s17, $0xb8;
	[tilespmem:$0x1E480] =	vst v63  }
0xcc: {  	_ =	swait.ge [sflag:s6], $0x1400  }
0xcd: {  	[sflag:s6] =	ssyncset.done $0x0  }
0xce: {  	s12 =	simm.s32 $0x9AB0;
	[sflag:s6] =	ssyncadd.s32 $0xFFFFEC00  }
0xcf: {  	[spmem:s1] =	stream.indirect.scatter.add.f32 [tilespmem:s29], [sflag:$0xC], $0x40, s12, s17, $0xb8;
	[tilespmem:$0x1E480] =	vst v63  }
0xd0: {  	_ =	swait.ge [sflag:s30], $0x1400  }
0xd1: {  	[sflag:s30] =	ssyncset.done $0x0  }
0xd2: {  	s11 =	simm.s32 $0x9B00;
	[sflag:s30] =	ssyncadd.s32 $0xFFFFEC00  }
0xd3: {  	[spmem:s1] =	stream.indirect.scatter.add.f32 [tilespmem:s18], [sflag:$0x7], $0x40, s11, s17, $0xb8;
	[tilespmem:$0x1E480] =	vst v63  }
0xd4: {  	_ =	swait.ge [sflag:s0], $0x1400  }
0xd5: {  	[sflag:s0] =	ssyncset.done $0x0  }
0xd6: {  	s12 =	simm.s32 $0x9B50;
	[sflag:s0] =	ssyncadd.s32 $0xFFFFEC00  }
0xd7: {  	[spmem:s1] =	stream.indirect.scatter.add.f32 [tilespmem:s19], [sflag:$0x8], $0x40, s12, s17, $0xb8;
	[tilespmem:$0x1E480] =	vst v63  }
0xd8: {  	_ =	swait.ge [sflag:s20], $0x1400  }
0xd9: {  	[sflag:s20] =	ssyncset.done $0x0  }
0xda: {  	s11 =	simm.s32 $0x9BA0;
	[sflag:s20] =	ssyncadd.s32 $0xFFFFEC00  }
0xdb: {  	[spmem:s1] =	stream.indirect.scatter.add.f32 [tilespmem:s21], [sflag:$0x9], $0x40, s11, s17, $0xb8;
	[tilespmem:$0x1E480] =	vst v63  }
0xdc: {  	_ =	swait.ge [sflag:s24], $0x1400  }
0xdd: {  	[sflag:s24] =	ssyncset.done $0x0  }
0xde: {  	s12 =	simm.s32 $0x9BF0;
	[sflag:s24] =	ssyncadd.s32 $0xFFFFEC00  }
0xdf: {  	[spmem:s1] =	stream.indirect.scatter.add.f32 [tilespmem:s23], [sflag:$0xA], $0x40, s12, s17, $0xb8;
	[tilespmem:$0x1E480] =	vst v63  }
0xe0: {  	_ =	swait.ge [sflag:s31], $0x1400  }
0xe1: {  	[sflag:s31] =	ssyncset.done $0x0  }
0xe2: {  	[sflag:s31] =	ssyncadd.s32 $0xFFFFEC00  }
0xe3: {  	_ =	swait.ge [sflag:s16], $0x1400  }
0xe4: {  	[sflag:s16] =	ssyncset.done $0x0  }
0xe5: {  	[sflag:s16] =	ssyncadd.s32 $0xFFFFEC00  }
0xe6: {  	_ =	swait.ge [sflag:s22], $0x1400  }
0xe7: {  	[sflag:s22] =	ssyncset.done $0x0  }
0xe8: {  	[sflag:s22] =	ssyncadd.s32 $0xFFFFEC00  }
0xe9: {  	_ =	swait.ge [sflag:s28], $0x1400  }
0xea: {  	[sflag:s28] =	ssyncset.done $0x0  }
0xeb: {  	[sflag:s28] =	ssyncadd.s32 $0xFFFFEC00  }
0xec: {  	_ =	swait.ge [sflag:s5], $0x1400  }
0xed: {  	[sflag:s5] =	ssyncset.done $0x0  }
0xee: {  	[sflag:s5] =	ssyncadd.s32 $0xFFFFEC00  }
0xef: {  	_ =	swait.ge [sflag:s8], $0x1400  }
0xf0: {  	[sflag:s8] =	ssyncset.done $0x0  }
0xf1: {  	s11 =	stileid.u32;
	[sflag:s8] =	ssyncadd.s32 $0xFFFFEC00  }
0xf2: {  	s9 =	sshll.u32 s11, $0x6;
	[bflag:$0x0] =	sbarrier.arrive $0xFFFF  }
0xf3: {  	s9 =	sor.u32 $0x1C0D, s9;
	s12 =	rddreg [dreg:$0x5]  }
0xf4: {  	[hbm:s12], [sflag:s9] =	dma.local [spmem:s25], $0x1380  }
0xf5: {  	_ =	swait.ge [sflag:s15], $0x1380  }
0xf6: {  	[sflag:s15] =	ssyncset.done $0x0  }
0xf7: {  	s11 =	sshrl.u32 @!p0 s4, $0x3;
	s12 =	rddreg [dreg:$0x6];
	[sflag:s15] =	ssyncadd.s32 $0xFFFFEC80  }
0xf8: {  	[hbm:s12], [sflag:s9] =	dma.local @!p0 [spmem:s11], $0x80  }
0xf9: {  	s9 =	simm.s32 @!p0 $0xD  }
0xfa: {  	_ =	swait.ge @!p0 [sflag:s9], $0x80  }
0xfb: {  	s2 =	sadd.s32 $0x1, s2;
	s12 =	rddreg [dreg:$0x7]  }
0xfc: {  	p1 =	sne.s32 s2, s12  }
.Ltmp2:
0xfd: {  	_ = 	snop;
	(pc) =	sbr.rel @p1 .LBB2_1-.Ltmp2, $3  }
0xfe: {  	_ =	sdelay $0x1  }
0xff: {  	[sflag:s9] =	ssyncset.done @!p0 $0x0  }
0x100: {  	[sflag:s9] =	ssyncadd.s32 @!p0 $0xFFFFFF80  }
0x101: {  	_ =	sfence.sel $0x180000  }
0x102: {  	[bflag:$0x0] =	sbarrier.arrive $0xFFFF  }
0x103: {  	_ =	strace $0x9000004D  }
0x104: {  	[bflag:$0x2] =	sbarrier.arrive $0xFFFF  }
0x105: {  	s0 =	rddreg [dreg:$0x2]  }
0x106: {  	s0 =	sadd.s32 @!p0 $0x100000, s0  }
0x107: {  	[sflag:s0] =	ssyncadd.tile.s32 @!p0 $0x1;
	_ =	shalt  }
.Lfunc_end2:
_tile_overlayer_lowered:
.L_overlay_start_2:
0x108: {  	(tag) =	ssettag $0x2  }
0x109: {  	s0 =	rddreg [dreg:$0x0];
	s2 =	stileid.u32  }
0x10a: {  	s1 =	rddreg [dreg:$0x1];
	p0 =	sne.s32 s2, $0x0  }
0x10b: {  	s3 =	rddreg [dreg:$0x2];
	[bflag:$0x3] =	sbarrier.arrive $0xFFFF;
	s2 =	simm.s32 @!p0 $0x1C0D  }
0x10c: {  	[timem:s3], [sflag:s2] =	dma.local @!p0 [hbm:s0], s1  }
0x10d: {  	s0 =	simm.s32 @!p0 $0xD  }
0x10e: {  	_ =	swait.ge @!p0 [sflag:s0], s1  }
0x10f: {  	s1 =	ssub.s32 @!p0 $0x0, s1;
	[sflag:s0] =	ssyncset.done @!p0 $0x0  }
0x110: {  	[sflag:s0] =	ssyncadd.s32 @!p0 s1  }
0x111: {  	[bflag:$0x3] =	sbarrier.arrive $0xFFFF  }
0x112: {  	_ =	shalt  }

// kernel: kernel.8.cloned.1.call-start
scs
__scs_entry_jumppad:
0x0: {  	(pc) =	sbr.rel $0x88, $3  }
0x1: {  	(tag) =	ssettag $0x0;
	lr =	simm.s32 $0x1  }
0x2: {  	[smem:$0x3F9A] =	sst lr;
	_ =	strace $0xD0000000  }
0x3: {  	_ = 	snop  }
0x4: {  	_ = 	snop  }
0x5: {  	_ = 	snop  }
0x6: {  	_ = 	snop  }
0x7: {  	_ = 	snop  }
__scs_overlays_trampoline_lowered:
0x8: {  	[smem:$0x3FA9] =	sst s0  }
0x9: {  	[smem:$0x3FAA] =	sst s1  }
0xa: {  	[smem:$0x3FAB] =	sst s2  }
0xb: {  	[smem:$0x3FAC] =	sst s3  }
0xc: {  	[smem:$0x3FAD] =	sst s4  }
0xd: {  	[smem:$0x3FAE] =	sst s5  }
0xe: {  	[smem:$0x3FAF] =	sst s6  }
0xf: {  	[smem:$0x3FB0] =	sst s7  }
0x10: {  	[smem:$0x3FB1] =	sst s8  }
0x11: {  	[smem:$0x3FB2] =	sst s9;
	s0 =	simm.s32 @!p0 $0x0  }
0x12: {  	s1 =	sld [smem:$0x3F98];
	s0 =	simm.s32 @p0 $0x1  }
0x13: {  	[smem:$0x3FB3] =	sst s0;
	s0 =	simm.s32 @!p1 $0x0  }
0x14: {  	s2 =	sld [smem:$0x3F97];
	s0 =	simm.s32 @p1 $0x1  }
0x15: {  	[smem:$0x3FB4] =	sst s0;
	s0 =	simm.s32 @!p2 $0x0  }
0x16: {  	s3 =	sld [smem:$0x3FDB];
	s0 =	simm.s32 @p2 $0x1  }
0x17: {  	s4 =	simm.s32 $0x1BF5;
	[smem:$0x3FB6] =	sst s0  }
0x18: {  	s0 =	sld [smem:$0x3F99];
	_ =	swait.ge [sflag:s4], $0x0  }
0x19: {  	s7 =	sld [smem:$0x3F9A]  }
0x1a: {  	s8 =	sadd.s32 $0xFFFFE003, lr  }
0x1b: {  	s9 =	sadd.s32 $0xFFFFFEF7, lr;
	s5 =	simm.s32 $0xFFFFFFFF;
	p2 =	slt.u32 s8, $0xFFFFF086  }
0x1c: {  	p1 =	slt.u32 s9, $0xF7A;
	s5 =	simm.s32 @!p2 $0x0  }
0x1d: {  	s5 =	simm.s32 @p1 $0x1;
	p0 =	seq.s32 s7, s2  }
0x1e: {  	s7 =	smul.u32 @!p0 $0xF7A, s2;
	p2 =	seq.s32 @!p0 s5, $0x0  }
0x1f: {  	s9 =	smul.u32 $0xF7A, s1;
	s8 =	simm.s32 @!p0 $0x1BF5;
	p2 =	por !p2, p0  }
0x20: {  	[sflag:s8] =	ssyncset.s32 @!p0 $0xFFFFF086;
	s6 =	sadd.s32 @!p0 s3, s7;
	s7 =	simm.s32 @!p0 $0x108  }
0x21: {  	s3 =	sadd.s32 s3, s9;
	s6 =	sadd.s32 @!p0 $0x88, s6;
	s7 =	simm.s32 @p2 $0x1082  }
0x22: {  	[simem:s7], [sflag:s8] =	dma.local @!p0 [hbm:s6], $0xF7A  }
0x23: {  	s9 =	sor.u32 $0xD0000000, s2;
	s6 =	simm.s32 $0x108;
	_ =	swait.ge @!p0 [sflag:s8], $0x0  }
0x24: {  	s3 =	sadd.s32 $0x88, s3;
	s6 =	simm.s32 @!p1 $0x1082;
	[sflag:s4] =	ssyncset.s32 $0xFFFFF086  }
0x25: {  	[simem:s6], [sflag:s4] =	dma.local [hbm:s3], $0xF7A  }
0x26: {  	[smem:$0x3F9A] =	sst s1;
	(tag) =	ssettag s2;
	_ =	strace s9  }
0x27: {  	s1 =	sld [smem:$0x3FAA]  }
0x28: {  	s2 =	sld [smem:$0x3FAB]  }
0x29: {  	s4 =	sld [smem:$0x3FAD]  }
0x2a: {  	p0 =	seq.s32 s5, $0x0;
	s5 =	sld [smem:$0x3FAE]  }
0x2b: {  	s6 =	sld [smem:$0x3FAF]  }
0x2c: {  	s7 =	sld [smem:$0x3FB0]  }
0x2d: {  	s3 =	simm.s32 $0x108;
	s8 =	sld [smem:$0x3FB1]  }
0x2e: {  	s3 =	simm.s32 @!p0 $0x1082;
	s9 =	sld [smem:$0x3FB2]  }
0x2f: {  	lr =	sadd.s32 s0, s3;
	s0 =	sld [smem:$0x3FA9]  }
0x30: {  	s3 =	sld [smem:$0x3FAC]  }
0x31: {  	[smem:$0x3FB5] =	sst s10  }
0x32: {  	s10 =	sld [smem:$0x3FB3];
	_ =	sdelay $0x3  }
0x33: {  	p0 =	seq.s32 s10, $0x1;
	s10 =	sld [smem:$0x3FB5];
	_ =	sdelay $0x3  }
0x34: {  	[smem:$0x3FB5] =	sst s10  }
0x35: {  	s10 =	sld [smem:$0x3FB4];
	_ =	sdelay $0x3  }
0x36: {  	p1 =	seq.s32 s10, $0x1;
	s10 =	sld [smem:$0x3FB5];
	_ =	sdelay $0x3  }
0x37: {  	[smem:$0x3FB5] =	sst s10  }
0x38: {  	s10 =	sld [smem:$0x3FB6]  }
0x39: {  	_ = 	snop;
	(pc) =	sbr.ind lr, $3  }
0x3a: {  	_ = 	snop  }
0x3b: {  	_ = 	snop  }
0x3c: {  	p2 =	seq.s32 s10, $0x1;
	s10 =	sld [smem:$0x3FB5]  }
0x3d: {  	_ =	shalt  }
0x3e: {  	_ =	shalt  }
0x3f: {  	_ =	shalt  }
0x40: {  	_ =	shalt  }
0x41: {  	_ =	shalt  }
0x42: {  	_ =	shalt  }
0x43: {  	_ =	shalt  }
0x44: {  	_ =	shalt  }
0x45: {  	_ =	shalt  }
0x46: {  	_ =	shalt  }
0x47: {  	_ =	shalt  }
0x48: {  	_ =	shalt  }
0x49: {  	_ =	shalt  }
0x4a: {  	_ =	shalt  }
0x4b: {  	_ =	shalt  }
0x4c: {  	_ =	shalt  }
0x4d: {  	_ =	shalt  }
0x4e: {  	_ =	shalt  }
0x4f: {  	_ =	shalt  }
0x50: {  	_ =	shalt  }
0x51: {  	_ =	shalt  }
0x52: {  	_ =	shalt  }
0x53: {  	_ =	shalt  }
0x54: {  	_ =	shalt  }
0x55: {  	_ =	shalt  }
0x56: {  	_ =	shalt  }
0x57: {  	_ =	shalt  }
0x58: {  	_ =	shalt  }
0x59: {  	_ =	shalt  }
0x5a: {  	_ =	shalt  }
0x5b: {  	_ =	shalt  }
0x5c: {  	_ =	shalt  }
0x5d: {  	_ =	shalt  }
0x5e: {  	_ =	shalt  }
0x5f: {  	_ =	shalt  }
0x60: {  	_ =	shalt  }
0x61: {  	_ =	shalt  }
0x62: {  	_ =	shalt  }
0x63: {  	_ =	shalt  }
0x64: {  	_ =	shalt  }
0x65: {  	_ =	shalt  }
0x66: {  	_ =	shalt  }
0x67: {  	_ =	shalt  }
0x68: {  	_ =	shalt  }
0x69: {  	_ =	shalt  }
0x6a: {  	_ =	shalt  }
0x6b: {  	_ =	shalt  }
0x6c: {  	_ =	shalt  }
0x6d: {  	_ =	shalt  }
0x6e: {  	_ =	shalt  }
0x6f: {  	_ =	shalt  }
0x70: {  	_ =	shalt  }
0x71: {  	_ =	shalt  }
0x72: {  	_ =	shalt  }
0x73: {  	_ =	shalt  }
0x74: {  	_ =	shalt  }
0x75: {  	_ =	shalt  }
0x76: {  	_ =	shalt  }
0x77: {  	_ =	shalt  }
0x78: {  	_ =	shalt  }
0x79: {  	_ =	shalt  }
0x7a: {  	_ =	shalt  }
0x7b: {  	_ =	shalt  }
0x7c: {  	_ =	shalt  }
0x7d: {  	_ =	shalt  }
0x7e: {  	_ =	shalt  }
0x7f: {  	_ =	shalt  }
0x80: {  	_ =	shalt  }
0x81: {  	_ =	shalt  }
0x82: {  	_ =	shalt  }
0x83: {  	_ =	shalt  }
0x84: {  	_ =	shalt  }
0x85: {  	_ =	shalt  }
0x86: {  	_ =	shalt  }
0x87: {  	_ =	shalt  }
.Lfunc_end0:
.L_simem_size_0:
called_computation_lowered:
.L_overlay_start_0:
0x88: {  	s2 =	sld [smem:$0x3FD9]  }
0x89: {  	s3 =	sld [smem:$0x3FFE];
	_ =	sdelay $0x1  }
0x8a: {  	s1 =	srdreg.scid  }
0x8b: {  	s0 =	sand.u32 $0x1, s1  }
0x8c: {  	s16 =	sshll.u32 s0, $0xA;
	s2 =	sadd.s32 s3, s2  }
0x8d: {  	s2 =	sadd.s32 s2, s16  }
0x8e: {  	[smem:$0x3FC1] =	sst s2  }
0x8f: {  	_ = 	snop  }
0x90: {  	(tm) =	ssettm $0x1  }
0x91: {  	s17 =	sld [smem:$0x3FFB];
	_ =	sdelay $0x3  }
0x92: {  	_ =	strace s17  }
0x93: {  	s2 =	sld [smem:$0x3FFC];
	_ =	sdelay $0x3  }
0x94: {  	_ =	strace s2  }
0x95: {  	s2 =	sld [smem:$0x3FFD];
	_ =	sdelay $0x3  }
0x96: {  	_ =	strace s2  }
0x97: {  	_ =	strace $0x8FFFFFFF  }
0x98: {  	s18 =	sld [smem:$0x3FDB];
	_ =	sdelay $0x1  }
0x99: {  	s19 =	simm.s32 $_scs_section_size  }
0x9a: {  	s4 =	simm.s32 $_size__tile_overlayer_lowered;
	s5 =	simm.s32 $_tile_overlayer_lowered  }
0x9b: {  	s22 =	simm.s32 $0x1BFF;
	s21 =	sshll.u32 s5, $0x1;
	s2 =	sadd.s32 s19, s18  }
0x9c: {  	s6 =	simm.s32 $0x0;
	s20 =	sshll.u32 s4, $0x1;
	s4 =	sadd.s32 s21, s2  }
0x9d: {  	[timem:s6], [sflag:s22] =	dma.local [hbm:s4], s20  }
0x9e: {  	_ =	swait.ge [sflag:s22], s20  }
0x9f: {  	s3 =	ssub.s32 $0x0, s20;
	[sflag:s22] =	ssyncset.done $0x0  }
0xa0: {  	[sflag:s22] =	ssyncadd.s32 s3;
	_ =	sdelay $0x1  }
0xa1: {  	s23 =	simm.s32 $0x1B8B  }
0xa2: {  	_ =	swait.ge [sflag:s23], $0x1  }
0xa3: {  	[sflag:s23] =	ssyncset.done $0x0  }
0xa4: {  	s25 =	simm.s32 $0x1B8E;
	s24 =	sld [smem:$0x3FFE];
	[sflag:s23] =	ssyncadd.s32 $0xFFFFFFFF  }
0xa5: {  	s26 =	simm.s32 $execute0_lowered;
	[smem:$0x3FD2] =	sst s25  }
0xa6: {  	s4 =	sshll.u32 s26, $0x1;
	_ =	strace $0x80000046;
	[dreg:$0x1] =	wrdreg $0xFFFFFFFF  }
0xa7: {  	s28 =	simm.s32 $_size_execute0_lowered;
	s2 =	sadd.s32 s2, s4;
	[dreg:$0x0] =	wrdreg $0x0  }
0xa8: {  	s4 =	sshll.u32 s28, $0x1;
	[dreg:$0x2] =	wrdreg s2  }
0xa9: {  	[dreg:$0x3] =	wrdreg s4  }
0xaa: {  	[dreg:$0x4] =	wrdreg $0xC0  }
0xab: {  	_ =	task [dreg:s6], $0x5FFFF  }
0xac: {  	[dreg:$0x1] =	wrdreg $0xFFFFFFFF  }
0xad: {  	[dreg:$0x0] =	wrdreg $0x60  }
0xae: {  	[dreg:$0x2] =	wrdreg s24  }
0xaf: {  	[dreg:$0x3] =	wrdreg $0x94200  }
0xb0: {  	[dreg:$0x4] =	wrdreg $0x9  }
0xb1: {  	_ =	task.clear_ibuf [dreg:s6], $0x5FFFF;
	_ =	strace $0x90000046  }
0xb2: {  	s29 =	simm.s32 $0x9;
	_ =	strace $0x80000048  }
0xb3: {  	_ =	swait.ge [sflag:s29], $0x1  }
0xb4: {  	[sflag:s29] =	ssyncadd.s32 $0xFFFFFFFF  }
0xb5: {  	_ =	strace $0x90000048  }
0xb6: {  	_ =	sfence  }
0xb7: {  	s30 =	sld [smem:$0x0];
	_ =	sdelay $0x2  }
0xb8: {  	s31 =	sshll.u32 s1, $0xD;
	s1 =	sshrl.u32 s1, $0x2  }
0xb9: {  	s3 =	sand.u32 $0x4000, s31;
	s1 =	sadd.s32 s1, s30  }
0xba: {  	s0 =	sor.u32 s3, s0;
	s1 =	sshll.u32 s1, $0x11  }
0xbb: {  	s0 =	sor.u32 s1, s0  }
0xbc: {  	s0 =	sadd.s32 $0x8F2B, s0  }
0xbd: {  	[sflag:s0] =	ssyncadd.remote.s32 $0x1  }
0xbe: {  	_ =	sfence.sel $0xFFFF  }
0xbf: {  	[dreg:$0x0] =	wrdreg $0xFFFFFFFF;
	(pc) =	sbr.abs _section_cstart, $3  }
0xc0: {  	[dreg:$0x1] =	wrdreg $0xFFFFFFFF  }
0xc1: {  	_ =	task.clear_ibuf [dreg:s6], $0x2FFFF;
	_ =	strace $0x9FFFFFFF  }
0xc2: {  	(tm) =	ssettm $0x7FFFFFFF  }
0xc3: {  	_ =	shalt  }
tec
execute0_lowered:
.L_overlay_start_1:
0x0: {  	(tag) =	ssettag $0x1  }
0x1: {  	s4 =	rddreg [dreg:$0x0]  }
0x2: {  	s1 =	rddreg [dreg:$0x1]  }
0x3: {  	s2 =	srdreg.scid;
	s0 =	rddreg [dreg:$0x2]  }
0x4: {  	s14 =	stileid.u32;
	s18 =	simm.s32 $0x1;
	s19 =	simm.s32 $0x6020  }
0x5: {  	s20 =	simm.s32 $0x0;
	s10 =	sand.u32 $0x1, s2;
	s5 =	smul.u32 $0x4E20, s14  }
0x6: {  	s2 =	simm.s32 $0x0;
	s12 =	sadd.s32 $0x17200, s4;
	s13 =	smul.u32 $0x9C00, s14  }
0x7: {  	p0 =	sne.s32 s14, $0x0;
	s14 =	simm.s32 $0x5320;
	s11 =	smul.u32 $0x9C400, s10  }
0x8: {  	s3 =	ssub.s32 $0x2, s10;
	[smem:$0x7FF] =	sst s2;
	s17 =	smul.u32 $0x9C40, s10  }
0x9: {  	s6 =	sshrl.u32 s3, $0x1;
	_ =	strace $0x80000047;
	s5 =	sshrl.u32 s5, $0x3  }
0xa: {  	s31 =	sshrl.u32 s13, $0x2;
	s15 =	sadd.s32 $0x3400, s13;
	s16 =	sadd.s32 $0x6800, s13  }
0xb: {  	s6 =	ssub.s32 s3, s6;
	s3 =	sadd.s32 $0x27000, s1;
	s7 =	sshrl.u32 s11, $0x3  }
0xc: {  	s4 =	sadd.s32 s4, s5;
	s8 =	sshrl.u32 s15, $0x2;
	s9 =	sshrl.u32 s16, $0x2  }
0xd: {  	s13 =	sadd.s32 s11, s13;
	s15 =	sadd.s32 s11, s15;
	s11 =	sadd.s32 s11, s16  }
0xe: {  	s30 =	sadd.s32 s12, s7;
	s4 =	sadd.s32 $0xD440, s4;
	s6 =	smax.u32 s6, $0x1  }
.Ltmp0:
0xf: {  	s7 =	sadd.s32 s31, s1;
	s8 =	sadd.s32 s8, s1;
	(pc) =	sbr.rel .LBB2_1-.Ltmp0, $4  }
0x10: {  	s9 =	sadd.s32 s9, s1;
	s13 =	sshrl.u32 s13, $0x3;
	s15 =	sshrl.u32 s15, $0x3  }
0x11: {  	s16 =	sshrl.u32 s11, $0x3;
	s5 =	sadd.s32 $0x13800, s30;
	s10 =	sadd.s32 s12, s13  }
0x12: {  	s11 =	sadd.s32 s12, s15;
	s12 =	sadd.s32 s12, s16;
	s13 =	sshrl.u32 s17, $0x2  }
0x13: {  	v0 =	vimm.f32 $1.000000000e+00;
	v1 =	vimm.f32 $0.0e+00;
	s15 =	simm.s32 $0x2;
	s16 =	simm.s32 $0x50;
	s17 =	simm.s32 $0x4E20  }
.LBB2_17:
0x14: {  	s20 =	sadd.s32 $0x1, s20  }
0x15: {  	p1 =	sne.s32 s20, s6  }
.Ltmp1:
0x16: {  	_ = 	snop;
	(pc) =	sbr.rel @!p1 .LBB2_18-.Ltmp1, $1  }
0x17: {  	_ =	sdelay $0x3  }
.LBB2_1:
0x18: {  	s21 =	simm.s32 $0x0  }
.LBB2_2:
0x19: {  	p1 =	sne.s32 s21, $0x13C0  }
.Ltmp2:
0x1a: {  	_ = 	snop;
	(pc) =	sbr.rel @p1 .LBB2_2-.Ltmp2, $3  }
0x1b: {  	_ =	sdelay $0x1  }
0x1c: {  	s22 =	sshra.s32 s21, $0x2  }
0x1d: {  	s21 =	sadd.s32 $0x40, s21;
	[tilespmem:s22+$0x4E20] =	vst v0  }
0x1e: {  	s21 =	simm.s32 $0x40;
	s22 =	simm.s32 $0x0  }
.LBB2_4:
0x1f: {  	p1 =	sne.s32 s21, $0x33C0;
	[tilespmem:s22+$0x5320] =	vst v1;
	s22 =	smov.u32 s21;
	s21 =	sadd.s32 $0x40, s21  }
.Ltmp3:
0x20: {  	(pc) =	sbr.rel @p1 .LBB2_4-.Ltmp3, $2  }
0x21: {  	_ =	sdelay $0x2  }
0x22: {  	s22 =	sshra.s32 s22, $0x2  }
0x23: {  	[tilespmem:s22+$0x5320] =	vst v1  }
0x24: {  	[spmem:s7] =	stream.linear.scatter [tilespmem:s14], [sflag:$0x2], $0xD00, $0x38;
	[tilespmem:$0xBB30] =	vst v63  }
0x25: {  	_ =	swait.ge [sflag:s15], $0xD00  }
0x26: {  	[sflag:s15] =	ssyncset.done $0x0  }
0x27: {  	[sflag:s15] =	ssyncadd.s32 $0xFFFFF300  }
0x28: {  	[spmem:s8] =	stream.linear.scatter [tilespmem:s14], [sflag:$0x2], $0xD00, $0x38;
	[tilespmem:$0xBB30] =	vst v63  }
0x29: {  	_ =	swait.ge [sflag:s15], $0xD00  }
0x2a: {  	[sflag:s15] =	ssyncset.done $0x0  }
0x2b: {  	[sflag:s15] =	ssyncadd.s32 $0xFFFFF300  }
0x2c: {  	[spmem:s9] =	stream.linear.scatter [tilespmem:s14], [sflag:$0x2], $0xD00, $0x38;
	[tilespmem:$0xBB30] =	vst v63  }
0x2d: {  	_ =	swait.ge [sflag:s15], $0xD00  }
0x2e: {  	[sflag:s15] =	ssyncset.done $0x0  }
0x2f: {  	s21 =	simm.s32 @!p0 $0x5320;
	[sflag:s15] =	ssyncadd.s32 $0xFFFFF300  }
0x30: {  	[spmem:s3] =	stream.linear.scatter @!p0 [tilespmem:s21], [sflag:$0x2], $0x100, $0x38;
	[tilespmem:$0xBB30] =	vst v63  }
0x31: {  	s21 =	simm.s32 @!p0 $0x2  }
0x32: {  	_ =	swait.ge @!p0 [sflag:s21], $0x100  }
0x33: {  	[sflag:s21] =	ssyncset.done @!p0 $0x0  }
0x34: {  	[sflag:s21] =	ssyncadd.s32 @!p0 $0xFFFFFF00;
	s21 =	simm.s32 $0x0  }
0x35: {  	[tilespmem:s21], [sflag:$0x2] =	stream.linear.gather [hbm4b:s4+s21], $0x4E20, $0x38;
	[tilespmem:$0xBB30] =	vst v63  }
0x36: {  	_ =	swait.ge [sflag:s15], $0x4E20  }
0x37: {  	[sflag:s15] =	ssyncset.done $0x0  }
0x38: {  	[sflag:s15] =	ssyncadd.s32 $0xFFFFB1E0  }
0x39: {  	[bflag:$0x0] =	sbarrier.arrive $0xFFFF  }
.LBB2_6:
0x3a: {  	p1 =	sne.s32 s21, $0x9B00  }
.Ltmp4:
0x3b: {  	_ = 	snop;
	(pc) =	sbr.rel @p1 .LBB2_6-.Ltmp4, $4  }
0x3c: {  	_ = 	snop  }
0x3d: {  	s22 =	sshra.s32 s21, $0x2  }
0x3e: {  	s21 =	sadd.s32 $0x140, s21;
	s22 =	sadd.s32 s22, s13  }
0x3f: {  	[spmem:s1] =	stream.indirect.scatter.add.f32 [tilespmem:s17], [sflag:$0x1], $0x10, s22, s16, $0xb8;
	[tilespmem:$0xBB30] =	vst v63  }
0x40: {  	_ =	swait.ge [sflag:s18], $0x500  }
0x41: {  	s21 =	simm.s32 $0x7C;
	[sflag:s18] =	ssyncset.done $0x0  }
.LBB2_8:
0x42: {  	p1 =	sne.s32 s21, $0x1;
	s21 =	sadd.s32 $0xFFFFFFFF, s21;
	[sflag:s18] =	ssyncadd.s32 $0xFFFFFB00  }
.Ltmp5:
0x43: {  	(pc) =	sbr.rel @p1 .LBB2_8-.Ltmp5, $3  }
0x44: {  	_ =	sdelay $0x1  }
0x45: {  	_ =	swait.ge [sflag:s18], $0x500  }
0x46: {  	[sflag:s18] =	ssyncset.done $0x0  }
0x47: {  	[sflag:s18] =	ssyncadd.s32 $0xFFFFFB00  }
0x48: {  	[bflag:$0x0] =	sbarrier.arrive $0xFFFF  }
0x49: {  	[tilespmem:s14], [sflag:$0x2] =	stream.linear.gather [spmem:s7], $0xD00, $0x38;
	[tilespmem:$0xBB30] =	vst v63  }
0x4a: {  	_ =	swait.ge [sflag:s15], $0xD00  }
0x4b: {  	[sflag:s15] =	ssyncset.done $0x0  }
0x4c: {  	s21 =	simm.s32 $0x0;
	[sflag:s15] =	ssyncadd.s32 $0xFFFFF300  }
0x4d: {  	v2 =	vld [tilespmem:s21+$0x5320];
	_ =	sdelay $0x3  }
0x4e: {  	s21 =	simm.s32 $0x6040  }
0x4f: {  	[tilespmem:s21+$0xFFFFFFE0] =	vst v2  }
0x50: {  	[tilespmem:s21+$0xFFFFFFF0] =	vst v2  }
0x51: {  	[tilespmem:s21+$0x0] =	vst v2  }
0x52: {  	s23 =	simm.s32 $0x10;
	s22 =	simm.s32 $0x80;
	[tilespmem:s21+$0x10] =	vst v2  }
.LBB2_10:
0x53: {  	p1 =	sne.s32 s22, $0x33C0;
	v2 =	vld [tilespmem:s23+$0x5320];
	_ =	sdelay $0x3  }
.Ltmp6:
0x54: {  	s21 =	sadd.s32 $0x40, s21;
	(pc) =	sbr.rel @p1 .LBB2_10-.Ltmp6, $4  }
0x55: {  	[tilespmem:s21+$0xFFFFFFE0] =	vst v2  }
0x56: {  	[tilespmem:s21+$0xFFFFFFF0] =	vst v2  }
0x57: {  	[tilespmem:s21+$0x0] =	vst v2  }
0x58: {  	s23 =	sshra.s32 s22, $0x2;
	s22 =	sadd.s32 $0x40, s22;
	[tilespmem:s21+$0x10] =	vst v2  }
0x59: {  	v2 =	vld [tilespmem:s23+$0x5320];
	_ =	sdelay $0x3  }
0x5a: {  	s21 =	sadd.s32 $0x40, s21  }
0x5b: {  	[tilespmem:s21+$0xFFFFFFE0] =	vst v2  }
0x5c: {  	[tilespmem:s21+$0xFFFFFFF0] =	vst v2  }
0x5d: {  	[tilespmem:s21+$0x0] =	vst v2  }
0x5e: {  	s30 =	simm.s32 $0x0;
	[tilespmem:s21+$0x10] =	vst v2  }
0x5f: {  	[hbm4b:s10+s30] =	stream.linear.scatter [tilespmem:s19], [sflag:$0x2], $0x3400, $0x38;
	[tilespmem:$0xBB30] =	vst v63  }
0x60: {  	_ =	swait.ge [sflag:s15], $0x3400  }
0x61: {  	[sflag:s15] =	ssyncset.done $0x0  }
0x62: {  	[sflag:s15] =	ssyncadd.s32 $0xFFFFCC00  }
0x63: {  	[tilespmem:s14], [sflag:$0x2] =	stream.linear.gather [spmem:s8], $0xD00, $0x38;
	[tilespmem:$0xBB30] =	vst v63  }
0x64: {  	_ =	swait.ge [sflag:s15], $0xD00  }
0x65: {  	[sflag:s15] =	ssyncset.done $0x0  }
0x66: {  	s31 =	simm.s32 $0x0;
	[sflag:s15] =	ssyncadd.s32 $0xFFFFF300  }
0x67: {  	v2 =	vld [tilespmem:s31+$0x5320];
	_ =	sdelay $0x3  }
0x68: {  	s21 =	simm.s32 $0x6040  }
0x69: {  	[tilespmem:s21+$0xFFFFFFE0] =	vst v2  }
0x6a: {  	[tilespmem:s21+$0xFFFFFFF0] =	vst v2  }
0x6b: {  	[tilespmem:s21+$0x0] =	vst v2  }
0x6c: {  	s23 =	simm.s32 $0x10;
	s22 =	simm.s32 $0x80;
	[tilespmem:s21+$0x10] =	vst v2  }
.LBB2_12:
0x6d: {  	p1 =	sne.s32 s22, $0x33C0;
	v2 =	vld [tilespmem:s23+$0x5320];
	_ =	sdelay $0x3  }
.Ltmp7:
0x6e: {  	s21 =	sadd.s32 $0x40, s21;
	(pc) =	sbr.rel @p1 .LBB2_12-.Ltmp7, $4  }
0x6f: {  	[tilespmem:s21+$0xFFFFFFE0] =	vst v2  }
0x70: {  	[tilespmem:s21+$0xFFFFFFF0] =	vst v2  }
0x71: {  	[tilespmem:s21+$0x0] =	vst v2  }
0x72: {  	s23 =	sshra.s32 s22, $0x2;
	s22 =	sadd.s32 $0x40, s22;
	[tilespmem:s21+$0x10] =	vst v2  }
0x73: {  	v2 =	vld [tilespmem:s23+$0x5320];
	_ =	sdelay $0x3  }
0x74: {  	s21 =	sadd.s32 $0x40, s21  }
0x75: {  	[tilespmem:s21+$0xFFFFFFE0] =	vst v2  }
0x76: {  	[tilespmem:s21+$0xFFFFFFF0] =	vst v2  }
0x77: {  	[tilespmem:s21+$0x0] =	vst v2  }
0x78: {  	s30 =	simm.s32 $0x0;
	[tilespmem:s21+$0x10] =	vst v2  }
0x79: {  	[hbm4b:s11+s30] =	stream.linear.scatter [tilespmem:s19], [sflag:$0x2], $0x3400, $0x38;
	[tilespmem:$0xBB30] =	vst v63  }
0x7a: {  	_ =	swait.ge [sflag:s15], $0x3400  }
0x7b: {  	[sflag:s15] =	ssyncset.done $0x0  }
0x7c: {  	[sflag:s15] =	ssyncadd.s32 $0xFFFFCC00  }
0x7d: {  	[tilespmem:s14], [sflag:$0x2] =	stream.linear.gather [spmem:s9], $0xD00, $0x38;
	[tilespmem:$0xBB30] =	vst v63  }
0x7e: {  	_ =	swait.ge [sflag:s15], $0xD00  }
0x7f: {  	[sflag:s15] =	ssyncset.done $0x0  }
0x80: {  	s31 =	simm.s32 $0x0;
	[sflag:s15] =	ssyncadd.s32 $0xFFFFF300  }
0x81: {  	v2 =	vld [tilespmem:s31+$0x5320];
	_ =	sdelay $0x3  }
0x82: {  	s21 =	simm.s32 $0x6040  }
0x83: {  	[tilespmem:s21+$0xFFFFFFE0] =	vst v2  }
0x84: {  	[tilespmem:s21+$0xFFFFFFF0] =	vst v2  }
0x85: {  	[tilespmem:s21+$0x0] =	vst v2  }
0x86: {  	s23 =	simm.s32 $0x10;
	s22 =	simm.s32 $0x80;
	[tilespmem:s21+$0x10] =	vst v2  }
.LBB2_14:
0x87: {  	p1 =	sne.s32 s22, $0x33C0;
	v2 =	vld [tilespmem:s23+$0x5320];
	_ =	sdelay $0x3  }
.Ltmp8:
0x88: {  	s21 =	sadd.s32 $0x40, s21;
	(pc) =	sbr.rel @p1 .LBB2_14-.Ltmp8, $4  }
0x89: {  	[tilespmem:s21+$0xFFFFFFE0] =	vst v2  }
0x8a: {  	[tilespmem:s21+$0xFFFFFFF0] =	vst v2  }
0x8b: {  	[tilespmem:s21+$0x0] =	vst v2  }
0x8c: {  	s23 =	sshra.s32 s22, $0x2;
	s22 =	sadd.s32 $0x40, s22;
	[tilespmem:s21+$0x10] =	vst v2  }
0x8d: {  	v2 =	vld [tilespmem:s23+$0x5320];
	_ =	sdelay $0x3  }
0x8e: {  	s21 =	sadd.s32 $0x40, s21  }
0x8f: {  	[tilespmem:s21+$0xFFFFFFE0] =	vst v2  }
0x90: {  	[tilespmem:s21+$0xFFFFFFF0] =	vst v2  }
0x91: {  	[tilespmem:s21+$0x0] =	vst v2  }
.Ltmp9:
0x92: {  	[tilespmem:s21+$0x10] =	vst v2;
	(pc) =	sbr.rel @p0 .LBB2_17-.Ltmp9, $4  }
0x93: {  	[hbm4b:s12+s2] =	stream.linear.scatter [tilespmem:s19], [sflag:$0x2], $0x3400, $0x38;
	[tilespmem:$0xBB30] =	vst v63  }
0x94: {  	_ =	swait.ge [sflag:s15], $0x3400  }
0x95: {  	[sflag:s15] =	ssyncset.done $0x0  }
0x96: {  	[sflag:s15] =	ssyncadd.s32 $0xFFFFCC00  }
0x97: {  	[tilespmem:s14], [sflag:$0x2] =	stream.linear.gather [spmem:s3], $0x100, $0x38;
	[tilespmem:$0xBB30] =	vst v63  }
0x98: {  	_ =	swait.ge [sflag:s15], $0x100  }
0x99: {  	[sflag:s15] =	ssyncset.done $0x0  }
0x9a: {  	[sflag:s15] =	ssyncadd.s32 $0xFFFFFF00  }
0x9b: {  	v2 =	vld [tilespmem:$0x5320];
	_ =	sdelay $0x3  }
0x9c: {  	v3 =	vld [tilespmem:$0x5330]  }
0x9d: {  	[tilespmem:$0x6020] =	vst v2  }
0x9e: {  	[tilespmem:$0x6030] =	vst v2  }
0x9f: {  	[tilespmem:$0x6040] =	vst v2  }
0xa0: {  	[tilespmem:$0x6050] =	vst v2;
	v2 =	vld [tilespmem:$0x5340]  }
0xa1: {  	[tilespmem:$0x6060] =	vst v3  }
0xa2: {  	[tilespmem:$0x6070] =	vst v3  }
0xa3: {  	[tilespmem:$0x6080] =	vst v3  }
0xa4: {  	[tilespmem:$0x6090] =	vst v3;
	v3 =	vld [tilespmem:$0x5350]  }
0xa5: {  	[tilespmem:$0x60A0] =	vst v2  }
0xa6: {  	[tilespmem:$0x60B0] =	vst v2  }
0xa7: {  	[tilespmem:$0x60C0] =	vst v2  }
0xa8: {  	[tilespmem:$0x60D0] =	vst v2;
	v2 =	vld [tilespmem:$0x5360]  }
0xa9: {  	[tilespmem:$0x60E0] =	vst v3  }
0xaa: {  	[tilespmem:$0x60F0] =	vst v3  }
0xab: {  	[tilespmem:$0x6100] =	vst v3  }
0xac: {  	[tilespmem:$0x6110] =	vst v3;
	v3 =	vld [tilespmem:$0x5370]  }
0xad: {  	[tilespmem:$0x6120] =	vst v2  }
0xae: {  	[tilespmem:$0x6130] =	vst v2  }
0xaf: {  	[tilespmem:$0x6140] =	vst v2  }
0xb0: {  	[tilespmem:$0x6150] =	vst v2;
	v2 =	vld [tilespmem:$0x5380]  }
0xb1: {  	[tilespmem:$0x6160] =	vst v3  }
0xb2: {  	[tilespmem:$0x6170] =	vst v3  }
0xb3: {  	[tilespmem:$0x6180] =	vst v3  }
0xb4: {  	[tilespmem:$0x6190] =	vst v3;
	v3 =	vld [tilespmem:$0x5390]  }
0xb5: {  	[tilespmem:$0x61A0] =	vst v2  }
0xb6: {  	[tilespmem:$0x61B0] =	vst v2  }
0xb7: {  	[tilespmem:$0x61C0] =	vst v2  }
0xb8: {  	[tilespmem:$0x61D0] =	vst v2;
	v2 =	vld [tilespmem:$0x53A0]  }
0xb9: {  	[tilespmem:$0x61E0] =	vst v3  }
0xba: {  	[tilespmem:$0x61F0] =	vst v3  }
0xbb: {  	[tilespmem:$0x6200] =	vst v3  }
0xbc: {  	[tilespmem:$0x6210] =	vst v3;
	v3 =	vld [tilespmem:$0x53B0]  }
0xbd: {  	[tilespmem:$0x6220] =	vst v2  }
0xbe: {  	[tilespmem:$0x6230] =	vst v2  }
0xbf: {  	[tilespmem:$0x6240] =	vst v2  }
0xc0: {  	[tilespmem:$0x6250] =	vst v2;
	v2 =	vld [tilespmem:$0x53C0]  }
0xc1: {  	[tilespmem:$0x6260] =	vst v3  }
0xc2: {  	[tilespmem:$0x6270] =	vst v3  }
0xc3: {  	[tilespmem:$0x6280] =	vst v3  }
0xc4: {  	[tilespmem:$0x6290] =	vst v3;
	v3 =	vld [tilespmem:$0x53D0]  }
0xc5: {  	[tilespmem:$0x62A0] =	vst v2  }
0xc6: {  	[tilespmem:$0x62B0] =	vst v2  }
0xc7: {  	[tilespmem:$0x62C0] =	vst v2  }
0xc8: {  	[tilespmem:$0x62D0] =	vst v2;
	v2 =	vld [tilespmem:$0x53E0]  }
0xc9: {  	[tilespmem:$0x62E0] =	vst v3  }
0xca: {  	[tilespmem:$0x62F0] =	vst v3  }
0xcb: {  	[tilespmem:$0x6300] =	vst v3  }
0xcc: {  	[tilespmem:$0x6310] =	vst v3;
	v3 =	vld [tilespmem:$0x53F0]  }
0xcd: {  	[tilespmem:$0x6320] =	vst v2  }
0xce: {  	[tilespmem:$0x6330] =	vst v2  }
0xcf: {  	[tilespmem:$0x6340] =	vst v2  }
0xd0: {  	[tilespmem:$0x6350] =	vst v2;
	v2 =	vld [tilespmem:$0x5400]  }
0xd1: {  	[tilespmem:$0x6360] =	vst v3  }
0xd2: {  	[tilespmem:$0x6370] =	vst v3  }
0xd3: {  	[tilespmem:$0x6380] =	vst v3  }
0xd4: {  	[tilespmem:$0x6390] =	vst v3;
	v3 =	vld [tilespmem:$0x5410]  }
0xd5: {  	[tilespmem:$0x63A0] =	vst v2  }
0xd6: {  	[tilespmem:$0x63B0] =	vst v2  }
0xd7: {  	[tilespmem:$0x63C0] =	vst v2  }
0xd8: {  	[tilespmem:$0x63D0] =	vst v2  }
0xd9: {  	[tilespmem:$0x63E0] =	vst v3  }
0xda: {  	[tilespmem:$0x63F0] =	vst v3  }
0xdb: {  	[tilespmem:$0x6400] =	vst v3  }
.Ltmp10:
0xdc: {  	[tilespmem:$0x6410] =	vst v3;
	(pc) =	sbr.rel .LBB2_17-.Ltmp10, $4  }
0xdd: {  	[hbm4b:s5+s2] =	stream.linear.scatter [tilespmem:s19], [sflag:$0x2], $0x400, $0x38;
	[tilespmem:$0xBB30] =	vst v63  }
0xde: {  	_ =	swait.ge [sflag:s15], $0x400  }
0xdf: {  	[sflag:s15] =	ssyncset.done $0x0  }
0xe0: {  	[sflag:s15] =	ssyncadd.s32 $0xFFFFFC00  }
.LBB2_18:
0xe1: {  	_ =	sfence.sel $0x180000  }
0xe2: {  	[bflag:$0x0] =	sbarrier.arrive $0xFFFF  }
0xe3: {  	_ =	strace $0x90000047  }
0xe4: {  	s0 =	sadd.s32 @!p0 $0x100000, s0;
	[bflag:$0x2] =	sbarrier.arrive $0xFFFF  }
0xe5: {  	[sflag:s0] =	ssyncadd.tile.s32 @!p0 $0x1;
	_ =	shalt  }
.Lfunc_end2:
_tile_overlayer_lowered:
.L_overlay_start_2:
0xe6: {  	(tag) =	ssettag $0x2  }
0xe7: {  	s0 =	rddreg [dreg:$0x0];
	s2 =	stileid.u32  }
0xe8: {  	s1 =	rddreg [dreg:$0x1];
	p0 =	sne.s32 s2, $0x0  }
0xe9: {  	s3 =	rddreg [dreg:$0x2];
	[bflag:$0x3] =	sbarrier.arrive $0xFFFF;
	s2 =	simm.s32 @!p0 $0x1C02  }
0xea: {  	[timem:s3], [sflag:s2] =	dma.local @!p0 [hbm:s0], s1  }
0xeb: {  	s0 =	simm.s32 @!p0 $0x2  }
0xec: {  	_ =	swait.ge @!p0 [sflag:s0], s1  }
0xed: {  	s1 =	ssub.s32 @!p0 $0x0, s1;
	[sflag:s0] =	ssyncset.done @!p0 $0x0  }
0xee: {  	[sflag:s0] =	ssyncadd.s32 @!p0 s1  }
0xef: {  	[bflag:$0x3] =	sbarrier.arrive $0xFFFF  }
0xf0: {  	_ =	shalt  }

</sc_bundles>
